<compile_context>
chip_gen: v7x
topology: tpu7x:2x2x1
jax: 0.10.2.dev20260603
libtpu: 0.0.44.dev20260713+nightly
codegen_flags: <defaults>
</compile_context>

<pallas_src>
import jax
import jax.numpy as jnp
from jax import lax
from jax.experimental import pallas as pl
from jax.experimental.pallas import tpu as pltpu
from jax.experimental.pallas import tpu_sc as plsc

N = 10000
E = 320000
TPAD = 20096
D = 128
L = 2
KMAX = 2

NC = 2
NS = 16
NW = NC * NS
C = 128
TRIPS = 80
EP = NW * TRIPS * C
EPW = E // NW
RPT = N // NS
DPT = 2560
DPAD = NS * DPT
TRASH = DPAD - 1
NBUF = 2
EH = EP // NW // 2
NCHUNK = E // C
CFLOOR = NCHUNK // NW
CEXTRA = NCHUNK % NW

_mesh = plsc.VectorSubcoreMesh(core_axis_name="c", subcore_axis_name="s")
_sc_params = pltpu.CompilerParams(needs_layout_passes=False)


def _wid():
    return lax.axis_index("c") * NS + lax.axis_index("s")


def _deg_body(src_hbm, dst_hbm, attr_hbm, out_hbm,
              deg_sh, src_v, dst_v, attr_v, gidx2_v, sidx2_v,
              ones_v, deg_v):
    cid = lax.axis_index("c")
    sid = lax.axis_index("s")
    wid = cid * NS + sid
    z16 = jnp.zeros((16,), jnp.float32)
    o16 = jnp.ones((16,), jnp.float32)
    i16 = lax.iota(jnp.int32, 16)
    t16 = jnp.full((16,), TRASH, jnp.int32)
    epp = TRIPS * C
    base0 = wid * epp

    def zrow(i, _):
        deg_v[pl.ds(i * 16, 16)] = z16
        return 0
    lax.fori_loop(0, DPT // 16, zrow, 0)
    pltpu.sync_copy(deg_v, deg_sh.at[pl.ds(sid * DPT, DPT)])

    def orow(i, _):
        ones_v[pl.ds(i * 16, 16)] = o16
        return 0
    lax.fori_loop(0, C // 16, orow, 0)
    plsc.subcore_barrier()

    pltpu.sync_copy(src_hbm.at[pl.ds(base0, epp)], src_v)
    pltpu.sync_copy(dst_hbm.at[pl.ds(base0, epp)], dst_v)
    pltpu.sync_copy(attr_hbm.at[pl.ds(base0, epp)], attr_v)

    def irow(r, _):
        for jj in range(C // 16):
            sl = pl.ds(r * C + jj * 16, 16)
            a16 = attr_v[sl] - 1
            real = (base0 + r * C + jj * 16 + i16) < E
            gidx2_v[r, pl.ds(jj * 16, 16)] = jnp.where(
                real, a16 * N + src_v[sl], t16)
            sidx2_v[r, pl.ds(jj * 16, 16)] = jnp.where(
                real, 2 * N + a16 * N + dst_v[sl], t16)
        pltpu.sync_copy(ones_v, deg_sh.at[gidx2_v.at[r]], add=True)
        pltpu.sync_copy(ones_v, deg_sh.at[sidx2_v.at[r]], add=True)
        return 0
    lax.fori_loop(0, TRIPS, irow, 0)
    plsc.subcore_barrier()

    pltpu.sync_copy(deg_sh.at[pl.ds(sid * DPT, DPT)], deg_v)
    pltpu.sync_copy(deg_v, out_hbm.at[cid, sid])


_deg_call = pl.kernel(
    _deg_body,
    out_type=jax.ShapeDtypeStruct((NC, NS, DPT), jnp.float32),
    mesh=_mesh,
    compiler_params=_sc_params,
    scratch_types=[
        pltpu.VMEM_SHARED((DPAD,), jnp.float32),
        pltpu.VMEM((TRIPS * C,), jnp.int32),
        pltpu.VMEM((TRIPS * C,), jnp.int32),
        pltpu.VMEM((TRIPS * C,), jnp.int32),
        pltpu.VMEM((TRIPS, C), jnp.int32),
        pltpu.VMEM((TRIPS, C), jnp.int32),
        pltpu.VMEM((C,), jnp.float32),
        pltpu.VMEM((DPT,), jnp.float32),
    ],
)


def _tables_body(degp_ref, alpha_ref, rsrc_ref, rdst_ref):
    deg = degp_ref[0:1, :] + degp_ref[1:2, :]
    r = lax.rsqrt(jnp.maximum(deg, 1.0))
    rsrc_ref[...] = r[:, 0:2 * N]
    al = alpha_ref[...]
    m = jnp.max(al, axis=1, keepdims=True)
    ex = jnp.exp(al - m)
    a = ex / jnp.sum(ex, axis=1, keepdims=True)
    rd = r[:, 2 * N:4 * N]
    for t in range(L):
        for k in range(KMAX):
            rdst_ref[t:t + 1, k * N:(k + 1) * N] = (
                a[t:t + 1, k:k + 1] * rd[:, k * N:(k + 1) * N])


_tables_call = pl.pallas_call(
    _tables_body,
    out_shape=(jax.ShapeDtypeStruct((1, 2 * N), jnp.float32),
               jax.ShapeDtypeStruct((L, 2 * N), jnp.float32)),
)


def _w_body(src_hbm, dst_hbm, attr_hbm, rsrc_hbm, rdst_hbm, w0_hbm, w1_hbm,
            rsrc_v, rdst_v, src_v, dst_v, attr_v, w0_v, w1_v, si0, si1):
    wid = _wid()
    pltpu.sync_copy(rsrc_hbm, rsrc_v)
    pltpu.sync_copy(rdst_hbm, rdst_v)
    trips = CFLOOR + jnp.where(wid < CEXTRA, 1, 0)
    sis = [si0, si1]

    base00 = wid * C
    pltpu.async_copy(src_hbm.at[pl.ds(base00, C)], src_v.at[0], si0)
    pltpu.async_copy(dst_hbm.at[pl.ds(base00, C)], dst_v.at[0], si0)
    pltpu.async_copy(attr_hbm.at[pl.ds(base00, C)], attr_v.at[0], si0)

    def chunk(g, _):
        p = lax.rem(g, 2)
        base = (wid + g * NW) * C

        def wait_idx(bb):
            pltpu.make_async_copy(src_hbm.at[pl.ds(0, C)],
                                  src_v.at[0], sis[bb]).wait()
            pltpu.make_async_copy(dst_hbm.at[pl.ds(0, C)],
                                  dst_v.at[0], sis[bb]).wait()
            pltpu.make_async_copy(attr_hbm.at[pl.ds(0, C)],
                                  attr_v.at[0], sis[bb]).wait()

        @pl.when(p == 0)
        def _w0():
            wait_idx(0)

        @pl.when(p == 1)
        def _w1():
            wait_idx(1)

        @pl.when(g + 1 < trips)
        def _prefetch():
            nbase = (wid + (g + 1) * NW) * C
            pn = 1 - p

            def fire(bb):
                pltpu.async_copy(src_hbm.at[pl.ds(nbase, C)],
                                 src_v.at[1 - p], sis[bb])
                pltpu.async_copy(dst_hbm.at[pl.ds(nbase, C)],
                                 dst_v.at[1 - p], sis[bb])
                pltpu.async_copy(attr_hbm.at[pl.ds(nbase, C)],
                                 attr_v.at[1 - p], sis[bb])

            @pl.when(pn == 0)
            def _f0():
                fire(0)

            @pl.when(pn == 1)
            def _f1():
                fire(1)

        for j in range(C // 16):
            sl = pl.ds(j * 16, 16)
            a16 = attr_v[p, sl] - 1
            g16 = a16 * N + src_v[p, sl]
            s16 = a16 * N + dst_v[p, sl]
            rs = plsc.load_gather(rsrc_v, [g16])
            rd0 = plsc.load_gather(rdst_v, [s16])
            rd1 = plsc.load_gather(rdst_v, [s16 + 2 * N])
            w0_v[sl] = rs * rd0
            w1_v[sl] = rs * rd1
        pltpu.sync_copy(w0_v, w0_hbm.at[pl.ds(base, C)])
        pltpu.sync_copy(w1_v, w1_hbm.at[pl.ds(base, C)])
        return 0
    lax.fori_loop(0, trips, chunk, 0)


_w_call = pl.kernel(
    _w_body,
    out_type=(jax.ShapeDtypeStruct((E,), jnp.float32),
              jax.ShapeDtypeStruct((E,), jnp.float32)),
    mesh=_mesh,
    compiler_params=_sc_params,
    scratch_types=[
        pltpu.VMEM((2 * N,), jnp.float32),
        pltpu.VMEM((2 * L * N,), jnp.float32),
        pltpu.VMEM((2, C), jnp.int32),
        pltpu.VMEM((2, C), jnp.int32),
        pltpu.VMEM((2, C), jnp.int32),
        pltpu.VMEM((C,), jnp.float32),
        pltpu.VMEM((C,), jnp.float32),
        pltpu.SemaphoreType.DMA,
        pltpu.SemaphoreType.DMA,
    ],
)


def _agg_body(h_hbm, src_hbm, dst_hbm, w_hbm, out_hbm,
              acc_sh, sidx_v, didx_v, w_v, rows_v, sem, si0, si1):
    cid = lax.axis_index("c")
    sid = lax.axis_index("s")
    wid = cid * NS + sid
    z16 = jnp.zeros((16,), jnp.float32)

    def zrow(i, _):
        for dd in range(D // 16):
            rows_v[i, pl.ds(dd * 16, 16)] = z16
        return 0
    lax.fori_loop(0, C, zrow, 0)

    def zcp(q, _):
        pltpu.sync_copy(rows_v.at[pl.ds(0, 5)],
                        acc_sh.at[pl.ds(sid * RPT + q * 5, 5)])
        return 0
    lax.fori_loop(0, RPT // 5, zcp, 0)
    plsc.subcore_barrier()

    trips = CFLOOR + jnp.where(wid < CEXTRA, 1, 0)
    sis = [si0, si1]

    base00 = wid * C
    pltpu.async_copy(src_hbm.at[pl.ds(base00, C)], sidx_v.at[0], si0)
    pltpu.async_copy(dst_hbm.at[pl.ds(base00, C)], didx_v.at[0], si0)
    pltpu.async_copy(w_hbm.at[pl.ds(base00, C)], w_v.at[0], si0)

    def chunk(g, _):
        p = lax.rem(g, 2)

        def wait_idx(b):
            pltpu.make_async_copy(src_hbm.at[pl.ds(0, C)],
                                  sidx_v.at[0], sis[b]).wait()
            pltpu.make_async_copy(dst_hbm.at[pl.ds(0, C)],
                                  didx_v.at[0], sis[b]).wait()
            pltpu.make_async_copy(w_hbm.at[pl.ds(0, C)],
                                  w_v.at[0], sis[b]).wait()

        @pl.when(p == 0)
        def _w0():
            wait_idx(0)

        @pl.when(p == 1)
        def _w1():
            wait_idx(1)

        @pl.when(g + 1 < trips)
        def _prefetch():
            nbase = (wid + (g + 1) * NW) * C
            pn = 1 - p

            def fire(b):
                pltpu.async_copy(src_hbm.at[pl.ds(nbase, C)],
                                 sidx_v.at[1 - p], sis[b])
                pltpu.async_copy(dst_hbm.at[pl.ds(nbase, C)],
                                 didx_v.at[1 - p], sis[b])
                pltpu.async_copy(w_hbm.at[pl.ds(nbase, C)],
                                 w_v.at[1 - p], sis[b])

            @pl.when(pn == 0)
            def _f0():
                fire(0)

            @pl.when(pn == 1)
            def _f1():
                fire(1)

        pltpu.async_copy(h_hbm.at[sidx_v.at[p]], rows_v, sem).wait()

        def sbody(h2, _):
            e = h2 * 2
            zi16 = jnp.zeros((16,), jnp.int32)
            wv0 = plsc.load_gather(w_v.at[p], [e + zi16])
            wv1 = plsc.load_gather(w_v.at[p], [e + 1 + zi16])
            for dd in range(D // 16):
                sl = pl.ds(dd * 16, 16)
                rows_v[e, sl] = rows_v[e, sl] * wv0
                rows_v[e + 1, sl] = rows_v[e + 1, sl] * wv1
            return 0
        lax.fori_loop(0, C // 2, sbody, 0)
        pltpu.sync_copy(rows_v, acc_sh.at[didx_v.at[p]], add=True)
        return 0
    lax.fori_loop(0, trips, chunk, 0)

    plsc.subcore_barrier()
    m8 = sid % 8
    start = pl.multiple_of(sid * RPT - m8, 8)
    pltpu.sync_copy(acc_sh.at[pl.ds(start, 624)],
                    out_hbm.at[cid, pl.ds(start, 624)])

    @pl.when(m8 == 7)
    def _dump_tail():
        pltpu.sync_copy(acc_sh.at[pl.ds(start + 624, 8)],
                        out_hbm.at[cid, pl.ds(start + 624, 8)])


_agg_call = pl.kernel(
    _agg_body,
    out_type=jax.ShapeDtypeStruct((NC, N, D), jnp.float32),
    mesh=_mesh,
    compiler_params=_sc_params,
    scratch_types=[
        pltpu.VMEM_SHARED((N, D), jnp.float32),
        pltpu.VMEM((2, C), jnp.int32),
        pltpu.VMEM((2, C), jnp.int32),
        pltpu.VMEM((2, C), jnp.float32),
        pltpu.VMEM((C, D), jnp.float32),
        pltpu.SemaphoreType.DMA,
        pltpu.SemaphoreType.DMA,
        pltpu.SemaphoreType.DMA,
    ],
)


def _make_fuse(has_parts, has_mm, block):
    grid = N // block

    def body(*refs):
        refs = list(refs)
        x_ref = refs.pop(0)
        if has_parts:
            p0_ref = refs.pop(0)
            p1_ref = refs.pop(0)
        if has_mm:
            w_ref = refs.pop(0)
            b_ref = refs.pop(0)
        xv = x_ref[...]
        if has_parts:
            xv = xv + jnp.maximum(p0_ref[...] + p1_ref[...], 0.0)
            n2 = jnp.sum(xv * xv, axis=1, keepdims=True)
            xv = xv / jnp.maximum(jnp.sqrt(n2), 1e-12)
            xo_ref = refs.pop(0)
            xo_ref[...] = xv
        if has_mm:
            h_ref = refs.pop(0)
            h_ref[...] = (jnp.dot(xv, w_ref[...],
                                  preferred_element_type=jnp.float32)
                          + b_ref[...])

    row_spec = pl.BlockSpec((block, D), lambda i: (i, 0))
    in_specs = [row_spec]
    if has_parts:
        in_specs += [row_spec, row_spec]
    if has_mm:
        in_specs += [pl.BlockSpec((D, D), lambda i: (0, 0)),
                     pl.BlockSpec((1, D), lambda i: (0, 0))]
    out_shapes = []
    out_specs = []
    if has_parts:
        out_shapes.append(jax.ShapeDtypeStruct((N, D), jnp.float32))
        out_specs.append(row_spec)
    if has_mm:
        out_shapes.append(jax.ShapeDtypeStruct((N, D), jnp.float32))
        out_specs.append(row_spec)
    return pl.pallas_call(
        body,
        grid=(grid,),
        in_specs=in_specs,
        out_specs=out_specs if len(out_specs) > 1 else out_specs[0],
        out_shape=tuple(out_shapes) if len(out_shapes) > 1 else out_shapes[0],
    )


_mm0 = _make_fuse(False, True, 1000)
_fuse_mm = _make_fuse(True, True, 1000)
_fuse_last = _make_fuse(True, False, 1000)


def kernel(x, edge_index, edge_attr, W, b, alpha):
    src = edge_index[0]
    dst = edge_index[1]
    attr = edge_attr.astype(jnp.int32)

    npad = EP - E
    srcp = jnp.concatenate([src, jnp.zeros((npad,), jnp.int32)])
    dstp = jnp.concatenate([dst, jnp.full((npad,), N, jnp.int32)])
    attrp = jnp.concatenate([attr, jnp.ones((npad,), jnp.int32)])

    degp = _deg_call(srcp, dstp, attrp).reshape(NC, DPAD)[:, :4 * N]
    rsrc, rdst = _tables_call(degp, alpha)
    w0, w1 = _w_call(src, dst, attr, rsrc.reshape(2 * N),
                     rdst.reshape(2 * L * N))
    h0 = _mm0(x, W[0], b[0].reshape(1, D))
    parts0 = _agg_call(h0, src, dst, w0)
    x1, h1 = _fuse_mm(x, parts0[0], parts0[1], W[1], b[1].reshape(1, D))
    parts1 = _agg_call(h1, src, dst, w1)
    x2 = _fuse_last(x1, parts1[0], parts1[1])
    return x2

# --- scband reference (transcript-rebuilt; emitter-appended) ---
"""Pipeline reference for scband-sp-gnnstage-71863392796753 (READ-ONLY COPY).

The authoritative reference and input builder live on the scoring server;
editing this copy changes nothing except your own understanding.
"""

import jax, jax.numpy as jnp
import numpy as np

N = 10000      # n_nodes
E = 320000     # n_edges
D = 128        # dim_in == dim_out
L = 2          # num_layers
KMAX = 2       # k_max = min(num_layers, cfg.k_max)


def setup_inputs(seed: int = 0) -> dict:
    key = jax.random.key(seed)
    k1, k2, k3, k4, k5 = jax.random.split(key, 5)
    x = jax.random.normal(k1, (N, D), dtype=jnp.float32)
    edge_index = jax.random.randint(k2, (2, E), 0, N, dtype=jnp.int32)
    # edge_attr holds shortest-path distances k in {1, ..., KMAX}
    edge_attr = jax.random.randint(k3, (E,), 1, KMAX + 1, dtype=jnp.int32)
    # one weight matrix + bias per layer (W(t, k) == self.W[t], shared across k)
    W = jax.random.normal(k4, (L, D, D), dtype=jnp.float32) * 0.05
    b = jnp.zeros((L, D), dtype=jnp.float32)
    # alpha[t] are the per-k mixing logits, softmaxed in forward
    alpha = jax.random.normal(k5, (L, KMAX), dtype=jnp.float32)
    return {"x": x, "edge_index": edge_index, "edge_attr": edge_attr,
            "W": W, "b": b, "alpha": alpha}


def _gcn_aggregate(h, src, dst, mask):
    # GCN-style symmetric-normalized aggregation restricted to edges with mask==1
    deg_dst = jax.ops.segment_sum(mask, dst, num_segments=N)
    deg_src = jax.ops.segment_sum(mask, src, num_segments=N)
    norm = mask / jnp.sqrt(jnp.maximum(deg_src[src], 1.0) * jnp.maximum(deg_dst[dst], 1.0))
    msg = h[src] * norm[:, None]
    return jax.ops.segment_sum(msg, dst, num_segments=N)


def reference(x, edge_index, edge_attr, W, b, alpha):
    src = edge_index[0]
    dst = edge_index[1]
    for t in range(L):
        h = x @ W[t] + b[t]
        a = jax.nn.softmax(alpha[t], axis=0)
        out = jnp.zeros_like(x)
        for k in range(1, KMAX + 1):
            mask = (edge_attr == k).astype(x.dtype)
            agg = _gcn_aggregate(h, src, dst, mask)
            out = out + a[k - 1] * agg
        x = x + jax.nn.relu(out)
        # cfg.gnn.l2norm = True -> F.normalize(x, p=2, dim=-1)
        x = x / jnp.maximum(jnp.linalg.norm(x, axis=-1, keepdims=True), 1e-12)
    return x

if __name__ == "__main__":
    import jax
    _d = setup_inputs()
    print(jax.jit(kernel)(*tuple(_d.values())))

</pallas_src>

<mosaic_0001>
#map = affine_map<(d0, d1) -> (0)>
#map1 = affine_map<(d0, d1) -> (0, 0, 0)>
module attributes {stable_mosaic.version = 14 : i64} {
  func.func @_deg_body(%arg0: i32, %arg1: i32, %arg2: memref<327680xi32, #tpu.memory_space<hbm>>, %arg3: memref<327680xi32, #tpu.memory_space<hbm>>, %arg4: memref<327680xi32, #tpu.memory_space<hbm>>, %arg5: memref<2x16x2560xf32, #tpu.memory_space<hbm>>, %arg6: memref<40960xf32, #tpu.memory_space<vmem_shared>>, %arg7: memref<10240xi32, #tpu.memory_space<vmem>>, %arg8: memref<10240xi32, #tpu.memory_space<vmem>>, %arg9: memref<10240xi32, #tpu.memory_space<vmem>>, %arg10: memref<80x128xi32, #tpu.memory_space<vmem>>, %arg11: memref<80x128xi32, #tpu.memory_space<vmem>>, %arg12: memref<128xf32, #tpu.memory_space<vmem>>, %arg13: memref<2560xf32, #tpu.memory_space<vmem>>) attributes {dimension_semantics = [#tpu.dimension_semantics<core_parallel>, #tpu.dimension_semantics<subcore_parallel>], iteration_bounds = array<i64: 2, 16>, scalar_prefetch = 0 : i64, scratch_operands = 8 : i64, tpu.core_type = #tpu.core_type<sc_vector_subcore>, window_params = [{transform_indices = #map}, {transform_indices = #map}, {transform_indices = #map}, {transform_indices = #map1}]} {
    %mul3A = arith.constant 16 : i32
    %mul3A_0 = arith.muli %arg0, %mul3A : i32
    %add3A = arith.addi %mul3A_0, %arg1 : i32
    %broadcast_in_dim3A = arith.constant 0.000000e+00 : f32
    %broadcast_in_dim3A_1 = vector.broadcast %broadcast_in_dim3A : f32 to vector<16xf32>
    %broadcast_in_dim3A_2 = arith.constant 1.000000e+00 : f32
    %broadcast_in_dim3A_3 = vector.broadcast %broadcast_in_dim3A_2 : f32 to vector<16xf32>
    %iota3A = tpu.iota {dimensions = array<i32: 0>} : vector<16xi32>
    %broadcast_in_dim3A_4 = arith.constant 40959 : i32
    %broadcast_in_dim3A_5 = vector.broadcast %broadcast_in_dim3A_4 : i32 to vector<16xi32>
    %mul3A_6 = arith.constant 10240 : i32
    %mul3A_7 = arith.muli %add3A, %mul3A_6 : i32
    %scan3A = arith.constant 0 : i32
    %scan3A_8 = arith.constant 0 : i32
    %scan3A_9 = arith.constant 160 : i32
    %scan3A_10 = arith.addi %scan3A_8, %scan3A_9 : i32
    %scan3A_11 = arith.constant 1 : i32
    %scan3A_12 = scf.for %scan3A_33 = %scan3A_8 to %scan3A_10 step %scan3A_11 iter_args(%scan3A_34 = %scan3A) -> (i32)  : i32 {
      %mul3A_35 = arith.constant 16 : i32
      %mul3A_36 = arith.muli %scan3A_33, %mul3A_35 : i32
      %swap3A = arith.index_cast %mul3A_36 : i32 to index
      %swap3A_37 = tpu.vector_load %arg13[%swap3A] {strides = array<i32>} : memref<2560xf32, #tpu.memory_space<vmem>>, vector<16xf32>,
      tpu.vector_store %arg13[%swap3A], %broadcast_in_dim3A_1 {strides = array<i32>} : memref<2560xf32, #tpu.memory_space<vmem>>, vector<16xf32>,
      %scan3A_38 = arith.constant 0 : i32
      scf.yield %scan3A_38 : i32
    }
    %scan3A_13 = arith.constant 160 : i32
    %mul3A_14 = arith.constant 2560 : i32
    %mul3A_15 = arith.muli %arg1, %mul3A_14 : i32
    "tpu.region"() ({
      %run_scoped3A = tpu.sem_alloc : memref<!tpu.dma_semaphore, #tpu.memory_space<semaphore_mem>>
      %dma_start3A = tpu.memref_slice %arg6[%mul3A_15] : memref<40960xf32, #tpu.memory_space<vmem_shared>> -> memref<2560xf32, #tpu.memory_space<vmem_shared>>
      %dma_start3A_33 = tpu.memref_slice %arg6[%mul3A_15] : memref<40960xf32, #tpu.memory_space<vmem_shared>> -> memref<2560xf32, #tpu.memory_space<vmem_shared>>
      tpu.enqueue_dma source(%arg13 : memref<2560xf32, #tpu.memory_space<vmem>>) target(%dma_start3A_33 : memref<2560xf32, #tpu.memory_space<vmem_shared>>) target_semaphore(%run_scoped3A : memref<!tpu.dma_semaphore, #tpu.memory_space<semaphore_mem>>)
      %dma_wait3A = tpu.memref_slice %arg6[%mul3A_15] : memref<40960xf32, #tpu.memory_space<vmem_shared>> -> memref<2560xf32, #tpu.memory_space<vmem_shared>>
      %dma_wait3A_34 = tpu.memref_slice %arg6[%mul3A_15] : memref<40960xf32, #tpu.memory_space<vmem_shared>> -> memref<2560xf32, #tpu.memory_space<vmem_shared>>
      tpu.wait_dma2 semaphore(%run_scoped3A : memref<!tpu.dma_semaphore, #tpu.memory_space<semaphore_mem>>) src(%arg13 : memref<2560xf32, #tpu.memory_space<vmem>>) dst(%dma_wait3A_34 : memref<2560xf32, #tpu.memory_space<vmem_shared>>)
      tpu.yield
    }) : () -> ()
    %scan3A_16 = arith.constant 0 : i32
    %scan3A_17 = arith.constant 0 : i32
    %scan3A_18 = arith.constant 8 : i32
    %scan3A_19 = arith.addi %scan3A_17, %scan3A_18 : i32
    %scan3A_20 = arith.constant 1 : i32
    %scan3A_21 = scf.for %scan3A_33 = %scan3A_17 to %scan3A_19 step %scan3A_20 iter_args(%scan3A_34 = %scan3A_16) -> (i32)  : i32 {
      %mul3A_35 = arith.constant 16 : i32
      %mul3A_36 = arith.muli %scan3A_33, %mul3A_35 : i32
      %swap3A = arith.index_cast %mul3A_36 : i32 to index
      %swap3A_37 = tpu.vector_load %arg12[%swap3A] {strides = array<i32>} : memref<128xf32, #tpu.memory_space<vmem>>, vector<16xf32>,
      tpu.vector_store %arg12[%swap3A], %broadcast_in_dim3A_3 {strides = array<i32>} : memref<128xf32, #tpu.memory_space<vmem>>, vector<16xf32>,
      %scan3A_38 = arith.constant 0 : i32
      scf.yield %scan3A_38 : i32
    }
    %scan3A_22 = arith.constant 8 : i32
    %barrier3A = arith.constant 0 : index
    tpu.barrier barrier_id(%barrier3A)
    "tpu.region"() ({
      %run_scoped3A = tpu.sem_alloc : memref<!tpu.dma_semaphore, #tpu.memory_space<semaphore_mem>>
      %dma_start3A = tpu.memref_slice %arg2[%mul3A_7] : memref<327680xi32, #tpu.memory_space<hbm>> -> memref<10240xi32, #tpu.memory_space<hbm>>
      %dma_start3A_33 = tpu.memref_slice %arg2[%mul3A_7] : memref<327680xi32, #tpu.memory_space<hbm>> -> memref<10240xi32, #tpu.memory_space<hbm>>
      tpu.enqueue_dma source(%dma_start3A_33 : memref<10240xi32, #tpu.memory_space<hbm>>) target(%arg7 : memref<10240xi32, #tpu.memory_space<vmem>>) target_semaphore(%run_scoped3A : memref<!tpu.dma_semaphore, #tpu.memory_space<semaphore_mem>>)
      %dma_wait3A = tpu.memref_slice %arg2[%mul3A_7] : memref<327680xi32, #tpu.memory_space<hbm>> -> memref<10240xi32, #tpu.memory_space<hbm>>
      %dma_wait3A_34 = tpu.memref_slice %arg2[%mul3A_7] : memref<327680xi32, #tpu.memory_space<hbm>> -> memref<10240xi32, #tpu.memory_space<hbm>>
      tpu.wait_dma2 semaphore(%run_scoped3A : memref<!tpu.dma_semaphore, #tpu.memory_space<semaphore_mem>>) src(%dma_wait3A_34 : memref<10240xi32, #tpu.memory_space<hbm>>) dst(%arg7 : memref<10240xi32, #tpu.memory_space<vmem>>)
      tpu.yield
    }) : () -> ()
    "tpu.region"() ({
      %run_scoped3A = tpu.sem_alloc : memref<!tpu.dma_semaphore, #tpu.memory_space<semaphore_mem>>
      %dma_start3A = tpu.memref_slice %arg3[%mul3A_7] : memref<327680xi32, #tpu.memory_space<hbm>> -> memref<10240xi32, #tpu.memory_space<hbm>>
      %dma_start3A_33 = tpu.memref_slice %arg3[%mul3A_7] : memref<327680xi32, #tpu.memory_space<hbm>> -> memref<10240xi32, #tpu.memory_space<hbm>>
      tpu.enqueue_dma source(%dma_start3A_33 : memref<10240xi32, #tpu.memory_space<hbm>>) target(%arg8 : memref<10240xi32, #tpu.memory_space<vmem>>) target_semaphore(%run_scoped3A : memref<!tpu.dma_semaphore, #tpu.memory_space<semaphore_mem>>)
      %dma_wait3A = tpu.memref_slice %arg3[%mul3A_7] : memref<327680xi32, #tpu.memory_space<hbm>> -> memref<10240xi32, #tpu.memory_space<hbm>>
      %dma_wait3A_34 = tpu.memref_slice %arg3[%mul3A_7] : memref<327680xi32, #tpu.memory_space<hbm>> -> memref<10240xi32, #tpu.memory_space<hbm>>
      tpu.wait_dma2 semaphore(%run_scoped3A : memref<!tpu.dma_semaphore, #tpu.memory_space<semaphore_mem>>) src(%dma_wait3A_34 : memref<10240xi32, #tpu.memory_space<hbm>>) dst(%arg8 : memref<10240xi32, #tpu.memory_space<vmem>>)
      tpu.yield
    }) : () -> ()
    "tpu.region"() ({
      %run_scoped3A = tpu.sem_alloc : memref<!tpu.dma_semaphore, #tpu.memory_space<semaphore_mem>>
      %dma_start3A = tpu.memref_slice %arg4[%mul3A_7] : memref<327680xi32, #tpu.memory_space<hbm>> -> memref<10240xi32, #tpu.memory_space<hbm>>
      %dma_start3A_33 = tpu.memref_slice %arg4[%mul3A_7] : memref<327680xi32, #tpu.memory_space<hbm>> -> memref<10240xi32, #tpu.memory_space<hbm>>
      tpu.enqueue_dma source(%dma_start3A_33 : memref<10240xi32, #tpu.memory_space<hbm>>) target(%arg9 : memref<10240xi32, #tpu.memory_space<vmem>>) target_semaphore(%run_scoped3A : memref<!tpu.dma_semaphore, #tpu.memory_space<semaphore_mem>>)
      %dma_wait3A = tpu.memref_slice %arg4[%mul3A_7] : memref<327680xi32, #tpu.memory_space<hbm>> -> memref<10240xi32, #tpu.memory_space<hbm>>
      %dma_wait3A_34 = tpu.memref_slice %arg4[%mul3A_7] : memref<327680xi32, #tpu.memory_space<hbm>> -> memref<10240xi32, #tpu.memory_space<hbm>>
      tpu.wait_dma2 semaphore(%run_scoped3A : memref<!tpu.dma_semaphore, #tpu.memory_space<semaphore_mem>>) src(%dma_wait3A_34 : memref<10240xi32, #tpu.memory_space<hbm>>) dst(%arg9 : memref<10240xi32, #tpu.memory_space<vmem>>)
      tpu.yield
    }) : () -> ()
    %scan3A_23 = arith.constant 0 : i32
    %scan3A_24 = arith.constant 0 : i32
    %scan3A_25 = arith.constant 80 : i32
    %scan3A_26 = arith.addi %scan3A_24, %scan3A_25 : i32
    %scan3A_27 = arith.constant 1 : i32
    %scan3A_28 = scf.for %scan3A_33 = %scan3A_24 to %scan3A_26 step %scan3A_27 iter_args(%scan3A_34 = %scan3A_23) -> (i32)  : i32 {
      %mul3A_35 = arith.constant 128 : i32
      %mul3A_36 = arith.muli %scan3A_33, %mul3A_35 : i32
      %add3A_37 = arith.constant 0 : i32
      %add3A_38 = arith.addi %mul3A_36, %add3A_37 : i32
      %get3A = arith.index_cast %add3A_38 : i32 to index
      %get3A_39 = tpu.vector_load %arg9[%get3A] {strides = array<i32>} : memref<10240xi32, #tpu.memory_space<vmem>>, vector<16xi32>,
      %sub3A = arith.constant 1 : i32
      %sub3A_40 = vector.broadcast %sub3A : i32 to vector<16xi32>
      %sub3A_41 = arith.subi %get3A_39, %sub3A_40 : vector<16xi32>
      %mul3A_42 = arith.constant 128 : i32
      %mul3A_43 = arith.muli %scan3A_33, %mul3A_42 : i32
      %add3A_44 = arith.addi %mul3A_7, %mul3A_43 : i32
      %add3A_45 = arith.constant 0 : i32
      %add3A_46 = arith.addi %add3A_44, %add3A_45 : i32
      %add3A_47 = vector.broadcast %add3A_46 : i32 to vector<16xi32>
      %add3A_48 = arith.addi %add3A_47, %iota3A : vector<16xi32>
      %lt3A = arith.constant 320000 : i32
      %lt3A_49 = vector.broadcast %lt3A : i32 to vector<16xi32>
      %lt3A_50 = arith.cmpi slt, %add3A_48, %lt3A_49 : vector<16xi32>
      %mul3A_51 = arith.constant 10000 : i32
      %mul3A_52 = vector.broadcast %mul3A_51 : i32 to vector<16xi32>
      %mul3A_53 = arith.muli %sub3A_41, %mul3A_52 : vector<16xi32>
      %get3A_54 = arith.index_cast %add3A_38 : i32 to index
      %get3A_55 = tpu.vector_load %arg7[%get3A_54] {strides = array<i32>} : memref<10240xi32, #tpu.memory_space<vmem>>, vector<16xi32>,
      %add3A_56 = arith.addi %mul3A_53, %get3A_55 : vector<16xi32>
      %select_n3A = arith.select %lt3A_50, %add3A_56, %broadcast_in_dim3A_5 : vector<16xi1>, vector<16xi32>
      %swap3A = arith.index_cast %scan3A_33 : i32 to index
      %swap3A_57 = arith.constant 0 : index
      %swap3A_58 = tpu.vector_load %arg10[%swap3A, %swap3A_57] {strides = array<i32>} : memref<80x128xi32, #tpu.memory_space<vmem>>, vector<16xi32>,
      tpu.vector_store %arg10[%swap3A, %swap3A_57], %select_n3A {strides = array<i32>} : memref<80x128xi32, #tpu.memory_space<vmem>>, vector<16xi32>,
      %mul3A_59 = arith.constant 10000 : i32
      %mul3A_60 = vector.broadcast %mul3A_59 : i32 to vector<16xi32>
      %mul3A_61 = arith.muli %sub3A_41, %mul3A_60 : vector<16xi32>
      %add3A_62 = arith.constant 20000 : i32
      %add3A_63 = vector.broadcast %add3A_62 : i32 to vector<16xi32>
      %add3A_64 = arith.addi %add3A_63, %mul3A_61 : vector<16xi32>
      %get3A_65 = arith.index_cast %add3A_38 : i32 to index
      %get3A_66 = tpu.vector_load %arg8[%get3A_65] {strides = array<i32>} : memref<10240xi32, #tpu.memory_space<vmem>>, vector<16xi32>,
      %add3A_67 = arith.addi %add3A_64, %get3A_66 : vector<16xi32>
      %select_n3A_68 = arith.select %lt3A_50, %add3A_67, %broadcast_in_dim3A_5 : vector<16xi1>, vector<16xi32>
      %swap3A_69 = arith.index_cast %scan3A_33 : i32 to index
      %swap3A_70 = arith.constant 0 : index
      %swap3A_71 = tpu.vector_load %arg11[%swap3A_69, %swap3A_70] {strides = array<i32>} : memref<80x128xi32, #tpu.memory_space<vmem>>, vector<16xi32>,
      tpu.vector_store %arg11[%swap3A_69, %swap3A_70], %select_n3A_68 {strides = array<i32>} : memref<80x128xi32, #tpu.memory_space<vmem>>, vector<16xi32>,
      %mul3A_72 = arith.constant 128 : i32
      %mul3A_73 = arith.muli %scan3A_33, %mul3A_72 : i32
      %add3A_74 = arith.constant 16 : i32
      %add3A_75 = arith.addi %mul3A_73, %add3A_74 : i32
      %get3A_76 = arith.index_cast %add3A_75 : i32 to index
      %get3A_77 = tpu.vector_load %arg9[%get3A_76] {strides = array<i32>} : memref<10240xi32, #tpu.memory_space<vmem>>, vector<16xi32>,
      %sub3A_78 = arith.constant 1 : i32
      %sub3A_79 = vector.broadcast %sub3A_78 : i32 to vector<16xi32>
      %sub3A_80 = arith.subi %get3A_77, %sub3A_79 : vector<16xi32>
      %mul3A_81 = arith.constant 128 : i32
      %mul3A_82 = arith.muli %scan3A_33, %mul3A_81 : i32
      %add3A_83 = arith.addi %mul3A_7, %mul3A_82 : i32
      %add3A_84 = arith.constant 16 : i32
      %add3A_85 = arith.addi %add3A_83, %add3A_84 : i32
      %add3A_86 = vector.broadcast %add3A_85 : i32 to vector<16xi32>
      %add3A_87 = arith.addi %add3A_86, %iota3A : vector<16xi32>
      %lt3A_88 = arith.constant 320000 : i32
      %lt3A_89 = vector.broadcast %lt3A_88 : i32 to vector<16xi32>
      %lt3A_90 = arith.cmpi slt, %add3A_87, %lt3A_89 : vector<16xi32>
      %mul3A_91 = arith.constant 10000 : i32
      %mul3A_92 = vector.broadcast %mul3A_91 : i32 to vector<16xi32>
      %mul3A_93 = arith.muli %sub3A_80, %mul3A_92 : vector<16xi32>
      %get3A_94 = arith.index_cast %add3A_75 : i32 to index
      %get3A_95 = tpu.vector_load %arg7[%get3A_94] {strides = array<i32>} : memref<10240xi32, #tpu.memory_space<vmem>>, vector<16xi32>,
      %add3A_96 = arith.addi %mul3A_93, %get3A_95 : vector<16xi32>
      %select_n3A_97 = arith.select %lt3A_90, %add3A_96, %broadcast_in_dim3A_5 : vector<16xi1>, vector<16xi32>
      %swap3A_98 = arith.index_cast %scan3A_33 : i32 to index
      %swap3A_99 = arith.constant 16 : index
      %swap3A_100 = tpu.vector_load %arg10[%swap3A_98, %swap3A_99] {strides = array<i32>} : memref<80x128xi32, #tpu.memory_space<vmem>>, vector<16xi32>,
      tpu.vector_store %arg10[%swap3A_98, %swap3A_99], %select_n3A_97 {strides = array<i32>} : memref<80x128xi32, #tpu.memory_space<vmem>>, vector<16xi32>,
      %mul3A_101 = arith.constant 10000 : i32
      %mul3A_102 = vector.broadcast %mul3A_101 : i32 to vector<16xi32>
      %mul3A_103 = arith.muli %sub3A_80, %mul3A_102 : vector<16xi32>
      %add3A_104 = arith.constant 20000 : i32
      %add3A_105 = vector.broadcast %add3A_104 : i32 to vector<16xi32>
      %add3A_106 = arith.addi %add3A_105, %mul3A_103 : vector<16xi32>
      %get3A_107 = arith.index_cast %add3A_75 : i32 to index
      %get3A_108 = tpu.vector_load %arg8[%get3A_107] {strides = array<i32>} : memref<10240xi32, #tpu.memory_space<vmem>>, vector<16xi32>,
      %add3A_109 = arith.addi %add3A_106, %get3A_108 : vector<16xi32>
      %select_n3A_110 = arith.select %lt3A_90, %add3A_109, %broadcast_in_dim3A_5 : vector<16xi1>, vector<16xi32>
      %swap3A_111 = arith.index_cast %scan3A_33 : i32 to index
      %swap3A_112 = arith.constant 16 : index
      %swap3A_113 = tpu.vector_load %arg11[%swap3A_111, %swap3A_112] {strides = array<i32>} : memref<80x128xi32, #tpu.memory_space<vmem>>, vector<16xi32>,
      tpu.vector_store %arg11[%swap3A_111, %swap3A_112], %select_n3A_110 {strides = array<i32>} : memref<80x128xi32, #tpu.memory_space<vmem>>, vector<16xi32>,
      %mul3A_114 = arith.constant 128 : i32
      %mul3A_115 = arith.muli %scan3A_33, %mul3A_114 : i32
      %add3A_116 = arith.constant 32 : i32
      %add3A_117 = arith.addi %mul3A_115, %add3A_116 : i32
      %get3A_118 = arith.index_cast %add3A_117 : i32 to index
      %get3A_119 = tpu.vector_load %arg9[%get3A_118] {strides = array<i32>} : memref<10240xi32, #tpu.memory_space<vmem>>, vector<16xi32>,
      %sub3A_120 = arith.constant 1 : i32
      %sub3A_121 = vector.broadcast %sub3A_120 : i32 to vector<16xi32>
      %sub3A_122 = arith.subi %get3A_119, %sub3A_121 : vector<16xi32>
      %mul3A_123 = arith.constant 128 : i32
      %mul3A_124 = arith.muli %scan3A_33, %mul3A_123 : i32
      %add3A_125 = arith.addi %mul3A_7, %mul3A_124 : i32
      %add3A_126 = arith.constant 32 : i32
      %add3A_127 = arith.addi %add3A_125, %add3A_126 : i32
      %add3A_128 = vector.broadcast %add3A_127 : i32 to vector<16xi32>
      %add3A_129 = arith.addi %add3A_128, %iota3A : vector<16xi32>
      %lt3A_130 = arith.constant 320000 : i32
      %lt3A_131 = vector.broadcast %lt3A_130 : i32 to vector<16xi32>
      %lt3A_132 = arith.cmpi slt, %add3A_129, %lt3A_131 : vector<16xi32>
      %mul3A_133 = arith.constant 10000 : i32
      %mul3A_134 = vector.broadcast %mul3A_133 : i32 to vector<16xi32>
      %mul3A_135 = arith.muli %sub3A_122, %mul3A_134 : vector<16xi32>
      %get3A_136 = arith.index_cast %add3A_117 : i32 to index
      %get3A_137 = tpu.vector_load %arg7[%get3A_136] {strides = array<i32>} : memref<10240xi32, #tpu.memory_space<vmem>>, vector<16xi32>,
      %add3A_138 = arith.addi %mul3A_135, %get3A_137 : vector<16xi32>
      %select_n3A_139 = arith.select %lt3A_132, %add3A_138, %broadcast_in_dim3A_5 : vector<16xi1>, vector<16xi32>
      %swap3A_140 = arith.index_cast %scan3A_33 : i32 to index
      %swap3A_141 = arith.constant 32 : index
      %swap3A_142 = tpu.vector_load %arg10[%swap3A_140, %swap3A_141] {strides = array<i32>} : memref<80x128xi32, #tpu.memory_space<vmem>>, vector<16xi32>,
      tpu.vector_store %arg10[%swap3A_140, %swap3A_141], %select_n3A_139 {strides = array<i32>} : memref<80x128xi32, #tpu.memory_space<vmem>>, vector<16xi32>,
      %mul3A_143 = arith.constant 10000 : i32
      %mul3A_144 = vector.broadcast %mul3A_143 : i32 to vector<16xi32>
      %mul3A_145 = arith.muli %sub3A_122, %mul3A_144 : vector<16xi32>
      %add3A_146 = arith.constant 20000 : i32
      %add3A_147 = vector.broadcast %add3A_146 : i32 to vector<16xi32>
      %add3A_148 = arith.addi %add3A_147, %mul3A_145 : vector<16xi32>
      %get3A_149 = arith.index_cast %add3A_117 : i32 to index
      %get3A_150 = tpu.vector_load %arg8[%get3A_149] {strides = array<i32>} : memref<10240xi32, #tpu.memory_space<vmem>>, vector<16xi32>,
      %add3A_151 = arith.addi %add3A_148, %get3A_150 : vector<16xi32>
      %select_n3A_152 = arith.select %lt3A_132, %add3A_151, %broadcast_in_dim3A_5 : vector<16xi1>, vector<16xi32>
      %swap3A_153 = arith.index_cast %scan3A_33 : i32 to index
      %swap3A_154 = arith.constant 32 : index
      %swap3A_155 = tpu.vector_load %arg11[%swap3A_153, %swap3A_154] {strides = array<i32>} : memref<80x128xi32, #tpu.memory_space<vmem>>, vector<16xi32>,
      tpu.vector_store %arg11[%swap3A_153, %swap3A_154], %select_n3A_152 {strides = array<i32>} : memref<80x128xi32, #tpu.memory_space<vmem>>, vector<16xi32>,
      %mul3A_156 = arith.constant 128 : i32
      %mul3A_157 = arith.muli %scan3A_33, %mul3A_156 : i32
      %add3A_158 = arith.constant 48 : i32
      %add3A_159 = arith.addi %mul3A_157, %add3A_158 : i32
      %get3A_160 = arith.index_cast %add3A_159 : i32 to index
      %get3A_161 = tpu.vector_load %arg9[%get3A_160] {strides = array<i32>} : memref<10240xi32, #tpu.memory_space<vmem>>, vector<16xi32>,
      %sub3A_162 = arith.constant 1 : i32
      %sub3A_163 = vector.broadcast %sub3A_162 : i32 to vector<16xi32>
      %sub3A_164 = arith.subi %get3A_161, %sub3A_163 : vector<16xi32>
      %mul3A_165 = arith.constant 128 : i32
      %mul3A_166 = arith.muli %scan3A_33, %mul3A_165 : i32
      %add3A_167 = arith.addi %mul3A_7, %mul3A_166 : i32
      %add3A_168 = arith.constant 48 : i32
      %add3A_169 = arith.addi %add3A_167, %add3A_168 : i32
      %add3A_170 = vector.broadcast %add3A_169 : i32 to vector<16xi32>
      %add3A_171 = arith.addi %add3A_170, %iota3A : vector<16xi32>
      %lt3A_172 = arith.constant 320000 : i32
      %lt3A_173 = vector.broadcast %lt3A_172 : i32 to vector<16xi32>
      %lt3A_174 = arith.cmpi slt, %add3A_171, %lt3A_173 : vector<16xi32>
      %mul3A_175 = arith.constant 10000 : i32
      %mul3A_176 = vector.broadcast %mul3A_175 : i32 to vector<16xi32>
      %mul3A_177 = arith.muli %sub3A_164, %mul3A_176 : vector<16xi32>
      %get3A_178 = arith.index_cast %add3A_159 : i32 to index
      %get3A_179 = tpu.vector_load %arg7[%get3A_178] {strides = array<i32>} : memref<10240xi32, #tpu.memory_space<vmem>>, vector<16xi32>,
      %add3A_180 = arith.addi %mul3A_177, %get3A_179 : vector<16xi32>
      %select_n3A_181 = arith.select %lt3A_174, %add3A_180, %broadcast_in_dim3A_5 : vector<16xi1>, vector<16xi32>
      %swap3A_182 = arith.index_cast %scan3A_33 : i32 to index
      %swap3A_183 = arith.constant 48 : index
      %swap3A_184 = tpu.vector_load %arg10[%swap3A_182, %swap3A_183] {strides = array<i32>} : memref<80x128xi32, #tpu.memory_space<vmem>>, vector<16xi32>,
      tpu.vector_store %arg10[%swap3A_182, %swap3A_183], %select_n3A_181 {strides = array<i32>} : memref<80x128xi32, #tpu.memory_space<vmem>>, vector<16xi32>,
      %mul3A_185 = arith.constant 10000 : i32
      %mul3A_186 = vector.broadcast %mul3A_185 : i32 to vector<16xi32>
      %mul3A_187 = arith.muli %sub3A_164, %mul3A_186 : vector<16xi32>
      %add3A_188 = arith.constant 20000 : i32
      %add3A_189 = vector.broadcast %add3A_188 : i32 to vector<16xi32>
      %add3A_190 = arith.addi %add3A_189, %mul3A_187 : vector<16xi32>
      %get3A_191 = arith.index_cast %add3A_159 : i32 to index
      %get3A_192 = tpu.vector_load %arg8[%get3A_191] {strides = array<i32>} : memref<10240xi32, #tpu.memory_space<vmem>>, vector<16xi32>,
      %add3A_193 = arith.addi %add3A_190, %get3A_192 : vector<16xi32>
      %select_n3A_194 = arith.select %lt3A_174, %add3A_193, %broadcast_in_dim3A_5 : vector<16xi1>, vector<16xi32>
      %swap3A_195 = arith.index_cast %scan3A_33 : i32 to index
      %swap3A_196 = arith.constant 48 : index
      %swap3A_197 = tpu.vector_load %arg11[%swap3A_195, %swap3A_196] {strides = array<i32>} : memref<80x128xi32, #tpu.memory_space<vmem>>, vector<16xi32>,
      tpu.vector_store %arg11[%swap3A_195, %swap3A_196], %select_n3A_194 {strides = array<i32>} : memref<80x128xi32, #tpu.memory_space<vmem>>, vector<16xi32>,
      %mul3A_198 = arith.constant 128 : i32
      %mul3A_199 = arith.muli %scan3A_33, %mul3A_198 : i32
      %add3A_200 = arith.constant 64 : i32
      %add3A_201 = arith.addi %mul3A_199, %add3A_200 : i32
      %get3A_202 = arith.index_cast %add3A_201 : i32 to index
      %get3A_203 = tpu.vector_load %arg9[%get3A_202] {strides = array<i32>} : memref<10240xi32, #tpu.memory_space<vmem>>, vector<16xi32>,
      %sub3A_204 = arith.constant 1 : i32
      %sub3A_205 = vector.broadcast %sub3A_204 : i32 to vector<16xi32>
      %sub3A_206 = arith.subi %get3A_203, %sub3A_205 : vector<16xi32>
      %mul3A_207 = arith.constant 128 : i32
      %mul3A_208 = arith.muli %scan3A_33, %mul3A_207 : i32
      %add3A_209 = arith.addi %mul3A_7, %mul3A_208 : i32
      %add3A_210 = arith.constant 64 : i32
      %add3A_211 = arith.addi %add3A_209, %add3A_210 : i32
      %add3A_212 = vector.broadcast %add3A_211 : i32 to vector<16xi32>
      %add3A_213 = arith.addi %add3A_212, %iota3A : vector<16xi32>
      %lt3A_214 = arith.constant 320000 : i32
      %lt3A_215 = vector.broadcast %lt3A_214 : i32 to vector<16xi32>
      %lt3A_216 = arith.cmpi slt, %add3A_213, %lt3A_215 : vector<16xi32>
      %mul3A_217 = arith.constant 10000 : i32
      %mul3A_218 = vector.broadcast %mul3A_217 : i32 to vector<16xi32>
      %mul3A_219 = arith.muli %sub3A_206, %mul3A_218 : vector<16xi32>
      %get3A_220 = arith.index_cast %add3A_201 : i32 to index
      %get3A_221 = tpu.vector_load %arg7[%get3A_220] {strides = array<i32>} : memref<10240xi32, #tpu.memory_space<vmem>>, vector<16xi32>,
      %add3A_222 = arith.addi %mul3A_219, %get3A_221 : vector<16xi32>
      %select_n3A_223 = arith.select %lt3A_216, %add3A_222, %broadcast_in_dim3A_5 : vector<16xi1>, vector<16xi32>
      %swap3A_224 = arith.index_cast %scan3A_33 : i32 to index
      %swap3A_225 = arith.constant 64 : index
      %swap3A_226 = tpu.vector_load %arg10[%swap3A_224, %swap3A_225] {strides = array<i32>} : memref<80x128xi32, #tpu.memory_space<vmem>>, vector<16xi32>,
      tpu.vector_store %arg10[%swap3A_224, %swap3A_225], %select_n3A_223 {strides = array<i32>} : memref<80x128xi32, #tpu.memory_space<vmem>>, vector<16xi32>,
      %mul3A_227 = arith.constant 10000 : i32
      %mul3A_228 = vector.broadcast %mul3A_227 : i32 to vector<16xi32>
      %mul3A_229 = arith.muli %sub3A_206, %mul3A_228 : vector<16xi32>
      %add3A_230 = arith.constant 20000 : i32
      %add3A_231 = vector.broadcast %add3A_230 : i32 to vector<16xi32>
      %add3A_232 = arith.addi %add3A_231, %mul3A_229 : vector<16xi32>
      %get3A_233 = arith.index_cast %add3A_201 : i32 to index
      %get3A_234 = tpu.vector_load %arg8[%get3A_233] {strides = array<i32>} : memref<10240xi32, #tpu.memory_space<vmem>>, vector<16xi32>,
      %add3A_235 = arith.addi %add3A_232, %get3A_234 : vector<16xi32>
      %select_n3A_236 = arith.select %lt3A_216, %add3A_235, %broadcast_in_dim3A_5 : vector<16xi1>, vector<16xi32>
      %swap3A_237 = arith.index_cast %scan3A_33 : i32 to index
      %swap3A_238 = arith.constant 64 : index
      %swap3A_239 = tpu.vector_load %arg11[%swap3A_237, %swap3A_238] {strides = array<i32>} : memref<80x128xi32, #tpu.memory_space<vmem>>, vector<16xi32>,
      tpu.vector_store %arg11[%swap3A_237, %swap3A_238], %select_n3A_236 {strides = array<i32>} : memref<80x128xi32, #tpu.memory_space<vmem>>, vector<16xi32>,
      %mul3A_240 = arith.constant 128 : i32
      %mul3A_241 = arith.muli %scan3A_33, %mul3A_240 : i32
      %add3A_242 = arith.constant 80 : i32
      %add3A_243 = arith.addi %mul3A_241, %add3A_242 : i32
      %get3A_244 = arith.index_cast %add3A_243 : i32 to index
      %get3A_245 = tpu.vector_load %arg9[%get3A_244] {strides = array<i32>} : memref<10240xi32, #tpu.memory_space<vmem>>, vector<16xi32>,
      %sub3A_246 = arith.constant 1 : i32
      %sub3A_247 = vector.broadcast %sub3A_246 : i32 to vector<16xi32>
      %sub3A_248 = arith.subi %get3A_245, %sub3A_247 : vector<16xi32>
      %mul3A_249 = arith.constant 128 : i32
      %mul3A_250 = arith.muli %scan3A_33, %mul3A_249 : i32
      %add3A_251 = arith.addi %mul3A_7, %mul3A_250 : i32
      %add3A_252 = arith.constant 80 : i32
      %add3A_253 = arith.addi %add3A_251, %add3A_252 : i32
      %add3A_254 = vector.broadcast %add3A_253 : i32 to vector<16xi32>
      %add3A_255 = arith.addi %add3A_254, %iota3A : vector<16xi32>
      %lt3A_256 = arith.constant 320000 : i32
      %lt3A_257 = vector.broadcast %lt3A_256 : i32 to vector<16xi32>
      %lt3A_258 = arith.cmpi slt, %add3A_255, %lt3A_257 : vector<16xi32>
      %mul3A_259 = arith.constant 10000 : i32
      %mul3A_260 = vector.broadcast %mul3A_259 : i32 to vector<16xi32>
      %mul3A_261 = arith.muli %sub3A_248, %mul3A_260 : vector<16xi32>
      %get3A_262 = arith.index_cast %add3A_243 : i32 to index
      %get3A_263 = tpu.vector_load %arg7[%get3A_262] {strides = array<i32>} : memref<10240xi32, #tpu.memory_space<vmem>>, vector<16xi32>,
      %add3A_264 = arith.addi %mul3A_261, %get3A_263 : vector<16xi32>
      %select_n3A_265 = arith.select %lt3A_258, %add3A_264, %broadcast_in_dim3A_5 : vector<16xi1>, vector<16xi32>
      %swap3A_266 = arith.index_cast %scan3A_33 : i32 to index
      %swap3A_267 = arith.constant 80 : index
      %swap3A_268 = tpu.vector_load %arg10[%swap3A_266, %swap3A_267] {strides = array<i32>} : memref<80x128xi32, #tpu.memory_space<vmem>>, vector<16xi32>,
      tpu.vector_store %arg10[%swap3A_266, %swap3A_267], %select_n3A_265 {strides = array<i32>} : memref<80x128xi32, #tpu.memory_space<vmem>>, vector<16xi32>,
      %mul3A_269 = arith.constant 10000 : i32
      %mul3A_270 = vector.broadcast %mul3A_269 : i32 to vector<16xi32>
      %mul3A_271 = arith.muli %sub3A_248, %mul3A_270 : vector<16xi32>
      %add3A_272 = arith.constant 20000 : i32
      %add3A_273 = vector.broadcast %add3A_272 : i32 to vector<16xi32>
      %add3A_274 = arith.addi %add3A_273, %mul3A_271 : vector<16xi32>
      %get3A_275 = arith.index_cast %add3A_243 : i32 to index
      %get3A_276 = tpu.vector_load %arg8[%get3A_275] {strides = array<i32>} : memref<10240xi32, #tpu.memory_space<vmem>>, vector<16xi32>,
      %add3A_277 = arith.addi %add3A_274, %get3A_276 : vector<16xi32>
      %select_n3A_278 = arith.select %lt3A_258, %add3A_277, %broadcast_in_dim3A_5 : vector<16xi1>, vector<16xi32>
      %swap3A_279 = arith.index_cast %scan3A_33 : i32 to index
      %swap3A_280 = arith.constant 80 : index
      %swap3A_281 = tpu.vector_load %arg11[%swap3A_279, %swap3A_280] {strides = array<i32>} : memref<80x128xi32, #tpu.memory_space<vmem>>, vector<16xi32>,
      tpu.vector_store %arg11[%swap3A_279, %swap3A_280], %select_n3A_278 {strides = array<i32>} : memref<80x128xi32, #tpu.memory_space<vmem>>, vector<16xi32>,
      %mul3A_282 = arith.constant 128 : i32
      %mul3A_283 = arith.muli %scan3A_33, %mul3A_282 : i32
      %add3A_284 = arith.constant 96 : i32
      %add3A_285 = arith.addi %mul3A_283, %add3A_284 : i32
      %get3A_286 = arith.index_cast %add3A_285 : i32 to index
      %get3A_287 = tpu.vector_load %arg9[%get3A_286] {strides = array<i32>} : memref<10240xi32, #tpu.memory_space<vmem>>, vector<16xi32>,
      %sub3A_288 = arith.constant 1 : i32
      %sub3A_289 = vector.broadcast %sub3A_288 : i32 to vector<16xi32>
      %sub3A_290 = arith.subi %get3A_287, %sub3A_289 : vector<16xi32>
      %mul3A_291 = arith.constant 128 : i32
      %mul3A_292 = arith.muli %scan3A_33, %mul3A_291 : i32
      %add3A_293 = arith.addi %mul3A_7, %mul3A_292 : i32
      %add3A_294 = arith.constant 96 : i32
      %add3A_295 = arith.addi %add3A_293, %add3A_294 : i32
      %add3A_296 = vector.broadcast %add3A_295 : i32 to vector<16xi32>
      %add3A_297 = arith.addi %add3A_296, %iota3A : vector<16xi32>
      %lt3A_298 = arith.constant 320000 : i32
      %lt3A_299 = vector.broadcast %lt3A_298 : i32 to vector<16xi32>
      %lt3A_300 = arith.cmpi slt, %add3A_297, %lt3A_299 : vector<16xi32>
      %mul3A_301 = arith.constant 10000 : i32
      %mul3A_302 = vector.broadcast %mul3A_301 : i32 to vector<16xi32>
      %mul3A_303 = arith.muli %sub3A_290, %mul3A_302 : vector<16xi32>
      %get3A_304 = arith.index_cast %add3A_285 : i32 to index
      %get3A_305 = tpu.vector_load %arg7[%get3A_304] {strides = array<i32>} : memref<10240xi32, #tpu.memory_space<vmem>>, vector<16xi32>,
      %add3A_306 = arith.addi %mul3A_303, %get3A_305 : vector<16xi32>
      %select_n3A_307 = arith.select %lt3A_300, %add3A_306, %broadcast_in_dim3A_5 : vector<16xi1>, vector<16xi32>
      %swap3A_308 = arith.index_cast %scan3A_33 : i32 to index
      %swap3A_309 = arith.constant 96 : index
      %swap3A_310 = tpu.vector_load %arg10[%swap3A_308, %swap3A_309] {strides = array<i32>} : memref<80x128xi32, #tpu.memory_space<vmem>>, vector<16xi32>,
      tpu.vector_store %arg10[%swap3A_308, %swap3A_309], %select_n3A_307 {strides = array<i32>} : memref<80x128xi32, #tpu.memory_space<vmem>>, vector<16xi32>,
      %mul3A_311 = arith.constant 10000 : i32
      %mul3A_312 = vector.broadcast %mul3A_311 : i32 to vector<16xi32>
      %mul3A_313 = arith.muli %sub3A_290, %mul3A_312 : vector<16xi32>
      %add3A_314 = arith.constant 20000 : i32
      %add3A_315 = vector.broadcast %add3A_314 : i32 to vector<16xi32>
      %add3A_316 = arith.addi %add3A_315, %mul3A_313 : vector<16xi32>
      %get3A_317 = arith.index_cast %add3A_285 : i32 to index
      %get3A_318 = tpu.vector_load %arg8[%get3A_317] {strides = array<i32>} : memref<10240xi32, #tpu.memory_space<vmem>>, vector<16xi32>,
      %add3A_319 = arith.addi %add3A_316, %get3A_318 : vector<16xi32>
      %select_n3A_320 = arith.select %lt3A_300, %add3A_319, %broadcast_in_dim3A_5 : vector<16xi1>, vector<16xi32>
      %swap3A_321 = arith.index_cast %scan3A_33 : i32 to index
      %swap3A_322 = arith.constant 96 : index
      %swap3A_323 = tpu.vector_load %arg11[%swap3A_321, %swap3A_322] {strides = array<i32>} : memref<80x128xi32, #tpu.memory_space<vmem>>, vector<16xi32>,
      tpu.vector_store %arg11[%swap3A_321, %swap3A_322], %select_n3A_320 {strides = array<i32>} : memref<80x128xi32, #tpu.memory_space<vmem>>, vector<16xi32>,
      %mul3A_324 = arith.constant 128 : i32
      %mul3A_325 = arith.muli %scan3A_33, %mul3A_324 : i32
      %add3A_326 = arith.constant 112 : i32
      %add3A_327 = arith.addi %mul3A_325, %add3A_326 : i32
      %get3A_328 = arith.index_cast %add3A_327 : i32 to index
      %get3A_329 = tpu.vector_load %arg9[%get3A_328] {strides = array<i32>} : memref<10240xi32, #tpu.memory_space<vmem>>, vector<16xi32>,
      %sub3A_330 = arith.constant 1 : i32
      %sub3A_331 = vector.broadcast %sub3A_330 : i32 to vector<16xi32>
      %sub3A_332 = arith.subi %get3A_329, %sub3A_331 : vector<16xi32>
      %mul3A_333 = arith.constant 128 : i32
      %mul3A_334 = arith.muli %scan3A_33, %mul3A_333 : i32
      %add3A_335 = arith.addi %mul3A_7, %mul3A_334 : i32
      %add3A_336 = arith.constant 112 : i32
      %add3A_337 = arith.addi %add3A_335, %add3A_336 : i32
      %add3A_338 = vector.broadcast %add3A_337 : i32 to vector<16xi32>
      %add3A_339 = arith.addi %add3A_338, %iota3A : vector<16xi32>
      %lt3A_340 = arith.constant 320000 : i32
      %lt3A_341 = vector.broadcast %lt3A_340 : i32 to vector<16xi32>
      %lt3A_342 = arith.cmpi slt, %add3A_339, %lt3A_341 : vector<16xi32>
      %mul3A_343 = arith.constant 10000 : i32
      %mul3A_344 = vector.broadcast %mul3A_343 : i32 to vector<16xi32>
      %mul3A_345 = arith.muli %sub3A_332, %mul3A_344 : vector<16xi32>
      %get3A_346 = arith.index_cast %add3A_327 : i32 to index
      %get3A_347 = tpu.vector_load %arg7[%get3A_346] {strides = array<i32>} : memref<10240xi32, #tpu.memory_space<vmem>>, vector<16xi32>,
      %add3A_348 = arith.addi %mul3A_345, %get3A_347 : vector<16xi32>
      %select_n3A_349 = arith.select %lt3A_342, %add3A_348, %broadcast_in_dim3A_5 : vector<16xi1>, vector<16xi32>
      %swap3A_350 = arith.index_cast %scan3A_33 : i32 to index
      %swap3A_351 = arith.constant 112 : index
      %swap3A_352 = tpu.vector_load %arg10[%swap3A_350, %swap3A_351] {strides = array<i32>} : memref<80x128xi32, #tpu.memory_space<vmem>>, vector<16xi32>,
      tpu.vector_store %arg10[%swap3A_350, %swap3A_351], %select_n3A_349 {strides = array<i32>} : memref<80x128xi32, #tpu.memory_space<vmem>>, vector<16xi32>,
      %mul3A_353 = arith.constant 10000 : i32
      %mul3A_354 = vector.broadcast %mul3A_353 : i32 to vector<16xi32>
      %mul3A_355 = arith.muli %sub3A_332, %mul3A_354 : vector<16xi32>
      %add3A_356 = arith.constant 20000 : i32
      %add3A_357 = vector.broadcast %add3A_356 : i32 to vector<16xi32>
      %add3A_358 = arith.addi %add3A_357, %mul3A_355 : vector<16xi32>
      %get3A_359 = arith.index_cast %add3A_327 : i32 to index
      %get3A_360 = tpu.vector_load %arg8[%get3A_359] {strides = array<i32>} : memref<10240xi32, #tpu.memory_space<vmem>>, vector<16xi32>,
      %add3A_361 = arith.addi %add3A_358, %get3A_360 : vector<16xi32>
      %select_n3A_362 = arith.select %lt3A_342, %add3A_361, %broadcast_in_dim3A_5 : vector<16xi1>, vector<16xi32>
      %swap3A_363 = arith.index_cast %scan3A_33 : i32 to index
      %swap3A_364 = arith.constant 112 : index
      %swap3A_365 = tpu.vector_load %arg11[%swap3A_363, %swap3A_364] {strides = array<i32>} : memref<80x128xi32, #tpu.memory_space<vmem>>, vector<16xi32>,
      tpu.vector_store %arg11[%swap3A_363, %swap3A_364], %select_n3A_362 {strides = array<i32>} : memref<80x128xi32, #tpu.memory_space<vmem>>, vector<16xi32>,
      "tpu.region"() ({
        %run_scoped3A = tpu.sem_alloc : memref<!tpu.dma_semaphore, #tpu.memory_space<semaphore_mem>>
        %dma_start3A = arith.constant 0 : i32
        %dma_start3A_367 = tpu.memref_slice %arg10[%scan3A_33, %dma_start3A] : memref<80x128xi32, #tpu.memory_space<vmem>> -> memref<1x128xi32, #tpu.memory_space<vmem>>
        %dma_start3A_368 = tpu.memref_squeeze %dma_start3A_367 : memref<1x128xi32, #tpu.memory_space<vmem>> -> memref<128xi32, #tpu.memory_space<vmem>>
        %dma_start3A_369 = arith.constant 0 : i32
        %dma_start3A_370 = tpu.memref_slice %arg6[%dma_start3A_369] : memref<40960xf32, #tpu.memory_space<vmem_shared>> -> memref<40960xf32, #tpu.memory_space<vmem_shared>>
        tpu.enqueue_indirect_dma source(%arg12 : memref<128xf32, #tpu.memory_space<vmem>>) target(%dma_start3A_370 : memref<40960xf32, #tpu.memory_space<vmem_shared>>) offsets(%dma_start3A_368 : memref<128xi32, #tpu.memory_space<vmem>>) semaphore(%run_scoped3A : memref<!tpu.dma_semaphore, #tpu.memory_space<semaphore_mem>>) {add = true}
        %dma_wait3A = arith.constant 0 : i32
        %dma_wait3A_371 = tpu.memref_slice %arg10[%scan3A_33, %dma_wait3A] : memref<80x128xi32, #tpu.memory_space<vmem>> -> memref<1x128xi32, #tpu.memory_space<vmem>>
        %dma_wait3A_372 = tpu.memref_squeeze %dma_wait3A_371 : memref<1x128xi32, #tpu.memory_space<vmem>> -> memref<128xi32, #tpu.memory_space<vmem>>
        %dma_wait3A_373 = arith.constant 0 : i32
        %dma_wait3A_374 = tpu.memref_slice %arg6[%dma_wait3A_373] : memref<40960xf32, #tpu.memory_space<vmem_shared>> -> memref<40960xf32, #tpu.memory_space<vmem_shared>>
        tpu.wait_indirect_dma semaphore(%run_scoped3A : memref<!tpu.dma_semaphore, #tpu.memory_space<semaphore_mem>>) src(%arg12 : memref<128xf32, #tpu.memory_space<vmem>>) dst(%dma_wait3A_374 : memref<40960xf32, #tpu.memory_space<vmem_shared>>)
        tpu.yield
      }) : () -> ()
      "tpu.region"() ({
        %run_scoped3A = tpu.sem_alloc : memref<!tpu.dma_semaphore, #tpu.memory_space<semaphore_mem>>
        %dma_start3A = arith.constant 0 : i32
        %dma_start3A_367 = tpu.memref_slice %arg11[%scan3A_33, %dma_start3A] : memref<80x128xi32, #tpu.memory_space<vmem>> -> memref<1x128xi32, #tpu.memory_space<vmem>>
        %dma_start3A_368 = tpu.memref_squeeze %dma_start3A_367 : memref<1x128xi32, #tpu.memory_space<vmem>> -> memref<128xi32, #tpu.memory_space<vmem>>
        %dma_start3A_369 = arith.constant 0 : i32
        %dma_start3A_370 = tpu.memref_slice %arg6[%dma_start3A_369] : memref<40960xf32, #tpu.memory_space<vmem_shared>> -> memref<40960xf32, #tpu.memory_space<vmem_shared>>
        tpu.enqueue_indirect_dma source(%arg12 : memref<128xf32, #tpu.memory_space<vmem>>) target(%dma_start3A_370 : memref<40960xf32, #tpu.memory_space<vmem_shared>>) offsets(%dma_start3A_368 : memref<128xi32, #tpu.memory_space<vmem>>) semaphore(%run_scoped3A : memref<!tpu.dma_semaphore, #tpu.memory_space<semaphore_mem>>) {add = true}
        %dma_wait3A = arith.constant 0 : i32
        %dma_wait3A_371 = tpu.memref_slice %arg11[%scan3A_33, %dma_wait3A] : memref<80x128xi32, #tpu.memory_space<vmem>> -> memref<1x128xi32, #tpu.memory_space<vmem>>
        %dma_wait3A_372 = tpu.memref_squeeze %dma_wait3A_371 : memref<1x128xi32, #tpu.memory_space<vmem>> -> memref<128xi32, #tpu.memory_space<vmem>>
        %dma_wait3A_373 = arith.constant 0 : i32
        %dma_wait3A_374 = tpu.memref_slice %arg6[%dma_wait3A_373] : memref<40960xf32, #tpu.memory_space<vmem_shared>> -> memref<40960xf32, #tpu.memory_space<vmem_shared>>
        tpu.wait_indirect_dma semaphore(%run_scoped3A : memref<!tpu.dma_semaphore, #tpu.memory_space<semaphore_mem>>) src(%arg12 : memref<128xf32, #tpu.memory_space<vmem>>) dst(%dma_wait3A_374 : memref<40960xf32, #tpu.memory_space<vmem_shared>>)
        tpu.yield
      }) : () -> ()
      %scan3A_366 = arith.constant 0 : i32
      scf.yield %scan3A_366 : i32
    }
    %scan3A_29 = arith.constant 80 : i32
    %barrier3A_30 = arith.constant 0 : index
    tpu.barrier barrier_id(%barrier3A_30)
    %mul3A_31 = arith.constant 2560 : i32
    %mul3A_32 = arith.muli %arg1, %mul3A_31 : i32
    "tpu.region"() ({
      %run_scoped3A = tpu.sem_alloc : memref<!tpu.dma_semaphore, #tpu.memory_space<semaphore_mem>>
      %dma_start3A = tpu.memref_slice %arg6[%mul3A_32] : memref<40960xf32, #tpu.memory_space<vmem_shared>> -> memref<2560xf32, #tpu.memory_space<vmem_shared>>
      %dma_start3A_33 = tpu.memref_slice %arg6[%mul3A_32] : memref<40960xf32, #tpu.memory_space<vmem_shared>> -> memref<2560xf32, #tpu.memory_space<vmem_shared>>
      tpu.enqueue_dma source(%dma_start3A_33 : memref<2560xf32, #tpu.memory_space<vmem_shared>>) target(%arg13 : memref<2560xf32, #tpu.memory_space<vmem>>) target_semaphore(%run_scoped3A : memref<!tpu.dma_semaphore, #tpu.memory_space<semaphore_mem>>)
      %dma_wait3A = tpu.memref_slice %arg6[%mul3A_32] : memref<40960xf32, #tpu.memory_space<vmem_shared>> -> memref<2560xf32, #tpu.memory_space<vmem_shared>>
      %dma_wait3A_34 = tpu.memref_slice %arg6[%mul3A_32] : memref<40960xf32, #tpu.memory_space<vmem_shared>> -> memref<2560xf32, #tpu.memory_space<vmem_shared>>
      tpu.wait_dma2 semaphore(%run_scoped3A : memref<!tpu.dma_semaphore, #tpu.memory_space<semaphore_mem>>) src(%dma_wait3A_34 : memref<2560xf32, #tpu.memory_space<vmem_shared>>) dst(%arg13 : memref<2560xf32, #tpu.memory_space<vmem>>)
      tpu.yield
    }) : () -> ()
    "tpu.region"() ({
      %run_scoped3A = tpu.sem_alloc : memref<!tpu.dma_semaphore, #tpu.memory_space<semaphore_mem>>
      %dma_start3A = arith.constant 0 : i32
      %dma_start3A_33 = tpu.memref_slice %arg5[%arg0, %arg1, %dma_start3A] : memref<2x16x2560xf32, #tpu.memory_space<hbm>> -> memref<1x1x2560xf32, #tpu.memory_space<hbm>>
      %dma_start3A_34 = tpu.memref_squeeze %dma_start3A_33 : memref<1x1x2560xf32, #tpu.memory_space<hbm>> -> memref<2560xf32, #tpu.memory_space<hbm>>
      %dma_start3A_35 = arith.constant 0 : i32
      %dma_start3A_36 = tpu.memref_slice %arg5[%arg0, %arg1, %dma_start3A_35] : memref<2x16x2560xf32, #tpu.memory_space<hbm>> -> memref<1x1x2560xf32, #tpu.memory_space<hbm>>
      %dma_start3A_37 = tpu.memref_squeeze %dma_start3A_36 : memref<1x1x2560xf32, #tpu.memory_space<hbm>> -> memref<2560xf32, #tpu.memory_space<hbm>>
      tpu.enqueue_dma source(%arg13 : memref<2560xf32, #tpu.memory_space<vmem>>) target(%dma_start3A_37 : memref<2560xf32, #tpu.memory_space<hbm>>) target_semaphore(%run_scoped3A : memref<!tpu.dma_semaphore, #tpu.memory_space<semaphore_mem>>)
      %dma_wait3A = arith.constant 0 : i32
      %dma_wait3A_38 = tpu.memref_slice %arg5[%arg0, %arg1, %dma_wait3A] : memref<2x16x2560xf32, #tpu.memory_space<hbm>> -> memref<1x1x2560xf32, #tpu.memory_space<hbm>>
      %dma_wait3A_39 = tpu.memref_squeeze %dma_wait3A_38 : memref<1x1x2560xf32, #tpu.memory_space<hbm>> -> memref<2560xf32, #tpu.memory_space<hbm>>
      %dma_wait3A_40 = arith.constant 0 : i32
      %dma_wait3A_41 = tpu.memref_slice %arg5[%arg0, %arg1, %dma_wait3A_40] : memref<2x16x2560xf32, #tpu.memory_space<hbm>> -> memref<1x1x2560xf32, #tpu.memory_space<hbm>>
      %dma_wait3A_42 = tpu.memref_squeeze %dma_wait3A_41 : memref<1x1x2560xf32, #tpu.memory_space<hbm>> -> memref<2560xf32, #tpu.memory_space<hbm>>
      tpu.wait_dma2 semaphore(%run_scoped3A : memref<!tpu.dma_semaphore, #tpu.memory_space<semaphore_mem>>) src(%arg13 : memref<2560xf32, #tpu.memory_space<vmem>>) dst(%dma_wait3A_42 : memref<2560xf32, #tpu.memory_space<hbm>>)
      tpu.yield
    }) : () -> ()
    return
  }
}

#map = affine_map<(d0, d1) -> (0)>
module attributes {stable_mosaic.version = 14 : i64} {
  func.func @_w_body(%arg0: i32, %arg1: i32, %arg2: memref<320000xi32, #tpu.memory_space<hbm>>, %arg3: memref<320000xi32, #tpu.memory_space<hbm>>, %arg4: memref<320000xi32, #tpu.memory_space<hbm>>, %arg5: memref<20000xf32, #tpu.memory_space<hbm>>, %arg6: memref<40000xf32, #tpu.memory_space<hbm>>, %arg7: memref<320000xf32, #tpu.memory_space<hbm>>, %arg8: memref<320000xf32, #tpu.memory_space<hbm>>, %arg9: memref<20000xf32, #tpu.memory_space<vmem>>, %arg10: memref<40000xf32, #tpu.memory_space<vmem>>, %arg11: memref<2x128xi32, #tpu.memory_space<vmem>>, %arg12: memref<2x128xi32, #tpu.memory_space<vmem>>, %arg13: memref<2x128xi32, #tpu.memory_space<vmem>>, %arg14: memref<128xf32, #tpu.memory_space<vmem>>, %arg15: memref<128xf32, #tpu.memory_space<vmem>>, %arg16: memref<!tpu.dma_semaphore, #tpu.memory_space<semaphore_mem>>, %arg17: memref<!tpu.dma_semaphore, #tpu.memory_space<semaphore_mem>>) attributes {dimension_semantics = [#tpu.dimension_semantics<core_parallel>, #tpu.dimension_semantics<subcore_parallel>], iteration_bounds = array<i64: 2, 16>, scalar_prefetch = 0 : i64, scratch_operands = 9 : i64, tpu.core_type = #tpu.core_type<sc_vector_subcore>, window_params = [{transform_indices = #map}, {transform_indices = #map}, {transform_indices = #map}, {transform_indices = #map}, {transform_indices = #map}, {transform_indices = #map}, {transform_indices = #map}]} {
    %mul3A = arith.constant 16 : i32
    %mul3A_0 = arith.muli %arg0, %mul3A : i32
    %add3A = arith.addi %mul3A_0, %arg1 : i32
    "tpu.region"() ({
      %run_scoped3A = tpu.sem_alloc : memref<!tpu.dma_semaphore, #tpu.memory_space<semaphore_mem>>
      tpu.enqueue_dma source(%arg5 : memref<20000xf32, #tpu.memory_space<hbm>>) target(%arg9 : memref<20000xf32, #tpu.memory_space<vmem>>) target_semaphore(%run_scoped3A : memref<!tpu.dma_semaphore, #tpu.memory_space<semaphore_mem>>)
      tpu.wait_dma2 semaphore(%run_scoped3A : memref<!tpu.dma_semaphore, #tpu.memory_space<semaphore_mem>>) src(%arg5 : memref<20000xf32, #tpu.memory_space<hbm>>) dst(%arg9 : memref<20000xf32, #tpu.memory_space<vmem>>)
      tpu.yield
    }) : () -> ()
    "tpu.region"() ({
      %run_scoped3A = tpu.sem_alloc : memref<!tpu.dma_semaphore, #tpu.memory_space<semaphore_mem>>
      tpu.enqueue_dma source(%arg6 : memref<40000xf32, #tpu.memory_space<hbm>>) target(%arg10 : memref<40000xf32, #tpu.memory_space<vmem>>) target_semaphore(%run_scoped3A : memref<!tpu.dma_semaphore, #tpu.memory_space<semaphore_mem>>)
      tpu.wait_dma2 semaphore(%run_scoped3A : memref<!tpu.dma_semaphore, #tpu.memory_space<semaphore_mem>>) src(%arg6 : memref<40000xf32, #tpu.memory_space<hbm>>) dst(%arg10 : memref<40000xf32, #tpu.memory_space<vmem>>)
      tpu.yield
    }) : () -> ()
    %lt3A = arith.constant 4 : i32
    %lt3A_1 = arith.cmpi slt, %add3A, %lt3A : i32
    %jit3A = arith.constant 1 : i32
    %jit3A_2 = arith.constant 0 : i32
    %select_n3A = arith.select %lt3A_1, %jit3A, %jit3A_2 : i32
    %add3A_3 = arith.constant 78 : i32
    %add3A_4 = arith.addi %add3A_3, %select_n3A : i32
    %mul3A_5 = arith.constant 128 : i32
    %mul3A_6 = arith.muli %add3A, %mul3A_5 : i32
    %dma_start3A = arith.constant 0 : i32
    %dma_start3A_7 = arith.constant 0 : i32
    %dma_start3A_8 = tpu.memref_slice %arg11[%dma_start3A, %dma_start3A_7] : memref<2x128xi32, #tpu.memory_space<vmem>> -> memref<1x128xi32, #tpu.memory_space<vmem>>
    %dma_start3A_9 = tpu.memref_squeeze %dma_start3A_8 : memref<1x128xi32, #tpu.memory_space<vmem>> -> memref<128xi32, #tpu.memory_space<vmem>>
    %dma_start3A_10 = tpu.memref_slice %arg2[%mul3A_6] : memref<320000xi32, #tpu.memory_space<hbm>> -> memref<128xi32, #tpu.memory_space<hbm>>
    %dma_start3A_11 = arith.constant 0 : i32
    %dma_start3A_12 = tpu.memref_slice %arg11[%dma_start3A, %dma_start3A_11] : memref<2x128xi32, #tpu.memory_space<vmem>> -> memref<1x128xi32, #tpu.memory_space<vmem>>
    %dma_start3A_13 = tpu.memref_squeeze %dma_start3A_12 : memref<1x128xi32, #tpu.memory_space<vmem>> -> memref<128xi32, #tpu.memory_space<vmem>>
    %dma_start3A_14 = tpu.memref_slice %arg2[%mul3A_6] : memref<320000xi32, #tpu.memory_space<hbm>> -> memref<128xi32, #tpu.memory_space<hbm>>
    tpu.enqueue_dma source(%dma_start3A_14 : memref<128xi32, #tpu.memory_space<hbm>>) target(%dma_start3A_13 : memref<128xi32, #tpu.memory_space<vmem>>) target_semaphore(%arg16 : memref<!tpu.dma_semaphore, #tpu.memory_space<semaphore_mem>>)
    %dma_start3A_15 = arith.constant 0 : i32
    %dma_start3A_16 = arith.constant 0 : i32
    %dma_start3A_17 = tpu.memref_slice %arg12[%dma_start3A_15, %dma_start3A_16] : memref<2x128xi32, #tpu.memory_space<vmem>> -> memref<1x128xi32, #tpu.memory_space<vmem>>
    %dma_start3A_18 = tpu.memref_squeeze %dma_start3A_17 : memref<1x128xi32, #tpu.memory_space<vmem>> -> memref<128xi32, #tpu.memory_space<vmem>>
    %dma_start3A_19 = tpu.memref_slice %arg3[%mul3A_6] : memref<320000xi32, #tpu.memory_space<hbm>> -> memref<128xi32, #tpu.memory_space<hbm>>
    %dma_start3A_20 = arith.constant 0 : i32
    %dma_start3A_21 = tpu.memref_slice %arg12[%dma_start3A_15, %dma_start3A_20] : memref<2x128xi32, #tpu.memory_space<vmem>> -> memref<1x128xi32, #tpu.memory_space<vmem>>
    %dma_start3A_22 = tpu.memref_squeeze %dma_start3A_21 : memref<1x128xi32, #tpu.memory_space<vmem>> -> memref<128xi32, #tpu.memory_space<vmem>>
    %dma_start3A_23 = tpu.memref_slice %arg3[%mul3A_6] : memref<320000xi32, #tpu.memory_space<hbm>> -> memref<128xi32, #tpu.memory_space<hbm>>
    tpu.enqueue_dma source(%dma_start3A_23 : memref<128xi32, #tpu.memory_space<hbm>>) target(%dma_start3A_22 : memref<128xi32, #tpu.memory_space<vmem>>) target_semaphore(%arg16 : memref<!tpu.dma_semaphore, #tpu.memory_space<semaphore_mem>>)
    %dma_start3A_24 = arith.constant 0 : i32
    %dma_start3A_25 = arith.constant 0 : i32
    %dma_start3A_26 = tpu.memref_slice %arg13[%dma_start3A_24, %dma_start3A_25] : memref<2x128xi32, #tpu.memory_space<vmem>> -> memref<1x128xi32, #tpu.memory_space<vmem>>
    %dma_start3A_27 = tpu.memref_squeeze %dma_start3A_26 : memref<1x128xi32, #tpu.memory_space<vmem>> -> memref<128xi32, #tpu.memory_space<vmem>>
    %dma_start3A_28 = tpu.memref_slice %arg4[%mul3A_6] : memref<320000xi32, #tpu.memory_space<hbm>> -> memref<128xi32, #tpu.memory_space<hbm>>
    %dma_start3A_29 = arith.constant 0 : i32
    %dma_start3A_30 = tpu.memref_slice %arg13[%dma_start3A_24, %dma_start3A_29] : memref<2x128xi32, #tpu.memory_space<vmem>> -> memref<1x128xi32, #tpu.memory_space<vmem>>
    %dma_start3A_31 = tpu.memref_squeeze %dma_start3A_30 : memref<1x128xi32, #tpu.memory_space<vmem>> -> memref<128xi32, #tpu.memory_space<vmem>>
    %dma_start3A_32 = tpu.memref_slice %arg4[%mul3A_6] : memref<320000xi32, #tpu.memory_space<hbm>> -> memref<128xi32, #tpu.memory_space<hbm>>
    tpu.enqueue_dma source(%dma_start3A_32 : memref<128xi32, #tpu.memory_space<hbm>>) target(%dma_start3A_31 : memref<128xi32, #tpu.memory_space<vmem>>) target_semaphore(%arg16 : memref<!tpu.dma_semaphore, #tpu.memory_space<semaphore_mem>>)
    %while3A = arith.constant 0 : i32
    %while3A_33 = arith.constant 0 : i32
    %while3A_34 = arith.subi %add3A_4, %while3A : i32
    %while3A_35 = arith.addi %while3A, %while3A_34 : i32
    %while3A_36 = arith.constant 1 : i32
    %while3A_37 = arith.divsi %while3A_34, %while3A_36 : i32
    %while3A_38 = arith.muli %while3A_37, %while3A_36 : i32
    %while3A_39 = arith.addi %while3A, %while3A_38 : i32
    %while3A_40 = arith.constant 1 : i32
    %while3A_41 = scf.for %while3A_44 = %while3A to %while3A_39 step %while3A_40 iter_args(%while3A_45 = %while3A_33) -> (i32)  : i32 {
      %rem3A = arith.constant 2 : i32
      %rem3A_46 = arith.remsi %while3A_44, %rem3A : i32
      %mul3A_47 = arith.constant 32 : i32
      %mul3A_48 = arith.muli %while3A_44, %mul3A_47 : i32
      %add3A_49 = arith.addi %add3A, %mul3A_48 : i32
      %mul3A_50 = arith.constant 128 : i32
      %mul3A_51 = arith.muli %add3A_49, %mul3A_50 : i32
      %eq3A = arith.constant 0 : i32
      %eq3A_52 = arith.cmpi eq, %rem3A_46, %eq3A : i32
      %convert_element_type3A = arith.extui %eq3A_52 : i1 to i32
      %cond3A = arith.constant 0 : i32
      %cond3A_53 = arith.cmpi ne, %convert_element_type3A, %cond3A : i32
      scf.if %cond3A_53 {
        %dma_wait3A = arith.constant 0 : i32
        %dma_wait3A_318 = arith.constant 0 : i32
        %dma_wait3A_319 = tpu.memref_slice %arg11[%dma_wait3A, %dma_wait3A_318] : memref<2x128xi32, #tpu.memory_space<vmem>> -> memref<1x128xi32, #tpu.memory_space<vmem>>
        %dma_wait3A_320 = tpu.memref_squeeze %dma_wait3A_319 : memref<1x128xi32, #tpu.memory_space<vmem>> -> memref<128xi32, #tpu.memory_space<vmem>>
        %dma_wait3A_321 = arith.constant 0 : i32
        %dma_wait3A_322 = tpu.memref_slice %arg2[%dma_wait3A_321] : memref<320000xi32, #tpu.memory_space<hbm>> -> memref<128xi32, #tpu.memory_space<hbm>>
        %dma_wait3A_323 = arith.constant 0 : i32
        %dma_wait3A_324 = tpu.memref_slice %arg11[%dma_wait3A, %dma_wait3A_323] : memref<2x128xi32, #tpu.memory_space<vmem>> -> memref<1x128xi32, #tpu.memory_space<vmem>>
        %dma_wait3A_325 = tpu.memref_squeeze %dma_wait3A_324 : memref<1x128xi32, #tpu.memory_space<vmem>> -> memref<128xi32, #tpu.memory_space<vmem>>
        %dma_wait3A_326 = arith.constant 0 : i32
        %dma_wait3A_327 = tpu.memref_slice %arg2[%dma_wait3A_326] : memref<320000xi32, #tpu.memory_space<hbm>> -> memref<128xi32, #tpu.memory_space<hbm>>
        tpu.wait_dma2 semaphore(%arg16 : memref<!tpu.dma_semaphore, #tpu.memory_space<semaphore_mem>>) src(%dma_wait3A_327 : memref<128xi32, #tpu.memory_space<hbm>>) dst(%dma_wait3A_325 : memref<128xi32, #tpu.memory_space<vmem>>)
        %dma_wait3A_328 = arith.constant 0 : i32
        %dma_wait3A_329 = arith.constant 0 : i32
        %dma_wait3A_330 = tpu.memref_slice %arg12[%dma_wait3A_328, %dma_wait3A_329] : memref<2x128xi32, #tpu.memory_space<vmem>> -> memref<1x128xi32, #tpu.memory_space<vmem>>
        %dma_wait3A_331 = tpu.memref_squeeze %dma_wait3A_330 : memref<1x128xi32, #tpu.memory_space<vmem>> -> memref<128xi32, #tpu.memory_space<vmem>>
        %dma_wait3A_332 = arith.constant 0 : i32
        %dma_wait3A_333 = tpu.memref_slice %arg3[%dma_wait3A_332] : memref<320000xi32, #tpu.memory_space<hbm>> -> memref<128xi32, #tpu.memory_space<hbm>>
        %dma_wait3A_334 = arith.constant 0 : i32
        %dma_wait3A_335 = tpu.memref_slice %arg12[%dma_wait3A_328, %dma_wait3A_334] : memref<2x128xi32, #tpu.memory_space<vmem>> -> memref<1x128xi32, #tpu.memory_space<vmem>>
        %dma_wait3A_336 = tpu.memref_squeeze %dma_wait3A_335 : memref<1x128xi32, #tpu.memory_space<vmem>> -> memref<128xi32, #tpu.memory_space<vmem>>
        %dma_wait3A_337 = arith.constant 0 : i32
        %dma_wait3A_338 = tpu.memref_slice %arg3[%dma_wait3A_337] : memref<320000xi32, #tpu.memory_space<hbm>> -> memref<128xi32, #tpu.memory_space<hbm>>
        tpu.wait_dma2 semaphore(%arg16 : memref<!tpu.dma_semaphore, #tpu.memory_space<semaphore_mem>>) src(%dma_wait3A_338 : memref<128xi32, #tpu.memory_space<hbm>>) dst(%dma_wait3A_336 : memref<128xi32, #tpu.memory_space<vmem>>)
        %dma_wait3A_339 = arith.constant 0 : i32
        %dma_wait3A_340 = arith.constant 0 : i32
        %dma_wait3A_341 = tpu.memref_slice %arg13[%dma_wait3A_339, %dma_wait3A_340] : memref<2x128xi32, #tpu.memory_space<vmem>> -> memref<1x128xi32, #tpu.memory_space<vmem>>
        %dma_wait3A_342 = tpu.memref_squeeze %dma_wait3A_341 : memref<1x128xi32, #tpu.memory_space<vmem>> -> memref<128xi32, #tpu.memory_space<vmem>>
        %dma_wait3A_343 = arith.constant 0 : i32
        %dma_wait3A_344 = tpu.memref_slice %arg4[%dma_wait3A_343] : memref<320000xi32, #tpu.memory_space<hbm>> -> memref<128xi32, #tpu.memory_space<hbm>>
        %dma_wait3A_345 = arith.constant 0 : i32
        %dma_wait3A_346 = tpu.memref_slice %arg13[%dma_wait3A_339, %dma_wait3A_345] : memref<2x128xi32, #tpu.memory_space<vmem>> -> memref<1x128xi32, #tpu.memory_space<vmem>>
        %dma_wait3A_347 = tpu.memref_squeeze %dma_wait3A_346 : memref<1x128xi32, #tpu.memory_space<vmem>> -> memref<128xi32, #tpu.memory_space<vmem>>
        %dma_wait3A_348 = arith.constant 0 : i32
        %dma_wait3A_349 = tpu.memref_slice %arg4[%dma_wait3A_348] : memref<320000xi32, #tpu.memory_space<hbm>> -> memref<128xi32, #tpu.memory_space<hbm>>
        tpu.wait_dma2 semaphore(%arg16 : memref<!tpu.dma_semaphore, #tpu.memory_space<semaphore_mem>>) src(%dma_wait3A_349 : memref<128xi32, #tpu.memory_space<hbm>>) dst(%dma_wait3A_347 : memref<128xi32, #tpu.memory_space<vmem>>)
      } else {
      }
      %eq3A_54 = arith.constant 1 : i32
      %eq3A_55 = arith.cmpi eq, %rem3A_46, %eq3A_54 : i32
      %convert_element_type3A_56 = arith.extui %eq3A_55 : i1 to i32
      %cond3A_57 = arith.constant 0 : i32
      %cond3A_58 = arith.cmpi ne, %convert_element_type3A_56, %cond3A_57 : i32
      scf.if %cond3A_58 {
        %dma_wait3A = arith.constant 0 : i32
        %dma_wait3A_318 = arith.constant 0 : i32
        %dma_wait3A_319 = tpu.memref_slice %arg11[%dma_wait3A, %dma_wait3A_318] : memref<2x128xi32, #tpu.memory_space<vmem>> -> memref<1x128xi32, #tpu.memory_space<vmem>>
        %dma_wait3A_320 = tpu.memref_squeeze %dma_wait3A_319 : memref<1x128xi32, #tpu.memory_space<vmem>> -> memref<128xi32, #tpu.memory_space<vmem>>
        %dma_wait3A_321 = arith.constant 0 : i32
        %dma_wait3A_322 = tpu.memref_slice %arg2[%dma_wait3A_321] : memref<320000xi32, #tpu.memory_space<hbm>> -> memref<128xi32, #tpu.memory_space<hbm>>
        %dma_wait3A_323 = arith.constant 0 : i32
        %dma_wait3A_324 = tpu.memref_slice %arg11[%dma_wait3A, %dma_wait3A_323] : memref<2x128xi32, #tpu.memory_space<vmem>> -> memref<1x128xi32, #tpu.memory_space<vmem>>
        %dma_wait3A_325 = tpu.memref_squeeze %dma_wait3A_324 : memref<1x128xi32, #tpu.memory_space<vmem>> -> memref<128xi32, #tpu.memory_space<vmem>>
        %dma_wait3A_326 = arith.constant 0 : i32
        %dma_wait3A_327 = tpu.memref_slice %arg2[%dma_wait3A_326] : memref<320000xi32, #tpu.memory_space<hbm>> -> memref<128xi32, #tpu.memory_space<hbm>>
        tpu.wait_dma2 semaphore(%arg17 : memref<!tpu.dma_semaphore, #tpu.memory_space<semaphore_mem>>) src(%dma_wait3A_327 : memref<128xi32, #tpu.memory_space<hbm>>) dst(%dma_wait3A_325 : memref<128xi32, #tpu.memory_space<vmem>>)
        %dma_wait3A_328 = arith.constant 0 : i32
        %dma_wait3A_329 = arith.constant 0 : i32
        %dma_wait3A_330 = tpu.memref_slice %arg12[%dma_wait3A_328, %dma_wait3A_329] : memref<2x128xi32, #tpu.memory_space<vmem>> -> memref<1x128xi32, #tpu.memory_space<vmem>>
        %dma_wait3A_331 = tpu.memref_squeeze %dma_wait3A_330 : memref<1x128xi32, #tpu.memory_space<vmem>> -> memref<128xi32, #tpu.memory_space<vmem>>
        %dma_wait3A_332 = arith.constant 0 : i32
        %dma_wait3A_333 = tpu.memref_slice %arg3[%dma_wait3A_332] : memref<320000xi32, #tpu.memory_space<hbm>> -> memref<128xi32, #tpu.memory_space<hbm>>
        %dma_wait3A_334 = arith.constant 0 : i32
        %dma_wait3A_335 = tpu.memref_slice %arg12[%dma_wait3A_328, %dma_wait3A_334] : memref<2x128xi32, #tpu.memory_space<vmem>> -> memref<1x128xi32, #tpu.memory_space<vmem>>
        %dma_wait3A_336 = tpu.memref_squeeze %dma_wait3A_335 : memref<1x128xi32, #tpu.memory_space<vmem>> -> memref<128xi32, #tpu.memory_space<vmem>>
        %dma_wait3A_337 = arith.constant 0 : i32
        %dma_wait3A_338 = tpu.memref_slice %arg3[%dma_wait3A_337] : memref<320000xi32, #tpu.memory_space<hbm>> -> memref<128xi32, #tpu.memory_space<hbm>>
        tpu.wait_dma2 semaphore(%arg17 : memref<!tpu.dma_semaphore, #tpu.memory_space<semaphore_mem>>) src(%dma_wait3A_338 : memref<128xi32, #tpu.memory_space<hbm>>) dst(%dma_wait3A_336 : memref<128xi32, #tpu.memory_space<vmem>>)
        %dma_wait3A_339 = arith.constant 0 : i32
        %dma_wait3A_340 = arith.constant 0 : i32
        %dma_wait3A_341 = tpu.memref_slice %arg13[%dma_wait3A_339, %dma_wait3A_340] : memref<2x128xi32, #tpu.memory_space<vmem>> -> memref<1x128xi32, #tpu.memory_space<vmem>>
        %dma_wait3A_342 = tpu.memref_squeeze %dma_wait3A_341 : memref<1x128xi32, #tpu.memory_space<vmem>> -> memref<128xi32, #tpu.memory_space<vmem>>
        %dma_wait3A_343 = arith.constant 0 : i32
        %dma_wait3A_344 = tpu.memref_slice %arg4[%dma_wait3A_343] : memref<320000xi32, #tpu.memory_space<hbm>> -> memref<128xi32, #tpu.memory_space<hbm>>
        %dma_wait3A_345 = arith.constant 0 : i32
        %dma_wait3A_346 = tpu.memref_slice %arg13[%dma_wait3A_339, %dma_wait3A_345] : memref<2x128xi32, #tpu.memory_space<vmem>> -> memref<1x128xi32, #tpu.memory_space<vmem>>
        %dma_wait3A_347 = tpu.memref_squeeze %dma_wait3A_346 : memref<1x128xi32, #tpu.memory_space<vmem>> -> memref<128xi32, #tpu.memory_space<vmem>>
        %dma_wait3A_348 = arith.constant 0 : i32
        %dma_wait3A_349 = tpu.memref_slice %arg4[%dma_wait3A_348] : memref<320000xi32, #tpu.memory_space<hbm>> -> memref<128xi32, #tpu.memory_space<hbm>>
        tpu.wait_dma2 semaphore(%arg17 : memref<!tpu.dma_semaphore, #tpu.memory_space<semaphore_mem>>) src(%dma_wait3A_349 : memref<128xi32, #tpu.memory_space<hbm>>) dst(%dma_wait3A_347 : memref<128xi32, #tpu.memory_space<vmem>>)
      } else {
      }
      %add3A_59 = arith.constant 1 : i32
      %add3A_60 = arith.addi %while3A_44, %add3A_59 : i32
      %lt3A_61 = arith.cmpi slt, %add3A_60, %add3A_4 : i32
      %convert_element_type3A_62 = arith.extui %lt3A_61 : i1 to i32
      %cond3A_63 = arith.constant 0 : i32
      %cond3A_64 = arith.cmpi ne, %convert_element_type3A_62, %cond3A_63 : i32
      scf.if %cond3A_64 {
        %add3A_318 = arith.constant 1 : i32
        %add3A_319 = arith.addi %while3A_44, %add3A_318 : i32
        %mul3A_320 = arith.constant 32 : i32
        %mul3A_321 = arith.muli %add3A_319, %mul3A_320 : i32
        %add3A_322 = arith.addi %add3A, %mul3A_321 : i32
        %mul3A_323 = arith.constant 128 : i32
        %mul3A_324 = arith.muli %add3A_322, %mul3A_323 : i32
        %sub3A_325 = arith.constant 1 : i32
        %sub3A_326 = arith.subi %sub3A_325, %rem3A_46 : i32
        %eq3A_327 = arith.constant 0 : i32
        %eq3A_328 = arith.cmpi eq, %sub3A_326, %eq3A_327 : i32
        %convert_element_type3A_329 = arith.extui %eq3A_328 : i1 to i32
        %cond3A_330 = arith.constant 0 : i32
        %cond3A_331 = arith.cmpi ne, %convert_element_type3A_329, %cond3A_330 : i32
        scf.if %cond3A_331 {
          %sub3A_337 = arith.constant 1 : i32
          %sub3A_338 = arith.subi %sub3A_337, %rem3A_46 : i32
          %dma_start3A_339 = arith.constant 0 : i32
          %dma_start3A_340 = tpu.memref_slice %arg11[%sub3A_338, %dma_start3A_339] : memref<2x128xi32, #tpu.memory_space<vmem>> -> memref<1x128xi32, #tpu.memory_space<vmem>>
          %dma_start3A_341 = tpu.memref_squeeze %dma_start3A_340 : memref<1x128xi32, #tpu.memory_space<vmem>> -> memref<128xi32, #tpu.memory_space<vmem>>
          %dma_start3A_342 = tpu.memref_slice %arg2[%mul3A_324] : memref<320000xi32, #tpu.memory_space<hbm>> -> memref<128xi32, #tpu.memory_space<hbm>>
          %dma_start3A_343 = arith.constant 0 : i32
          %dma_start3A_344 = tpu.memref_slice %arg11[%sub3A_338, %dma_start3A_343] : memref<2x128xi32, #tpu.memory_space<vmem>> -> memref<1x128xi32, #tpu.memory_space<vmem>>
          %dma_start3A_345 = tpu.memref_squeeze %dma_start3A_344 : memref<1x128xi32, #tpu.memory_space<vmem>> -> memref<128xi32, #tpu.memory_space<vmem>>
          %dma_start3A_346 = tpu.memref_slice %arg2[%mul3A_324] : memref<320000xi32, #tpu.memory_space<hbm>> -> memref<128xi32, #tpu.memory_space<hbm>>
          tpu.enqueue_dma source(%dma_start3A_346 : memref<128xi32, #tpu.memory_space<hbm>>) target(%dma_start3A_345 : memref<128xi32, #tpu.memory_space<vmem>>) target_semaphore(%arg16 : memref<!tpu.dma_semaphore, #tpu.memory_space<semaphore_mem>>)
          %sub3A_347 = arith.constant 1 : i32
          %sub3A_348 = arith.subi %sub3A_347, %rem3A_46 : i32
          %dma_start3A_349 = arith.constant 0 : i32
          %dma_start3A_350 = tpu.memref_slice %arg12[%sub3A_348, %dma_start3A_349] : memref<2x128xi32, #tpu.memory_space<vmem>> -> memref<1x128xi32, #tpu.memory_space<vmem>>
          %dma_start3A_351 = tpu.memref_squeeze %dma_start3A_350 : memref<1x128xi32, #tpu.memory_space<vmem>> -> memref<128xi32, #tpu.memory_space<vmem>>
          %dma_start3A_352 = tpu.memref_slice %arg3[%mul3A_324] : memref<320000xi32, #tpu.memory_space<hbm>> -> memref<128xi32, #tpu.memory_space<hbm>>
          %dma_start3A_353 = arith.constant 0 : i32
          %dma_start3A_354 = tpu.memref_slice %arg12[%sub3A_348, %dma_start3A_353] : memref<2x128xi32, #tpu.memory_space<vmem>> -> memref<1x128xi32, #tpu.memory_space<vmem>>
          %dma_start3A_355 = tpu.memref_squeeze %dma_start3A_354 : memref<1x128xi32, #tpu.memory_space<vmem>> -> memref<128xi32, #tpu.memory_space<vmem>>
          %dma_start3A_356 = tpu.memref_slice %arg3[%mul3A_324] : memref<320000xi32, #tpu.memory_space<hbm>> -> memref<128xi32, #tpu.memory_space<hbm>>
          tpu.enqueue_dma source(%dma_start3A_356 : memref<128xi32, #tpu.memory_space<hbm>>) target(%dma_start3A_355 : memref<128xi32, #tpu.memory_space<vmem>>) target_semaphore(%arg16 : memref<!tpu.dma_semaphore, #tpu.memory_space<semaphore_mem>>)
          %sub3A_357 = arith.constant 1 : i32
          %sub3A_358 = arith.subi %sub3A_357, %rem3A_46 : i32
          %dma_start3A_359 = arith.constant 0 : i32
          %dma_start3A_360 = tpu.memref_slice %arg13[%sub3A_358, %dma_start3A_359] : memref<2x128xi32, #tpu.memory_space<vmem>> -> memref<1x128xi32, #tpu.memory_space<vmem>>
          %dma_start3A_361 = tpu.memref_squeeze %dma_start3A_360 : memref<1x128xi32, #tpu.memory_space<vmem>> -> memref<128xi32, #tpu.memory_space<vmem>>
          %dma_start3A_362 = tpu.memref_slice %arg4[%mul3A_324] : memref<320000xi32, #tpu.memory_space<hbm>> -> memref<128xi32, #tpu.memory_space<hbm>>
          %dma_start3A_363 = arith.constant 0 : i32
          %dma_start3A_364 = tpu.memref_slice %arg13[%sub3A_358, %dma_start3A_363] : memref<2x128xi32, #tpu.memory_space<vmem>> -> memref<1x128xi32, #tpu.memory_space<vmem>>
          %dma_start3A_365 = tpu.memref_squeeze %dma_start3A_364 : memref<1x128xi32, #tpu.memory_space<vmem>> -> memref<128xi32, #tpu.memory_space<vmem>>
          %dma_start3A_366 = tpu.memref_slice %arg4[%mul3A_324] : memref<320000xi32, #tpu.memory_space<hbm>> -> memref<128xi32, #tpu.memory_space<hbm>>
          tpu.enqueue_dma source(%dma_start3A_366 : memref<128xi32, #tpu.memory_space<hbm>>) target(%dma_start3A_365 : memref<128xi32, #tpu.memory_space<vmem>>) target_semaphore(%arg16 : memref<!tpu.dma_semaphore, #tpu.memory_space<semaphore_mem>>)
        } else {
        }
        %eq3A_332 = arith.constant 1 : i32
        %eq3A_333 = arith.cmpi eq, %sub3A_326, %eq3A_332 : i32
        %convert_element_type3A_334 = arith.extui %eq3A_333 : i1 to i32
        %cond3A_335 = arith.constant 0 : i32
        %cond3A_336 = arith.cmpi ne, %convert_element_type3A_334, %cond3A_335 : i32
        scf.if %cond3A_336 {
          %sub3A_337 = arith.constant 1 : i32
          %sub3A_338 = arith.subi %sub3A_337, %rem3A_46 : i32
          %dma_start3A_339 = arith.constant 0 : i32
          %dma_start3A_340 = tpu.memref_slice %arg11[%sub3A_338, %dma_start3A_339] : memref<2x128xi32, #tpu.memory_space<vmem>> -> memref<1x128xi32, #tpu.memory_space<vmem>>
          %dma_start3A_341 = tpu.memref_squeeze %dma_start3A_340 : memref<1x128xi32, #tpu.memory_space<vmem>> -> memref<128xi32, #tpu.memory_space<vmem>>
          %dma_start3A_342 = tpu.memref_slice %arg2[%mul3A_324] : memref<320000xi32, #tpu.memory_space<hbm>> -> memref<128xi32, #tpu.memory_space<hbm>>
          %dma_start3A_343 = arith.constant 0 : i32
          %dma_start3A_344 = tpu.memref_slice %arg11[%sub3A_338, %dma_start3A_343] : memref<2x128xi32, #tpu.memory_space<vmem>> -> memref<1x128xi32, #tpu.memory_space<vmem>>
          %dma_start3A_345 = tpu.memref_squeeze %dma_start3A_344 : memref<1x128xi32, #tpu.memory_space<vmem>> -> memref<128xi32, #tpu.memory_space<vmem>>
          %dma_start3A_346 = tpu.memref_slice %arg2[%mul3A_324] : memref<320000xi32, #tpu.memory_space<hbm>> -> memref<128xi32, #tpu.memory_space<hbm>>
          tpu.enqueue_dma source(%dma_start3A_346 : memref<128xi32, #tpu.memory_space<hbm>>) target(%dma_start3A_345 : memref<128xi32, #tpu.memory_space<vmem>>) target_semaphore(%arg17 : memref<!tpu.dma_semaphore, #tpu.memory_space<semaphore_mem>>)
          %sub3A_347 = arith.constant 1 : i32
          %sub3A_348 = arith.subi %sub3A_347, %rem3A_46 : i32
          %dma_start3A_349 = arith.constant 0 : i32
          %dma_start3A_350 = tpu.memref_slice %arg12[%sub3A_348, %dma_start3A_349] : memref<2x128xi32, #tpu.memory_space<vmem>> -> memref<1x128xi32, #tpu.memory_space<vmem>>
          %dma_start3A_351 = tpu.memref_squeeze %dma_start3A_350 : memref<1x128xi32, #tpu.memory_space<vmem>> -> memref<128xi32, #tpu.memory_space<vmem>>
          %dma_start3A_352 = tpu.memref_slice %arg3[%mul3A_324] : memref<320000xi32, #tpu.memory_space<hbm>> -> memref<128xi32, #tpu.memory_space<hbm>>
          %dma_start3A_353 = arith.constant 0 : i32
          %dma_start3A_354 = tpu.memref_slice %arg12[%sub3A_348, %dma_start3A_353] : memref<2x128xi32, #tpu.memory_space<vmem>> -> memref<1x128xi32, #tpu.memory_space<vmem>>
          %dma_start3A_355 = tpu.memref_squeeze %dma_start3A_354 : memref<1x128xi32, #tpu.memory_space<vmem>> -> memref<128xi32, #tpu.memory_space<vmem>>
          %dma_start3A_356 = tpu.memref_slice %arg3[%mul3A_324] : memref<320000xi32, #tpu.memory_space<hbm>> -> memref<128xi32, #tpu.memory_space<hbm>>
          tpu.enqueue_dma source(%dma_start3A_356 : memref<128xi32, #tpu.memory_space<hbm>>) target(%dma_start3A_355 : memref<128xi32, #tpu.memory_space<vmem>>) target_semaphore(%arg17 : memref<!tpu.dma_semaphore, #tpu.memory_space<semaphore_mem>>)
          %sub3A_357 = arith.constant 1 : i32
          %sub3A_358 = arith.subi %sub3A_357, %rem3A_46 : i32
          %dma_start3A_359 = arith.constant 0 : i32
          %dma_start3A_360 = tpu.memref_slice %arg13[%sub3A_358, %dma_start3A_359] : memref<2x128xi32, #tpu.memory_space<vmem>> -> memref<1x128xi32, #tpu.memory_space<vmem>>
          %dma_start3A_361 = tpu.memref_squeeze %dma_start3A_360 : memref<1x128xi32, #tpu.memory_space<vmem>> -> memref<128xi32, #tpu.memory_space<vmem>>
          %dma_start3A_362 = tpu.memref_slice %arg4[%mul3A_324] : memref<320000xi32, #tpu.memory_space<hbm>> -> memref<128xi32, #tpu.memory_space<hbm>>
          %dma_start3A_363 = arith.constant 0 : i32
          %dma_start3A_364 = tpu.memref_slice %arg13[%sub3A_358, %dma_start3A_363] : memref<2x128xi32, #tpu.memory_space<vmem>> -> memref<1x128xi32, #tpu.memory_space<vmem>>
          %dma_start3A_365 = tpu.memref_squeeze %dma_start3A_364 : memref<1x128xi32, #tpu.memory_space<vmem>> -> memref<128xi32, #tpu.memory_space<vmem>>
          %dma_start3A_366 = tpu.memref_slice %arg4[%mul3A_324] : memref<320000xi32, #tpu.memory_space<hbm>> -> memref<128xi32, #tpu.memory_space<hbm>>
          tpu.enqueue_dma source(%dma_start3A_366 : memref<128xi32, #tpu.memory_space<hbm>>) target(%dma_start3A_365 : memref<128xi32, #tpu.memory_space<vmem>>) target_semaphore(%arg17 : memref<!tpu.dma_semaphore, #tpu.memory_space<semaphore_mem>>)
        } else {
        }
      } else {
      }
      %get3A = arith.index_cast %rem3A_46 : i32 to index
      %get3A_65 = arith.constant 0 : index
      %get3A_66 = tpu.vector_load %arg13[%get3A, %get3A_65] {strides = array<i32>} : memref<2x128xi32, #tpu.memory_space<vmem>>, vector<16xi32>,
      %sub3A = arith.constant 1 : i32
      %sub3A_67 = vector.broadcast %sub3A : i32 to vector<16xi32>
      %sub3A_68 = arith.subi %get3A_66, %sub3A_67 : vector<16xi32>
      %mul3A_69 = arith.constant 10000 : i32
      %mul3A_70 = vector.broadcast %mul3A_69 : i32 to vector<16xi32>
      %mul3A_71 = arith.muli %sub3A_68, %mul3A_70 : vector<16xi32>
      %get3A_72 = arith.index_cast %rem3A_46 : i32 to index
      %get3A_73 = arith.constant 0 : index
      %get3A_74 = tpu.vector_load %arg11[%get3A_72, %get3A_73] {strides = array<i32>} : memref<2x128xi32, #tpu.memory_space<vmem>>, vector<16xi32>,
      %add3A_75 = arith.addi %mul3A_71, %get3A_74 : vector<16xi32>
      %mul3A_76 = arith.constant 10000 : i32
      %mul3A_77 = vector.broadcast %mul3A_76 : i32 to vector<16xi32>
      %mul3A_78 = arith.muli %sub3A_68, %mul3A_77 : vector<16xi32>
      %get3A_79 = arith.index_cast %rem3A_46 : i32 to index
      %get3A_80 = arith.constant 0 : index
      %get3A_81 = tpu.vector_load %arg12[%get3A_79, %get3A_80] {strides = array<i32>} : memref<2x128xi32, #tpu.memory_space<vmem>>, vector<16xi32>,
      %add3A_82 = arith.addi %mul3A_78, %get3A_81 : vector<16xi32>
      %gather3A = tpu.vector_load_idx %arg9[%add3A_75] : memref<20000xf32, #tpu.memory_space<vmem>>[vector<16xi32>], vector<16xf32>,
      %gather3A_83 = tpu.vector_load_idx %arg10[%add3A_82] : memref<40000xf32, #tpu.memory_space<vmem>>[vector<16xi32>], vector<16xf32>,
      %add3A_84 = arith.constant 20000 : i32
      %add3A_85 = vector.broadcast %add3A_84 : i32 to vector<16xi32>
      %add3A_86 = arith.addi %add3A_82, %add3A_85 : vector<16xi32>
      %gather3A_87 = tpu.vector_load_idx %arg10[%add3A_86] : memref<40000xf32, #tpu.memory_space<vmem>>[vector<16xi32>], vector<16xf32>,
      %mul3A_88 = arith.mulf %gather3A, %gather3A_83 : vector<16xf32>
      %swap3A = arith.constant 0 : index
      %swap3A_89 = tpu.vector_load %arg14[%swap3A] {strides = array<i32>} : memref<128xf32, #tpu.memory_space<vmem>>, vector<16xf32>,
      tpu.vector_store %arg14[%swap3A], %mul3A_88 {strides = array<i32>} : memref<128xf32, #tpu.memory_space<vmem>>, vector<16xf32>,
      %mul3A_90 = arith.mulf %gather3A, %gather3A_87 : vector<16xf32>
      %swap3A_91 = arith.constant 0 : index
      %swap3A_92 = tpu.vector_load %arg15[%swap3A_91] {strides = array<i32>} : memref<128xf32, #tpu.memory_space<vmem>>, vector<16xf32>,
      tpu.vector_store %arg15[%swap3A_91], %mul3A_90 {strides = array<i32>} : memref<128xf32, #tpu.memory_space<vmem>>, vector<16xf32>,
      %get3A_93 = arith.index_cast %rem3A_46 : i32 to index
      %get3A_94 = arith.constant 16 : index
      %get3A_95 = tpu.vector_load %arg13[%get3A_93, %get3A_94] {strides = array<i32>} : memref<2x128xi32, #tpu.memory_space<vmem>>, vector<16xi32>,
      %sub3A_96 = arith.constant 1 : i32
      %sub3A_97 = vector.broadcast %sub3A_96 : i32 to vector<16xi32>
      %sub3A_98 = arith.subi %get3A_95, %sub3A_97 : vector<16xi32>
      %mul3A_99 = arith.constant 10000 : i32
      %mul3A_100 = vector.broadcast %mul3A_99 : i32 to vector<16xi32>
      %mul3A_101 = arith.muli %sub3A_98, %mul3A_100 : vector<16xi32>
      %get3A_102 = arith.index_cast %rem3A_46 : i32 to index
      %get3A_103 = arith.constant 16 : index
      %get3A_104 = tpu.vector_load %arg11[%get3A_102, %get3A_103] {strides = array<i32>} : memref<2x128xi32, #tpu.memory_space<vmem>>, vector<16xi32>,
      %add3A_105 = arith.addi %mul3A_101, %get3A_104 : vector<16xi32>
      %mul3A_106 = arith.constant 10000 : i32
      %mul3A_107 = vector.broadcast %mul3A_106 : i32 to vector<16xi32>
      %mul3A_108 = arith.muli %sub3A_98, %mul3A_107 : vector<16xi32>
      %get3A_109 = arith.index_cast %rem3A_46 : i32 to index
      %get3A_110 = arith.constant 16 : index
      %get3A_111 = tpu.vector_load %arg12[%get3A_109, %get3A_110] {strides = array<i32>} : memref<2x128xi32, #tpu.memory_space<vmem>>, vector<16xi32>,
      %add3A_112 = arith.addi %mul3A_108, %get3A_111 : vector<16xi32>
      %gather3A_113 = tpu.vector_load_idx %arg9[%add3A_105] : memref<20000xf32, #tpu.memory_space<vmem>>[vector<16xi32>], vector<16xf32>,
      %gather3A_114 = tpu.vector_load_idx %arg10[%add3A_112] : memref<40000xf32, #tpu.memory_space<vmem>>[vector<16xi32>], vector<16xf32>,
      %add3A_115 = arith.constant 20000 : i32
      %add3A_116 = vector.broadcast %add3A_115 : i32 to vector<16xi32>
      %add3A_117 = arith.addi %add3A_112, %add3A_116 : vector<16xi32>
      %gather3A_118 = tpu.vector_load_idx %arg10[%add3A_117] : memref<40000xf32, #tpu.memory_space<vmem>>[vector<16xi32>], vector<16xf32>,
      %mul3A_119 = arith.mulf %gather3A_113, %gather3A_114 : vector<16xf32>
      %swap3A_120 = arith.constant 16 : index
      %swap3A_121 = tpu.vector_load %arg14[%swap3A_120] {strides = array<i32>} : memref<128xf32, #tpu.memory_space<vmem>>, vector<16xf32>,
      tpu.vector_store %arg14[%swap3A_120], %mul3A_119 {strides = array<i32>} : memref<128xf32, #tpu.memory_space<vmem>>, vector<16xf32>,
      %mul3A_122 = arith.mulf %gather3A_113, %gather3A_118 : vector<16xf32>
      %swap3A_123 = arith.constant 16 : index
      %swap3A_124 = tpu.vector_load %arg15[%swap3A_123] {strides = array<i32>} : memref<128xf32, #tpu.memory_space<vmem>>, vector<16xf32>,
      tpu.vector_store %arg15[%swap3A_123], %mul3A_122 {strides = array<i32>} : memref<128xf32, #tpu.memory_space<vmem>>, vector<16xf32>,
      %get3A_125 = arith.index_cast %rem3A_46 : i32 to index
      %get3A_126 = arith.constant 32 : index
      %get3A_127 = tpu.vector_load %arg13[%get3A_125, %get3A_126] {strides = array<i32>} : memref<2x128xi32, #tpu.memory_space<vmem>>, vector<16xi32>,
      %sub3A_128 = arith.constant 1 : i32
      %sub3A_129 = vector.broadcast %sub3A_128 : i32 to vector<16xi32>
      %sub3A_130 = arith.subi %get3A_127, %sub3A_129 : vector<16xi32>
      %mul3A_131 = arith.constant 10000 : i32
      %mul3A_132 = vector.broadcast %mul3A_131 : i32 to vector<16xi32>
      %mul3A_133 = arith.muli %sub3A_130, %mul3A_132 : vector<16xi32>
      %get3A_134 = arith.index_cast %rem3A_46 : i32 to index
      %get3A_135 = arith.constant 32 : index
      %get3A_136 = tpu.vector_load %arg11[%get3A_134, %get3A_135] {strides = array<i32>} : memref<2x128xi32, #tpu.memory_space<vmem>>, vector<16xi32>,
      %add3A_137 = arith.addi %mul3A_133, %get3A_136 : vector<16xi32>
      %mul3A_138 = arith.constant 10000 : i32
      %mul3A_139 = vector.broadcast %mul3A_138 : i32 to vector<16xi32>
      %mul3A_140 = arith.muli %sub3A_130, %mul3A_139 : vector<16xi32>
      %get3A_141 = arith.index_cast %rem3A_46 : i32 to index
      %get3A_142 = arith.constant 32 : index
      %get3A_143 = tpu.vector_load %arg12[%get3A_141, %get3A_142] {strides = array<i32>} : memref<2x128xi32, #tpu.memory_space<vmem>>, vector<16xi32>,
      %add3A_144 = arith.addi %mul3A_140, %get3A_143 : vector<16xi32>
      %gather3A_145 = tpu.vector_load_idx %arg9[%add3A_137] : memref<20000xf32, #tpu.memory_space<vmem>>[vector<16xi32>], vector<16xf32>,
      %gather3A_146 = tpu.vector_load_idx %arg10[%add3A_144] : memref<40000xf32, #tpu.memory_space<vmem>>[vector<16xi32>], vector<16xf32>,
      %add3A_147 = arith.constant 20000 : i32
      %add3A_148 = vector.broadcast %add3A_147 : i32 to vector<16xi32>
      %add3A_149 = arith.addi %add3A_144, %add3A_148 : vector<16xi32>
      %gather3A_150 = tpu.vector_load_idx %arg10[%add3A_149] : memref<40000xf32, #tpu.memory_space<vmem>>[vector<16xi32>], vector<16xf32>,
      %mul3A_151 = arith.mulf %gather3A_145, %gather3A_146 : vector<16xf32>
      %swap3A_152 = arith.constant 32 : index
      %swap3A_153 = tpu.vector_load %arg14[%swap3A_152] {strides = array<i32>} : memref<128xf32, #tpu.memory_space<vmem>>, vector<16xf32>,
      tpu.vector_store %arg14[%swap3A_152], %mul3A_151 {strides = array<i32>} : memref<128xf32, #tpu.memory_space<vmem>>, vector<16xf32>,
      %mul3A_154 = arith.mulf %gather3A_145, %gather3A_150 : vector<16xf32>
      %swap3A_155 = arith.constant 32 : index
      %swap3A_156 = tpu.vector_load %arg15[%swap3A_155] {strides = array<i32>} : memref<128xf32, #tpu.memory_space<vmem>>, vector<16xf32>,
      tpu.vector_store %arg15[%swap3A_155], %mul3A_154 {strides = array<i32>} : memref<128xf32, #tpu.memory_space<vmem>>, vector<16xf32>,
      %get3A_157 = arith.index_cast %rem3A_46 : i32 to index
      %get3A_158 = arith.constant 48 : index
      %get3A_159 = tpu.vector_load %arg13[%get3A_157, %get3A_158] {strides = array<i32>} : memref<2x128xi32, #tpu.memory_space<vmem>>, vector<16xi32>,
      %sub3A_160 = arith.constant 1 : i32
      %sub3A_161 = vector.broadcast %sub3A_160 : i32 to vector<16xi32>
      %sub3A_162 = arith.subi %get3A_159, %sub3A_161 : vector<16xi32>
      %mul3A_163 = arith.constant 10000 : i32
      %mul3A_164 = vector.broadcast %mul3A_163 : i32 to vector<16xi32>
      %mul3A_165 = arith.muli %sub3A_162, %mul3A_164 : vector<16xi32>
      %get3A_166 = arith.index_cast %rem3A_46 : i32 to index
      %get3A_167 = arith.constant 48 : index
      %get3A_168 = tpu.vector_load %arg11[%get3A_166, %get3A_167] {strides = array<i32>} : memref<2x128xi32, #tpu.memory_space<vmem>>, vector<16xi32>,
      %add3A_169 = arith.addi %mul3A_165, %get3A_168 : vector<16xi32>
      %mul3A_170 = arith.constant 10000 : i32
      %mul3A_171 = vector.broadcast %mul3A_170 : i32 to vector<16xi32>
      %mul3A_172 = arith.muli %sub3A_162, %mul3A_171 : vector<16xi32>
      %get3A_173 = arith.index_cast %rem3A_46 : i32 to index
      %get3A_174 = arith.constant 48 : index
      %get3A_175 = tpu.vector_load %arg12[%get3A_173, %get3A_174] {strides = array<i32>} : memref<2x128xi32, #tpu.memory_space<vmem>>, vector<16xi32>,
      %add3A_176 = arith.addi %mul3A_172, %get3A_175 : vector<16xi32>
      %gather3A_177 = tpu.vector_load_idx %arg9[%add3A_169] : memref<20000xf32, #tpu.memory_space<vmem>>[vector<16xi32>], vector<16xf32>,
      %gather3A_178 = tpu.vector_load_idx %arg10[%add3A_176] : memref<40000xf32, #tpu.memory_space<vmem>>[vector<16xi32>], vector<16xf32>,
      %add3A_179 = arith.constant 20000 : i32
      %add3A_180 = vector.broadcast %add3A_179 : i32 to vector<16xi32>
      %add3A_181 = arith.addi %add3A_176, %add3A_180 : vector<16xi32>
      %gather3A_182 = tpu.vector_load_idx %arg10[%add3A_181] : memref<40000xf32, #tpu.memory_space<vmem>>[vector<16xi32>], vector<16xf32>,
      %mul3A_183 = arith.mulf %gather3A_177, %gather3A_178 : vector<16xf32>
      %swap3A_184 = arith.constant 48 : index
      %swap3A_185 = tpu.vector_load %arg14[%swap3A_184] {strides = array<i32>} : memref<128xf32, #tpu.memory_space<vmem>>, vector<16xf32>,
      tpu.vector_store %arg14[%swap3A_184], %mul3A_183 {strides = array<i32>} : memref<128xf32, #tpu.memory_space<vmem>>, vector<16xf32>,
      %mul3A_186 = arith.mulf %gather3A_177, %gather3A_182 : vector<16xf32>
      %swap3A_187 = arith.constant 48 : index
      %swap3A_188 = tpu.vector_load %arg15[%swap3A_187] {strides = array<i32>} : memref<128xf32, #tpu.memory_space<vmem>>, vector<16xf32>,
      tpu.vector_store %arg15[%swap3A_187], %mul3A_186 {strides = array<i32>} : memref<128xf32, #tpu.memory_space<vmem>>, vector<16xf32>,
      %get3A_189 = arith.index_cast %rem3A_46 : i32 to index
      %get3A_190 = arith.constant 64 : index
      %get3A_191 = tpu.vector_load %arg13[%get3A_189, %get3A_190] {strides = array<i32>} : memref<2x128xi32, #tpu.memory_space<vmem>>, vector<16xi32>,
      %sub3A_192 = arith.constant 1 : i32
      %sub3A_193 = vector.broadcast %sub3A_192 : i32 to vector<16xi32>
      %sub3A_194 = arith.subi %get3A_191, %sub3A_193 : vector<16xi32>
      %mul3A_195 = arith.constant 10000 : i32
      %mul3A_196 = vector.broadcast %mul3A_195 : i32 to vector<16xi32>
      %mul3A_197 = arith.muli %sub3A_194, %mul3A_196 : vector<16xi32>
      %get3A_198 = arith.index_cast %rem3A_46 : i32 to index
      %get3A_199 = arith.constant 64 : index
      %get3A_200 = tpu.vector_load %arg11[%get3A_198, %get3A_199] {strides = array<i32>} : memref<2x128xi32, #tpu.memory_space<vmem>>, vector<16xi32>,
      %add3A_201 = arith.addi %mul3A_197, %get3A_200 : vector<16xi32>
      %mul3A_202 = arith.constant 10000 : i32
      %mul3A_203 = vector.broadcast %mul3A_202 : i32 to vector<16xi32>
      %mul3A_204 = arith.muli %sub3A_194, %mul3A_203 : vector<16xi32>
      %get3A_205 = arith.index_cast %rem3A_46 : i32 to index
      %get3A_206 = arith.constant 64 : index
      %get3A_207 = tpu.vector_load %arg12[%get3A_205, %get3A_206] {strides = array<i32>} : memref<2x128xi32, #tpu.memory_space<vmem>>, vector<16xi32>,
      %add3A_208 = arith.addi %mul3A_204, %get3A_207 : vector<16xi32>
      %gather3A_209 = tpu.vector_load_idx %arg9[%add3A_201] : memref<20000xf32, #tpu.memory_space<vmem>>[vector<16xi32>], vector<16xf32>,
      %gather3A_210 = tpu.vector_load_idx %arg10[%add3A_208] : memref<40000xf32, #tpu.memory_space<vmem>>[vector<16xi32>], vector<16xf32>,
      %add3A_211 = arith.constant 20000 : i32
      %add3A_212 = vector.broadcast %add3A_211 : i32 to vector<16xi32>
      %add3A_213 = arith.addi %add3A_208, %add3A_212 : vector<16xi32>
      %gather3A_214 = tpu.vector_load_idx %arg10[%add3A_213] : memref<40000xf32, #tpu.memory_space<vmem>>[vector<16xi32>], vector<16xf32>,
      %mul3A_215 = arith.mulf %gather3A_209, %gather3A_210 : vector<16xf32>
      %swap3A_216 = arith.constant 64 : index
      %swap3A_217 = tpu.vector_load %arg14[%swap3A_216] {strides = array<i32>} : memref<128xf32, #tpu.memory_space<vmem>>, vector<16xf32>,
      tpu.vector_store %arg14[%swap3A_216], %mul3A_215 {strides = array<i32>} : memref<128xf32, #tpu.memory_space<vmem>>, vector<16xf32>,
      %mul3A_218 = arith.mulf %gather3A_209, %gather3A_214 : vector<16xf32>
      %swap3A_219 = arith.constant 64 : index
      %swap3A_220 = tpu.vector_load %arg15[%swap3A_219] {strides = array<i32>} : memref<128xf32, #tpu.memory_space<vmem>>, vector<16xf32>,
      tpu.vector_store %arg15[%swap3A_219], %mul3A_218 {strides = array<i32>} : memref<128xf32, #tpu.memory_space<vmem>>, vector<16xf32>,
      %get3A_221 = arith.index_cast %rem3A_46 : i32 to index
      %get3A_222 = arith.constant 80 : index
      %get3A_223 = tpu.vector_load %arg13[%get3A_221, %get3A_222] {strides = array<i32>} : memref<2x128xi32, #tpu.memory_space<vmem>>, vector<16xi32>,
      %sub3A_224 = arith.constant 1 : i32
      %sub3A_225 = vector.broadcast %sub3A_224 : i32 to vector<16xi32>
      %sub3A_226 = arith.subi %get3A_223, %sub3A_225 : vector<16xi32>
      %mul3A_227 = arith.constant 10000 : i32
      %mul3A_228 = vector.broadcast %mul3A_227 : i32 to vector<16xi32>
      %mul3A_229 = arith.muli %sub3A_226, %mul3A_228 : vector<16xi32>
      %get3A_230 = arith.index_cast %rem3A_46 : i32 to index
      %get3A_231 = arith.constant 80 : index
      %get3A_232 = tpu.vector_load %arg11[%get3A_230, %get3A_231] {strides = array<i32>} : memref<2x128xi32, #tpu.memory_space<vmem>>, vector<16xi32>,
      %add3A_233 = arith.addi %mul3A_229, %get3A_232 : vector<16xi32>
      %mul3A_234 = arith.constant 10000 : i32
      %mul3A_235 = vector.broadcast %mul3A_234 : i32 to vector<16xi32>
      %mul3A_236 = arith.muli %sub3A_226, %mul3A_235 : vector<16xi32>
      %get3A_237 = arith.index_cast %rem3A_46 : i32 to index
      %get3A_238 = arith.constant 80 : index
      %get3A_239 = tpu.vector_load %arg12[%get3A_237, %get3A_238] {strides = array<i32>} : memref<2x128xi32, #tpu.memory_space<vmem>>, vector<16xi32>,
      %add3A_240 = arith.addi %mul3A_236, %get3A_239 : vector<16xi32>
      %gather3A_241 = tpu.vector_load_idx %arg9[%add3A_233] : memref<20000xf32, #tpu.memory_space<vmem>>[vector<16xi32>], vector<16xf32>,
      %gather3A_242 = tpu.vector_load_idx %arg10[%add3A_240] : memref<40000xf32, #tpu.memory_space<vmem>>[vector<16xi32>], vector<16xf32>,
      %add3A_243 = arith.constant 20000 : i32
      %add3A_244 = vector.broadcast %add3A_243 : i32 to vector<16xi32>
      %add3A_245 = arith.addi %add3A_240, %add3A_244 : vector<16xi32>
      %gather3A_246 = tpu.vector_load_idx %arg10[%add3A_245] : memref<40000xf32, #tpu.memory_space<vmem>>[vector<16xi32>], vector<16xf32>,
      %mul3A_247 = arith.mulf %gather3A_241, %gather3A_242 : vector<16xf32>
      %swap3A_248 = arith.constant 80 : index
      %swap3A_249 = tpu.vector_load %arg14[%swap3A_248] {strides = array<i32>} : memref<128xf32, #tpu.memory_space<vmem>>, vector<16xf32>,
      tpu.vector_store %arg14[%swap3A_248], %mul3A_247 {strides = array<i32>} : memref<128xf32, #tpu.memory_space<vmem>>, vector<16xf32>,
      %mul3A_250 = arith.mulf %gather3A_241, %gather3A_246 : vector<16xf32>
      %swap3A_251 = arith.constant 80 : index
      %swap3A_252 = tpu.vector_load %arg15[%swap3A_251] {strides = array<i32>} : memref<128xf32, #tpu.memory_space<vmem>>, vector<16xf32>,
      tpu.vector_store %arg15[%swap3A_251], %mul3A_250 {strides = array<i32>} : memref<128xf32, #tpu.memory_space<vmem>>, vector<16xf32>,
      %get3A_253 = arith.index_cast %rem3A_46 : i32 to index
      %get3A_254 = arith.constant 96 : index
      %get3A_255 = tpu.vector_load %arg13[%get3A_253, %get3A_254] {strides = array<i32>} : memref<2x128xi32, #tpu.memory_space<vmem>>, vector<16xi32>,
      %sub3A_256 = arith.constant 1 : i32
      %sub3A_257 = vector.broadcast %sub3A_256 : i32 to vector<16xi32>
      %sub3A_258 = arith.subi %get3A_255, %sub3A_257 : vector<16xi32>
      %mul3A_259 = arith.constant 10000 : i32
      %mul3A_260 = vector.broadcast %mul3A_259 : i32 to vector<16xi32>
      %mul3A_261 = arith.muli %sub3A_258, %mul3A_260 : vector<16xi32>
      %get3A_262 = arith.index_cast %rem3A_46 : i32 to index
      %get3A_263 = arith.constant 96 : index
      %get3A_264 = tpu.vector_load %arg11[%get3A_262, %get3A_263] {strides = array<i32>} : memref<2x128xi32, #tpu.memory_space<vmem>>, vector<16xi32>,
      %add3A_265 = arith.addi %mul3A_261, %get3A_264 : vector<16xi32>
      %mul3A_266 = arith.constant 10000 : i32
      %mul3A_267 = vector.broadcast %mul3A_266 : i32 to vector<16xi32>
      %mul3A_268 = arith.muli %sub3A_258, %mul3A_267 : vector<16xi32>
      %get3A_269 = arith.index_cast %rem3A_46 : i32 to index
      %get3A_270 = arith.constant 96 : index
      %get3A_271 = tpu.vector_load %arg12[%get3A_269, %get3A_270] {strides = array<i32>} : memref<2x128xi32, #tpu.memory_space<vmem>>, vector<16xi32>,
      %add3A_272 = arith.addi %mul3A_268, %get3A_271 : vector<16xi32>
      %gather3A_273 = tpu.vector_load_idx %arg9[%add3A_265] : memref<20000xf32, #tpu.memory_space<vmem>>[vector<16xi32>], vector<16xf32>,
      %gather3A_274 = tpu.vector_load_idx %arg10[%add3A_272] : memref<40000xf32, #tpu.memory_space<vmem>>[vector<16xi32>], vector<16xf32>,
      %add3A_275 = arith.constant 20000 : i32
      %add3A_276 = vector.broadcast %add3A_275 : i32 to vector<16xi32>
      %add3A_277 = arith.addi %add3A_272, %add3A_276 : vector<16xi32>
      %gather3A_278 = tpu.vector_load_idx %arg10[%add3A_277] : memref<40000xf32, #tpu.memory_space<vmem>>[vector<16xi32>], vector<16xf32>,
      %mul3A_279 = arith.mulf %gather3A_273, %gather3A_274 : vector<16xf32>
      %swap3A_280 = arith.constant 96 : index
      %swap3A_281 = tpu.vector_load %arg14[%swap3A_280] {strides = array<i32>} : memref<128xf32, #tpu.memory_space<vmem>>, vector<16xf32>,
      tpu.vector_store %arg14[%swap3A_280], %mul3A_279 {strides = array<i32>} : memref<128xf32, #tpu.memory_space<vmem>>, vector<16xf32>,
      %mul3A_282 = arith.mulf %gather3A_273, %gather3A_278 : vector<16xf32>
      %swap3A_283 = arith.constant 96 : index
      %swap3A_284 = tpu.vector_load %arg15[%swap3A_283] {strides = array<i32>} : memref<128xf32, #tpu.memory_space<vmem>>, vector<16xf32>,
      tpu.vector_store %arg15[%swap3A_283], %mul3A_282 {strides = array<i32>} : memref<128xf32, #tpu.memory_space<vmem>>, vector<16xf32>,
      %get3A_285 = arith.index_cast %rem3A_46 : i32 to index
      %get3A_286 = arith.constant 112 : index
      %get3A_287 = tpu.vector_load %arg13[%get3A_285, %get3A_286] {strides = array<i32>} : memref<2x128xi32, #tpu.memory_space<vmem>>, vector<16xi32>,
      %sub3A_288 = arith.constant 1 : i32
      %sub3A_289 = vector.broadcast %sub3A_288 : i32 to vector<16xi32>
      %sub3A_290 = arith.subi %get3A_287, %sub3A_289 : vector<16xi32>
      %mul3A_291 = arith.constant 10000 : i32
      %mul3A_292 = vector.broadcast %mul3A_291 : i32 to vector<16xi32>
      %mul3A_293 = arith.muli %sub3A_290, %mul3A_292 : vector<16xi32>
      %get3A_294 = arith.index_cast %rem3A_46 : i32 to index
      %get3A_295 = arith.constant 112 : index
      %get3A_296 = tpu.vector_load %arg11[%get3A_294, %get3A_295] {strides = array<i32>} : memref<2x128xi32, #tpu.memory_space<vmem>>, vector<16xi32>,
      %add3A_297 = arith.addi %mul3A_293, %get3A_296 : vector<16xi32>
      %mul3A_298 = arith.constant 10000 : i32
      %mul3A_299 = vector.broadcast %mul3A_298 : i32 to vector<16xi32>
      %mul3A_300 = arith.muli %sub3A_290, %mul3A_299 : vector<16xi32>
      %get3A_301 = arith.index_cast %rem3A_46 : i32 to index
      %get3A_302 = arith.constant 112 : index
      %get3A_303 = tpu.vector_load %arg12[%get3A_301, %get3A_302] {strides = array<i32>} : memref<2x128xi32, #tpu.memory_space<vmem>>, vector<16xi32>,
      %add3A_304 = arith.addi %mul3A_300, %get3A_303 : vector<16xi32>
      %gather3A_305 = tpu.vector_load_idx %arg9[%add3A_297] : memref<20000xf32, #tpu.memory_space<vmem>>[vector<16xi32>], vector<16xf32>,
      %gather3A_306 = tpu.vector_load_idx %arg10[%add3A_304] : memref<40000xf32, #tpu.memory_space<vmem>>[vector<16xi32>], vector<16xf32>,
      %add3A_307 = arith.constant 20000 : i32
      %add3A_308 = vector.broadcast %add3A_307 : i32 to vector<16xi32>
      %add3A_309 = arith.addi %add3A_304, %add3A_308 : vector<16xi32>
      %gather3A_310 = tpu.vector_load_idx %arg10[%add3A_309] : memref<40000xf32, #tpu.memory_space<vmem>>[vector<16xi32>], vector<16xf32>,
      %mul3A_311 = arith.mulf %gather3A_305, %gather3A_306 : vector<16xf32>
      %swap3A_312 = arith.constant 112 : index
      %swap3A_313 = tpu.vector_load %arg14[%swap3A_312] {strides = array<i32>} : memref<128xf32, #tpu.memory_space<vmem>>, vector<16xf32>,
      tpu.vector_store %arg14[%swap3A_312], %mul3A_311 {strides = array<i32>} : memref<128xf32, #tpu.memory_space<vmem>>, vector<16xf32>,
      %mul3A_314 = arith.mulf %gather3A_305, %gather3A_310 : vector<16xf32>
      %swap3A_315 = arith.constant 112 : index
      %swap3A_316 = tpu.vector_load %arg15[%swap3A_315] {strides = array<i32>} : memref<128xf32, #tpu.memory_space<vmem>>, vector<16xf32>,
      tpu.vector_store %arg15[%swap3A_315], %mul3A_314 {strides = array<i32>} : memref<128xf32, #tpu.memory_space<vmem>>, vector<16xf32>,
      "tpu.region"() ({
        %run_scoped3A = tpu.sem_alloc : memref<!tpu.dma_semaphore, #tpu.memory_space<semaphore_mem>>
        %dma_start3A_318 = tpu.memref_slice %arg7[%mul3A_51] : memref<320000xf32, #tpu.memory_space<hbm>> -> memref<128xf32, #tpu.memory_space<hbm>>
        %dma_start3A_319 = tpu.memref_slice %arg7[%mul3A_51] : memref<320000xf32, #tpu.memory_space<hbm>> -> memref<128xf32, #tpu.memory_space<hbm>>
        tpu.enqueue_dma source(%arg14 : memref<128xf32, #tpu.memory_space<vmem>>) target(%dma_start3A_319 : memref<128xf32, #tpu.memory_space<hbm>>) target_semaphore(%run_scoped3A : memref<!tpu.dma_semaphore, #tpu.memory_space<semaphore_mem>>)
        %dma_wait3A = tpu.memref_slice %arg7[%mul3A_51] : memref<320000xf32, #tpu.memory_space<hbm>> -> memref<128xf32, #tpu.memory_space<hbm>>
        %dma_wait3A_320 = tpu.memref_slice %arg7[%mul3A_51] : memref<320000xf32, #tpu.memory_space<hbm>> -> memref<128xf32, #tpu.memory_space<hbm>>
        tpu.wait_dma2 semaphore(%run_scoped3A : memref<!tpu.dma_semaphore, #tpu.memory_space<semaphore_mem>>) src(%arg14 : memref<128xf32, #tpu.memory_space<vmem>>) dst(%dma_wait3A_320 : memref<128xf32, #tpu.memory_space<hbm>>)
        tpu.yield
      }) : () -> ()
      "tpu.region"() ({
        %run_scoped3A = tpu.sem_alloc : memref<!tpu.dma_semaphore, #tpu.memory_space<semaphore_mem>>
        %dma_start3A_318 = tpu.memref_slice %arg8[%mul3A_51] : memref<320000xf32, #tpu.memory_space<hbm>> -> memref<128xf32, #tpu.memory_space<hbm>>
        %dma_start3A_319 = tpu.memref_slice %arg8[%mul3A_51] : memref<320000xf32, #tpu.memory_space<hbm>> -> memref<128xf32, #tpu.memory_space<hbm>>
        tpu.enqueue_dma source(%arg15 : memref<128xf32, #tpu.memory_space<vmem>>) target(%dma_start3A_319 : memref<128xf32, #tpu.memory_space<hbm>>) target_semaphore(%run_scoped3A : memref<!tpu.dma_semaphore, #tpu.memory_space<semaphore_mem>>)
        %dma_wait3A = tpu.memref_slice %arg8[%mul3A_51] : memref<320000xf32, #tpu.memory_space<hbm>> -> memref<128xf32, #tpu.memory_space<hbm>>
        %dma_wait3A_320 = tpu.memref_slice %arg8[%mul3A_51] : memref<320000xf32, #tpu.memory_space<hbm>> -> memref<128xf32, #tpu.memory_space<hbm>>
        tpu.wait_dma2 semaphore(%run_scoped3A : memref<!tpu.dma_semaphore, #tpu.memory_space<semaphore_mem>>) src(%arg15 : memref<128xf32, #tpu.memory_space<vmem>>) dst(%dma_wait3A_320 : memref<128xf32, #tpu.memory_space<hbm>>)
        tpu.yield
      }) : () -> ()
      %while3A_317 = arith.constant 0 : i32
      scf.yield %while3A_317 : i32
    }
    %while3A_42 = arith.constant 1 : i32
    %while3A_43 = scf.for %while3A_44 = %while3A_39 to %while3A_35 step %while3A_42 iter_args(%while3A_45 = %while3A_41) -> (i32)  : i32 {
      %rem3A = arith.constant 2 : i32
      %rem3A_46 = arith.remsi %while3A_44, %rem3A : i32
      %mul3A_47 = arith.constant 32 : i32
      %mul3A_48 = arith.muli %while3A_44, %mul3A_47 : i32
      %add3A_49 = arith.addi %add3A, %mul3A_48 : i32
      %mul3A_50 = arith.constant 128 : i32
      %mul3A_51 = arith.muli %add3A_49, %mul3A_50 : i32
      %eq3A = arith.constant 0 : i32
      %eq3A_52 = arith.cmpi eq, %rem3A_46, %eq3A : i32
      %convert_element_type3A = arith.extui %eq3A_52 : i1 to i32
      %cond3A = arith.constant 0 : i32
      %cond3A_53 = arith.cmpi ne, %convert_element_type3A, %cond3A : i32
      scf.if %cond3A_53 {
        %dma_wait3A = arith.constant 0 : i32
        %dma_wait3A_318 = arith.constant 0 : i32
        %dma_wait3A_319 = tpu.memref_slice %arg11[%dma_wait3A, %dma_wait3A_318] : memref<2x128xi32, #tpu.memory_space<vmem>> -> memref<1x128xi32, #tpu.memory_space<vmem>>
        %dma_wait3A_320 = tpu.memref_squeeze %dma_wait3A_319 : memref<1x128xi32, #tpu.memory_space<vmem>> -> memref<128xi32, #tpu.memory_space<vmem>>
        %dma_wait3A_321 = arith.constant 0 : i32
        %dma_wait3A_322 = tpu.memref_slice %arg2[%dma_wait3A_321] : memref<320000xi32, #tpu.memory_space<hbm>> -> memref<128xi32, #tpu.memory_space<hbm>>
        %dma_wait3A_323 = arith.constant 0 : i32
        %dma_wait3A_324 = tpu.memref_slice %arg11[%dma_wait3A, %dma_wait3A_323] : memref<2x128xi32, #tpu.memory_space<vmem>> -> memref<1x128xi32, #tpu.memory_space<vmem>>
        %dma_wait3A_325 = tpu.memref_squeeze %dma_wait3A_324 : memref<1x128xi32, #tpu.memory_space<vmem>> -> memref<128xi32, #tpu.memory_space<vmem>>
        %dma_wait3A_326 = arith.constant 0 : i32
        %dma_wait3A_327 = tpu.memref_slice %arg2[%dma_wait3A_326] : memref<320000xi32, #tpu.memory_space<hbm>> -> memref<128xi32, #tpu.memory_space<hbm>>
        tpu.wait_dma2 semaphore(%arg16 : memref<!tpu.dma_semaphore, #tpu.memory_space<semaphore_mem>>) src(%dma_wait3A_327 : memref<128xi32, #tpu.memory_space<hbm>>) dst(%dma_wait3A_325 : memref<128xi32, #tpu.memory_space<vmem>>)
        %dma_wait3A_328 = arith.constant 0 : i32
        %dma_wait3A_329 = arith.constant 0 : i32
        %dma_wait3A_330 = tpu.memref_slice %arg12[%dma_wait3A_328, %dma_wait3A_329] : memref<2x128xi32, #tpu.memory_space<vmem>> -> memref<1x128xi32, #tpu.memory_space<vmem>>
        %dma_wait3A_331 = tpu.memref_squeeze %dma_wait3A_330 : memref<1x128xi32, #tpu.memory_space<vmem>> -> memref<128xi32, #tpu.memory_space<vmem>>
        %dma_wait3A_332 = arith.constant 0 : i32
        %dma_wait3A_333 = tpu.memref_slice %arg3[%dma_wait3A_332] : memref<320000xi32, #tpu.memory_space<hbm>> -> memref<128xi32, #tpu.memory_space<hbm>>
        %dma_wait3A_334 = arith.constant 0 : i32
        %dma_wait3A_335 = tpu.memref_slice %arg12[%dma_wait3A_328, %dma_wait3A_334] : memref<2x128xi32, #tpu.memory_space<vmem>> -> memref<1x128xi32, #tpu.memory_space<vmem>>
        %dma_wait3A_336 = tpu.memref_squeeze %dma_wait3A_335 : memref<1x128xi32, #tpu.memory_space<vmem>> -> memref<128xi32, #tpu.memory_space<vmem>>
        %dma_wait3A_337 = arith.constant 0 : i32
        %dma_wait3A_338 = tpu.memref_slice %arg3[%dma_wait3A_337] : memref<320000xi32, #tpu.memory_space<hbm>> -> memref<128xi32, #tpu.memory_space<hbm>>
        tpu.wait_dma2 semaphore(%arg16 : memref<!tpu.dma_semaphore, #tpu.memory_space<semaphore_mem>>) src(%dma_wait3A_338 : memref<128xi32, #tpu.memory_space<hbm>>) dst(%dma_wait3A_336 : memref<128xi32, #tpu.memory_space<vmem>>)
        %dma_wait3A_339 = arith.constant 0 : i32
        %dma_wait3A_340 = arith.constant 0 : i32
        %dma_wait3A_341 = tpu.memref_slice %arg13[%dma_wait3A_339, %dma_wait3A_340] : memref<2x128xi32, #tpu.memory_space<vmem>> -> memref<1x128xi32, #tpu.memory_space<vmem>>
        %dma_wait3A_342 = tpu.memref_squeeze %dma_wait3A_341 : memref<1x128xi32, #tpu.memory_space<vmem>> -> memref<128xi32, #tpu.memory_space<vmem>>
        %dma_wait3A_343 = arith.constant 0 : i32
        %dma_wait3A_344 = tpu.memref_slice %arg4[%dma_wait3A_343] : memref<320000xi32, #tpu.memory_space<hbm>> -> memref<128xi32, #tpu.memory_space<hbm>>
        %dma_wait3A_345 = arith.constant 0 : i32
        %dma_wait3A_346 = tpu.memref_slice %arg13[%dma_wait3A_339, %dma_wait3A_345] : memref<2x128xi32, #tpu.memory_space<vmem>> -> memref<1x128xi32, #tpu.memory_space<vmem>>
        %dma_wait3A_347 = tpu.memref_squeeze %dma_wait3A_346 : memref<1x128xi32, #tpu.memory_space<vmem>> -> memref<128xi32, #tpu.memory_space<vmem>>
        %dma_wait3A_348 = arith.constant 0 : i32
        %dma_wait3A_349 = tpu.memref_slice %arg4[%dma_wait3A_348] : memref<320000xi32, #tpu.memory_space<hbm>> -> memref<128xi32, #tpu.memory_space<hbm>>
        tpu.wait_dma2 semaphore(%arg16 : memref<!tpu.dma_semaphore, #tpu.memory_space<semaphore_mem>>) src(%dma_wait3A_349 : memref<128xi32, #tpu.memory_space<hbm>>) dst(%dma_wait3A_347 : memref<128xi32, #tpu.memory_space<vmem>>)
      } else {
      }
      %eq3A_54 = arith.constant 1 : i32
      %eq3A_55 = arith.cmpi eq, %rem3A_46, %eq3A_54 : i32
      %convert_element_type3A_56 = arith.extui %eq3A_55 : i1 to i32
      %cond3A_57 = arith.constant 0 : i32
      %cond3A_58 = arith.cmpi ne, %convert_element_type3A_56, %cond3A_57 : i32
      scf.if %cond3A_58 {
        %dma_wait3A = arith.constant 0 : i32
        %dma_wait3A_318 = arith.constant 0 : i32
        %dma_wait3A_319 = tpu.memref_slice %arg11[%dma_wait3A, %dma_wait3A_318] : memref<2x128xi32, #tpu.memory_space<vmem>> -> memref<1x128xi32, #tpu.memory_space<vmem>>
        %dma_wait3A_320 = tpu.memref_squeeze %dma_wait3A_319 : memref<1x128xi32, #tpu.memory_space<vmem>> -> memref<128xi32, #tpu.memory_space<vmem>>
        %dma_wait3A_321 = arith.constant 0 : i32
        %dma_wait3A_322 = tpu.memref_slice %arg2[%dma_wait3A_321] : memref<320000xi32, #tpu.memory_space<hbm>> -> memref<128xi32, #tpu.memory_space<hbm>>
        %dma_wait3A_323 = arith.constant 0 : i32
        %dma_wait3A_324 = tpu.memref_slice %arg11[%dma_wait3A, %dma_wait3A_323] : memref<2x128xi32, #tpu.memory_space<vmem>> -> memref<1x128xi32, #tpu.memory_space<vmem>>
        %dma_wait3A_325 = tpu.memref_squeeze %dma_wait3A_324 : memref<1x128xi32, #tpu.memory_space<vmem>> -> memref<128xi32, #tpu.memory_space<vmem>>
        %dma_wait3A_326 = arith.constant 0 : i32
        %dma_wait3A_327 = tpu.memref_slice %arg2[%dma_wait3A_326] : memref<320000xi32, #tpu.memory_space<hbm>> -> memref<128xi32, #tpu.memory_space<hbm>>
        tpu.wait_dma2 semaphore(%arg17 : memref<!tpu.dma_semaphore, #tpu.memory_space<semaphore_mem>>) src(%dma_wait3A_327 : memref<128xi32, #tpu.memory_space<hbm>>) dst(%dma_wait3A_325 : memref<128xi32, #tpu.memory_space<vmem>>)
        %dma_wait3A_328 = arith.constant 0 : i32
        %dma_wait3A_329 = arith.constant 0 : i32
        %dma_wait3A_330 = tpu.memref_slice %arg12[%dma_wait3A_328, %dma_wait3A_329] : memref<2x128xi32, #tpu.memory_space<vmem>> -> memref<1x128xi32, #tpu.memory_space<vmem>>
        %dma_wait3A_331 = tpu.memref_squeeze %dma_wait3A_330 : memref<1x128xi32, #tpu.memory_space<vmem>> -> memref<128xi32, #tpu.memory_space<vmem>>
        %dma_wait3A_332 = arith.constant 0 : i32
        %dma_wait3A_333 = tpu.memref_slice %arg3[%dma_wait3A_332] : memref<320000xi32, #tpu.memory_space<hbm>> -> memref<128xi32, #tpu.memory_space<hbm>>
        %dma_wait3A_334 = arith.constant 0 : i32
        %dma_wait3A_335 = tpu.memref_slice %arg12[%dma_wait3A_328, %dma_wait3A_334] : memref<2x128xi32, #tpu.memory_space<vmem>> -> memref<1x128xi32, #tpu.memory_space<vmem>>
        %dma_wait3A_336 = tpu.memref_squeeze %dma_wait3A_335 : memref<1x128xi32, #tpu.memory_space<vmem>> -> memref<128xi32, #tpu.memory_space<vmem>>
        %dma_wait3A_337 = arith.constant 0 : i32
        %dma_wait3A_338 = tpu.memref_slice %arg3[%dma_wait3A_337] : memref<320000xi32, #tpu.memory_space<hbm>> -> memref<128xi32, #tpu.memory_space<hbm>>
        tpu.wait_dma2 semaphore(%arg17 : memref<!tpu.dma_semaphore, #tpu.memory_space<semaphore_mem>>) src(%dma_wait3A_338 : memref<128xi32, #tpu.memory_space<hbm>>) dst(%dma_wait3A_336 : memref<128xi32, #tpu.memory_space<vmem>>)
        %dma_wait3A_339 = arith.constant 0 : i32
        %dma_wait3A_340 = arith.constant 0 : i32
        %dma_wait3A_341 = tpu.memref_slice %arg13[%dma_wait3A_339, %dma_wait3A_340] : memref<2x128xi32, #tpu.memory_space<vmem>> -> memref<1x128xi32, #tpu.memory_space<vmem>>
        %dma_wait3A_342 = tpu.memref_squeeze %dma_wait3A_341 : memref<1x128xi32, #tpu.memory_space<vmem>> -> memref<128xi32, #tpu.memory_space<vmem>>
        %dma_wait3A_343 = arith.constant 0 : i32
        %dma_wait3A_344 = tpu.memref_slice %arg4[%dma_wait3A_343] : memref<320000xi32, #tpu.memory_space<hbm>> -> memref<128xi32, #tpu.memory_space<hbm>>
        %dma_wait3A_345 = arith.constant 0 : i32
        %dma_wait3A_346 = tpu.memref_slice %arg13[%dma_wait3A_339, %dma_wait3A_345] : memref<2x128xi32, #tpu.memory_space<vmem>> -> memref<1x128xi32, #tpu.memory_space<vmem>>
        %dma_wait3A_347 = tpu.memref_squeeze %dma_wait3A_346 : memref<1x128xi32, #tpu.memory_space<vmem>> -> memref<128xi32, #tpu.memory_space<vmem>>
        %dma_wait3A_348 = arith.constant 0 : i32
        %dma_wait3A_349 = tpu.memref_slice %arg4[%dma_wait3A_348] : memref<320000xi32, #tpu.memory_space<hbm>> -> memref<128xi32, #tpu.memory_space<hbm>>
        tpu.wait_dma2 semaphore(%arg17 : memref<!tpu.dma_semaphore, #tpu.memory_space<semaphore_mem>>) src(%dma_wait3A_349 : memref<128xi32, #tpu.memory_space<hbm>>) dst(%dma_wait3A_347 : memref<128xi32, #tpu.memory_space<vmem>>)
      } else {
      }
      %add3A_59 = arith.constant 1 : i32
      %add3A_60 = arith.addi %while3A_44, %add3A_59 : i32
      %lt3A_61 = arith.cmpi slt, %add3A_60, %add3A_4 : i32
      %convert_element_type3A_62 = arith.extui %lt3A_61 : i1 to i32
      %cond3A_63 = arith.constant 0 : i32
      %cond3A_64 = arith.cmpi ne, %convert_element_type3A_62, %cond3A_63 : i32
      scf.if %cond3A_64 {
        %add3A_318 = arith.constant 1 : i32
        %add3A_319 = arith.addi %while3A_44, %add3A_318 : i32
        %mul3A_320 = arith.constant 32 : i32
        %mul3A_321 = arith.muli %add3A_319, %mul3A_320 : i32
        %add3A_322 = arith.addi %add3A, %mul3A_321 : i32
        %mul3A_323 = arith.constant 128 : i32
        %mul3A_324 = arith.muli %add3A_322, %mul3A_323 : i32
        %sub3A_325 = arith.constant 1 : i32
        %sub3A_326 = arith.subi %sub3A_325, %rem3A_46 : i32
        %eq3A_327 = arith.constant 0 : i32
        %eq3A_328 = arith.cmpi eq, %sub3A_326, %eq3A_327 : i32
        %convert_element_type3A_329 = arith.extui %eq3A_328 : i1 to i32
        %cond3A_330 = arith.constant 0 : i32
        %cond3A_331 = arith.cmpi ne, %convert_element_type3A_329, %cond3A_330 : i32
        scf.if %cond3A_331 {
          %sub3A_337 = arith.constant 1 : i32
          %sub3A_338 = arith.subi %sub3A_337, %rem3A_46 : i32
          %dma_start3A_339 = arith.constant 0 : i32
          %dma_start3A_340 = tpu.memref_slice %arg11[%sub3A_338, %dma_start3A_339] : memref<2x128xi32, #tpu.memory_space<vmem>> -> memref<1x128xi32, #tpu.memory_space<vmem>>
          %dma_start3A_341 = tpu.memref_squeeze %dma_start3A_340 : memref<1x128xi32, #tpu.memory_space<vmem>> -> memref<128xi32, #tpu.memory_space<vmem>>
          %dma_start3A_342 = tpu.memref_slice %arg2[%mul3A_324] : memref<320000xi32, #tpu.memory_space<hbm>> -> memref<128xi32, #tpu.memory_space<hbm>>
          %dma_start3A_343 = arith.constant 0 : i32
          %dma_start3A_344 = tpu.memref_slice %arg11[%sub3A_338, %dma_start3A_343] : memref<2x128xi32, #tpu.memory_space<vmem>> -> memref<1x128xi32, #tpu.memory_space<vmem>>
          %dma_start3A_345 = tpu.memref_squeeze %dma_start3A_344 : memref<1x128xi32, #tpu.memory_space<vmem>> -> memref<128xi32, #tpu.memory_space<vmem>>
          %dma_start3A_346 = tpu.memref_slice %arg2[%mul3A_324] : memref<320000xi32, #tpu.memory_space<hbm>> -> memref<128xi32, #tpu.memory_space<hbm>>
          tpu.enqueue_dma source(%dma_start3A_346 : memref<128xi32, #tpu.memory_space<hbm>>) target(%dma_start3A_345 : memref<128xi32, #tpu.memory_space<vmem>>) target_semaphore(%arg16 : memref<!tpu.dma_semaphore, #tpu.memory_space<semaphore_mem>>)
          %sub3A_347 = arith.constant 1 : i32
          %sub3A_348 = arith.subi %sub3A_347, %rem3A_46 : i32
          %dma_start3A_349 = arith.constant 0 : i32
          %dma_start3A_350 = tpu.memref_slice %arg12[%sub3A_348, %dma_start3A_349] : memref<2x128xi32, #tpu.memory_space<vmem>> -> memref<1x128xi32, #tpu.memory_space<vmem>>
          %dma_start3A_351 = tpu.memref_squeeze %dma_start3A_350 : memref<1x128xi32, #tpu.memory_space<vmem>> -> memref<128xi32, #tpu.memory_space<vmem>>
          %dma_start3A_352 = tpu.memref_slice %arg3[%mul3A_324] : memref<320000xi32, #tpu.memory_space<hbm>> -> memref<128xi32, #tpu.memory_space<hbm>>
          %dma_start3A_353 = arith.constant 0 : i32
          %dma_start3A_354 = tpu.memref_slice %arg12[%sub3A_348, %dma_start3A_353] : memref<2x128xi32, #tpu.memory_space<vmem>> -> memref<1x128xi32, #tpu.memory_space<vmem>>
          %dma_start3A_355 = tpu.memref_squeeze %dma_start3A_354 : memref<1x128xi32, #tpu.memory_space<vmem>> -> memref<128xi32, #tpu.memory_space<vmem>>
          %dma_start3A_356 = tpu.memref_slice %arg3[%mul3A_324] : memref<320000xi32, #tpu.memory_space<hbm>> -> memref<128xi32, #tpu.memory_space<hbm>>
          tpu.enqueue_dma source(%dma_start3A_356 : memref<128xi32, #tpu.memory_space<hbm>>) target(%dma_start3A_355 : memref<128xi32, #tpu.memory_space<vmem>>) target_semaphore(%arg16 : memref<!tpu.dma_semaphore, #tpu.memory_space<semaphore_mem>>)
          %sub3A_357 = arith.constant 1 : i32
          %sub3A_358 = arith.subi %sub3A_357, %rem3A_46 : i32
          %dma_start3A_359 = arith.constant 0 : i32
          %dma_start3A_360 = tpu.memref_slice %arg13[%sub3A_358, %dma_start3A_359] : memref<2x128xi32, #tpu.memory_space<vmem>> -> memref<1x128xi32, #tpu.memory_space<vmem>>
          %dma_start3A_361 = tpu.memref_squeeze %dma_start3A_360 : memref<1x128xi32, #tpu.memory_space<vmem>> -> memref<128xi32, #tpu.memory_space<vmem>>
          %dma_start3A_362 = tpu.memref_slice %arg4[%mul3A_324] : memref<320000xi32, #tpu.memory_space<hbm>> -> memref<128xi32, #tpu.memory_space<hbm>>
          %dma_start3A_363 = arith.constant 0 : i32
          %dma_start3A_364 = tpu.memref_slice %arg13[%sub3A_358, %dma_start3A_363] : memref<2x128xi32, #tpu.memory_space<vmem>> -> memref<1x128xi32, #tpu.memory_space<vmem>>
          %dma_start3A_365 = tpu.memref_squeeze %dma_start3A_364 : memref<1x128xi32, #tpu.memory_space<vmem>> -> memref<128xi32, #tpu.memory_space<vmem>>
          %dma_start3A_366 = tpu.memref_slice %arg4[%mul3A_324] : memref<320000xi32, #tpu.memory_space<hbm>> -> memref<128xi32, #tpu.memory_space<hbm>>
          tpu.enqueue_dma source(%dma_start3A_366 : memref<128xi32, #tpu.memory_space<hbm>>) target(%dma_start3A_365 : memref<128xi32, #tpu.memory_space<vmem>>) target_semaphore(%arg16 : memref<!tpu.dma_semaphore, #tpu.memory_space<semaphore_mem>>)
        } else {
        }
        %eq3A_332 = arith.constant 1 : i32
        %eq3A_333 = arith.cmpi eq, %sub3A_326, %eq3A_332 : i32
        %convert_element_type3A_334 = arith.extui %eq3A_333 : i1 to i32
        %cond3A_335 = arith.constant 0 : i32
        %cond3A_336 = arith.cmpi ne, %convert_element_type3A_334, %cond3A_335 : i32
        scf.if %cond3A_336 {
          %sub3A_337 = arith.constant 1 : i32
          %sub3A_338 = arith.subi %sub3A_337, %rem3A_46 : i32
          %dma_start3A_339 = arith.constant 0 : i32
          %dma_start3A_340 = tpu.memref_slice %arg11[%sub3A_338, %dma_start3A_339] : memref<2x128xi32, #tpu.memory_space<vmem>> -> memref<1x128xi32, #tpu.memory_space<vmem>>
          %dma_start3A_341 = tpu.memref_squeeze %dma_start3A_340 : memref<1x128xi32, #tpu.memory_space<vmem>> -> memref<128xi32, #tpu.memory_space<vmem>>
          %dma_start3A_342 = tpu.memref_slice %arg2[%mul3A_324] : memref<320000xi32, #tpu.memory_space<hbm>> -> memref<128xi32, #tpu.memory_space<hbm>>
          %dma_start3A_343 = arith.constant 0 : i32
          %dma_start3A_344 = tpu.memref_slice %arg11[%sub3A_338, %dma_start3A_343] : memref<2x128xi32, #tpu.memory_space<vmem>> -> memref<1x128xi32, #tpu.memory_space<vmem>>
          %dma_start3A_345 = tpu.memref_squeeze %dma_start3A_344 : memref<1x128xi32, #tpu.memory_space<vmem>> -> memref<128xi32, #tpu.memory_space<vmem>>
          %dma_start3A_346 = tpu.memref_slice %arg2[%mul3A_324] : memref<320000xi32, #tpu.memory_space<hbm>> -> memref<128xi32, #tpu.memory_space<hbm>>
          tpu.enqueue_dma source(%dma_start3A_346 : memref<128xi32, #tpu.memory_space<hbm>>) target(%dma_start3A_345 : memref<128xi32, #tpu.memory_space<vmem>>) target_semaphore(%arg17 : memref<!tpu.dma_semaphore, #tpu.memory_space<semaphore_mem>>)
          %sub3A_347 = arith.constant 1 : i32
          %sub3A_348 = arith.subi %sub3A_347, %rem3A_46 : i32
          %dma_start3A_349 = arith.constant 0 : i32
          %dma_start3A_350 = tpu.memref_slice %arg12[%sub3A_348, %dma_start3A_349] : memref<2x128xi32, #tpu.memory_space<vmem>> -> memref<1x128xi32, #tpu.memory_space<vmem>>
          %dma_start3A_351 = tpu.memref_squeeze %dma_start3A_350 : memref<1x128xi32, #tpu.memory_space<vmem>> -> memref<128xi32, #tpu.memory_space<vmem>>
          %dma_start3A_352 = tpu.memref_slice %arg3[%mul3A_324] : memref<320000xi32, #tpu.memory_space<hbm>> -> memref<128xi32, #tpu.memory_space<hbm>>
          %dma_start3A_353 = arith.constant 0 : i32
          %dma_start3A_354 = tpu.memref_slice %arg12[%sub3A_348, %dma_start3A_353] : memref<2x128xi32, #tpu.memory_space<vmem>> -> memref<1x128xi32, #tpu.memory_space<vmem>>
          %dma_start3A_355 = tpu.memref_squeeze %dma_start3A_354 : memref<1x128xi32, #tpu.memory_space<vmem>> -> memref<128xi32, #tpu.memory_space<vmem>>
          %dma_start3A_356 = tpu.memref_slice %arg3[%mul3A_324] : memref<320000xi32, #tpu.memory_space<hbm>> -> memref<128xi32, #tpu.memory_space<hbm>>
          tpu.enqueue_dma source(%dma_start3A_356 : memref<128xi32, #tpu.memory_space<hbm>>) target(%dma_start3A_355 : memref<128xi32, #tpu.memory_space<vmem>>) target_semaphore(%arg17 : memref<!tpu.dma_semaphore, #tpu.memory_space<semaphore_mem>>)
          %sub3A_357 = arith.constant 1 : i32
          %sub3A_358 = arith.subi %sub3A_357, %rem3A_46 : i32
          %dma_start3A_359 = arith.constant 0 : i32
          %dma_start3A_360 = tpu.memref_slice %arg13[%sub3A_358, %dma_start3A_359] : memref<2x128xi32, #tpu.memory_space<vmem>> -> memref<1x128xi32, #tpu.memory_space<vmem>>
          %dma_start3A_361 = tpu.memref_squeeze %dma_start3A_360 : memref<1x128xi32, #tpu.memory_space<vmem>> -> memref<128xi32, #tpu.memory_space<vmem>>
          %dma_start3A_362 = tpu.memref_slice %arg4[%mul3A_324] : memref<320000xi32, #tpu.memory_space<hbm>> -> memref<128xi32, #tpu.memory_space<hbm>>
          %dma_start3A_363 = arith.constant 0 : i32
          %dma_start3A_364 = tpu.memref_slice %arg13[%sub3A_358, %dma_start3A_363] : memref<2x128xi32, #tpu.memory_space<vmem>> -> memref<1x128xi32, #tpu.memory_space<vmem>>
          %dma_start3A_365 = tpu.memref_squeeze %dma_start3A_364 : memref<1x128xi32, #tpu.memory_space<vmem>> -> memref<128xi32, #tpu.memory_space<vmem>>
          %dma_start3A_366 = tpu.memref_slice %arg4[%mul3A_324] : memref<320000xi32, #tpu.memory_space<hbm>> -> memref<128xi32, #tpu.memory_space<hbm>>
          tpu.enqueue_dma source(%dma_start3A_366 : memref<128xi32, #tpu.memory_space<hbm>>) target(%dma_start3A_365 : memref<128xi32, #tpu.memory_space<vmem>>) target_semaphore(%arg17 : memref<!tpu.dma_semaphore, #tpu.memory_space<semaphore_mem>>)
        } else {
        }
      } else {
      }
      %get3A = arith.index_cast %rem3A_46 : i32 to index
      %get3A_65 = arith.constant 0 : index
      %get3A_66 = tpu.vector_load %arg13[%get3A, %get3A_65] {strides = array<i32>} : memref<2x128xi32, #tpu.memory_space<vmem>>, vector<16xi32>,
      %sub3A = arith.constant 1 : i32
      %sub3A_67 = vector.broadcast %sub3A : i32 to vector<16xi32>
      %sub3A_68 = arith.subi %get3A_66, %sub3A_67 : vector<16xi32>
      %mul3A_69 = arith.constant 10000 : i32
      %mul3A_70 = vector.broadcast %mul3A_69 : i32 to vector<16xi32>
      %mul3A_71 = arith.muli %sub3A_68, %mul3A_70 : vector<16xi32>
      %get3A_72 = arith.index_cast %rem3A_46 : i32 to index
      %get3A_73 = arith.constant 0 : index
      %get3A_74 = tpu.vector_load %arg11[%get3A_72, %get3A_73] {strides = array<i32>} : memref<2x128xi32, #tpu.memory_space<vmem>>, vector<16xi32>,
      %add3A_75 = arith.addi %mul3A_71, %get3A_74 : vector<16xi32>
      %mul3A_76 = arith.constant 10000 : i32
      %mul3A_77 = vector.broadcast %mul3A_76 : i32 to vector<16xi32>
      %mul3A_78 = arith.muli %sub3A_68, %mul3A_77 : vector<16xi32>
      %get3A_79 = arith.index_cast %rem3A_46 : i32 to index
      %get3A_80 = arith.constant 0 : index
      %get3A_81 = tpu.vector_load %arg12[%get3A_79, %get3A_80] {strides = array<i32>} : memref<2x128xi32, #tpu.memory_space<vmem>>, vector<16xi32>,
      %add3A_82 = arith.addi %mul3A_78, %get3A_81 : vector<16xi32>
      %gather3A = tpu.vector_load_idx %arg9[%add3A_75] : memref<20000xf32, #tpu.memory_space<vmem>>[vector<16xi32>], vector<16xf32>,
      %gather3A_83 = tpu.vector_load_idx %arg10[%add3A_82] : memref<40000xf32, #tpu.memory_space<vmem>>[vector<16xi32>], vector<16xf32>,
      %add3A_84 = arith.constant 20000 : i32
      %add3A_85 = vector.broadcast %add3A_84 : i32 to vector<16xi32>
      %add3A_86 = arith.addi %add3A_82, %add3A_85 : vector<16xi32>
      %gather3A_87 = tpu.vector_load_idx %arg10[%add3A_86] : memref<40000xf32, #tpu.memory_space<vmem>>[vector<16xi32>], vector<16xf32>,
      %mul3A_88 = arith.mulf %gather3A, %gather3A_83 : vector<16xf32>
      %swap3A = arith.constant 0 : index
      %swap3A_89 = tpu.vector_load %arg14[%swap3A] {strides = array<i32>} : memref<128xf32, #tpu.memory_space<vmem>>, vector<16xf32>,
      tpu.vector_store %arg14[%swap3A], %mul3A_88 {strides = array<i32>} : memref<128xf32, #tpu.memory_space<vmem>>, vector<16xf32>,
      %mul3A_90 = arith.mulf %gather3A, %gather3A_87 : vector<16xf32>
      %swap3A_91 = arith.constant 0 : index
      %swap3A_92 = tpu.vector_load %arg15[%swap3A_91] {strides = array<i32>} : memref<128xf32, #tpu.memory_space<vmem>>, vector<16xf32>,
      tpu.vector_store %arg15[%swap3A_91], %mul3A_90 {strides = array<i32>} : memref<128xf32, #tpu.memory_space<vmem>>, vector<16xf32>,
      %get3A_93 = arith.index_cast %rem3A_46 : i32 to index
      %get3A_94 = arith.constant 16 : index
      %get3A_95 = tpu.vector_load %arg13[%get3A_93, %get3A_94] {strides = array<i32>} : memref<2x128xi32, #tpu.memory_space<vmem>>, vector<16xi32>,
      %sub3A_96 = arith.constant 1 : i32
      %sub3A_97 = vector.broadcast %sub3A_96 : i32 to vector<16xi32>
      %sub3A_98 = arith.subi %get3A_95, %sub3A_97 : vector<16xi32>
      %mul3A_99 = arith.constant 10000 : i32
      %mul3A_100 = vector.broadcast %mul3A_99 : i32 to vector<16xi32>
      %mul3A_101 = arith.muli %sub3A_98, %mul3A_100 : vector<16xi32>
      %get3A_102 = arith.index_cast %rem3A_46 : i32 to index
      %get3A_103 = arith.constant 16 : index
      %get3A_104 = tpu.vector_load %arg11[%get3A_102, %get3A_103] {strides = array<i32>} : memref<2x128xi32, #tpu.memory_space<vmem>>, vector<16xi32>,
      %add3A_105 = arith.addi %mul3A_101, %get3A_104 : vector<16xi32>
      %mul3A_106 = arith.constant 10000 : i32
      %mul3A_107 = vector.broadcast %mul3A_106 : i32 to vector<16xi32>
      %mul3A_108 = arith.muli %sub3A_98, %mul3A_107 : vector<16xi32>
      %get3A_109 = arith.index_cast %rem3A_46 : i32 to index
      %get3A_110 = arith.constant 16 : index
      %get3A_111 = tpu.vector_load %arg12[%get3A_109, %get3A_110] {strides = array<i32>} : memref<2x128xi32, #tpu.memory_space<vmem>>, vector<16xi32>,
      %add3A_112 = arith.addi %mul3A_108, %get3A_111 : vector<16xi32>
      %gather3A_113 = tpu.vector_load_idx %arg9[%add3A_105] : memref<20000xf32, #tpu.memory_space<vmem>>[vector<16xi32>], vector<16xf32>,
      %gather3A_114 = tpu.vector_load_idx %arg10[%add3A_112] : memref<40000xf32, #tpu.memory_space<vmem>>[vector<16xi32>], vector<16xf32>,
      %add3A_115 = arith.constant 20000 : i32
      %add3A_116 = vector.broadcast %add3A_115 : i32 to vector<16xi32>
      %add3A_117 = arith.addi %add3A_112, %add3A_116 : vector<16xi32>
      %gather3A_118 = tpu.vector_load_idx %arg10[%add3A_117] : memref<40000xf32, #tpu.memory_space<vmem>>[vector<16xi32>], vector<16xf32>,
      %mul3A_119 = arith.mulf %gather3A_113, %gather3A_114 : vector<16xf32>
      %swap3A_120 = arith.constant 16 : index
      %swap3A_121 = tpu.vector_load %arg14[%swap3A_120] {strides = array<i32>} : memref<128xf32, #tpu.memory_space<vmem>>, vector<16xf32>,
      tpu.vector_store %arg14[%swap3A_120], %mul3A_119 {strides = array<i32>} : memref<128xf32, #tpu.memory_space<vmem>>, vector<16xf32>,
      %mul3A_122 = arith.mulf %gather3A_113, %gather3A_118 : vector<16xf32>
      %swap3A_123 = arith.constant 16 : index
      %swap3A_124 = tpu.vector_load %arg15[%swap3A_123] {strides = array<i32>} : memref<128xf32, #tpu.memory_space<vmem>>, vector<16xf32>,
      tpu.vector_store %arg15[%swap3A_123], %mul3A_122 {strides = array<i32>} : memref<128xf32, #tpu.memory_space<vmem>>, vector<16xf32>,
      %get3A_125 = arith.index_cast %rem3A_46 : i32 to index
      %get3A_126 = arith.constant 32 : index
      %get3A_127 = tpu.vector_load %arg13[%get3A_125, %get3A_126] {strides = array<i32>} : memref<2x128xi32, #tpu.memory_space<vmem>>, vector<16xi32>,
      %sub3A_128 = arith.constant 1 : i32
      %sub3A_129 = vector.broadcast %sub3A_128 : i32 to vector<16xi32>
      %sub3A_130 = arith.subi %get3A_127, %sub3A_129 : vector<16xi32>
      %mul3A_131 = arith.constant 10000 : i32
      %mul3A_132 = vector.broadcast %mul3A_131 : i32 to vector<16xi32>
      %mul3A_133 = arith.muli %sub3A_130, %mul3A_132 : vector<16xi32>
      %get3A_134 = arith.index_cast %rem3A_46 : i32 to index
      %get3A_135 = arith.constant 32 : index
      %get3A_136 = tpu.vector_load %arg11[%get3A_134, %get3A_135] {strides = array<i32>} : memref<2x128xi32, #tpu.memory_space<vmem>>, vector<16xi32>,
      %add3A_137 = arith.addi %mul3A_133, %get3A_136 : vector<16xi32>
      %mul3A_138 = arith.constant 10000 : i32
      %mul3A_139 = vector.broadcast %mul3A_138 : i32 to vector<16xi32>
      %mul3A_140 = arith.muli %sub3A_130, %mul3A_139 : vector<16xi32>
      %get3A_141 = arith.index_cast %rem3A_46 : i32 to index
      %get3A_142 = arith.constant 32 : index
      %get3A_143 = tpu.vector_load %arg12[%get3A_141, %get3A_142] {strides = array<i32>} : memref<2x128xi32, #tpu.memory_space<vmem>>, vector<16xi32>,
      %add3A_144 = arith.addi %mul3A_140, %get3A_143 : vector<16xi32>
      %gather3A_145 = tpu.vector_load_idx %arg9[%add3A_137] : memref<20000xf32, #tpu.memory_space<vmem>>[vector<16xi32>], vector<16xf32>,
      %gather3A_146 = tpu.vector_load_idx %arg10[%add3A_144] : memref<40000xf32, #tpu.memory_space<vmem>>[vector<16xi32>], vector<16xf32>,
      %add3A_147 = arith.constant 20000 : i32
      %add3A_148 = vector.broadcast %add3A_147 : i32 to vector<16xi32>
      %add3A_149 = arith.addi %add3A_144, %add3A_148 : vector<16xi32>
      %gather3A_150 = tpu.vector_load_idx %arg10[%add3A_149] : memref<40000xf32, #tpu.memory_space<vmem>>[vector<16xi32>], vector<16xf32>,
      %mul3A_151 = arith.mulf %gather3A_145, %gather3A_146 : vector<16xf32>
      %swap3A_152 = arith.constant 32 : index
      %swap3A_153 = tpu.vector_load %arg14[%swap3A_152] {strides = array<i32>} : memref<128xf32, #tpu.memory_space<vmem>>, vector<16xf32>,
      tpu.vector_store %arg14[%swap3A_152], %mul3A_151 {strides = array<i32>} : memref<128xf32, #tpu.memory_space<vmem>>, vector<16xf32>,
      %mul3A_154 = arith.mulf %gather3A_145, %gather3A_150 : vector<16xf32>
      %swap3A_155 = arith.constant 32 : index
      %swap3A_156 = tpu.vector_load %arg15[%swap3A_155] {strides = array<i32>} : memref<128xf32, #tpu.memory_space<vmem>>, vector<16xf32>,
      tpu.vector_store %arg15[%swap3A_155], %mul3A_154 {strides = array<i32>} : memref<128xf32, #tpu.memory_space<vmem>>, vector<16xf32>,
      %get3A_157 = arith.index_cast %rem3A_46 : i32 to index
      %get3A_158 = arith.constant 48 : index
      %get3A_159 = tpu.vector_load %arg13[%get3A_157, %get3A_158] {strides = array<i32>} : memref<2x128xi32, #tpu.memory_space<vmem>>, vector<16xi32>,
      %sub3A_160 = arith.constant 1 : i32
      %sub3A_161 = vector.broadcast %sub3A_160 : i32 to vector<16xi32>
      %sub3A_162 = arith.subi %get3A_159, %sub3A_161 : vector<16xi32>
      %mul3A_163 = arith.constant 10000 : i32
      %mul3A_164 = vector.broadcast %mul3A_163 : i32 to vector<16xi32>
      %mul3A_165 = arith.muli %sub3A_162, %mul3A_164 : vector<16xi32>
      %get3A_166 = arith.index_cast %rem3A_46 : i32 to index
      %get3A_167 = arith.constant 48 : index
      %get3A_168 = tpu.vector_load %arg11[%get3A_166, %get3A_167] {strides = array<i32>} : memref<2x128xi32, #tpu.memory_space<vmem>>, vector<16xi32>,
      %add3A_169 = arith.addi %mul3A_165, %get3A_168 : vector<16xi32>
      %mul3A_170 = arith.constant 10000 : i32
      %mul3A_171 = vector.broadcast %mul3A_170 : i32 to vector<16xi32>
      %mul3A_172 = arith.muli %sub3A_162, %mul3A_171 : vector<16xi32>
      %get3A_173 = arith.index_cast %rem3A_46 : i32 to index
      %get3A_174 = arith.constant 48 : index
      %get3A_175 = tpu.vector_load %arg12[%get3A_173, %get3A_174] {strides = array<i32>} : memref<2x128xi32, #tpu.memory_space<vmem>>, vector<16xi32>,
      %add3A_176 = arith.addi %mul3A_172, %get3A_175 : vector<16xi32>
      %gather3A_177 = tpu.vector_load_idx %arg9[%add3A_169] : memref<20000xf32, #tpu.memory_space<vmem>>[vector<16xi32>], vector<16xf32>,
      %gather3A_178 = tpu.vector_load_idx %arg10[%add3A_176] : memref<40000xf32, #tpu.memory_space<vmem>>[vector<16xi32>], vector<16xf32>,
      %add3A_179 = arith.constant 20000 : i32
      %add3A_180 = vector.broadcast %add3A_179 : i32 to vector<16xi32>
      %add3A_181 = arith.addi %add3A_176, %add3A_180 : vector<16xi32>
      %gather3A_182 = tpu.vector_load_idx %arg10[%add3A_181] : memref<40000xf32, #tpu.memory_space<vmem>>[vector<16xi32>], vector<16xf32>,
      %mul3A_183 = arith.mulf %gather3A_177, %gather3A_178 : vector<16xf32>
      %swap3A_184 = arith.constant 48 : index
      %swap3A_185 = tpu.vector_load %arg14[%swap3A_184] {strides = array<i32>} : memref<128xf32, #tpu.memory_space<vmem>>, vector<16xf32>,
      tpu.vector_store %arg14[%swap3A_184], %mul3A_183 {strides = array<i32>} : memref<128xf32, #tpu.memory_space<vmem>>, vector<16xf32>,
      %mul3A_186 = arith.mulf %gather3A_177, %gather3A_182 : vector<16xf32>
      %swap3A_187 = arith.constant 48 : index
      %swap3A_188 = tpu.vector_load %arg15[%swap3A_187] {strides = array<i32>} : memref<128xf32, #tpu.memory_space<vmem>>, vector<16xf32>,
      tpu.vector_store %arg15[%swap3A_187], %mul3A_186 {strides = array<i32>} : memref<128xf32, #tpu.memory_space<vmem>>, vector<16xf32>,
      %get3A_189 = arith.index_cast %rem3A_46 : i32 to index
      %get3A_190 = arith.constant 64 : index
      %get3A_191 = tpu.vector_load %arg13[%get3A_189, %get3A_190] {strides = array<i32>} : memref<2x128xi32, #tpu.memory_space<vmem>>, vector<16xi32>,
      %sub3A_192 = arith.constant 1 : i32
      %sub3A_193 = vector.broadcast %sub3A_192 : i32 to vector<16xi32>
      %sub3A_194 = arith.subi %get3A_191, %sub3A_193 : vector<16xi32>
      %mul3A_195 = arith.constant 10000 : i32
      %mul3A_196 = vector.broadcast %mul3A_195 : i32 to vector<16xi32>
      %mul3A_197 = arith.muli %sub3A_194, %mul3A_196 : vector<16xi32>
      %get3A_198 = arith.index_cast %rem3A_46 : i32 to index
      %get3A_199 = arith.constant 64 : index
      %get3A_200 = tpu.vector_load %arg11[%get3A_198, %get3A_199] {strides = array<i32>} : memref<2x128xi32, #tpu.memory_space<vmem>>, vector<16xi32>,
      %add3A_201 = arith.addi %mul3A_197, %get3A_200 : vector<16xi32>
      %mul3A_202 = arith.constant 10000 : i32
      %mul3A_203 = vector.broadcast %mul3A_202 : i32 to vector<16xi32>
      %mul3A_204 = arith.muli %sub3A_194, %mul3A_203 : vector<16xi32>
      %get3A_205 = arith.index_cast %rem3A_46 : i32 to index
      %get3A_206 = arith.constant 64 : index
      %get3A_207 = tpu.vector_load %arg12[%get3A_205, %get3A_206] {strides = array<i32>} : memref<2x128xi32, #tpu.memory_space<vmem>>, vector<16xi32>,
      %add3A_208 = arith.addi %mul3A_204, %get3A_207 : vector<16xi32>
      %gather3A_209 = tpu.vector_load_idx %arg9[%add3A_201] : memref<20000xf32, #tpu.memory_space<vmem>>[vector<16xi32>], vector<16xf32>,
      %gather3A_210 = tpu.vector_load_idx %arg10[%add3A_208] : memref<40000xf32, #tpu.memory_space<vmem>>[vector<16xi32>], vector<16xf32>,
      %add3A_211 = arith.constant 20000 : i32
      %add3A_212 = vector.broadcast %add3A_211 : i32 to vector<16xi32>
      %add3A_213 = arith.addi %add3A_208, %add3A_212 : vector<16xi32>
      %gather3A_214 = tpu.vector_load_idx %arg10[%add3A_213] : memref<40000xf32, #tpu.memory_space<vmem>>[vector<16xi32>], vector<16xf32>,
      %mul3A_215 = arith.mulf %gather3A_209, %gather3A_210 : vector<16xf32>
      %swap3A_216 = arith.constant 64 : index
      %swap3A_217 = tpu.vector_load %arg14[%swap3A_216] {strides = array<i32>} : memref<128xf32, #tpu.memory_space<vmem>>, vector<16xf32>,
      tpu.vector_store %arg14[%swap3A_216], %mul3A_215 {strides = array<i32>} : memref<128xf32, #tpu.memory_space<vmem>>, vector<16xf32>,
      %mul3A_218 = arith.mulf %gather3A_209, %gather3A_214 : vector<16xf32>
      %swap3A_219 = arith.constant 64 : index
      %swap3A_220 = tpu.vector_load %arg15[%swap3A_219] {strides = array<i32>} : memref<128xf32, #tpu.memory_space<vmem>>, vector<16xf32>,
      tpu.vector_store %arg15[%swap3A_219], %mul3A_218 {strides = array<i32>} : memref<128xf32, #tpu.memory_space<vmem>>, vector<16xf32>,
      %get3A_221 = arith.index_cast %rem3A_46 : i32 to index
      %get3A_222 = arith.constant 80 : index
      %get3A_223 = tpu.vector_load %arg13[%get3A_221, %get3A_222] {strides = array<i32>} : memref<2x128xi32, #tpu.memory_space<vmem>>, vector<16xi32>,
      %sub3A_224 = arith.constant 1 : i32
      %sub3A_225 = vector.broadcast %sub3A_224 : i32 to vector<16xi32>
      %sub3A_226 = arith.subi %get3A_223, %sub3A_225 : vector<16xi32>
      %mul3A_227 = arith.constant 10000 : i32
      %mul3A_228 = vector.broadcast %mul3A_227 : i32 to vector<16xi32>
      %mul3A_229 = arith.muli %sub3A_226, %mul3A_228 : vector<16xi32>
      %get3A_230 = arith.index_cast %rem3A_46 : i32 to index
      %get3A_231 = arith.constant 80 : index
      %get3A_232 = tpu.vector_load %arg11[%get3A_230, %get3A_231] {strides = array<i32>} : memref<2x128xi32, #tpu.memory_space<vmem>>, vector<16xi32>,
      %add3A_233 = arith.addi %mul3A_229, %get3A_232 : vector<16xi32>
      %mul3A_234 = arith.constant 10000 : i32
      %mul3A_235 = vector.broadcast %mul3A_234 : i32 to vector<16xi32>
      %mul3A_236 = arith.muli %sub3A_226, %mul3A_235 : vector<16xi32>
      %get3A_237 = arith.index_cast %rem3A_46 : i32 to index
      %get3A_238 = arith.constant 80 : index
      %get3A_239 = tpu.vector_load %arg12[%get3A_237, %get3A_238] {strides = array<i32>} : memref<2x128xi32, #tpu.memory_space<vmem>>, vector<16xi32>,
      %add3A_240 = arith.addi %mul3A_236, %get3A_239 : vector<16xi32>
      %gather3A_241 = tpu.vector_load_idx %arg9[%add3A_233] : memref<20000xf32, #tpu.memory_space<vmem>>[vector<16xi32>], vector<16xf32>,
      %gather3A_242 = tpu.vector_load_idx %arg10[%add3A_240] : memref<40000xf32, #tpu.memory_space<vmem>>[vector<16xi32>], vector<16xf32>,
      %add3A_243 = arith.constant 20000 : i32
      %add3A_244 = vector.broadcast %add3A_243 : i32 to vector<16xi32>
      %add3A_245 = arith.addi %add3A_240, %add3A_244 : vector<16xi32>
      %gather3A_246 = tpu.vector_load_idx %arg10[%add3A_245] : memref<40000xf32, #tpu.memory_space<vmem>>[vector<16xi32>], vector<16xf32>,
      %mul3A_247 = arith.mulf %gather3A_241, %gather3A_242 : vector<16xf32>
      %swap3A_248 = arith.constant 80 : index
      %swap3A_249 = tpu.vector_load %arg14[%swap3A_248] {strides = array<i32>} : memref<128xf32, #tpu.memory_space<vmem>>, vector<16xf32>,
      tpu.vector_store %arg14[%swap3A_248], %mul3A_247 {strides = array<i32>} : memref<128xf32, #tpu.memory_space<vmem>>, vector<16xf32>,
      %mul3A_250 = arith.mulf %gather3A_241, %gather3A_246 : vector<16xf32>
      %swap3A_251 = arith.constant 80 : index
      %swap3A_252 = tpu.vector_load %arg15[%swap3A_251] {strides = array<i32>} : memref<128xf32, #tpu.memory_space<vmem>>, vector<16xf32>,
      tpu.vector_store %arg15[%swap3A_251], %mul3A_250 {strides = array<i32>} : memref<128xf32, #tpu.memory_space<vmem>>, vector<16xf32>,
      %get3A_253 = arith.index_cast %rem3A_46 : i32 to index
      %get3A_254 = arith.constant 96 : index
      %get3A_255 = tpu.vector_load %arg13[%get3A_253, %get3A_254] {strides = array<i32>} : memref<2x128xi32, #tpu.memory_space<vmem>>, vector<16xi32>,
      %sub3A_256 = arith.constant 1 : i32
      %sub3A_257 = vector.broadcast %sub3A_256 : i32 to vector<16xi32>
      %sub3A_258 = arith.subi %get3A_255, %sub3A_257 : vector<16xi32>
      %mul3A_259 = arith.constant 10000 : i32
      %mul3A_260 = vector.broadcast %mul3A_259 : i32 to vector<16xi32>
      %mul3A_261 = arith.muli %sub3A_258, %mul3A_260 : vector<16xi32>
      %get3A_262 = arith.index_cast %rem3A_46 : i32 to index
      %get3A_263 = arith.constant 96 : index
      %get3A_264 = tpu.vector_load %arg11[%get3A_262, %get3A_263] {strides = array<i32>} : memref<2x128xi32, #tpu.memory_space<vmem>>, vector<16xi32>,
      %add3A_265 = arith.addi %mul3A_261, %get3A_264 : vector<16xi32>
      %mul3A_266 = arith.constant 10000 : i32
      %mul3A_267 = vector.broadcast %mul3A_266 : i32 to vector<16xi32>
      %mul3A_268 = arith.muli %sub3A_258, %mul3A_267 : vector<16xi32>
      %get3A_269 = arith.index_cast %rem3A_46 : i32 to index
      %get3A_270 = arith.constant 96 : index
      %get3A_271 = tpu.vector_load %arg12[%get3A_269, %get3A_270] {strides = array<i32>} : memref<2x128xi32, #tpu.memory_space<vmem>>, vector<16xi32>,
      %add3A_272 = arith.addi %mul3A_268, %get3A_271 : vector<16xi32>
      %gather3A_273 = tpu.vector_load_idx %arg9[%add3A_265] : memref<20000xf32, #tpu.memory_space<vmem>>[vector<16xi32>], vector<16xf32>,
      %gather3A_274 = tpu.vector_load_idx %arg10[%add3A_272] : memref<40000xf32, #tpu.memory_space<vmem>>[vector<16xi32>], vector<16xf32>,
      %add3A_275 = arith.constant 20000 : i32
      %add3A_276 = vector.broadcast %add3A_275 : i32 to vector<16xi32>
      %add3A_277 = arith.addi %add3A_272, %add3A_276 : vector<16xi32>
      %gather3A_278 = tpu.vector_load_idx %arg10[%add3A_277] : memref<40000xf32, #tpu.memory_space<vmem>>[vector<16xi32>], vector<16xf32>,
      %mul3A_279 = arith.mulf %gather3A_273, %gather3A_274 : vector<16xf32>
      %swap3A_280 = arith.constant 96 : index
      %swap3A_281 = tpu.vector_load %arg14[%swap3A_280] {strides = array<i32>} : memref<128xf32, #tpu.memory_space<vmem>>, vector<16xf32>,
      tpu.vector_store %arg14[%swap3A_280], %mul3A_279 {strides = array<i32>} : memref<128xf32, #tpu.memory_space<vmem>>, vector<16xf32>,
      %mul3A_282 = arith.mulf %gather3A_273, %gather3A_278 : vector<16xf32>
      %swap3A_283 = arith.constant 96 : index
      %swap3A_284 = tpu.vector_load %arg15[%swap3A_283] {strides = array<i32>} : memref<128xf32, #tpu.memory_space<vmem>>, vector<16xf32>,
      tpu.vector_store %arg15[%swap3A_283], %mul3A_282 {strides = array<i32>} : memref<128xf32, #tpu.memory_space<vmem>>, vector<16xf32>,
      %get3A_285 = arith.index_cast %rem3A_46 : i32 to index
      %get3A_286 = arith.constant 112 : index
      %get3A_287 = tpu.vector_load %arg13[%get3A_285, %get3A_286] {strides = array<i32>} : memref<2x128xi32, #tpu.memory_space<vmem>>, vector<16xi32>,
      %sub3A_288 = arith.constant 1 : i32
      %sub3A_289 = vector.broadcast %sub3A_288 : i32 to vector<16xi32>
      %sub3A_290 = arith.subi %get3A_287, %sub3A_289 : vector<16xi32>
      %mul3A_291 = arith.constant 10000 : i32
      %mul3A_292 = vector.broadcast %mul3A_291 : i32 to vector<16xi32>
      %mul3A_293 = arith.muli %sub3A_290, %mul3A_292 : vector<16xi32>
      %get3A_294 = arith.index_cast %rem3A_46 : i32 to index
      %get3A_295 = arith.constant 112 : index
      %get3A_296 = tpu.vector_load %arg11[%get3A_294, %get3A_295] {strides = array<i32>} : memref<2x128xi32, #tpu.memory_space<vmem>>, vector<16xi32>,
      %add3A_297 = arith.addi %mul3A_293, %get3A_296 : vector<16xi32>
      %mul3A_298 = arith.constant 10000 : i32
      %mul3A_299 = vector.broadcast %mul3A_298 : i32 to vector<16xi32>
      %mul3A_300 = arith.muli %sub3A_290, %mul3A_299 : vector<16xi32>
      %get3A_301 = arith.index_cast %rem3A_46 : i32 to index
      %get3A_302 = arith.constant 112 : index
      %get3A_303 = tpu.vector_load %arg12[%get3A_301, %get3A_302] {strides = array<i32>} : memref<2x128xi32, #tpu.memory_space<vmem>>, vector<16xi32>,
      %add3A_304 = arith.addi %mul3A_300, %get3A_303 : vector<16xi32>
      %gather3A_305 = tpu.vector_load_idx %arg9[%add3A_297] : memref<20000xf32, #tpu.memory_space<vmem>>[vector<16xi32>], vector<16xf32>,
      %gather3A_306 = tpu.vector_load_idx %arg10[%add3A_304] : memref<40000xf32, #tpu.memory_space<vmem>>[vector<16xi32>], vector<16xf32>,
      %add3A_307 = arith.constant 20000 : i32
      %add3A_308 = vector.broadcast %add3A_307 : i32 to vector<16xi32>
      %add3A_309 = arith.addi %add3A_304, %add3A_308 : vector<16xi32>
      %gather3A_310 = tpu.vector_load_idx %arg10[%add3A_309] : memref<40000xf32, #tpu.memory_space<vmem>>[vector<16xi32>], vector<16xf32>,
      %mul3A_311 = arith.mulf %gather3A_305, %gather3A_306 : vector<16xf32>
      %swap3A_312 = arith.constant 112 : index
      %swap3A_313 = tpu.vector_load %arg14[%swap3A_312] {strides = array<i32>} : memref<128xf32, #tpu.memory_space<vmem>>, vector<16xf32>,
      tpu.vector_store %arg14[%swap3A_312], %mul3A_311 {strides = array<i32>} : memref<128xf32, #tpu.memory_space<vmem>>, vector<16xf32>,
      %mul3A_314 = arith.mulf %gather3A_305, %gather3A_310 : vector<16xf32>
      %swap3A_315 = arith.constant 112 : index
      %swap3A_316 = tpu.vector_load %arg15[%swap3A_315] {strides = array<i32>} : memref<128xf32, #tpu.memory_space<vmem>>, vector<16xf32>,
      tpu.vector_store %arg15[%swap3A_315], %mul3A_314 {strides = array<i32>} : memref<128xf32, #tpu.memory_space<vmem>>, vector<16xf32>,
      "tpu.region"() ({
        %run_scoped3A = tpu.sem_alloc : memref<!tpu.dma_semaphore, #tpu.memory_space<semaphore_mem>>
        %dma_start3A_318 = tpu.memref_slice %arg7[%mul3A_51] : memref<320000xf32, #tpu.memory_space<hbm>> -> memref<128xf32, #tpu.memory_space<hbm>>
        %dma_start3A_319 = tpu.memref_slice %arg7[%mul3A_51] : memref<320000xf32, #tpu.memory_space<hbm>> -> memref<128xf32, #tpu.memory_space<hbm>>
        tpu.enqueue_dma source(%arg14 : memref<128xf32, #tpu.memory_space<vmem>>) target(%dma_start3A_319 : memref<128xf32, #tpu.memory_space<hbm>>) target_semaphore(%run_scoped3A : memref<!tpu.dma_semaphore, #tpu.memory_space<semaphore_mem>>)
        %dma_wait3A = tpu.memref_slice %arg7[%mul3A_51] : memref<320000xf32, #tpu.memory_space<hbm>> -> memref<128xf32, #tpu.memory_space<hbm>>
        %dma_wait3A_320 = tpu.memref_slice %arg7[%mul3A_51] : memref<320000xf32, #tpu.memory_space<hbm>> -> memref<128xf32, #tpu.memory_space<hbm>>
        tpu.wait_dma2 semaphore(%run_scoped3A : memref<!tpu.dma_semaphore, #tpu.memory_space<semaphore_mem>>) src(%arg14 : memref<128xf32, #tpu.memory_space<vmem>>) dst(%dma_wait3A_320 : memref<128xf32, #tpu.memory_space<hbm>>)
        tpu.yield
      }) : () -> ()
      "tpu.region"() ({
        %run_scoped3A = tpu.sem_alloc : memref<!tpu.dma_semaphore, #tpu.memory_space<semaphore_mem>>
        %dma_start3A_318 = tpu.memref_slice %arg8[%mul3A_51] : memref<320000xf32, #tpu.memory_space<hbm>> -> memref<128xf32, #tpu.memory_space<hbm>>
        %dma_start3A_319 = tpu.memref_slice %arg8[%mul3A_51] : memref<320000xf32, #tpu.memory_space<hbm>> -> memref<128xf32, #tpu.memory_space<hbm>>
        tpu.enqueue_dma source(%arg15 : memref<128xf32, #tpu.memory_space<vmem>>) target(%dma_start3A_319 : memref<128xf32, #tpu.memory_space<hbm>>) target_semaphore(%run_scoped3A : memref<!tpu.dma_semaphore, #tpu.memory_space<semaphore_mem>>)
        %dma_wait3A = tpu.memref_slice %arg8[%mul3A_51] : memref<320000xf32, #tpu.memory_space<hbm>> -> memref<128xf32, #tpu.memory_space<hbm>>
        %dma_wait3A_320 = tpu.memref_slice %arg8[%mul3A_51] : memref<320000xf32, #tpu.memory_space<hbm>> -> memref<128xf32, #tpu.memory_space<hbm>>
        tpu.wait_dma2 semaphore(%run_scoped3A : memref<!tpu.dma_semaphore, #tpu.memory_space<semaphore_mem>>) src(%arg15 : memref<128xf32, #tpu.memory_space<vmem>>) dst(%dma_wait3A_320 : memref<128xf32, #tpu.memory_space<hbm>>)
        tpu.yield
      }) : () -> ()
      %while3A_317 = arith.constant 0 : i32
      scf.yield %while3A_317 : i32
    }
    return
  }
}

#map = affine_map<(d0, d1) -> (0, 0)>
#map1 = affine_map<(d0, d1) -> (0)>
#map2 = affine_map<(d0, d1) -> (0, 0, 0)>
module attributes {stable_mosaic.version = 14 : i64} {
  func.func @_agg_body(%arg0: i32, %arg1: i32, %arg2: memref<10000x128xf32, #tpu.memory_space<hbm>>, %arg3: memref<320000xi32, #tpu.memory_space<hbm>>, %arg4: memref<320000xi32, #tpu.memory_space<hbm>>, %arg5: memref<320000xf32, #tpu.memory_space<hbm>>, %arg6: memref<2x10000x128xf32, #tpu.memory_space<hbm>>, %arg7: memref<10000x128xf32, #tpu.memory_space<vmem_shared>>, %arg8: memref<2x128xi32, #tpu.memory_space<vmem>>, %arg9: memref<2x128xi32, #tpu.memory_space<vmem>>, %arg10: memref<2x128xf32, #tpu.memory_space<vmem>>, %arg11: memref<128x128xf32, #tpu.memory_space<vmem>>, %arg12: memref<!tpu.dma_semaphore, #tpu.memory_space<semaphore_mem>>, %arg13: memref<!tpu.dma_semaphore, #tpu.memory_space<semaphore_mem>>, %arg14: memref<!tpu.dma_semaphore, #tpu.memory_space<semaphore_mem>>) attributes {dimension_semantics = [#tpu.dimension_semantics<core_parallel>, #tpu.dimension_semantics<subcore_parallel>], iteration_bounds = array<i64: 2, 16>, scalar_prefetch = 0 : i64, scratch_operands = 8 : i64, tpu.core_type = #tpu.core_type<sc_vector_subcore>, window_params = [{transform_indices = #map}, {transform_indices = #map1}, {transform_indices = #map1}, {transform_indices = #map1}, {transform_indices = #map2}]} {
    %mul3A = arith.constant 16 : i32
    %mul3A_0 = arith.muli %arg0, %mul3A : i32
    %add3A = arith.addi %mul3A_0, %arg1 : i32
    %broadcast_in_dim3A = arith.constant 0.000000e+00 : f32
    %broadcast_in_dim3A_1 = vector.broadcast %broadcast_in_dim3A : f32 to vector<16xf32>
    %scan3A = arith.constant 0 : i32
    %scan3A_2 = arith.constant 0 : i32
    %scan3A_3 = arith.constant 128 : i32
    %scan3A_4 = arith.addi %scan3A_2, %scan3A_3 : i32
    %scan3A_5 = arith.constant 1 : i32
    %scan3A_6 = scf.for %scan3A_76 = %scan3A_2 to %scan3A_4 step %scan3A_5 iter_args(%scan3A_77 = %scan3A) -> (i32)  : i32 {
      %swap3A = arith.index_cast %scan3A_76 : i32 to index
      %swap3A_78 = arith.constant 0 : index
      %swap3A_79 = tpu.vector_load %arg11[%swap3A, %swap3A_78] {strides = array<i32>} : memref<128x128xf32, #tpu.memory_space<vmem>>, vector<16xf32>,
      tpu.vector_store %arg11[%swap3A, %swap3A_78], %broadcast_in_dim3A_1 {strides = array<i32>} : memref<128x128xf32, #tpu.memory_space<vmem>>, vector<16xf32>,
      %swap3A_80 = arith.index_cast %scan3A_76 : i32 to index
      %swap3A_81 = arith.constant 16 : index
      %swap3A_82 = tpu.vector_load %arg11[%swap3A_80, %swap3A_81] {strides = array<i32>} : memref<128x128xf32, #tpu.memory_space<vmem>>, vector<16xf32>,
      tpu.vector_store %arg11[%swap3A_80, %swap3A_81], %broadcast_in_dim3A_1 {strides = array<i32>} : memref<128x128xf32, #tpu.memory_space<vmem>>, vector<16xf32>,
      %swap3A_83 = arith.index_cast %scan3A_76 : i32 to index
      %swap3A_84 = arith.constant 32 : index
      %swap3A_85 = tpu.vector_load %arg11[%swap3A_83, %swap3A_84] {strides = array<i32>} : memref<128x128xf32, #tpu.memory_space<vmem>>, vector<16xf32>,
      tpu.vector_store %arg11[%swap3A_83, %swap3A_84], %broadcast_in_dim3A_1 {strides = array<i32>} : memref<128x128xf32, #tpu.memory_space<vmem>>, vector<16xf32>,
      %swap3A_86 = arith.index_cast %scan3A_76 : i32 to index
      %swap3A_87 = arith.constant 48 : index
      %swap3A_88 = tpu.vector_load %arg11[%swap3A_86, %swap3A_87] {strides = array<i32>} : memref<128x128xf32, #tpu.memory_space<vmem>>, vector<16xf32>,
      tpu.vector_store %arg11[%swap3A_86, %swap3A_87], %broadcast_in_dim3A_1 {strides = array<i32>} : memref<128x128xf32, #tpu.memory_space<vmem>>, vector<16xf32>,
      %swap3A_89 = arith.index_cast %scan3A_76 : i32 to index
      %swap3A_90 = arith.constant 64 : index
      %swap3A_91 = tpu.vector_load %arg11[%swap3A_89, %swap3A_90] {strides = array<i32>} : memref<128x128xf32, #tpu.memory_space<vmem>>, vector<16xf32>,
      tpu.vector_store %arg11[%swap3A_89, %swap3A_90], %broadcast_in_dim3A_1 {strides = array<i32>} : memref<128x128xf32, #tpu.memory_space<vmem>>, vector<16xf32>,
      %swap3A_92 = arith.index_cast %scan3A_76 : i32 to index
      %swap3A_93 = arith.constant 80 : index
      %swap3A_94 = tpu.vector_load %arg11[%swap3A_92, %swap3A_93] {strides = array<i32>} : memref<128x128xf32, #tpu.memory_space<vmem>>, vector<16xf32>,
      tpu.vector_store %arg11[%swap3A_92, %swap3A_93], %broadcast_in_dim3A_1 {strides = array<i32>} : memref<128x128xf32, #tpu.memory_space<vmem>>, vector<16xf32>,
      %swap3A_95 = arith.index_cast %scan3A_76 : i32 to index
      %swap3A_96 = arith.constant 96 : index
      %swap3A_97 = tpu.vector_load %arg11[%swap3A_95, %swap3A_96] {strides = array<i32>} : memref<128x128xf32, #tpu.memory_space<vmem>>, vector<16xf32>,
      tpu.vector_store %arg11[%swap3A_95, %swap3A_96], %broadcast_in_dim3A_1 {strides = array<i32>} : memref<128x128xf32, #tpu.memory_space<vmem>>, vector<16xf32>,
      %swap3A_98 = arith.index_cast %scan3A_76 : i32 to index
      %swap3A_99 = arith.constant 112 : index
      %swap3A_100 = tpu.vector_load %arg11[%swap3A_98, %swap3A_99] {strides = array<i32>} : memref<128x128xf32, #tpu.memory_space<vmem>>, vector<16xf32>,
      tpu.vector_store %arg11[%swap3A_98, %swap3A_99], %broadcast_in_dim3A_1 {strides = array<i32>} : memref<128x128xf32, #tpu.memory_space<vmem>>, vector<16xf32>,
      %scan3A_101 = arith.constant 0 : i32
      scf.yield %scan3A_101 : i32
    }
    %scan3A_7 = arith.constant 128 : i32
    %scan3A_8 = arith.constant 0 : i32
    %scan3A_9 = arith.constant 0 : i32
    %scan3A_10 = arith.constant 125 : i32
    %scan3A_11 = arith.addi %scan3A_9, %scan3A_10 : i32
    %scan3A_12 = arith.constant 1 : i32
    %scan3A_13 = scf.for %scan3A_76 = %scan3A_9 to %scan3A_11 step %scan3A_12 iter_args(%scan3A_77 = %scan3A_8) -> (i32)  : i32 {
      %mul3A_78 = arith.constant 625 : i32
      %mul3A_79 = arith.muli %arg1, %mul3A_78 : i32
      %mul3A_80 = arith.constant 5 : i32
      %mul3A_81 = arith.muli %scan3A_76, %mul3A_80 : i32
      %add3A_82 = arith.addi %mul3A_79, %mul3A_81 : i32
      "tpu.region"() ({
        %run_scoped3A = tpu.sem_alloc : memref<!tpu.dma_semaphore, #tpu.memory_space<semaphore_mem>>
        %dma_start3A_84 = arith.constant 0 : i32
        %dma_start3A_85 = arith.constant 0 : i32
        %dma_start3A_86 = tpu.memref_slice %arg11[%dma_start3A_84, %dma_start3A_85] : memref<128x128xf32, #tpu.memory_space<vmem>> -> memref<5x128xf32, #tpu.memory_space<vmem>>
        %dma_start3A_87 = arith.constant 0 : i32
        %dma_start3A_88 = tpu.memref_slice %arg7[%add3A_82, %dma_start3A_87] : memref<10000x128xf32, #tpu.memory_space<vmem_shared>> -> memref<5x128xf32, #tpu.memory_space<vmem_shared>>
        %dma_start3A_89 = arith.constant 0 : i32
        %dma_start3A_90 = tpu.memref_slice %arg7[%add3A_82, %dma_start3A_89] : memref<10000x128xf32, #tpu.memory_space<vmem_shared>> -> memref<5x128xf32, #tpu.memory_space<vmem_shared>>
        %dma_start3A_91 = arith.constant 0 : i32
        %dma_start3A_92 = arith.constant 0 : i32
        %dma_start3A_93 = tpu.memref_slice %arg11[%dma_start3A_91, %dma_start3A_92] : memref<128x128xf32, #tpu.memory_space<vmem>> -> memref<5x128xf32, #tpu.memory_space<vmem>>
        tpu.enqueue_dma source(%dma_start3A_93 : memref<5x128xf32, #tpu.memory_space<vmem>>) target(%dma_start3A_90 : memref<5x128xf32, #tpu.memory_space<vmem_shared>>) target_semaphore(%run_scoped3A : memref<!tpu.dma_semaphore, #tpu.memory_space<semaphore_mem>>)
        %dma_wait3A = arith.constant 0 : i32
        %dma_wait3A_94 = arith.constant 0 : i32
        %dma_wait3A_95 = tpu.memref_slice %arg11[%dma_wait3A, %dma_wait3A_94] : memref<128x128xf32, #tpu.memory_space<vmem>> -> memref<5x128xf32, #tpu.memory_space<vmem>>
        %dma_wait3A_96 = arith.constant 0 : i32
        %dma_wait3A_97 = tpu.memref_slice %arg7[%add3A_82, %dma_wait3A_96] : memref<10000x128xf32, #tpu.memory_space<vmem_shared>> -> memref<5x128xf32, #tpu.memory_space<vmem_shared>>
        %dma_wait3A_98 = arith.constant 0 : i32
        %dma_wait3A_99 = tpu.memref_slice %arg7[%add3A_82, %dma_wait3A_98] : memref<10000x128xf32, #tpu.memory_space<vmem_shared>> -> memref<5x128xf32, #tpu.memory_space<vmem_shared>>
        %dma_wait3A_100 = arith.constant 0 : i32
        %dma_wait3A_101 = arith.constant 0 : i32
        %dma_wait3A_102 = tpu.memref_slice %arg11[%dma_wait3A_100, %dma_wait3A_101] : memref<128x128xf32, #tpu.memory_space<vmem>> -> memref<5x128xf32, #tpu.memory_space<vmem>>
        tpu.wait_dma2 semaphore(%run_scoped3A : memref<!tpu.dma_semaphore, #tpu.memory_space<semaphore_mem>>) src(%dma_wait3A_102 : memref<5x128xf32, #tpu.memory_space<vmem>>) dst(%dma_wait3A_99 : memref<5x128xf32, #tpu.memory_space<vmem_shared>>)
        tpu.yield
      }) : () -> ()
      %scan3A_83 = arith.constant 0 : i32
      scf.yield %scan3A_83 : i32
    }
    %scan3A_14 = arith.constant 125 : i32
    %barrier3A = arith.constant 0 : index
    tpu.barrier barrier_id(%barrier3A)
    %lt3A = arith.constant 4 : i32
    %lt3A_15 = arith.cmpi slt, %add3A, %lt3A : i32
    %jit3A = arith.constant 1 : i32
    %jit3A_16 = arith.constant 0 : i32
    %select_n3A = arith.select %lt3A_15, %jit3A, %jit3A_16 : i32
    %add3A_17 = arith.constant 78 : i32
    %add3A_18 = arith.addi %add3A_17, %select_n3A : i32
    %mul3A_19 = arith.constant 128 : i32
    %mul3A_20 = arith.muli %add3A, %mul3A_19 : i32
    %dma_start3A = arith.constant 0 : i32
    %dma_start3A_21 = arith.constant 0 : i32
    %dma_start3A_22 = tpu.memref_slice %arg8[%dma_start3A, %dma_start3A_21] : memref<2x128xi32, #tpu.memory_space<vmem>> -> memref<1x128xi32, #tpu.memory_space<vmem>>
    %dma_start3A_23 = tpu.memref_squeeze %dma_start3A_22 : memref<1x128xi32, #tpu.memory_space<vmem>> -> memref<128xi32, #tpu.memory_space<vmem>>
    %dma_start3A_24 = tpu.memref_slice %arg3[%mul3A_20] : memref<320000xi32, #tpu.memory_space<hbm>> -> memref<128xi32, #tpu.memory_space<hbm>>
    %dma_start3A_25 = arith.constant 0 : i32
    %dma_start3A_26 = tpu.memref_slice %arg8[%dma_start3A, %dma_start3A_25] : memref<2x128xi32, #tpu.memory_space<vmem>> -> memref<1x128xi32, #tpu.memory_space<vmem>>
    %dma_start3A_27 = tpu.memref_squeeze %dma_start3A_26 : memref<1x128xi32, #tpu.memory_space<vmem>> -> memref<128xi32, #tpu.memory_space<vmem>>
    %dma_start3A_28 = tpu.memref_slice %arg3[%mul3A_20] : memref<320000xi32, #tpu.memory_space<hbm>> -> memref<128xi32, #tpu.memory_space<hbm>>
    tpu.enqueue_dma source(%dma_start3A_28 : memref<128xi32, #tpu.memory_space<hbm>>) target(%dma_start3A_27 : memref<128xi32, #tpu.memory_space<vmem>>) target_semaphore(%arg13 : memref<!tpu.dma_semaphore, #tpu.memory_space<semaphore_mem>>)
    %dma_start3A_29 = arith.constant 0 : i32
    %dma_start3A_30 = arith.constant 0 : i32
    %dma_start3A_31 = tpu.memref_slice %arg9[%dma_start3A_29, %dma_start3A_30] : memref<2x128xi32, #tpu.memory_space<vmem>> -> memref<1x128xi32, #tpu.memory_space<vmem>>
    %dma_start3A_32 = tpu.memref_squeeze %dma_start3A_31 : memref<1x128xi32, #tpu.memory_space<vmem>> -> memref<128xi32, #tpu.memory_space<vmem>>
    %dma_start3A_33 = tpu.memref_slice %arg4[%mul3A_20] : memref<320000xi32, #tpu.memory_space<hbm>> -> memref<128xi32, #tpu.memory_space<hbm>>
    %dma_start3A_34 = arith.constant 0 : i32
    %dma_start3A_35 = tpu.memref_slice %arg9[%dma_start3A_29, %dma_start3A_34] : memref<2x128xi32, #tpu.memory_space<vmem>> -> memref<1x128xi32, #tpu.memory_space<vmem>>
    %dma_start3A_36 = tpu.memref_squeeze %dma_start3A_35 : memref<1x128xi32, #tpu.memory_space<vmem>> -> memref<128xi32, #tpu.memory_space<vmem>>
    %dma_start3A_37 = tpu.memref_slice %arg4[%mul3A_20] : memref<320000xi32, #tpu.memory_space<hbm>> -> memref<128xi32, #tpu.memory_space<hbm>>
    tpu.enqueue_dma source(%dma_start3A_37 : memref<128xi32, #tpu.memory_space<hbm>>) target(%dma_start3A_36 : memref<128xi32, #tpu.memory_space<vmem>>) target_semaphore(%arg13 : memref<!tpu.dma_semaphore, #tpu.memory_space<semaphore_mem>>)
    %dma_start3A_38 = arith.constant 0 : i32
    %dma_start3A_39 = arith.constant 0 : i32
    %dma_start3A_40 = tpu.memref_slice %arg10[%dma_start3A_38, %dma_start3A_39] : memref<2x128xf32, #tpu.memory_space<vmem>> -> memref<1x128xf32, #tpu.memory_space<vmem>>
    %dma_start3A_41 = tpu.memref_squeeze %dma_start3A_40 : memref<1x128xf32, #tpu.memory_space<vmem>> -> memref<128xf32, #tpu.memory_space<vmem>>
    %dma_start3A_42 = tpu.memref_slice %arg5[%mul3A_20] : memref<320000xf32, #tpu.memory_space<hbm>> -> memref<128xf32, #tpu.memory_space<hbm>>
    %dma_start3A_43 = arith.constant 0 : i32
    %dma_start3A_44 = tpu.memref_slice %arg10[%dma_start3A_38, %dma_start3A_43] : memref<2x128xf32, #tpu.memory_space<vmem>> -> memref<1x128xf32, #tpu.memory_space<vmem>>
    %dma_start3A_45 = tpu.memref_squeeze %dma_start3A_44 : memref<1x128xf32, #tpu.memory_space<vmem>> -> memref<128xf32, #tpu.memory_space<vmem>>
    %dma_start3A_46 = tpu.memref_slice %arg5[%mul3A_20] : memref<320000xf32, #tpu.memory_space<hbm>> -> memref<128xf32, #tpu.memory_space<hbm>>
    tpu.enqueue_dma source(%dma_start3A_46 : memref<128xf32, #tpu.memory_space<hbm>>) target(%dma_start3A_45 : memref<128xf32, #tpu.memory_space<vmem>>) target_semaphore(%arg13 : memref<!tpu.dma_semaphore, #tpu.memory_space<semaphore_mem>>)
    %while3A = arith.constant 0 : i32
    %while3A_47 = arith.constant 0 : i32
    %while3A_48 = arith.subi %add3A_18, %while3A : i32
    %while3A_49 = arith.addi %while3A, %while3A_48 : i32
    %while3A_50 = arith.constant 1 : i32
    %while3A_51 = arith.divsi %while3A_48, %while3A_50 : i32
    %while3A_52 = arith.muli %while3A_51, %while3A_50 : i32
    %while3A_53 = arith.addi %while3A, %while3A_52 : i32
    %while3A_54 = arith.constant 1 : i32
    %while3A_55 = scf.for %while3A_76 = %while3A to %while3A_53 step %while3A_54 iter_args(%while3A_77 = %while3A_47) -> (i32)  : i32 {
      %rem3A_78 = arith.constant 2 : i32
      %rem3A_79 = arith.remsi %while3A_76, %rem3A_78 : i32
      %eq3A_80 = arith.constant 0 : i32
      %eq3A_81 = arith.cmpi eq, %rem3A_79, %eq3A_80 : i32
      %convert_element_type3A_82 = arith.extui %eq3A_81 : i1 to i32
      %cond3A_83 = arith.constant 0 : i32
      %cond3A_84 = arith.cmpi ne, %convert_element_type3A_82, %cond3A_83 : i32
      scf.if %cond3A_84 {
        %dma_wait3A_115 = arith.constant 0 : i32
        %dma_wait3A_116 = arith.constant 0 : i32
        %dma_wait3A_117 = tpu.memref_slice %arg8[%dma_wait3A_115, %dma_wait3A_116] : memref<2x128xi32, #tpu.memory_space<vmem>> -> memref<1x128xi32, #tpu.memory_space<vmem>>
        %dma_wait3A_118 = tpu.memref_squeeze %dma_wait3A_117 : memref<1x128xi32, #tpu.memory_space<vmem>> -> memref<128xi32, #tpu.memory_space<vmem>>
        %dma_wait3A_119 = arith.constant 0 : i32
        %dma_wait3A_120 = tpu.memref_slice %arg3[%dma_wait3A_119] : memref<320000xi32, #tpu.memory_space<hbm>> -> memref<128xi32, #tpu.memory_space<hbm>>
        %dma_wait3A_121 = arith.constant 0 : i32
        %dma_wait3A_122 = tpu.memref_slice %arg8[%dma_wait3A_115, %dma_wait3A_121] : memref<2x128xi32, #tpu.memory_space<vmem>> -> memref<1x128xi32, #tpu.memory_space<vmem>>
        %dma_wait3A_123 = tpu.memref_squeeze %dma_wait3A_122 : memref<1x128xi32, #tpu.memory_space<vmem>> -> memref<128xi32, #tpu.memory_space<vmem>>
        %dma_wait3A_124 = arith.constant 0 : i32
        %dma_wait3A_125 = tpu.memref_slice %arg3[%dma_wait3A_124] : memref<320000xi32, #tpu.memory_space<hbm>> -> memref<128xi32, #tpu.memory_space<hbm>>
        tpu.wait_dma2 semaphore(%arg13 : memref<!tpu.dma_semaphore, #tpu.memory_space<semaphore_mem>>) src(%dma_wait3A_125 : memref<128xi32, #tpu.memory_space<hbm>>) dst(%dma_wait3A_123 : memref<128xi32, #tpu.memory_space<vmem>>)
        %dma_wait3A_126 = arith.constant 0 : i32
        %dma_wait3A_127 = arith.constant 0 : i32
        %dma_wait3A_128 = tpu.memref_slice %arg9[%dma_wait3A_126, %dma_wait3A_127] : memref<2x128xi32, #tpu.memory_space<vmem>> -> memref<1x128xi32, #tpu.memory_space<vmem>>
        %dma_wait3A_129 = tpu.memref_squeeze %dma_wait3A_128 : memref<1x128xi32, #tpu.memory_space<vmem>> -> memref<128xi32, #tpu.memory_space<vmem>>
        %dma_wait3A_130 = arith.constant 0 : i32
        %dma_wait3A_131 = tpu.memref_slice %arg4[%dma_wait3A_130] : memref<320000xi32, #tpu.memory_space<hbm>> -> memref<128xi32, #tpu.memory_space<hbm>>
        %dma_wait3A_132 = arith.constant 0 : i32
        %dma_wait3A_133 = tpu.memref_slice %arg9[%dma_wait3A_126, %dma_wait3A_132] : memref<2x128xi32, #tpu.memory_space<vmem>> -> memref<1x128xi32, #tpu.memory_space<vmem>>
        %dma_wait3A_134 = tpu.memref_squeeze %dma_wait3A_133 : memref<1x128xi32, #tpu.memory_space<vmem>> -> memref<128xi32, #tpu.memory_space<vmem>>
        %dma_wait3A_135 = arith.constant 0 : i32
        %dma_wait3A_136 = tpu.memref_slice %arg4[%dma_wait3A_135] : memref<320000xi32, #tpu.memory_space<hbm>> -> memref<128xi32, #tpu.memory_space<hbm>>
        tpu.wait_dma2 semaphore(%arg13 : memref<!tpu.dma_semaphore, #tpu.memory_space<semaphore_mem>>) src(%dma_wait3A_136 : memref<128xi32, #tpu.memory_space<hbm>>) dst(%dma_wait3A_134 : memref<128xi32, #tpu.memory_space<vmem>>)
        %dma_wait3A_137 = arith.constant 0 : i32
        %dma_wait3A_138 = arith.constant 0 : i32
        %dma_wait3A_139 = tpu.memref_slice %arg10[%dma_wait3A_137, %dma_wait3A_138] : memref<2x128xf32, #tpu.memory_space<vmem>> -> memref<1x128xf32, #tpu.memory_space<vmem>>
        %dma_wait3A_140 = tpu.memref_squeeze %dma_wait3A_139 : memref<1x128xf32, #tpu.memory_space<vmem>> -> memref<128xf32, #tpu.memory_space<vmem>>
        %dma_wait3A_141 = arith.constant 0 : i32
        %dma_wait3A_142 = tpu.memref_slice %arg5[%dma_wait3A_141] : memref<320000xf32, #tpu.memory_space<hbm>> -> memref<128xf32, #tpu.memory_space<hbm>>
        %dma_wait3A_143 = arith.constant 0 : i32
        %dma_wait3A_144 = tpu.memref_slice %arg10[%dma_wait3A_137, %dma_wait3A_143] : memref<2x128xf32, #tpu.memory_space<vmem>> -> memref<1x128xf32, #tpu.memory_space<vmem>>
        %dma_wait3A_145 = tpu.memref_squeeze %dma_wait3A_144 : memref<1x128xf32, #tpu.memory_space<vmem>> -> memref<128xf32, #tpu.memory_space<vmem>>
        %dma_wait3A_146 = arith.constant 0 : i32
        %dma_wait3A_147 = tpu.memref_slice %arg5[%dma_wait3A_146] : memref<320000xf32, #tpu.memory_space<hbm>> -> memref<128xf32, #tpu.memory_space<hbm>>
        tpu.wait_dma2 semaphore(%arg13 : memref<!tpu.dma_semaphore, #tpu.memory_space<semaphore_mem>>) src(%dma_wait3A_147 : memref<128xf32, #tpu.memory_space<hbm>>) dst(%dma_wait3A_145 : memref<128xf32, #tpu.memory_space<vmem>>)
      } else {
      }
      %eq3A_85 = arith.constant 1 : i32
      %eq3A_86 = arith.cmpi eq, %rem3A_79, %eq3A_85 : i32
      %convert_element_type3A_87 = arith.extui %eq3A_86 : i1 to i32
      %cond3A_88 = arith.constant 0 : i32
      %cond3A_89 = arith.cmpi ne, %convert_element_type3A_87, %cond3A_88 : i32
      scf.if %cond3A_89 {
        %dma_wait3A_115 = arith.constant 0 : i32
        %dma_wait3A_116 = arith.constant 0 : i32
        %dma_wait3A_117 = tpu.memref_slice %arg8[%dma_wait3A_115, %dma_wait3A_116] : memref<2x128xi32, #tpu.memory_space<vmem>> -> memref<1x128xi32, #tpu.memory_space<vmem>>
        %dma_wait3A_118 = tpu.memref_squeeze %dma_wait3A_117 : memref<1x128xi32, #tpu.memory_space<vmem>> -> memref<128xi32, #tpu.memory_space<vmem>>
        %dma_wait3A_119 = arith.constant 0 : i32
        %dma_wait3A_120 = tpu.memref_slice %arg3[%dma_wait3A_119] : memref<320000xi32, #tpu.memory_space<hbm>> -> memref<128xi32, #tpu.memory_space<hbm>>
        %dma_wait3A_121 = arith.constant 0 : i32
        %dma_wait3A_122 = tpu.memref_slice %arg8[%dma_wait3A_115, %dma_wait3A_121] : memref<2x128xi32, #tpu.memory_space<vmem>> -> memref<1x128xi32, #tpu.memory_space<vmem>>
        %dma_wait3A_123 = tpu.memref_squeeze %dma_wait3A_122 : memref<1x128xi32, #tpu.memory_space<vmem>> -> memref<128xi32, #tpu.memory_space<vmem>>
        %dma_wait3A_124 = arith.constant 0 : i32
        %dma_wait3A_125 = tpu.memref_slice %arg3[%dma_wait3A_124] : memref<320000xi32, #tpu.memory_space<hbm>> -> memref<128xi32, #tpu.memory_space<hbm>>
        tpu.wait_dma2 semaphore(%arg14 : memref<!tpu.dma_semaphore, #tpu.memory_space<semaphore_mem>>) src(%dma_wait3A_125 : memref<128xi32, #tpu.memory_space<hbm>>) dst(%dma_wait3A_123 : memref<128xi32, #tpu.memory_space<vmem>>)
        %dma_wait3A_126 = arith.constant 0 : i32
        %dma_wait3A_127 = arith.constant 0 : i32
        %dma_wait3A_128 = tpu.memref_slice %arg9[%dma_wait3A_126, %dma_wait3A_127] : memref<2x128xi32, #tpu.memory_space<vmem>> -> memref<1x128xi32, #tpu.memory_space<vmem>>
        %dma_wait3A_129 = tpu.memref_squeeze %dma_wait3A_128 : memref<1x128xi32, #tpu.memory_space<vmem>> -> memref<128xi32, #tpu.memory_space<vmem>>
        %dma_wait3A_130 = arith.constant 0 : i32
        %dma_wait3A_131 = tpu.memref_slice %arg4[%dma_wait3A_130] : memref<320000xi32, #tpu.memory_space<hbm>> -> memref<128xi32, #tpu.memory_space<hbm>>
        %dma_wait3A_132 = arith.constant 0 : i32
        %dma_wait3A_133 = tpu.memref_slice %arg9[%dma_wait3A_126, %dma_wait3A_132] : memref<2x128xi32, #tpu.memory_space<vmem>> -> memref<1x128xi32, #tpu.memory_space<vmem>>
        %dma_wait3A_134 = tpu.memref_squeeze %dma_wait3A_133 : memref<1x128xi32, #tpu.memory_space<vmem>> -> memref<128xi32, #tpu.memory_space<vmem>>
        %dma_wait3A_135 = arith.constant 0 : i32
        %dma_wait3A_136 = tpu.memref_slice %arg4[%dma_wait3A_135] : memref<320000xi32, #tpu.memory_space<hbm>> -> memref<128xi32, #tpu.memory_space<hbm>>
        tpu.wait_dma2 semaphore(%arg14 : memref<!tpu.dma_semaphore, #tpu.memory_space<semaphore_mem>>) src(%dma_wait3A_136 : memref<128xi32, #tpu.memory_space<hbm>>) dst(%dma_wait3A_134 : memref<128xi32, #tpu.memory_space<vmem>>)
        %dma_wait3A_137 = arith.constant 0 : i32
        %dma_wait3A_138 = arith.constant 0 : i32
        %dma_wait3A_139 = tpu.memref_slice %arg10[%dma_wait3A_137, %dma_wait3A_138] : memref<2x128xf32, #tpu.memory_space<vmem>> -> memref<1x128xf32, #tpu.memory_space<vmem>>
        %dma_wait3A_140 = tpu.memref_squeeze %dma_wait3A_139 : memref<1x128xf32, #tpu.memory_space<vmem>> -> memref<128xf32, #tpu.memory_space<vmem>>
        %dma_wait3A_141 = arith.constant 0 : i32
        %dma_wait3A_142 = tpu.memref_slice %arg5[%dma_wait3A_141] : memref<320000xf32, #tpu.memory_space<hbm>> -> memref<128xf32, #tpu.memory_space<hbm>>
        %dma_wait3A_143 = arith.constant 0 : i32
        %dma_wait3A_144 = tpu.memref_slice %arg10[%dma_wait3A_137, %dma_wait3A_143] : memref<2x128xf32, #tpu.memory_space<vmem>> -> memref<1x128xf32, #tpu.memory_space<vmem>>
        %dma_wait3A_145 = tpu.memref_squeeze %dma_wait3A_144 : memref<1x128xf32, #tpu.memory_space<vmem>> -> memref<128xf32, #tpu.memory_space<vmem>>
        %dma_wait3A_146 = arith.constant 0 : i32
        %dma_wait3A_147 = tpu.memref_slice %arg5[%dma_wait3A_146] : memref<320000xf32, #tpu.memory_space<hbm>> -> memref<128xf32, #tpu.memory_space<hbm>>
        tpu.wait_dma2 semaphore(%arg14 : memref<!tpu.dma_semaphore, #tpu.memory_space<semaphore_mem>>) src(%dma_wait3A_147 : memref<128xf32, #tpu.memory_space<hbm>>) dst(%dma_wait3A_145 : memref<128xf32, #tpu.memory_space<vmem>>)
      } else {
      }
      %add3A_90 = arith.constant 1 : i32
      %add3A_91 = arith.addi %while3A_76, %add3A_90 : i32
      %lt3A_92 = arith.cmpi slt, %add3A_91, %add3A_18 : i32
      %convert_element_type3A_93 = arith.extui %lt3A_92 : i1 to i32
      %cond3A_94 = arith.constant 0 : i32
      %cond3A_95 = arith.cmpi ne, %convert_element_type3A_93, %cond3A_94 : i32
      scf.if %cond3A_95 {
        %add3A_115 = arith.constant 1 : i32
        %add3A_116 = arith.addi %while3A_76, %add3A_115 : i32
        %mul3A_117 = arith.constant 32 : i32
        %mul3A_118 = arith.muli %add3A_116, %mul3A_117 : i32
        %add3A_119 = arith.addi %add3A, %mul3A_118 : i32
        %mul3A_120 = arith.constant 128 : i32
        %mul3A_121 = arith.muli %add3A_119, %mul3A_120 : i32
        %sub3A_122 = arith.constant 1 : i32
        %sub3A_123 = arith.subi %sub3A_122, %rem3A_79 : i32
        %eq3A_124 = arith.constant 0 : i32
        %eq3A_125 = arith.cmpi eq, %sub3A_123, %eq3A_124 : i32
        %convert_element_type3A_126 = arith.extui %eq3A_125 : i1 to i32
        %cond3A_127 = arith.constant 0 : i32
        %cond3A_128 = arith.cmpi ne, %convert_element_type3A_126, %cond3A_127 : i32
        scf.if %cond3A_128 {
          %sub3A_134 = arith.constant 1 : i32
          %sub3A_135 = arith.subi %sub3A_134, %rem3A_79 : i32
          %dma_start3A_136 = arith.constant 0 : i32
          %dma_start3A_137 = tpu.memref_slice %arg8[%sub3A_135, %dma_start3A_136] : memref<2x128xi32, #tpu.memory_space<vmem>> -> memref<1x128xi32, #tpu.memory_space<vmem>>
          %dma_start3A_138 = tpu.memref_squeeze %dma_start3A_137 : memref<1x128xi32, #tpu.memory_space<vmem>> -> memref<128xi32, #tpu.memory_space<vmem>>
          %dma_start3A_139 = tpu.memref_slice %arg3[%mul3A_121] : memref<320000xi32, #tpu.memory_space<hbm>> -> memref<128xi32, #tpu.memory_space<hbm>>
          %dma_start3A_140 = arith.constant 0 : i32
          %dma_start3A_141 = tpu.memref_slice %arg8[%sub3A_135, %dma_start3A_140] : memref<2x128xi32, #tpu.memory_space<vmem>> -> memref<1x128xi32, #tpu.memory_space<vmem>>
          %dma_start3A_142 = tpu.memref_squeeze %dma_start3A_141 : memref<1x128xi32, #tpu.memory_space<vmem>> -> memref<128xi32, #tpu.memory_space<vmem>>
          %dma_start3A_143 = tpu.memref_slice %arg3[%mul3A_121] : memref<320000xi32, #tpu.memory_space<hbm>> -> memref<128xi32, #tpu.memory_space<hbm>>
          tpu.enqueue_dma source(%dma_start3A_143 : memref<128xi32, #tpu.memory_space<hbm>>) target(%dma_start3A_142 : memref<128xi32, #tpu.memory_space<vmem>>) target_semaphore(%arg13 : memref<!tpu.dma_semaphore, #tpu.memory_space<semaphore_mem>>)
          %sub3A_144 = arith.constant 1 : i32
          %sub3A_145 = arith.subi %sub3A_144, %rem3A_79 : i32
          %dma_start3A_146 = arith.constant 0 : i32
          %dma_start3A_147 = tpu.memref_slice %arg9[%sub3A_145, %dma_start3A_146] : memref<2x128xi32, #tpu.memory_space<vmem>> -> memref<1x128xi32, #tpu.memory_space<vmem>>
          %dma_start3A_148 = tpu.memref_squeeze %dma_start3A_147 : memref<1x128xi32, #tpu.memory_space<vmem>> -> memref<128xi32, #tpu.memory_space<vmem>>
          %dma_start3A_149 = tpu.memref_slice %arg4[%mul3A_121] : memref<320000xi32, #tpu.memory_space<hbm>> -> memref<128xi32, #tpu.memory_space<hbm>>
          %dma_start3A_150 = arith.constant 0 : i32
          %dma_start3A_151 = tpu.memref_slice %arg9[%sub3A_145, %dma_start3A_150] : memref<2x128xi32, #tpu.memory_space<vmem>> -> memref<1x128xi32, #tpu.memory_space<vmem>>
          %dma_start3A_152 = tpu.memref_squeeze %dma_start3A_151 : memref<1x128xi32, #tpu.memory_space<vmem>> -> memref<128xi32, #tpu.memory_space<vmem>>
          %dma_start3A_153 = tpu.memref_slice %arg4[%mul3A_121] : memref<320000xi32, #tpu.memory_space<hbm>> -> memref<128xi32, #tpu.memory_space<hbm>>
          tpu.enqueue_dma source(%dma_start3A_153 : memref<128xi32, #tpu.memory_space<hbm>>) target(%dma_start3A_152 : memref<128xi32, #tpu.memory_space<vmem>>) target_semaphore(%arg13 : memref<!tpu.dma_semaphore, #tpu.memory_space<semaphore_mem>>)
          %sub3A_154 = arith.constant 1 : i32
          %sub3A_155 = arith.subi %sub3A_154, %rem3A_79 : i32
          %dma_start3A_156 = arith.constant 0 : i32
          %dma_start3A_157 = tpu.memref_slice %arg10[%sub3A_155, %dma_start3A_156] : memref<2x128xf32, #tpu.memory_space<vmem>> -> memref<1x128xf32, #tpu.memory_space<vmem>>
          %dma_start3A_158 = tpu.memref_squeeze %dma_start3A_157 : memref<1x128xf32, #tpu.memory_space<vmem>> -> memref<128xf32, #tpu.memory_space<vmem>>
          %dma_start3A_159 = tpu.memref_slice %arg5[%mul3A_121] : memref<320000xf32, #tpu.memory_space<hbm>> -> memref<128xf32, #tpu.memory_space<hbm>>
          %dma_start3A_160 = arith.constant 0 : i32
          %dma_start3A_161 = tpu.memref_slice %arg10[%sub3A_155, %dma_start3A_160] : memref<2x128xf32, #tpu.memory_space<vmem>> -> memref<1x128xf32, #tpu.memory_space<vmem>>
          %dma_start3A_162 = tpu.memref_squeeze %dma_start3A_161 : memref<1x128xf32, #tpu.memory_space<vmem>> -> memref<128xf32, #tpu.memory_space<vmem>>
          %dma_start3A_163 = tpu.memref_slice %arg5[%mul3A_121] : memref<320000xf32, #tpu.memory_space<hbm>> -> memref<128xf32, #tpu.memory_space<hbm>>
          tpu.enqueue_dma source(%dma_start3A_163 : memref<128xf32, #tpu.memory_space<hbm>>) target(%dma_start3A_162 : memref<128xf32, #tpu.memory_space<vmem>>) target_semaphore(%arg13 : memref<!tpu.dma_semaphore, #tpu.memory_space<semaphore_mem>>)
        } else {
        }
        %eq3A_129 = arith.constant 1 : i32
        %eq3A_130 = arith.cmpi eq, %sub3A_123, %eq3A_129 : i32
        %convert_element_type3A_131 = arith.extui %eq3A_130 : i1 to i32
        %cond3A_132 = arith.constant 0 : i32
        %cond3A_133 = arith.cmpi ne, %convert_element_type3A_131, %cond3A_132 : i32
        scf.if %cond3A_133 {
          %sub3A_134 = arith.constant 1 : i32
          %sub3A_135 = arith.subi %sub3A_134, %rem3A_79 : i32
          %dma_start3A_136 = arith.constant 0 : i32
          %dma_start3A_137 = tpu.memref_slice %arg8[%sub3A_135, %dma_start3A_136] : memref<2x128xi32, #tpu.memory_space<vmem>> -> memref<1x128xi32, #tpu.memory_space<vmem>>
          %dma_start3A_138 = tpu.memref_squeeze %dma_start3A_137 : memref<1x128xi32, #tpu.memory_space<vmem>> -> memref<128xi32, #tpu.memory_space<vmem>>
          %dma_start3A_139 = tpu.memref_slice %arg3[%mul3A_121] : memref<320000xi32, #tpu.memory_space<hbm>> -> memref<128xi32, #tpu.memory_space<hbm>>
          %dma_start3A_140 = arith.constant 0 : i32
          %dma_start3A_141 = tpu.memref_slice %arg8[%sub3A_135, %dma_start3A_140] : memref<2x128xi32, #tpu.memory_space<vmem>> -> memref<1x128xi32, #tpu.memory_space<vmem>>
          %dma_start3A_142 = tpu.memref_squeeze %dma_start3A_141 : memref<1x128xi32, #tpu.memory_space<vmem>> -> memref<128xi32, #tpu.memory_space<vmem>>
          %dma_start3A_143 = tpu.memref_slice %arg3[%mul3A_121] : memref<320000xi32, #tpu.memory_space<hbm>> -> memref<128xi32, #tpu.memory_space<hbm>>
          tpu.enqueue_dma source(%dma_start3A_143 : memref<128xi32, #tpu.memory_space<hbm>>) target(%dma_start3A_142 : memref<128xi32, #tpu.memory_space<vmem>>) target_semaphore(%arg14 : memref<!tpu.dma_semaphore, #tpu.memory_space<semaphore_mem>>)
          %sub3A_144 = arith.constant 1 : i32
          %sub3A_145 = arith.subi %sub3A_144, %rem3A_79 : i32
          %dma_start3A_146 = arith.constant 0 : i32
          %dma_start3A_147 = tpu.memref_slice %arg9[%sub3A_145, %dma_start3A_146] : memref<2x128xi32, #tpu.memory_space<vmem>> -> memref<1x128xi32, #tpu.memory_space<vmem>>
          %dma_start3A_148 = tpu.memref_squeeze %dma_start3A_147 : memref<1x128xi32, #tpu.memory_space<vmem>> -> memref<128xi32, #tpu.memory_space<vmem>>
          %dma_start3A_149 = tpu.memref_slice %arg4[%mul3A_121] : memref<320000xi32, #tpu.memory_space<hbm>> -> memref<128xi32, #tpu.memory_space<hbm>>
          %dma_start3A_150 = arith.constant 0 : i32
          %dma_start3A_151 = tpu.memref_slice %arg9[%sub3A_145, %dma_start3A_150] : memref<2x128xi32, #tpu.memory_space<vmem>> -> memref<1x128xi32, #tpu.memory_space<vmem>>
          %dma_start3A_152 = tpu.memref_squeeze %dma_start3A_151 : memref<1x128xi32, #tpu.memory_space<vmem>> -> memref<128xi32, #tpu.memory_space<vmem>>
          %dma_start3A_153 = tpu.memref_slice %arg4[%mul3A_121] : memref<320000xi32, #tpu.memory_space<hbm>> -> memref<128xi32, #tpu.memory_space<hbm>>
          tpu.enqueue_dma source(%dma_start3A_153 : memref<128xi32, #tpu.memory_space<hbm>>) target(%dma_start3A_152 : memref<128xi32, #tpu.memory_space<vmem>>) target_semaphore(%arg14 : memref<!tpu.dma_semaphore, #tpu.memory_space<semaphore_mem>>)
          %sub3A_154 = arith.constant 1 : i32
          %sub3A_155 = arith.subi %sub3A_154, %rem3A_79 : i32
          %dma_start3A_156 = arith.constant 0 : i32
          %dma_start3A_157 = tpu.memref_slice %arg10[%sub3A_155, %dma_start3A_156] : memref<2x128xf32, #tpu.memory_space<vmem>> -> memref<1x128xf32, #tpu.memory_space<vmem>>
          %dma_start3A_158 = tpu.memref_squeeze %dma_start3A_157 : memref<1x128xf32, #tpu.memory_space<vmem>> -> memref<128xf32, #tpu.memory_space<vmem>>
          %dma_start3A_159 = tpu.memref_slice %arg5[%mul3A_121] : memref<320000xf32, #tpu.memory_space<hbm>> -> memref<128xf32, #tpu.memory_space<hbm>>
          %dma_start3A_160 = arith.constant 0 : i32
          %dma_start3A_161 = tpu.memref_slice %arg10[%sub3A_155, %dma_start3A_160] : memref<2x128xf32, #tpu.memory_space<vmem>> -> memref<1x128xf32, #tpu.memory_space<vmem>>
          %dma_start3A_162 = tpu.memref_squeeze %dma_start3A_161 : memref<1x128xf32, #tpu.memory_space<vmem>> -> memref<128xf32, #tpu.memory_space<vmem>>
          %dma_start3A_163 = tpu.memref_slice %arg5[%mul3A_121] : memref<320000xf32, #tpu.memory_space<hbm>> -> memref<128xf32, #tpu.memory_space<hbm>>
          tpu.enqueue_dma source(%dma_start3A_163 : memref<128xf32, #tpu.memory_space<hbm>>) target(%dma_start3A_162 : memref<128xf32, #tpu.memory_space<vmem>>) target_semaphore(%arg14 : memref<!tpu.dma_semaphore, #tpu.memory_space<semaphore_mem>>)
        } else {
        }
      } else {
      }
      %dma_start3A_96 = arith.constant 0 : i32
      %dma_start3A_97 = tpu.memref_slice %arg8[%rem3A_79, %dma_start3A_96] : memref<2x128xi32, #tpu.memory_space<vmem>> -> memref<1x128xi32, #tpu.memory_space<vmem>>
      %dma_start3A_98 = tpu.memref_squeeze %dma_start3A_97 : memref<1x128xi32, #tpu.memory_space<vmem>> -> memref<128xi32, #tpu.memory_space<vmem>>
      %dma_start3A_99 = arith.constant 0 : i32
      %dma_start3A_100 = arith.constant 0 : i32
      %dma_start3A_101 = tpu.memref_slice %arg2[%dma_start3A_99, %dma_start3A_100] : memref<10000x128xf32, #tpu.memory_space<hbm>> -> memref<10000x128xf32, #tpu.memory_space<hbm>>
      tpu.enqueue_indirect_dma source(%dma_start3A_101 : memref<10000x128xf32, #tpu.memory_space<hbm>>) target(%arg11 : memref<128x128xf32, #tpu.memory_space<vmem>>) offsets(%dma_start3A_98 : memref<128xi32, #tpu.memory_space<vmem>>) semaphore(%arg12 : memref<!tpu.dma_semaphore, #tpu.memory_space<semaphore_mem>>)
      %dma_wait3A = arith.constant 0 : i32
      %dma_wait3A_102 = tpu.memref_slice %arg8[%rem3A_79, %dma_wait3A] : memref<2x128xi32, #tpu.memory_space<vmem>> -> memref<1x128xi32, #tpu.memory_space<vmem>>
      %dma_wait3A_103 = tpu.memref_squeeze %dma_wait3A_102 : memref<1x128xi32, #tpu.memory_space<vmem>> -> memref<128xi32, #tpu.memory_space<vmem>>
      %dma_wait3A_104 = arith.constant 0 : i32
      %dma_wait3A_105 = arith.constant 0 : i32
      %dma_wait3A_106 = tpu.memref_slice %arg2[%dma_wait3A_104, %dma_wait3A_105] : memref<10000x128xf32, #tpu.memory_space<hbm>> -> memref<10000x128xf32, #tpu.memory_space<hbm>>
      tpu.wait_indirect_dma semaphore(%arg12 : memref<!tpu.dma_semaphore, #tpu.memory_space<semaphore_mem>>) src(%dma_wait3A_106 : memref<10000x128xf32, #tpu.memory_space<hbm>>) dst(%arg11 : memref<128x128xf32, #tpu.memory_space<vmem>>)
      %scan3A_107 = arith.constant 0 : i32
      %scan3A_108 = arith.constant 0 : i32
      %scan3A_109 = arith.constant 64 : i32
      %scan3A_110 = arith.addi %scan3A_108, %scan3A_109 : i32
      %scan3A_111 = arith.constant 1 : i32
      %scan3A_112 = scf.for %scan3A_115 = %scan3A_108 to %scan3A_110 step %scan3A_111 iter_args(%scan3A_116 = %scan3A_107) -> (i32)  : i32 {
        %mul3A_117 = arith.constant 2 : i32
        %mul3A_118 = arith.muli %scan3A_115, %mul3A_117 : i32
        %broadcast_in_dim3A_119 = arith.constant 0 : i32
        %broadcast_in_dim3A_120 = vector.broadcast %broadcast_in_dim3A_119 : i32 to vector<16xi32>
        %add3A_121 = vector.broadcast %mul3A_118 : i32 to vector<16xi32>
        %add3A_122 = arith.addi %add3A_121, %broadcast_in_dim3A_120 : vector<16xi32>
        %gather3A = arith.constant 0 : i32
        %gather3A_123 = tpu.memref_slice %arg10[%rem3A_79, %gather3A] : memref<2x128xf32, #tpu.memory_space<vmem>> -> memref<1x128xf32, #tpu.memory_space<vmem>>
        %gather3A_124 = tpu.memref_squeeze %gather3A_123 : memref<1x128xf32, #tpu.memory_space<vmem>> -> memref<128xf32, #tpu.memory_space<vmem>>
        %gather3A_125 = tpu.vector_load_idx %gather3A_124[%add3A_122] : memref<128xf32, #tpu.memory_space<vmem>>[vector<16xi32>], vector<16xf32>,
        %add3A_126 = arith.constant 1 : i32
        %add3A_127 = arith.addi %mul3A_118, %add3A_126 : i32
        %add3A_128 = vector.broadcast %add3A_127 : i32 to vector<16xi32>
        %add3A_129 = arith.addi %add3A_128, %broadcast_in_dim3A_120 : vector<16xi32>
        %gather3A_130 = arith.constant 0 : i32
        %gather3A_131 = tpu.memref_slice %arg10[%rem3A_79, %gather3A_130] : memref<2x128xf32, #tpu.memory_space<vmem>> -> memref<1x128xf32, #tpu.memory_space<vmem>>
        %gather3A_132 = tpu.memref_squeeze %gather3A_131 : memref<1x128xf32, #tpu.memory_space<vmem>> -> memref<128xf32, #tpu.memory_space<vmem>>
        %gather3A_133 = tpu.vector_load_idx %gather3A_132[%add3A_129] : memref<128xf32, #tpu.memory_space<vmem>>[vector<16xi32>], vector<16xf32>,
        %get3A = arith.index_cast %mul3A_118 : i32 to index
        %get3A_134 = arith.constant 0 : index
        %get3A_135 = tpu.vector_load %arg11[%get3A, %get3A_134] {strides = array<i32>} : memref<128x128xf32, #tpu.memory_space<vmem>>, vector<16xf32>,
        %mul3A_136 = arith.mulf %get3A_135, %gather3A_125 : vector<16xf32>
        %swap3A = arith.index_cast %mul3A_118 : i32 to index
        %swap3A_137 = arith.constant 0 : index
        %swap3A_138 = tpu.vector_load %arg11[%swap3A, %swap3A_137] {strides = array<i32>} : memref<128x128xf32, #tpu.memory_space<vmem>>, vector<16xf32>,
        tpu.vector_store %arg11[%swap3A, %swap3A_137], %mul3A_136 {strides = array<i32>} : memref<128x128xf32, #tpu.memory_space<vmem>>, vector<16xf32>,
        %add3A_139 = arith.constant 1 : i32
        %add3A_140 = arith.addi %mul3A_118, %add3A_139 : i32
        %get3A_141 = arith.index_cast %add3A_140 : i32 to index
        %get3A_142 = arith.constant 0 : index
        %get3A_143 = tpu.vector_load %arg11[%get3A_141, %get3A_142] {strides = array<i32>} : memref<128x128xf32, #tpu.memory_space<vmem>>, vector<16xf32>,
        %mul3A_144 = arith.mulf %get3A_143, %gather3A_133 : vector<16xf32>
        %add3A_145 = arith.constant 1 : i32
        %add3A_146 = arith.addi %mul3A_118, %add3A_145 : i32
        %swap3A_147 = arith.index_cast %add3A_146 : i32 to index
        %swap3A_148 = arith.constant 0 : index
        %swap3A_149 = tpu.vector_load %arg11[%swap3A_147, %swap3A_148] {strides = array<i32>} : memref<128x128xf32, #tpu.memory_space<vmem>>, vector<16xf32>,
        tpu.vector_store %arg11[%swap3A_147, %swap3A_148], %mul3A_144 {strides = array<i32>} : memref<128x128xf32, #tpu.memory_space<vmem>>, vector<16xf32>,
        %get3A_150 = arith.index_cast %mul3A_118 : i32 to index
        %get3A_151 = arith.constant 16 : index
        %get3A_152 = tpu.vector_load %arg11[%get3A_150, %get3A_151] {strides = array<i32>} : memref<128x128xf32, #tpu.memory_space<vmem>>, vector<16xf32>,
        %mul3A_153 = arith.mulf %get3A_152, %gather3A_125 : vector<16xf32>
        %swap3A_154 = arith.index_cast %mul3A_118 : i32 to index
        %swap3A_155 = arith.constant 16 : index
        %swap3A_156 = tpu.vector_load %arg11[%swap3A_154, %swap3A_155] {strides = array<i32>} : memref<128x128xf32, #tpu.memory_space<vmem>>, vector<16xf32>,
        tpu.vector_store %arg11[%swap3A_154, %swap3A_155], %mul3A_153 {strides = array<i32>} : memref<128x128xf32, #tpu.memory_space<vmem>>, vector<16xf32>,
        %add3A_157 = arith.constant 1 : i32
        %add3A_158 = arith.addi %mul3A_118, %add3A_157 : i32
        %get3A_159 = arith.index_cast %add3A_158 : i32 to index
        %get3A_160 = arith.constant 16 : index
        %get3A_161 = tpu.vector_load %arg11[%get3A_159, %get3A_160] {strides = array<i32>} : memref<128x128xf32, #tpu.memory_space<vmem>>, vector<16xf32>,
        %mul3A_162 = arith.mulf %get3A_161, %gather3A_133 : vector<16xf32>
        %add3A_163 = arith.constant 1 : i32
        %add3A_164 = arith.addi %mul3A_118, %add3A_163 : i32
        %swap3A_165 = arith.index_cast %add3A_164 : i32 to index
        %swap3A_166 = arith.constant 16 : index
        %swap3A_167 = tpu.vector_load %arg11[%swap3A_165, %swap3A_166] {strides = array<i32>} : memref<128x128xf32, #tpu.memory_space<vmem>>, vector<16xf32>,
        tpu.vector_store %arg11[%swap3A_165, %swap3A_166], %mul3A_162 {strides = array<i32>} : memref<128x128xf32, #tpu.memory_space<vmem>>, vector<16xf32>,
        %get3A_168 = arith.index_cast %mul3A_118 : i32 to index
        %get3A_169 = arith.constant 32 : index
        %get3A_170 = tpu.vector_load %arg11[%get3A_168, %get3A_169] {strides = array<i32>} : memref<128x128xf32, #tpu.memory_space<vmem>>, vector<16xf32>,
        %mul3A_171 = arith.mulf %get3A_170, %gather3A_125 : vector<16xf32>
        %swap3A_172 = arith.index_cast %mul3A_118 : i32 to index
        %swap3A_173 = arith.constant 32 : index
        %swap3A_174 = tpu.vector_load %arg11[%swap3A_172, %swap3A_173] {strides = array<i32>} : memref<128x128xf32, #tpu.memory_space<vmem>>, vector<16xf32>,
        tpu.vector_store %arg11[%swap3A_172, %swap3A_173], %mul3A_171 {strides = array<i32>} : memref<128x128xf32, #tpu.memory_space<vmem>>, vector<16xf32>,
        %add3A_175 = arith.constant 1 : i32
        %add3A_176 = arith.addi %mul3A_118, %add3A_175 : i32
        %get3A_177 = arith.index_cast %add3A_176 : i32 to index
        %get3A_178 = arith.constant 32 : index
        %get3A_179 = tpu.vector_load %arg11[%get3A_177, %get3A_178] {strides = array<i32>} : memref<128x128xf32, #tpu.memory_space<vmem>>, vector<16xf32>,
        %mul3A_180 = arith.mulf %get3A_179, %gather3A_133 : vector<16xf32>
        %add3A_181 = arith.constant 1 : i32
        %add3A_182 = arith.addi %mul3A_118, %add3A_181 : i32
        %swap3A_183 = arith.index_cast %add3A_182 : i32 to index
        %swap3A_184 = arith.constant 32 : index
        %swap3A_185 = tpu.vector_load %arg11[%swap3A_183, %swap3A_184] {strides = array<i32>} : memref<128x128xf32, #tpu.memory_space<vmem>>, vector<16xf32>,
        tpu.vector_store %arg11[%swap3A_183, %swap3A_184], %mul3A_180 {strides = array<i32>} : memref<128x128xf32, #tpu.memory_space<vmem>>, vector<16xf32>,
        %get3A_186 = arith.index_cast %mul3A_118 : i32 to index
        %get3A_187 = arith.constant 48 : index
        %get3A_188 = tpu.vector_load %arg11[%get3A_186, %get3A_187] {strides = array<i32>} : memref<128x128xf32, #tpu.memory_space<vmem>>, vector<16xf32>,
        %mul3A_189 = arith.mulf %get3A_188, %gather3A_125 : vector<16xf32>
        %swap3A_190 = arith.index_cast %mul3A_118 : i32 to index
        %swap3A_191 = arith.constant 48 : index
        %swap3A_192 = tpu.vector_load %arg11[%swap3A_190, %swap3A_191] {strides = array<i32>} : memref<128x128xf32, #tpu.memory_space<vmem>>, vector<16xf32>,
        tpu.vector_store %arg11[%swap3A_190, %swap3A_191], %mul3A_189 {strides = array<i32>} : memref<128x128xf32, #tpu.memory_space<vmem>>, vector<16xf32>,
        %add3A_193 = arith.constant 1 : i32
        %add3A_194 = arith.addi %mul3A_118, %add3A_193 : i32
        %get3A_195 = arith.index_cast %add3A_194 : i32 to index
        %get3A_196 = arith.constant 48 : index
        %get3A_197 = tpu.vector_load %arg11[%get3A_195, %get3A_196] {strides = array<i32>} : memref<128x128xf32, #tpu.memory_space<vmem>>, vector<16xf32>,
        %mul3A_198 = arith.mulf %get3A_197, %gather3A_133 : vector<16xf32>
        %add3A_199 = arith.constant 1 : i32
        %add3A_200 = arith.addi %mul3A_118, %add3A_199 : i32
        %swap3A_201 = arith.index_cast %add3A_200 : i32 to index
        %swap3A_202 = arith.constant 48 : index
        %swap3A_203 = tpu.vector_load %arg11[%swap3A_201, %swap3A_202] {strides = array<i32>} : memref<128x128xf32, #tpu.memory_space<vmem>>, vector<16xf32>,
        tpu.vector_store %arg11[%swap3A_201, %swap3A_202], %mul3A_198 {strides = array<i32>} : memref<128x128xf32, #tpu.memory_space<vmem>>, vector<16xf32>,
        %get3A_204 = arith.index_cast %mul3A_118 : i32 to index
        %get3A_205 = arith.constant 64 : index
        %get3A_206 = tpu.vector_load %arg11[%get3A_204, %get3A_205] {strides = array<i32>} : memref<128x128xf32, #tpu.memory_space<vmem>>, vector<16xf32>,
        %mul3A_207 = arith.mulf %get3A_206, %gather3A_125 : vector<16xf32>
        %swap3A_208 = arith.index_cast %mul3A_118 : i32 to index
        %swap3A_209 = arith.constant 64 : index
        %swap3A_210 = tpu.vector_load %arg11[%swap3A_208, %swap3A_209] {strides = array<i32>} : memref<128x128xf32, #tpu.memory_space<vmem>>, vector<16xf32>,
        tpu.vector_store %arg11[%swap3A_208, %swap3A_209], %mul3A_207 {strides = array<i32>} : memref<128x128xf32, #tpu.memory_space<vmem>>, vector<16xf32>,
        %add3A_211 = arith.constant 1 : i32
        %add3A_212 = arith.addi %mul3A_118, %add3A_211 : i32
        %get3A_213 = arith.index_cast %add3A_212 : i32 to index
        %get3A_214 = arith.constant 64 : index
        %get3A_215 = tpu.vector_load %arg11[%get3A_213, %get3A_214] {strides = array<i32>} : memref<128x128xf32, #tpu.memory_space<vmem>>, vector<16xf32>,
        %mul3A_216 = arith.mulf %get3A_215, %gather3A_133 : vector<16xf32>
        %add3A_217 = arith.constant 1 : i32
        %add3A_218 = arith.addi %mul3A_118, %add3A_217 : i32
        %swap3A_219 = arith.index_cast %add3A_218 : i32 to index
        %swap3A_220 = arith.constant 64 : index
        %swap3A_221 = tpu.vector_load %arg11[%swap3A_219, %swap3A_220] {strides = array<i32>} : memref<128x128xf32, #tpu.memory_space<vmem>>, vector<16xf32>,
        tpu.vector_store %arg11[%swap3A_219, %swap3A_220], %mul3A_216 {strides = array<i32>} : memref<128x128xf32, #tpu.memory_space<vmem>>, vector<16xf32>,
        %get3A_222 = arith.index_cast %mul3A_118 : i32 to index
        %get3A_223 = arith.constant 80 : index
        %get3A_224 = tpu.vector_load %arg11[%get3A_222, %get3A_223] {strides = array<i32>} : memref<128x128xf32, #tpu.memory_space<vmem>>, vector<16xf32>,
        %mul3A_225 = arith.mulf %get3A_224, %gather3A_125 : vector<16xf32>
        %swap3A_226 = arith.index_cast %mul3A_118 : i32 to index
        %swap3A_227 = arith.constant 80 : index
        %swap3A_228 = tpu.vector_load %arg11[%swap3A_226, %swap3A_227] {strides = array<i32>} : memref<128x128xf32, #tpu.memory_space<vmem>>, vector<16xf32>,
        tpu.vector_store %arg11[%swap3A_226, %swap3A_227], %mul3A_225 {strides = array<i32>} : memref<128x128xf32, #tpu.memory_space<vmem>>, vector<16xf32>,
        %add3A_229 = arith.constant 1 : i32
        %add3A_230 = arith.addi %mul3A_118, %add3A_229 : i32
        %get3A_231 = arith.index_cast %add3A_230 : i32 to index
        %get3A_232 = arith.constant 80 : index
        %get3A_233 = tpu.vector_load %arg11[%get3A_231, %get3A_232] {strides = array<i32>} : memref<128x128xf32, #tpu.memory_space<vmem>>, vector<16xf32>,
        %mul3A_234 = arith.mulf %get3A_233, %gather3A_133 : vector<16xf32>
        %add3A_235 = arith.constant 1 : i32
        %add3A_236 = arith.addi %mul3A_118, %add3A_235 : i32
        %swap3A_237 = arith.index_cast %add3A_236 : i32 to index
        %swap3A_238 = arith.constant 80 : index
        %swap3A_239 = tpu.vector_load %arg11[%swap3A_237, %swap3A_238] {strides = array<i32>} : memref<128x128xf32, #tpu.memory_space<vmem>>, vector<16xf32>,
        tpu.vector_store %arg11[%swap3A_237, %swap3A_238], %mul3A_234 {strides = array<i32>} : memref<128x128xf32, #tpu.memory_space<vmem>>, vector<16xf32>,
        %get3A_240 = arith.index_cast %mul3A_118 : i32 to index
        %get3A_241 = arith.constant 96 : index
        %get3A_242 = tpu.vector_load %arg11[%get3A_240, %get3A_241] {strides = array<i32>} : memref<128x128xf32, #tpu.memory_space<vmem>>, vector<16xf32>,
        %mul3A_243 = arith.mulf %get3A_242, %gather3A_125 : vector<16xf32>
        %swap3A_244 = arith.index_cast %mul3A_118 : i32 to index
        %swap3A_245 = arith.constant 96 : index
        %swap3A_246 = tpu.vector_load %arg11[%swap3A_244, %swap3A_245] {strides = array<i32>} : memref<128x128xf32, #tpu.memory_space<vmem>>, vector<16xf32>,
        tpu.vector_store %arg11[%swap3A_244, %swap3A_245], %mul3A_243 {strides = array<i32>} : memref<128x128xf32, #tpu.memory_space<vmem>>, vector<16xf32>,
        %add3A_247 = arith.constant 1 : i32
        %add3A_248 = arith.addi %mul3A_118, %add3A_247 : i32
        %get3A_249 = arith.index_cast %add3A_248 : i32 to index
        %get3A_250 = arith.constant 96 : index
        %get3A_251 = tpu.vector_load %arg11[%get3A_249, %get3A_250] {strides = array<i32>} : memref<128x128xf32, #tpu.memory_space<vmem>>, vector<16xf32>,
        %mul3A_252 = arith.mulf %get3A_251, %gather3A_133 : vector<16xf32>
        %add3A_253 = arith.constant 1 : i32
        %add3A_254 = arith.addi %mul3A_118, %add3A_253 : i32
        %swap3A_255 = arith.index_cast %add3A_254 : i32 to index
        %swap3A_256 = arith.constant 96 : index
        %swap3A_257 = tpu.vector_load %arg11[%swap3A_255, %swap3A_256] {strides = array<i32>} : memref<128x128xf32, #tpu.memory_space<vmem>>, vector<16xf32>,
        tpu.vector_store %arg11[%swap3A_255, %swap3A_256], %mul3A_252 {strides = array<i32>} : memref<128x128xf32, #tpu.memory_space<vmem>>, vector<16xf32>,
        %get3A_258 = arith.index_cast %mul3A_118 : i32 to index
        %get3A_259 = arith.constant 112 : index
        %get3A_260 = tpu.vector_load %arg11[%get3A_258, %get3A_259] {strides = array<i32>} : memref<128x128xf32, #tpu.memory_space<vmem>>, vector<16xf32>,
        %mul3A_261 = arith.mulf %get3A_260, %gather3A_125 : vector<16xf32>
        %swap3A_262 = arith.index_cast %mul3A_118 : i32 to index
        %swap3A_263 = arith.constant 112 : index
        %swap3A_264 = tpu.vector_load %arg11[%swap3A_262, %swap3A_263] {strides = array<i32>} : memref<128x128xf32, #tpu.memory_space<vmem>>, vector<16xf32>,
        tpu.vector_store %arg11[%swap3A_262, %swap3A_263], %mul3A_261 {strides = array<i32>} : memref<128x128xf32, #tpu.memory_space<vmem>>, vector<16xf32>,
        %add3A_265 = arith.constant 1 : i32
        %add3A_266 = arith.addi %mul3A_118, %add3A_265 : i32
        %get3A_267 = arith.index_cast %add3A_266 : i32 to index
        %get3A_268 = arith.constant 112 : index
        %get3A_269 = tpu.vector_load %arg11[%get3A_267, %get3A_268] {strides = array<i32>} : memref<128x128xf32, #tpu.memory_space<vmem>>, vector<16xf32>,
        %mul3A_270 = arith.mulf %get3A_269, %gather3A_133 : vector<16xf32>
        %add3A_271 = arith.constant 1 : i32
        %add3A_272 = arith.addi %mul3A_118, %add3A_271 : i32
        %swap3A_273 = arith.index_cast %add3A_272 : i32 to index
        %swap3A_274 = arith.constant 112 : index
        %swap3A_275 = tpu.vector_load %arg11[%swap3A_273, %swap3A_274] {strides = array<i32>} : memref<128x128xf32, #tpu.memory_space<vmem>>, vector<16xf32>,
        tpu.vector_store %arg11[%swap3A_273, %swap3A_274], %mul3A_270 {strides = array<i32>} : memref<128x128xf32, #tpu.memory_space<vmem>>, vector<16xf32>,
        %scan3A_276 = arith.constant 0 : i32
        scf.yield %scan3A_276 : i32
      }
      %scan3A_113 = arith.constant 64 : i32
      "tpu.region"() ({
        %run_scoped3A = tpu.sem_alloc : memref<!tpu.dma_semaphore, #tpu.memory_space<semaphore_mem>>
        %dma_start3A_115 = arith.constant 0 : i32
        %dma_start3A_116 = tpu.memref_slice %arg9[%rem3A_79, %dma_start3A_115] : memref<2x128xi32, #tpu.memory_space<vmem>> -> memref<1x128xi32, #tpu.memory_space<vmem>>
        %dma_start3A_117 = tpu.memref_squeeze %dma_start3A_116 : memref<1x128xi32, #tpu.memory_space<vmem>> -> memref<128xi32, #tpu.memory_space<vmem>>
        %dma_start3A_118 = arith.constant 0 : i32
        %dma_start3A_119 = arith.constant 0 : i32
        %dma_start3A_120 = tpu.memref_slice %arg7[%dma_start3A_118, %dma_start3A_119] : memref<10000x128xf32, #tpu.memory_space<vmem_shared>> -> memref<10000x128xf32, #tpu.memory_space<vmem_shared>>
        tpu.enqueue_indirect_dma source(%arg11 : memref<128x128xf32, #tpu.memory_space<vmem>>) target(%dma_start3A_120 : memref<10000x128xf32, #tpu.memory_space<vmem_shared>>) offsets(%dma_start3A_117 : memref<128xi32, #tpu.memory_space<vmem>>) semaphore(%run_scoped3A : memref<!tpu.dma_semaphore, #tpu.memory_space<semaphore_mem>>) {add = true}
        %dma_wait3A_121 = arith.constant 0 : i32
        %dma_wait3A_122 = tpu.memref_slice %arg9[%rem3A_79, %dma_wait3A_121] : memref<2x128xi32, #tpu.memory_space<vmem>> -> memref<1x128xi32, #tpu.memory_space<vmem>>
        %dma_wait3A_123 = tpu.memref_squeeze %dma_wait3A_122 : memref<1x128xi32, #tpu.memory_space<vmem>> -> memref<128xi32, #tpu.memory_space<vmem>>
        %dma_wait3A_124 = arith.constant 0 : i32
        %dma_wait3A_125 = arith.constant 0 : i32
        %dma_wait3A_126 = tpu.memref_slice %arg7[%dma_wait3A_124, %dma_wait3A_125] : memref<10000x128xf32, #tpu.memory_space<vmem_shared>> -> memref<10000x128xf32, #tpu.memory_space<vmem_shared>>
        tpu.wait_indirect_dma semaphore(%run_scoped3A : memref<!tpu.dma_semaphore, #tpu.memory_space<semaphore_mem>>) src(%arg11 : memref<128x128xf32, #tpu.memory_space<vmem>>) dst(%dma_wait3A_126 : memref<10000x128xf32, #tpu.memory_space<vmem_shared>>)
        tpu.yield
      }) : () -> ()
      %while3A_114 = arith.constant 0 : i32
      scf.yield %while3A_114 : i32
    }
    %while3A_56 = arith.constant 1 : i32
    %while3A_57 = scf.for %while3A_76 = %while3A_53 to %while3A_49 step %while3A_56 iter_args(%while3A_77 = %while3A_55) -> (i32)  : i32 {
      %rem3A_78 = arith.constant 2 : i32
      %rem3A_79 = arith.remsi %while3A_76, %rem3A_78 : i32
      %eq3A_80 = arith.constant 0 : i32
      %eq3A_81 = arith.cmpi eq, %rem3A_79, %eq3A_80 : i32
      %convert_element_type3A_82 = arith.extui %eq3A_81 : i1 to i32
      %cond3A_83 = arith.constant 0 : i32
      %cond3A_84 = arith.cmpi ne, %convert_element_type3A_82, %cond3A_83 : i32
      scf.if %cond3A_84 {
        %dma_wait3A_115 = arith.constant 0 : i32
        %dma_wait3A_116 = arith.constant 0 : i32
        %dma_wait3A_117 = tpu.memref_slice %arg8[%dma_wait3A_115, %dma_wait3A_116] : memref<2x128xi32, #tpu.memory_space<vmem>> -> memref<1x128xi32, #tpu.memory_space<vmem>>
        %dma_wait3A_118 = tpu.memref_squeeze %dma_wait3A_117 : memref<1x128xi32, #tpu.memory_space<vmem>> -> memref<128xi32, #tpu.memory_space<vmem>>
        %dma_wait3A_119 = arith.constant 0 : i32
        %dma_wait3A_120 = tpu.memref_slice %arg3[%dma_wait3A_119] : memref<320000xi32, #tpu.memory_space<hbm>> -> memref<128xi32, #tpu.memory_space<hbm>>
        %dma_wait3A_121 = arith.constant 0 : i32
        %dma_wait3A_122 = tpu.memref_slice %arg8[%dma_wait3A_115, %dma_wait3A_121] : memref<2x128xi32, #tpu.memory_space<vmem>> -> memref<1x128xi32, #tpu.memory_space<vmem>>
        %dma_wait3A_123 = tpu.memref_squeeze %dma_wait3A_122 : memref<1x128xi32, #tpu.memory_space<vmem>> -> memref<128xi32, #tpu.memory_space<vmem>>
        %dma_wait3A_124 = arith.constant 0 : i32
        %dma_wait3A_125 = tpu.memref_slice %arg3[%dma_wait3A_124] : memref<320000xi32, #tpu.memory_space<hbm>> -> memref<128xi32, #tpu.memory_space<hbm>>
        tpu.wait_dma2 semaphore(%arg13 : memref<!tpu.dma_semaphore, #tpu.memory_space<semaphore_mem>>) src(%dma_wait3A_125 : memref<128xi32, #tpu.memory_space<hbm>>) dst(%dma_wait3A_123 : memref<128xi32, #tpu.memory_space<vmem>>)
        %dma_wait3A_126 = arith.constant 0 : i32
        %dma_wait3A_127 = arith.constant 0 : i32
        %dma_wait3A_128 = tpu.memref_slice %arg9[%dma_wait3A_126, %dma_wait3A_127] : memref<2x128xi32, #tpu.memory_space<vmem>> -> memref<1x128xi32, #tpu.memory_space<vmem>>
        %dma_wait3A_129 = tpu.memref_squeeze %dma_wait3A_128 : memref<1x128xi32, #tpu.memory_space<vmem>> -> memref<128xi32, #tpu.memory_space<vmem>>
        %dma_wait3A_130 = arith.constant 0 : i32
        %dma_wait3A_131 = tpu.memref_slice %arg4[%dma_wait3A_130] : memref<320000xi32, #tpu.memory_space<hbm>> -> memref<128xi32, #tpu.memory_space<hbm>>
        %dma_wait3A_132 = arith.constant 0 : i32
        %dma_wait3A_133 = tpu.memref_slice %arg9[%dma_wait3A_126, %dma_wait3A_132] : memref<2x128xi32, #tpu.memory_space<vmem>> -> memref<1x128xi32, #tpu.memory_space<vmem>>
        %dma_wait3A_134 = tpu.memref_squeeze %dma_wait3A_133 : memref<1x128xi32, #tpu.memory_space<vmem>> -> memref<128xi32, #tpu.memory_space<vmem>>
        %dma_wait3A_135 = arith.constant 0 : i32
        %dma_wait3A_136 = tpu.memref_slice %arg4[%dma_wait3A_135] : memref<320000xi32, #tpu.memory_space<hbm>> -> memref<128xi32, #tpu.memory_space<hbm>>
        tpu.wait_dma2 semaphore(%arg13 : memref<!tpu.dma_semaphore, #tpu.memory_space<semaphore_mem>>) src(%dma_wait3A_136 : memref<128xi32, #tpu.memory_space<hbm>>) dst(%dma_wait3A_134 : memref<128xi32, #tpu.memory_space<vmem>>)
        %dma_wait3A_137 = arith.constant 0 : i32
        %dma_wait3A_138 = arith.constant 0 : i32
        %dma_wait3A_139 = tpu.memref_slice %arg10[%dma_wait3A_137, %dma_wait3A_138] : memref<2x128xf32, #tpu.memory_space<vmem>> -> memref<1x128xf32, #tpu.memory_space<vmem>>
        %dma_wait3A_140 = tpu.memref_squeeze %dma_wait3A_139 : memref<1x128xf32, #tpu.memory_space<vmem>> -> memref<128xf32, #tpu.memory_space<vmem>>
        %dma_wait3A_141 = arith.constant 0 : i32
        %dma_wait3A_142 = tpu.memref_slice %arg5[%dma_wait3A_141] : memref<320000xf32, #tpu.memory_space<hbm>> -> memref<128xf32, #tpu.memory_space<hbm>>
        %dma_wait3A_143 = arith.constant 0 : i32
        %dma_wait3A_144 = tpu.memref_slice %arg10[%dma_wait3A_137, %dma_wait3A_143] : memref<2x128xf32, #tpu.memory_space<vmem>> -> memref<1x128xf32, #tpu.memory_space<vmem>>
        %dma_wait3A_145 = tpu.memref_squeeze %dma_wait3A_144 : memref<1x128xf32, #tpu.memory_space<vmem>> -> memref<128xf32, #tpu.memory_space<vmem>>
        %dma_wait3A_146 = arith.constant 0 : i32
        %dma_wait3A_147 = tpu.memref_slice %arg5[%dma_wait3A_146] : memref<320000xf32, #tpu.memory_space<hbm>> -> memref<128xf32, #tpu.memory_space<hbm>>
        tpu.wait_dma2 semaphore(%arg13 : memref<!tpu.dma_semaphore, #tpu.memory_space<semaphore_mem>>) src(%dma_wait3A_147 : memref<128xf32, #tpu.memory_space<hbm>>) dst(%dma_wait3A_145 : memref<128xf32, #tpu.memory_space<vmem>>)
      } else {
      }
      %eq3A_85 = arith.constant 1 : i32
      %eq3A_86 = arith.cmpi eq, %rem3A_79, %eq3A_85 : i32
      %convert_element_type3A_87 = arith.extui %eq3A_86 : i1 to i32
      %cond3A_88 = arith.constant 0 : i32
      %cond3A_89 = arith.cmpi ne, %convert_element_type3A_87, %cond3A_88 : i32
      scf.if %cond3A_89 {
        %dma_wait3A_115 = arith.constant 0 : i32
        %dma_wait3A_116 = arith.constant 0 : i32
        %dma_wait3A_117 = tpu.memref_slice %arg8[%dma_wait3A_115, %dma_wait3A_116] : memref<2x128xi32, #tpu.memory_space<vmem>> -> memref<1x128xi32, #tpu.memory_space<vmem>>
        %dma_wait3A_118 = tpu.memref_squeeze %dma_wait3A_117 : memref<1x128xi32, #tpu.memory_space<vmem>> -> memref<128xi32, #tpu.memory_space<vmem>>
        %dma_wait3A_119 = arith.constant 0 : i32
        %dma_wait3A_120 = tpu.memref_slice %arg3[%dma_wait3A_119] : memref<320000xi32, #tpu.memory_space<hbm>> -> memref<128xi32, #tpu.memory_space<hbm>>
        %dma_wait3A_121 = arith.constant 0 : i32
        %dma_wait3A_122 = tpu.memref_slice %arg8[%dma_wait3A_115, %dma_wait3A_121] : memref<2x128xi32, #tpu.memory_space<vmem>> -> memref<1x128xi32, #tpu.memory_space<vmem>>
        %dma_wait3A_123 = tpu.memref_squeeze %dma_wait3A_122 : memref<1x128xi32, #tpu.memory_space<vmem>> -> memref<128xi32, #tpu.memory_space<vmem>>
        %dma_wait3A_124 = arith.constant 0 : i32
        %dma_wait3A_125 = tpu.memref_slice %arg3[%dma_wait3A_124] : memref<320000xi32, #tpu.memory_space<hbm>> -> memref<128xi32, #tpu.memory_space<hbm>>
        tpu.wait_dma2 semaphore(%arg14 : memref<!tpu.dma_semaphore, #tpu.memory_space<semaphore_mem>>) src(%dma_wait3A_125 : memref<128xi32, #tpu.memory_space<hbm>>) dst(%dma_wait3A_123 : memref<128xi32, #tpu.memory_space<vmem>>)
        %dma_wait3A_126 = arith.constant 0 : i32
        %dma_wait3A_127 = arith.constant 0 : i32
        %dma_wait3A_128 = tpu.memref_slice %arg9[%dma_wait3A_126, %dma_wait3A_127] : memref<2x128xi32, #tpu.memory_space<vmem>> -> memref<1x128xi32, #tpu.memory_space<vmem>>
        %dma_wait3A_129 = tpu.memref_squeeze %dma_wait3A_128 : memref<1x128xi32, #tpu.memory_space<vmem>> -> memref<128xi32, #tpu.memory_space<vmem>>
        %dma_wait3A_130 = arith.constant 0 : i32
        %dma_wait3A_131 = tpu.memref_slice %arg4[%dma_wait3A_130] : memref<320000xi32, #tpu.memory_space<hbm>> -> memref<128xi32, #tpu.memory_space<hbm>>
        %dma_wait3A_132 = arith.constant 0 : i32
        %dma_wait3A_133 = tpu.memref_slice %arg9[%dma_wait3A_126, %dma_wait3A_132] : memref<2x128xi32, #tpu.memory_space<vmem>> -> memref<1x128xi32, #tpu.memory_space<vmem>>
        %dma_wait3A_134 = tpu.memref_squeeze %dma_wait3A_133 : memref<1x128xi32, #tpu.memory_space<vmem>> -> memref<128xi32, #tpu.memory_space<vmem>>
        %dma_wait3A_135 = arith.constant 0 : i32
        %dma_wait3A_136 = tpu.memref_slice %arg4[%dma_wait3A_135] : memref<320000xi32, #tpu.memory_space<hbm>> -> memref<128xi32, #tpu.memory_space<hbm>>
        tpu.wait_dma2 semaphore(%arg14 : memref<!tpu.dma_semaphore, #tpu.memory_space<semaphore_mem>>) src(%dma_wait3A_136 : memref<128xi32, #tpu.memory_space<hbm>>) dst(%dma_wait3A_134 : memref<128xi32, #tpu.memory_space<vmem>>)
        %dma_wait3A_137 = arith.constant 0 : i32
        %dma_wait3A_138 = arith.constant 0 : i32
        %dma_wait3A_139 = tpu.memref_slice %arg10[%dma_wait3A_137, %dma_wait3A_138] : memref<2x128xf32, #tpu.memory_space<vmem>> -> memref<1x128xf32, #tpu.memory_space<vmem>>
        %dma_wait3A_140 = tpu.memref_squeeze %dma_wait3A_139 : memref<1x128xf32, #tpu.memory_space<vmem>> -> memref<128xf32, #tpu.memory_space<vmem>>
        %dma_wait3A_141 = arith.constant 0 : i32
        %dma_wait3A_142 = tpu.memref_slice %arg5[%dma_wait3A_141] : memref<320000xf32, #tpu.memory_space<hbm>> -> memref<128xf32, #tpu.memory_space<hbm>>
        %dma_wait3A_143 = arith.constant 0 : i32
        %dma_wait3A_144 = tpu.memref_slice %arg10[%dma_wait3A_137, %dma_wait3A_143] : memref<2x128xf32, #tpu.memory_space<vmem>> -> memref<1x128xf32, #tpu.memory_space<vmem>>
        %dma_wait3A_145 = tpu.memref_squeeze %dma_wait3A_144 : memref<1x128xf32, #tpu.memory_space<vmem>> -> memref<128xf32, #tpu.memory_space<vmem>>
        %dma_wait3A_146 = arith.constant 0 : i32
        %dma_wait3A_147 = tpu.memref_slice %arg5[%dma_wait3A_146] : memref<320000xf32, #tpu.memory_space<hbm>> -> memref<128xf32, #tpu.memory_space<hbm>>
        tpu.wait_dma2 semaphore(%arg14 : memref<!tpu.dma_semaphore, #tpu.memory_space<semaphore_mem>>) src(%dma_wait3A_147 : memref<128xf32, #tpu.memory_space<hbm>>) dst(%dma_wait3A_145 : memref<128xf32, #tpu.memory_space<vmem>>)
      } else {
      }
      %add3A_90 = arith.constant 1 : i32
      %add3A_91 = arith.addi %while3A_76, %add3A_90 : i32
      %lt3A_92 = arith.cmpi slt, %add3A_91, %add3A_18 : i32
      %convert_element_type3A_93 = arith.extui %lt3A_92 : i1 to i32
      %cond3A_94 = arith.constant 0 : i32
      %cond3A_95 = arith.cmpi ne, %convert_element_type3A_93, %cond3A_94 : i32
      scf.if %cond3A_95 {
        %add3A_115 = arith.constant 1 : i32
        %add3A_116 = arith.addi %while3A_76, %add3A_115 : i32
        %mul3A_117 = arith.constant 32 : i32
        %mul3A_118 = arith.muli %add3A_116, %mul3A_117 : i32
        %add3A_119 = arith.addi %add3A, %mul3A_118 : i32
        %mul3A_120 = arith.constant 128 : i32
        %mul3A_121 = arith.muli %add3A_119, %mul3A_120 : i32
        %sub3A_122 = arith.constant 1 : i32
        %sub3A_123 = arith.subi %sub3A_122, %rem3A_79 : i32
        %eq3A_124 = arith.constant 0 : i32
        %eq3A_125 = arith.cmpi eq, %sub3A_123, %eq3A_124 : i32
        %convert_element_type3A_126 = arith.extui %eq3A_125 : i1 to i32
        %cond3A_127 = arith.constant 0 : i32
        %cond3A_128 = arith.cmpi ne, %convert_element_type3A_126, %cond3A_127 : i32
        scf.if %cond3A_128 {
          %sub3A_134 = arith.constant 1 : i32
          %sub3A_135 = arith.subi %sub3A_134, %rem3A_79 : i32
          %dma_start3A_136 = arith.constant 0 : i32
          %dma_start3A_137 = tpu.memref_slice %arg8[%sub3A_135, %dma_start3A_136] : memref<2x128xi32, #tpu.memory_space<vmem>> -> memref<1x128xi32, #tpu.memory_space<vmem>>
          %dma_start3A_138 = tpu.memref_squeeze %dma_start3A_137 : memref<1x128xi32, #tpu.memory_space<vmem>> -> memref<128xi32, #tpu.memory_space<vmem>>
          %dma_start3A_139 = tpu.memref_slice %arg3[%mul3A_121] : memref<320000xi32, #tpu.memory_space<hbm>> -> memref<128xi32, #tpu.memory_space<hbm>>
          %dma_start3A_140 = arith.constant 0 : i32
          %dma_start3A_141 = tpu.memref_slice %arg8[%sub3A_135, %dma_start3A_140] : memref<2x128xi32, #tpu.memory_space<vmem>> -> memref<1x128xi32, #tpu.memory_space<vmem>>
          %dma_start3A_142 = tpu.memref_squeeze %dma_start3A_141 : memref<1x128xi32, #tpu.memory_space<vmem>> -> memref<128xi32, #tpu.memory_space<vmem>>
          %dma_start3A_143 = tpu.memref_slice %arg3[%mul3A_121] : memref<320000xi32, #tpu.memory_space<hbm>> -> memref<128xi32, #tpu.memory_space<hbm>>
          tpu.enqueue_dma source(%dma_start3A_143 : memref<128xi32, #tpu.memory_space<hbm>>) target(%dma_start3A_142 : memref<128xi32, #tpu.memory_space<vmem>>) target_semaphore(%arg13 : memref<!tpu.dma_semaphore, #tpu.memory_space<semaphore_mem>>)
          %sub3A_144 = arith.constant 1 : i32
          %sub3A_145 = arith.subi %sub3A_144, %rem3A_79 : i32
          %dma_start3A_146 = arith.constant 0 : i32
          %dma_start3A_147 = tpu.memref_slice %arg9[%sub3A_145, %dma_start3A_146] : memref<2x128xi32, #tpu.memory_space<vmem>> -> memref<1x128xi32, #tpu.memory_space<vmem>>
          %dma_start3A_148 = tpu.memref_squeeze %dma_start3A_147 : memref<1x128xi32, #tpu.memory_space<vmem>> -> memref<128xi32, #tpu.memory_space<vmem>>
          %dma_start3A_149 = tpu.memref_slice %arg4[%mul3A_121] : memref<320000xi32, #tpu.memory_space<hbm>> -> memref<128xi32, #tpu.memory_space<hbm>>
          %dma_start3A_150 = arith.constant 0 : i32
          %dma_start3A_151 = tpu.memref_slice %arg9[%sub3A_145, %dma_start3A_150] : memref<2x128xi32, #tpu.memory_space<vmem>> -> memref<1x128xi32, #tpu.memory_space<vmem>>
          %dma_start3A_152 = tpu.memref_squeeze %dma_start3A_151 : memref<1x128xi32, #tpu.memory_space<vmem>> -> memref<128xi32, #tpu.memory_space<vmem>>
          %dma_start3A_153 = tpu.memref_slice %arg4[%mul3A_121] : memref<320000xi32, #tpu.memory_space<hbm>> -> memref<128xi32, #tpu.memory_space<hbm>>
          tpu.enqueue_dma source(%dma_start3A_153 : memref<128xi32, #tpu.memory_space<hbm>>) target(%dma_start3A_152 : memref<128xi32, #tpu.memory_space<vmem>>) target_semaphore(%arg13 : memref<!tpu.dma_semaphore, #tpu.memory_space<semaphore_mem>>)
          %sub3A_154 = arith.constant 1 : i32
          %sub3A_155 = arith.subi %sub3A_154, %rem3A_79 : i32
          %dma_start3A_156 = arith.constant 0 : i32
          %dma_start3A_157 = tpu.memref_slice %arg10[%sub3A_155, %dma_start3A_156] : memref<2x128xf32, #tpu.memory_space<vmem>> -> memref<1x128xf32, #tpu.memory_space<vmem>>
          %dma_start3A_158 = tpu.memref_squeeze %dma_start3A_157 : memref<1x128xf32, #tpu.memory_space<vmem>> -> memref<128xf32, #tpu.memory_space<vmem>>
          %dma_start3A_159 = tpu.memref_slice %arg5[%mul3A_121] : memref<320000xf32, #tpu.memory_space<hbm>> -> memref<128xf32, #tpu.memory_space<hbm>>
          %dma_start3A_160 = arith.constant 0 : i32
          %dma_start3A_161 = tpu.memref_slice %arg10[%sub3A_155, %dma_start3A_160] : memref<2x128xf32, #tpu.memory_space<vmem>> -> memref<1x128xf32, #tpu.memory_space<vmem>>
          %dma_start3A_162 = tpu.memref_squeeze %dma_start3A_161 : memref<1x128xf32, #tpu.memory_space<vmem>> -> memref<128xf32, #tpu.memory_space<vmem>>
          %dma_start3A_163 = tpu.memref_slice %arg5[%mul3A_121] : memref<320000xf32, #tpu.memory_space<hbm>> -> memref<128xf32, #tpu.memory_space<hbm>>
          tpu.enqueue_dma source(%dma_start3A_163 : memref<128xf32, #tpu.memory_space<hbm>>) target(%dma_start3A_162 : memref<128xf32, #tpu.memory_space<vmem>>) target_semaphore(%arg13 : memref<!tpu.dma_semaphore, #tpu.memory_space<semaphore_mem>>)
        } else {
        }
        %eq3A_129 = arith.constant 1 : i32
        %eq3A_130 = arith.cmpi eq, %sub3A_123, %eq3A_129 : i32
        %convert_element_type3A_131 = arith.extui %eq3A_130 : i1 to i32
        %cond3A_132 = arith.constant 0 : i32
        %cond3A_133 = arith.cmpi ne, %convert_element_type3A_131, %cond3A_132 : i32
        scf.if %cond3A_133 {
          %sub3A_134 = arith.constant 1 : i32
          %sub3A_135 = arith.subi %sub3A_134, %rem3A_79 : i32
          %dma_start3A_136 = arith.constant 0 : i32
          %dma_start3A_137 = tpu.memref_slice %arg8[%sub3A_135, %dma_start3A_136] : memref<2x128xi32, #tpu.memory_space<vmem>> -> memref<1x128xi32, #tpu.memory_space<vmem>>
          %dma_start3A_138 = tpu.memref_squeeze %dma_start3A_137 : memref<1x128xi32, #tpu.memory_space<vmem>> -> memref<128xi32, #tpu.memory_space<vmem>>
          %dma_start3A_139 = tpu.memref_slice %arg3[%mul3A_121] : memref<320000xi32, #tpu.memory_space<hbm>> -> memref<128xi32, #tpu.memory_space<hbm>>
          %dma_start3A_140 = arith.constant 0 : i32
          %dma_start3A_141 = tpu.memref_slice %arg8[%sub3A_135, %dma_start3A_140] : memref<2x128xi32, #tpu.memory_space<vmem>> -> memref<1x128xi32, #tpu.memory_space<vmem>>
          %dma_start3A_142 = tpu.memref_squeeze %dma_start3A_141 : memref<1x128xi32, #tpu.memory_space<vmem>> -> memref<128xi32, #tpu.memory_space<vmem>>
          %dma_start3A_143 = tpu.memref_slice %arg3[%mul3A_121] : memref<320000xi32, #tpu.memory_space<hbm>> -> memref<128xi32, #tpu.memory_space<hbm>>
          tpu.enqueue_dma source(%dma_start3A_143 : memref<128xi32, #tpu.memory_space<hbm>>) target(%dma_start3A_142 : memref<128xi32, #tpu.memory_space<vmem>>) target_semaphore(%arg14 : memref<!tpu.dma_semaphore, #tpu.memory_space<semaphore_mem>>)
          %sub3A_144 = arith.constant 1 : i32
          %sub3A_145 = arith.subi %sub3A_144, %rem3A_79 : i32
          %dma_start3A_146 = arith.constant 0 : i32
          %dma_start3A_147 = tpu.memref_slice %arg9[%sub3A_145, %dma_start3A_146] : memref<2x128xi32, #tpu.memory_space<vmem>> -> memref<1x128xi32, #tpu.memory_space<vmem>>
          %dma_start3A_148 = tpu.memref_squeeze %dma_start3A_147 : memref<1x128xi32, #tpu.memory_space<vmem>> -> memref<128xi32, #tpu.memory_space<vmem>>
          %dma_start3A_149 = tpu.memref_slice %arg4[%mul3A_121] : memref<320000xi32, #tpu.memory_space<hbm>> -> memref<128xi32, #tpu.memory_space<hbm>>
          %dma_start3A_150 = arith.constant 0 : i32
          %dma_start3A_151 = tpu.memref_slice %arg9[%sub3A_145, %dma_start3A_150] : memref<2x128xi32, #tpu.memory_space<vmem>> -> memref<1x128xi32, #tpu.memory_space<vmem>>
          %dma_start3A_152 = tpu.memref_squeeze %dma_start3A_151 : memref<1x128xi32, #tpu.memory_space<vmem>> -> memref<128xi32, #tpu.memory_space<vmem>>
          %dma_start3A_153 = tpu.memref_slice %arg4[%mul3A_121] : memref<320000xi32, #tpu.memory_space<hbm>> -> memref<128xi32, #tpu.memory_space<hbm>>
          tpu.enqueue_dma source(%dma_start3A_153 : memref<128xi32, #tpu.memory_space<hbm>>) target(%dma_start3A_152 : memref<128xi32, #tpu.memory_space<vmem>>) target_semaphore(%arg14 : memref<!tpu.dma_semaphore, #tpu.memory_space<semaphore_mem>>)
          %sub3A_154 = arith.constant 1 : i32
          %sub3A_155 = arith.subi %sub3A_154, %rem3A_79 : i32
          %dma_start3A_156 = arith.constant 0 : i32
          %dma_start3A_157 = tpu.memref_slice %arg10[%sub3A_155, %dma_start3A_156] : memref<2x128xf32, #tpu.memory_space<vmem>> -> memref<1x128xf32, #tpu.memory_space<vmem>>
          %dma_start3A_158 = tpu.memref_squeeze %dma_start3A_157 : memref<1x128xf32, #tpu.memory_space<vmem>> -> memref<128xf32, #tpu.memory_space<vmem>>
          %dma_start3A_159 = tpu.memref_slice %arg5[%mul3A_121] : memref<320000xf32, #tpu.memory_space<hbm>> -> memref<128xf32, #tpu.memory_space<hbm>>
          %dma_start3A_160 = arith.constant 0 : i32
          %dma_start3A_161 = tpu.memref_slice %arg10[%sub3A_155, %dma_start3A_160] : memref<2x128xf32, #tpu.memory_space<vmem>> -> memref<1x128xf32, #tpu.memory_space<vmem>>
          %dma_start3A_162 = tpu.memref_squeeze %dma_start3A_161 : memref<1x128xf32, #tpu.memory_space<vmem>> -> memref<128xf32, #tpu.memory_space<vmem>>
          %dma_start3A_163 = tpu.memref_slice %arg5[%mul3A_121] : memref<320000xf32, #tpu.memory_space<hbm>> -> memref<128xf32, #tpu.memory_space<hbm>>
          tpu.enqueue_dma source(%dma_start3A_163 : memref<128xf32, #tpu.memory_space<hbm>>) target(%dma_start3A_162 : memref<128xf32, #tpu.memory_space<vmem>>) target_semaphore(%arg14 : memref<!tpu.dma_semaphore, #tpu.memory_space<semaphore_mem>>)
        } else {
        }
      } else {
      }
      %dma_start3A_96 = arith.constant 0 : i32
      %dma_start3A_97 = tpu.memref_slice %arg8[%rem3A_79, %dma_start3A_96] : memref<2x128xi32, #tpu.memory_space<vmem>> -> memref<1x128xi32, #tpu.memory_space<vmem>>
      %dma_start3A_98 = tpu.memref_squeeze %dma_start3A_97 : memref<1x128xi32, #tpu.memory_space<vmem>> -> memref<128xi32, #tpu.memory_space<vmem>>
      %dma_start3A_99 = arith.constant 0 : i32
      %dma_start3A_100 = arith.constant 0 : i32
      %dma_start3A_101 = tpu.memref_slice %arg2[%dma_start3A_99, %dma_start3A_100] : memref<10000x128xf32, #tpu.memory_space<hbm>> -> memref<10000x128xf32, #tpu.memory_space<hbm>>
      tpu.enqueue_indirect_dma source(%dma_start3A_101 : memref<10000x128xf32, #tpu.memory_space<hbm>>) target(%arg11 : memref<128x128xf32, #tpu.memory_space<vmem>>) offsets(%dma_start3A_98 : memref<128xi32, #tpu.memory_space<vmem>>) semaphore(%arg12 : memref<!tpu.dma_semaphore, #tpu.memory_space<semaphore_mem>>)
      %dma_wait3A = arith.constant 0 : i32
      %dma_wait3A_102 = tpu.memref_slice %arg8[%rem3A_79, %dma_wait3A] : memref<2x128xi32, #tpu.memory_space<vmem>> -> memref<1x128xi32, #tpu.memory_space<vmem>>
      %dma_wait3A_103 = tpu.memref_squeeze %dma_wait3A_102 : memref<1x128xi32, #tpu.memory_space<vmem>> -> memref<128xi32, #tpu.memory_space<vmem>>
      %dma_wait3A_104 = arith.constant 0 : i32
      %dma_wait3A_105 = arith.constant 0 : i32
      %dma_wait3A_106 = tpu.memref_slice %arg2[%dma_wait3A_104, %dma_wait3A_105] : memref<10000x128xf32, #tpu.memory_space<hbm>> -> memref<10000x128xf32, #tpu.memory_space<hbm>>
      tpu.wait_indirect_dma semaphore(%arg12 : memref<!tpu.dma_semaphore, #tpu.memory_space<semaphore_mem>>) src(%dma_wait3A_106 : memref<10000x128xf32, #tpu.memory_space<hbm>>) dst(%arg11 : memref<128x128xf32, #tpu.memory_space<vmem>>)
      %scan3A_107 = arith.constant 0 : i32
      %scan3A_108 = arith.constant 0 : i32
      %scan3A_109 = arith.constant 64 : i32
      %scan3A_110 = arith.addi %scan3A_108, %scan3A_109 : i32
      %scan3A_111 = arith.constant 1 : i32
      %scan3A_112 = scf.for %scan3A_115 = %scan3A_108 to %scan3A_110 step %scan3A_111 iter_args(%scan3A_116 = %scan3A_107) -> (i32)  : i32 {
        %mul3A_117 = arith.constant 2 : i32
        %mul3A_118 = arith.muli %scan3A_115, %mul3A_117 : i32
        %broadcast_in_dim3A_119 = arith.constant 0 : i32
        %broadcast_in_dim3A_120 = vector.broadcast %broadcast_in_dim3A_119 : i32 to vector<16xi32>
        %add3A_121 = vector.broadcast %mul3A_118 : i32 to vector<16xi32>
        %add3A_122 = arith.addi %add3A_121, %broadcast_in_dim3A_120 : vector<16xi32>
        %gather3A = arith.constant 0 : i32
        %gather3A_123 = tpu.memref_slice %arg10[%rem3A_79, %gather3A] : memref<2x128xf32, #tpu.memory_space<vmem>> -> memref<1x128xf32, #tpu.memory_space<vmem>>
        %gather3A_124 = tpu.memref_squeeze %gather3A_123 : memref<1x128xf32, #tpu.memory_space<vmem>> -> memref<128xf32, #tpu.memory_space<vmem>>
        %gather3A_125 = tpu.vector_load_idx %gather3A_124[%add3A_122] : memref<128xf32, #tpu.memory_space<vmem>>[vector<16xi32>], vector<16xf32>,
        %add3A_126 = arith.constant 1 : i32
        %add3A_127 = arith.addi %mul3A_118, %add3A_126 : i32
        %add3A_128 = vector.broadcast %add3A_127 : i32 to vector<16xi32>
        %add3A_129 = arith.addi %add3A_128, %broadcast_in_dim3A_120 : vector<16xi32>
        %gather3A_130 = arith.constant 0 : i32
        %gather3A_131 = tpu.memref_slice %arg10[%rem3A_79, %gather3A_130] : memref<2x128xf32, #tpu.memory_space<vmem>> -> memref<1x128xf32, #tpu.memory_space<vmem>>
        %gather3A_132 = tpu.memref_squeeze %gather3A_131 : memref<1x128xf32, #tpu.memory_space<vmem>> -> memref<128xf32, #tpu.memory_space<vmem>>
        %gather3A_133 = tpu.vector_load_idx %gather3A_132[%add3A_129] : memref<128xf32, #tpu.memory_space<vmem>>[vector<16xi32>], vector<16xf32>,
        %get3A = arith.index_cast %mul3A_118 : i32 to index
        %get3A_134 = arith.constant 0 : index
        %get3A_135 = tpu.vector_load %arg11[%get3A, %get3A_134] {strides = array<i32>} : memref<128x128xf32, #tpu.memory_space<vmem>>, vector<16xf32>,
        %mul3A_136 = arith.mulf %get3A_135, %gather3A_125 : vector<16xf32>
        %swap3A = arith.index_cast %mul3A_118 : i32 to index
        %swap3A_137 = arith.constant 0 : index
        %swap3A_138 = tpu.vector_load %arg11[%swap3A, %swap3A_137] {strides = array<i32>} : memref<128x128xf32, #tpu.memory_space<vmem>>, vector<16xf32>,
        tpu.vector_store %arg11[%swap3A, %swap3A_137], %mul3A_136 {strides = array<i32>} : memref<128x128xf32, #tpu.memory_space<vmem>>, vector<16xf32>,
        %add3A_139 = arith.constant 1 : i32
        %add3A_140 = arith.addi %mul3A_118, %add3A_139 : i32
        %get3A_141 = arith.index_cast %add3A_140 : i32 to index
        %get3A_142 = arith.constant 0 : index
        %get3A_143 = tpu.vector_load %arg11[%get3A_141, %get3A_142] {strides = array<i32>} : memref<128x128xf32, #tpu.memory_space<vmem>>, vector<16xf32>,
        %mul3A_144 = arith.mulf %get3A_143, %gather3A_133 : vector<16xf32>
        %add3A_145 = arith.constant 1 : i32
        %add3A_146 = arith.addi %mul3A_118, %add3A_145 : i32
        %swap3A_147 = arith.index_cast %add3A_146 : i32 to index
        %swap3A_148 = arith.constant 0 : index
        %swap3A_149 = tpu.vector_load %arg11[%swap3A_147, %swap3A_148] {strides = array<i32>} : memref<128x128xf32, #tpu.memory_space<vmem>>, vector<16xf32>,
        tpu.vector_store %arg11[%swap3A_147, %swap3A_148], %mul3A_144 {strides = array<i32>} : memref<128x128xf32, #tpu.memory_space<vmem>>, vector<16xf32>,
        %get3A_150 = arith.index_cast %mul3A_118 : i32 to index
        %get3A_151 = arith.constant 16 : index
        %get3A_152 = tpu.vector_load %arg11[%get3A_150, %get3A_151] {strides = array<i32>} : memref<128x128xf32, #tpu.memory_space<vmem>>, vector<16xf32>,
        %mul3A_153 = arith.mulf %get3A_152, %gather3A_125 : vector<16xf32>
        %swap3A_154 = arith.index_cast %mul3A_118 : i32 to index
        %swap3A_155 = arith.constant 16 : index
        %swap3A_156 = tpu.vector_load %arg11[%swap3A_154, %swap3A_155] {strides = array<i32>} : memref<128x128xf32, #tpu.memory_space<vmem>>, vector<16xf32>,
        tpu.vector_store %arg11[%swap3A_154, %swap3A_155], %mul3A_153 {strides = array<i32>} : memref<128x128xf32, #tpu.memory_space<vmem>>, vector<16xf32>,
        %add3A_157 = arith.constant 1 : i32
        %add3A_158 = arith.addi %mul3A_118, %add3A_157 : i32
        %get3A_159 = arith.index_cast %add3A_158 : i32 to index
        %get3A_160 = arith.constant 16 : index
        %get3A_161 = tpu.vector_load %arg11[%get3A_159, %get3A_160] {strides = array<i32>} : memref<128x128xf32, #tpu.memory_space<vmem>>, vector<16xf32>,
        %mul3A_162 = arith.mulf %get3A_161, %gather3A_133 : vector<16xf32>
        %add3A_163 = arith.constant 1 : i32
        %add3A_164 = arith.addi %mul3A_118, %add3A_163 : i32
        %swap3A_165 = arith.index_cast %add3A_164 : i32 to index
        %swap3A_166 = arith.constant 16 : index
        %swap3A_167 = tpu.vector_load %arg11[%swap3A_165, %swap3A_166] {strides = array<i32>} : memref<128x128xf32, #tpu.memory_space<vmem>>, vector<16xf32>,
        tpu.vector_store %arg11[%swap3A_165, %swap3A_166], %mul3A_162 {strides = array<i32>} : memref<128x128xf32, #tpu.memory_space<vmem>>, vector<16xf32>,
        %get3A_168 = arith.index_cast %mul3A_118 : i32 to index
        %get3A_169 = arith.constant 32 : index
        %get3A_170 = tpu.vector_load %arg11[%get3A_168, %get3A_169] {strides = array<i32>} : memref<128x128xf32, #tpu.memory_space<vmem>>, vector<16xf32>,
        %mul3A_171 = arith.mulf %get3A_170, %gather3A_125 : vector<16xf32>
        %swap3A_172 = arith.index_cast %mul3A_118 : i32 to index
        %swap3A_173 = arith.constant 32 : index
        %swap3A_174 = tpu.vector_load %arg11[%swap3A_172, %swap3A_173] {strides = array<i32>} : memref<128x128xf32, #tpu.memory_space<vmem>>, vector<16xf32>,
        tpu.vector_store %arg11[%swap3A_172, %swap3A_173], %mul3A_171 {strides = array<i32>} : memref<128x128xf32, #tpu.memory_space<vmem>>, vector<16xf32>,
        %add3A_175 = arith.constant 1 : i32
        %add3A_176 = arith.addi %mul3A_118, %add3A_175 : i32
        %get3A_177 = arith.index_cast %add3A_176 : i32 to index
        %get3A_178 = arith.constant 32 : index
        %get3A_179 = tpu.vector_load %arg11[%get3A_177, %get3A_178] {strides = array<i32>} : memref<128x128xf32, #tpu.memory_space<vmem>>, vector<16xf32>,
        %mul3A_180 = arith.mulf %get3A_179, %gather3A_133 : vector<16xf32>
        %add3A_181 = arith.constant 1 : i32
        %add3A_182 = arith.addi %mul3A_118, %add3A_181 : i32
        %swap3A_183 = arith.index_cast %add3A_182 : i32 to index
        %swap3A_184 = arith.constant 32 : index
        %swap3A_185 = tpu.vector_load %arg11[%swap3A_183, %swap3A_184] {strides = array<i32>} : memref<128x128xf32, #tpu.memory_space<vmem>>, vector<16xf32>,
        tpu.vector_store %arg11[%swap3A_183, %swap3A_184], %mul3A_180 {strides = array<i32>} : memref<128x128xf32, #tpu.memory_space<vmem>>, vector<16xf32>,
        %get3A_186 = arith.index_cast %mul3A_118 : i32 to index
        %get3A_187 = arith.constant 48 : index
        %get3A_188 = tpu.vector_load %arg11[%get3A_186, %get3A_187] {strides = array<i32>} : memref<128x128xf32, #tpu.memory_space<vmem>>, vector<16xf32>,
        %mul3A_189 = arith.mulf %get3A_188, %gather3A_125 : vector<16xf32>
        %swap3A_190 = arith.index_cast %mul3A_118 : i32 to index
        %swap3A_191 = arith.constant 48 : index
        %swap3A_192 = tpu.vector_load %arg11[%swap3A_190, %swap3A_191] {strides = array<i32>} : memref<128x128xf32, #tpu.memory_space<vmem>>, vector<16xf32>,
        tpu.vector_store %arg11[%swap3A_190, %swap3A_191], %mul3A_189 {strides = array<i32>} : memref<128x128xf32, #tpu.memory_space<vmem>>, vector<16xf32>,
        %add3A_193 = arith.constant 1 : i32
        %add3A_194 = arith.addi %mul3A_118, %add3A_193 : i32
        %get3A_195 = arith.index_cast %add3A_194 : i32 to index
        %get3A_196 = arith.constant 48 : index
        %get3A_197 = tpu.vector_load %arg11[%get3A_195, %get3A_196] {strides = array<i32>} : memref<128x128xf32, #tpu.memory_space<vmem>>, vector<16xf32>,
        %mul3A_198 = arith.mulf %get3A_197, %gather3A_133 : vector<16xf32>
        %add3A_199 = arith.constant 1 : i32
        %add3A_200 = arith.addi %mul3A_118, %add3A_199 : i32
        %swap3A_201 = arith.index_cast %add3A_200 : i32 to index
        %swap3A_202 = arith.constant 48 : index
        %swap3A_203 = tpu.vector_load %arg11[%swap3A_201, %swap3A_202] {strides = array<i32>} : memref<128x128xf32, #tpu.memory_space<vmem>>, vector<16xf32>,
        tpu.vector_store %arg11[%swap3A_201, %swap3A_202], %mul3A_198 {strides = array<i32>} : memref<128x128xf32, #tpu.memory_space<vmem>>, vector<16xf32>,
        %get3A_204 = arith.index_cast %mul3A_118 : i32 to index
        %get3A_205 = arith.constant 64 : index
        %get3A_206 = tpu.vector_load %arg11[%get3A_204, %get3A_205] {strides = array<i32>} : memref<128x128xf32, #tpu.memory_space<vmem>>, vector<16xf32>,
        %mul3A_207 = arith.mulf %get3A_206, %gather3A_125 : vector<16xf32>
        %swap3A_208 = arith.index_cast %mul3A_118 : i32 to index
        %swap3A_209 = arith.constant 64 : index
        %swap3A_210 = tpu.vector_load %arg11[%swap3A_208, %swap3A_209] {strides = array<i32>} : memref<128x128xf32, #tpu.memory_space<vmem>>, vector<16xf32>,
        tpu.vector_store %arg11[%swap3A_208, %swap3A_209], %mul3A_207 {strides = array<i32>} : memref<128x128xf32, #tpu.memory_space<vmem>>, vector<16xf32>,
        %add3A_211 = arith.constant 1 : i32
        %add3A_212 = arith.addi %mul3A_118, %add3A_211 : i32
        %get3A_213 = arith.index_cast %add3A_212 : i32 to index
        %get3A_214 = arith.constant 64 : index
        %get3A_215 = tpu.vector_load %arg11[%get3A_213, %get3A_214] {strides = array<i32>} : memref<128x128xf32, #tpu.memory_space<vmem>>, vector<16xf32>,
        %mul3A_216 = arith.mulf %get3A_215, %gather3A_133 : vector<16xf32>
        %add3A_217 = arith.constant 1 : i32
        %add3A_218 = arith.addi %mul3A_118, %add3A_217 : i32
        %swap3A_219 = arith.index_cast %add3A_218 : i32 to index
        %swap3A_220 = arith.constant 64 : index
        %swap3A_221 = tpu.vector_load %arg11[%swap3A_219, %swap3A_220] {strides = array<i32>} : memref<128x128xf32, #tpu.memory_space<vmem>>, vector<16xf32>,
        tpu.vector_store %arg11[%swap3A_219, %swap3A_220], %mul3A_216 {strides = array<i32>} : memref<128x128xf32, #tpu.memory_space<vmem>>, vector<16xf32>,
        %get3A_222 = arith.index_cast %mul3A_118 : i32 to index
        %get3A_223 = arith.constant 80 : index
        %get3A_224 = tpu.vector_load %arg11[%get3A_222, %get3A_223] {strides = array<i32>} : memref<128x128xf32, #tpu.memory_space<vmem>>, vector<16xf32>,
        %mul3A_225 = arith.mulf %get3A_224, %gather3A_125 : vector<16xf32>
        %swap3A_226 = arith.index_cast %mul3A_118 : i32 to index
        %swap3A_227 = arith.constant 80 : index
        %swap3A_228 = tpu.vector_load %arg11[%swap3A_226, %swap3A_227] {strides = array<i32>} : memref<128x128xf32, #tpu.memory_space<vmem>>, vector<16xf32>,
        tpu.vector_store %arg11[%swap3A_226, %swap3A_227], %mul3A_225 {strides = array<i32>} : memref<128x128xf32, #tpu.memory_space<vmem>>, vector<16xf32>,
        %add3A_229 = arith.constant 1 : i32
        %add3A_230 = arith.addi %mul3A_118, %add3A_229 : i32
        %get3A_231 = arith.index_cast %add3A_230 : i32 to index
        %get3A_232 = arith.constant 80 : index
        %get3A_233 = tpu.vector_load %arg11[%get3A_231, %get3A_232] {strides = array<i32>} : memref<128x128xf32, #tpu.memory_space<vmem>>, vector<16xf32>,
        %mul3A_234 = arith.mulf %get3A_233, %gather3A_133 : vector<16xf32>
        %add3A_235 = arith.constant 1 : i32
        %add3A_236 = arith.addi %mul3A_118, %add3A_235 : i32
        %swap3A_237 = arith.index_cast %add3A_236 : i32 to index
        %swap3A_238 = arith.constant 80 : index
        %swap3A_239 = tpu.vector_load %arg11[%swap3A_237, %swap3A_238] {strides = array<i32>} : memref<128x128xf32, #tpu.memory_space<vmem>>, vector<16xf32>,
        tpu.vector_store %arg11[%swap3A_237, %swap3A_238], %mul3A_234 {strides = array<i32>} : memref<128x128xf32, #tpu.memory_space<vmem>>, vector<16xf32>,
        %get3A_240 = arith.index_cast %mul3A_118 : i32 to index
        %get3A_241 = arith.constant 96 : index
        %get3A_242 = tpu.vector_load %arg11[%get3A_240, %get3A_241] {strides = array<i32>} : memref<128x128xf32, #tpu.memory_space<vmem>>, vector<16xf32>,
        %mul3A_243 = arith.mulf %get3A_242, %gather3A_125 : vector<16xf32>
        %swap3A_244 = arith.index_cast %mul3A_118 : i32 to index
        %swap3A_245 = arith.constant 96 : index
        %swap3A_246 = tpu.vector_load %arg11[%swap3A_244, %swap3A_245] {strides = array<i32>} : memref<128x128xf32, #tpu.memory_space<vmem>>, vector<16xf32>,
        tpu.vector_store %arg11[%swap3A_244, %swap3A_245], %mul3A_243 {strides = array<i32>} : memref<128x128xf32, #tpu.memory_space<vmem>>, vector<16xf32>,
        %add3A_247 = arith.constant 1 : i32
        %add3A_248 = arith.addi %mul3A_118, %add3A_247 : i32
        %get3A_249 = arith.index_cast %add3A_248 : i32 to index
        %get3A_250 = arith.constant 96 : index
        %get3A_251 = tpu.vector_load %arg11[%get3A_249, %get3A_250] {strides = array<i32>} : memref<128x128xf32, #tpu.memory_space<vmem>>, vector<16xf32>,
        %mul3A_252 = arith.mulf %get3A_251, %gather3A_133 : vector<16xf32>
        %add3A_253 = arith.constant 1 : i32
        %add3A_254 = arith.addi %mul3A_118, %add3A_253 : i32
        %swap3A_255 = arith.index_cast %add3A_254 : i32 to index
        %swap3A_256 = arith.constant 96 : index
        %swap3A_257 = tpu.vector_load %arg11[%swap3A_255, %swap3A_256] {strides = array<i32>} : memref<128x128xf32, #tpu.memory_space<vmem>>, vector<16xf32>,
        tpu.vector_store %arg11[%swap3A_255, %swap3A_256], %mul3A_252 {strides = array<i32>} : memref<128x128xf32, #tpu.memory_space<vmem>>, vector<16xf32>,
        %get3A_258 = arith.index_cast %mul3A_118 : i32 to index
        %get3A_259 = arith.constant 112 : index
        %get3A_260 = tpu.vector_load %arg11[%get3A_258, %get3A_259] {strides = array<i32>} : memref<128x128xf32, #tpu.memory_space<vmem>>, vector<16xf32>,
        %mul3A_261 = arith.mulf %get3A_260, %gather3A_125 : vector<16xf32>
        %swap3A_262 = arith.index_cast %mul3A_118 : i32 to index
        %swap3A_263 = arith.constant 112 : index
        %swap3A_264 = tpu.vector_load %arg11[%swap3A_262, %swap3A_263] {strides = array<i32>} : memref<128x128xf32, #tpu.memory_space<vmem>>, vector<16xf32>,
        tpu.vector_store %arg11[%swap3A_262, %swap3A_263], %mul3A_261 {strides = array<i32>} : memref<128x128xf32, #tpu.memory_space<vmem>>, vector<16xf32>,
        %add3A_265 = arith.constant 1 : i32
        %add3A_266 = arith.addi %mul3A_118, %add3A_265 : i32
        %get3A_267 = arith.index_cast %add3A_266 : i32 to index
        %get3A_268 = arith.constant 112 : index
        %get3A_269 = tpu.vector_load %arg11[%get3A_267, %get3A_268] {strides = array<i32>} : memref<128x128xf32, #tpu.memory_space<vmem>>, vector<16xf32>,
        %mul3A_270 = arith.mulf %get3A_269, %gather3A_133 : vector<16xf32>
        %add3A_271 = arith.constant 1 : i32
        %add3A_272 = arith.addi %mul3A_118, %add3A_271 : i32
        %swap3A_273 = arith.index_cast %add3A_272 : i32 to index
        %swap3A_274 = arith.constant 112 : index
        %swap3A_275 = tpu.vector_load %arg11[%swap3A_273, %swap3A_274] {strides = array<i32>} : memref<128x128xf32, #tpu.memory_space<vmem>>, vector<16xf32>,
        tpu.vector_store %arg11[%swap3A_273, %swap3A_274], %mul3A_270 {strides = array<i32>} : memref<128x128xf32, #tpu.memory_space<vmem>>, vector<16xf32>,
        %scan3A_276 = arith.constant 0 : i32
        scf.yield %scan3A_276 : i32
      }
      %scan3A_113 = arith.constant 64 : i32
      "tpu.region"() ({
        %run_scoped3A = tpu.sem_alloc : memref<!tpu.dma_semaphore, #tpu.memory_space<semaphore_mem>>
        %dma_start3A_115 = arith.constant 0 : i32
        %dma_start3A_116 = tpu.memref_slice %arg9[%rem3A_79, %dma_start3A_115] : memref<2x128xi32, #tpu.memory_space<vmem>> -> memref<1x128xi32, #tpu.memory_space<vmem>>
        %dma_start3A_117 = tpu.memref_squeeze %dma_start3A_116 : memref<1x128xi32, #tpu.memory_space<vmem>> -> memref<128xi32, #tpu.memory_space<vmem>>
        %dma_start3A_118 = arith.constant 0 : i32
        %dma_start3A_119 = arith.constant 0 : i32
        %dma_start3A_120 = tpu.memref_slice %arg7[%dma_start3A_118, %dma_start3A_119] : memref<10000x128xf32, #tpu.memory_space<vmem_shared>> -> memref<10000x128xf32, #tpu.memory_space<vmem_shared>>
        tpu.enqueue_indirect_dma source(%arg11 : memref<128x128xf32, #tpu.memory_space<vmem>>) target(%dma_start3A_120 : memref<10000x128xf32, #tpu.memory_space<vmem_shared>>) offsets(%dma_start3A_117 : memref<128xi32, #tpu.memory_space<vmem>>) semaphore(%run_scoped3A : memref<!tpu.dma_semaphore, #tpu.memory_space<semaphore_mem>>) {add = true}
        %dma_wait3A_121 = arith.constant 0 : i32
        %dma_wait3A_122 = tpu.memref_slice %arg9[%rem3A_79, %dma_wait3A_121] : memref<2x128xi32, #tpu.memory_space<vmem>> -> memref<1x128xi32, #tpu.memory_space<vmem>>
        %dma_wait3A_123 = tpu.memref_squeeze %dma_wait3A_122 : memref<1x128xi32, #tpu.memory_space<vmem>> -> memref<128xi32, #tpu.memory_space<vmem>>
        %dma_wait3A_124 = arith.constant 0 : i32
        %dma_wait3A_125 = arith.constant 0 : i32
        %dma_wait3A_126 = tpu.memref_slice %arg7[%dma_wait3A_124, %dma_wait3A_125] : memref<10000x128xf32, #tpu.memory_space<vmem_shared>> -> memref<10000x128xf32, #tpu.memory_space<vmem_shared>>
        tpu.wait_indirect_dma semaphore(%run_scoped3A : memref<!tpu.dma_semaphore, #tpu.memory_space<semaphore_mem>>) src(%arg11 : memref<128x128xf32, #tpu.memory_space<vmem>>) dst(%dma_wait3A_126 : memref<10000x128xf32, #tpu.memory_space<vmem_shared>>)
        tpu.yield
      }) : () -> ()
      %while3A_114 = arith.constant 0 : i32
      scf.yield %while3A_114 : i32
    }
    %barrier3A_58 = arith.constant 0 : index
    tpu.barrier barrier_id(%barrier3A_58)
    %jit3A_59 = arith.constant 8 : i32
    %eq3A = arith.constant 0 : i32
    %eq3A_60 = arith.cmpi eq, %jit3A_59, %eq3A : i32
    %jit3A_61 = arith.constant 1 : i32
    %select_n3A_62 = arith.select %eq3A_60, %jit3A_61, %jit3A_59 : i32
    %rem3A = arith.remsi %arg1, %select_n3A_62 : i32
    %ne3A = arith.constant 0 : i32
    %ne3A_63 = arith.cmpi ne, %rem3A, %ne3A : i32
    %lt3A_64 = arith.constant 0 : i32
    %lt3A_65 = arith.cmpi slt, %rem3A, %lt3A_64 : i32
    %lt3A_66 = arith.constant 0 : i32
    %lt3A_67 = arith.cmpi slt, %select_n3A_62, %lt3A_66 : i32
    %ne3A_68 = arith.xori %lt3A_65, %lt3A_67 : i1
    %and3A = arith.andi %ne3A_68, %ne3A_63 : i1
    %add3A_69 = arith.addi %rem3A, %select_n3A_62 : i32
    %select_n3A_70 = arith.select %and3A, %add3A_69, %rem3A : i32
    %mul3A_71 = arith.constant 625 : i32
    %mul3A_72 = arith.muli %arg1, %mul3A_71 : i32
    %sub3A = arith.subi %mul3A_72, %select_n3A_70 : i32
    %multiple_of3A = tpu.assume_multiple %sub3A, 8 : i32
    "tpu.region"() ({
      %run_scoped3A = tpu.sem_alloc : memref<!tpu.dma_semaphore, #tpu.memory_space<semaphore_mem>>
      %dma_start3A_76 = arith.constant 0 : i32
      %dma_start3A_77 = tpu.memref_slice %arg6[%arg0, %multiple_of3A, %dma_start3A_76] : memref<2x10000x128xf32, #tpu.memory_space<hbm>> -> memref<1x624x128xf32, #tpu.memory_space<hbm>>
      %dma_start3A_78 = tpu.memref_squeeze %dma_start3A_77 : memref<1x624x128xf32, #tpu.memory_space<hbm>> -> memref<624x128xf32, #tpu.memory_space<hbm>>
      %dma_start3A_79 = arith.constant 0 : i32
      %dma_start3A_80 = tpu.memref_slice %arg7[%multiple_of3A, %dma_start3A_79] : memref<10000x128xf32, #tpu.memory_space<vmem_shared>> -> memref<624x128xf32, #tpu.memory_space<vmem_shared>>
      tpu.enqueue_dma source(%dma_start3A_80 : memref<624x128xf32, #tpu.memory_space<vmem_shared>>) target(%dma_start3A_78 : memref<624x128xf32, #tpu.memory_space<hbm>>) target_semaphore(%run_scoped3A : memref<!tpu.dma_semaphore, #tpu.memory_space<semaphore_mem>>)
      %dma_wait3A = arith.constant 0 : i32
      %dma_wait3A_81 = tpu.memref_slice %arg6[%arg0, %multiple_of3A, %dma_wait3A] : memref<2x10000x128xf32, #tpu.memory_space<hbm>> -> memref<1x624x128xf32, #tpu.memory_space<hbm>>
      %dma_wait3A_82 = tpu.memref_squeeze %dma_wait3A_81 : memref<1x624x128xf32, #tpu.memory_space<hbm>> -> memref<624x128xf32, #tpu.memory_space<hbm>>
      %dma_wait3A_83 = arith.constant 0 : i32
      %dma_wait3A_84 = tpu.memref_slice %arg7[%multiple_of3A, %dma_wait3A_83] : memref<10000x128xf32, #tpu.memory_space<vmem_shared>> -> memref<624x128xf32, #tpu.memory_space<vmem_shared>>
      tpu.wait_dma2 semaphore(%run_scoped3A : memref<!tpu.dma_semaphore, #tpu.memory_space<semaphore_mem>>) src(%dma_wait3A_84 : memref<624x128xf32, #tpu.memory_space<vmem_shared>>) dst(%dma_wait3A_82 : memref<624x128xf32, #tpu.memory_space<hbm>>)
      tpu.yield
    }) : () -> ()
    %eq3A_73 = arith.constant 7 : i32
    %eq3A_74 = arith.cmpi eq, %select_n3A_70, %eq3A_73 : i32
    %convert_element_type3A = arith.extui %eq3A_74 : i1 to i32
    %cond3A = arith.constant 0 : i32
    %cond3A_75 = arith.cmpi ne, %convert_element_type3A, %cond3A : i32
    scf.if %cond3A_75 {
      %add3A_76 = arith.constant 624 : i32
      %add3A_77 = arith.addi %multiple_of3A, %add3A_76 : i32
      %add3A_78 = arith.constant 624 : i32
      %add3A_79 = arith.addi %multiple_of3A, %add3A_78 : i32
      "tpu.region"() ({
        %run_scoped3A = tpu.sem_alloc : memref<!tpu.dma_semaphore, #tpu.memory_space<semaphore_mem>>
        %dma_start3A_80 = arith.constant 0 : i32
        %dma_start3A_81 = tpu.memref_slice %arg6[%arg0, %add3A_79, %dma_start3A_80] : memref<2x10000x128xf32, #tpu.memory_space<hbm>> -> memref<1x8x128xf32, #tpu.memory_space<hbm>>
        %dma_start3A_82 = tpu.memref_squeeze %dma_start3A_81 : memref<1x8x128xf32, #tpu.memory_space<hbm>> -> memref<8x128xf32, #tpu.memory_space<hbm>>
        %dma_start3A_83 = arith.constant 0 : i32
        %dma_start3A_84 = tpu.memref_slice %arg7[%add3A_77, %dma_start3A_83] : memref<10000x128xf32, #tpu.memory_space<vmem_shared>> -> memref<8x128xf32, #tpu.memory_space<vmem_shared>>
        tpu.enqueue_dma source(%dma_start3A_84 : memref<8x128xf32, #tpu.memory_space<vmem_shared>>) target(%dma_start3A_82 : memref<8x128xf32, #tpu.memory_space<hbm>>) target_semaphore(%run_scoped3A : memref<!tpu.dma_semaphore, #tpu.memory_space<semaphore_mem>>)
        %dma_wait3A = arith.constant 0 : i32
        %dma_wait3A_85 = tpu.memref_slice %arg6[%arg0, %add3A_79, %dma_wait3A] : memref<2x10000x128xf32, #tpu.memory_space<hbm>> -> memref<1x8x128xf32, #tpu.memory_space<hbm>>
        %dma_wait3A_86 = tpu.memref_squeeze %dma_wait3A_85 : memref<1x8x128xf32, #tpu.memory_space<hbm>> -> memref<8x128xf32, #tpu.memory_space<hbm>>
        %dma_wait3A_87 = arith.constant 0 : i32
        %dma_wait3A_88 = tpu.memref_slice %arg7[%add3A_77, %dma_wait3A_87] : memref<10000x128xf32, #tpu.memory_space<vmem_shared>> -> memref<8x128xf32, #tpu.memory_space<vmem_shared>>
        tpu.wait_dma2 semaphore(%run_scoped3A : memref<!tpu.dma_semaphore, #tpu.memory_space<semaphore_mem>>) src(%dma_wait3A_88 : memref<8x128xf32, #tpu.memory_space<vmem_shared>>) dst(%dma_wait3A_86 : memref<8x128xf32, #tpu.memory_space<hbm>>)
        tpu.yield
      }) : () -> ()
    } else {
    }
    return
  }
}

#map = affine_map<(d0, d1) -> (0, 0)>
#map1 = affine_map<(d0, d1) -> (0)>
#map2 = affine_map<(d0, d1) -> (0, 0, 0)>
module attributes {stable_mosaic.version = 14 : i64} {
  func.func @_agg_body(%arg0: i32, %arg1: i32, %arg2: memref<10000x128xf32, #tpu.memory_space<hbm>>, %arg3: memref<320000xi32, #tpu.memory_space<hbm>>, %arg4: memref<320000xi32, #tpu.memory_space<hbm>>, %arg5: memref<320000xf32, #tpu.memory_space<hbm>>, %arg6: memref<2x10000x128xf32, #tpu.memory_space<hbm>>, %arg7: memref<10000x128xf32, #tpu.memory_space<vmem_shared>>, %arg8: memref<2x128xi32, #tpu.memory_space<vmem>>, %arg9: memref<2x128xi32, #tpu.memory_space<vmem>>, %arg10: memref<2x128xf32, #tpu.memory_space<vmem>>, %arg11: memref<128x128xf32, #tpu.memory_space<vmem>>, %arg12: memref<!tpu.dma_semaphore, #tpu.memory_space<semaphore_mem>>, %arg13: memref<!tpu.dma_semaphore, #tpu.memory_space<semaphore_mem>>, %arg14: memref<!tpu.dma_semaphore, #tpu.memory_space<semaphore_mem>>) attributes {dimension_semantics = [#tpu.dimension_semantics<core_parallel>, #tpu.dimension_semantics<subcore_parallel>], iteration_bounds = array<i64: 2, 16>, scalar_prefetch = 0 : i64, scratch_operands = 8 : i64, tpu.core_type = #tpu.core_type<sc_vector_subcore>, window_params = [{transform_indices = #map}, {transform_indices = #map1}, {transform_indices = #map1}, {transform_indices = #map1}, {transform_indices = #map2}]} {
    %mul3A = arith.constant 16 : i32
    %mul3A_0 = arith.muli %arg0, %mul3A : i32
    %add3A = arith.addi %mul3A_0, %arg1 : i32
    %broadcast_in_dim3A = arith.constant 0.000000e+00 : f32
    %broadcast_in_dim3A_1 = vector.broadcast %broadcast_in_dim3A : f32 to vector<16xf32>
    %scan3A = arith.constant 0 : i32
    %scan3A_2 = arith.constant 0 : i32
    %scan3A_3 = arith.constant 128 : i32
    %scan3A_4 = arith.addi %scan3A_2, %scan3A_3 : i32
    %scan3A_5 = arith.constant 1 : i32
    %scan3A_6 = scf.for %scan3A_76 = %scan3A_2 to %scan3A_4 step %scan3A_5 iter_args(%scan3A_77 = %scan3A) -> (i32)  : i32 {
      %swap3A = arith.index_cast %scan3A_76 : i32 to index
      %swap3A_78 = arith.constant 0 : index
      %swap3A_79 = tpu.vector_load %arg11[%swap3A, %swap3A_78] {strides = array<i32>} : memref<128x128xf32, #tpu.memory_space<vmem>>, vector<16xf32>,
      tpu.vector_store %arg11[%swap3A, %swap3A_78], %broadcast_in_dim3A_1 {strides = array<i32>} : memref<128x128xf32, #tpu.memory_space<vmem>>, vector<16xf32>,
      %swap3A_80 = arith.index_cast %scan3A_76 : i32 to index
      %swap3A_81 = arith.constant 16 : index
      %swap3A_82 = tpu.vector_load %arg11[%swap3A_80, %swap3A_81] {strides = array<i32>} : memref<128x128xf32, #tpu.memory_space<vmem>>, vector<16xf32>,
      tpu.vector_store %arg11[%swap3A_80, %swap3A_81], %broadcast_in_dim3A_1 {strides = array<i32>} : memref<128x128xf32, #tpu.memory_space<vmem>>, vector<16xf32>,
      %swap3A_83 = arith.index_cast %scan3A_76 : i32 to index
      %swap3A_84 = arith.constant 32 : index
      %swap3A_85 = tpu.vector_load %arg11[%swap3A_83, %swap3A_84] {strides = array<i32>} : memref<128x128xf32, #tpu.memory_space<vmem>>, vector<16xf32>,
      tpu.vector_store %arg11[%swap3A_83, %swap3A_84], %broadcast_in_dim3A_1 {strides = array<i32>} : memref<128x128xf32, #tpu.memory_space<vmem>>, vector<16xf32>,
      %swap3A_86 = arith.index_cast %scan3A_76 : i32 to index
      %swap3A_87 = arith.constant 48 : index
      %swap3A_88 = tpu.vector_load %arg11[%swap3A_86, %swap3A_87] {strides = array<i32>} : memref<128x128xf32, #tpu.memory_space<vmem>>, vector<16xf32>,
      tpu.vector_store %arg11[%swap3A_86, %swap3A_87], %broadcast_in_dim3A_1 {strides = array<i32>} : memref<128x128xf32, #tpu.memory_space<vmem>>, vector<16xf32>,
      %swap3A_89 = arith.index_cast %scan3A_76 : i32 to index
      %swap3A_90 = arith.constant 64 : index
      %swap3A_91 = tpu.vector_load %arg11[%swap3A_89, %swap3A_90] {strides = array<i32>} : memref<128x128xf32, #tpu.memory_space<vmem>>, vector<16xf32>,
      tpu.vector_store %arg11[%swap3A_89, %swap3A_90], %broadcast_in_dim3A_1 {strides = array<i32>} : memref<128x128xf32, #tpu.memory_space<vmem>>, vector<16xf32>,
      %swap3A_92 = arith.index_cast %scan3A_76 : i32 to index
      %swap3A_93 = arith.constant 80 : index
      %swap3A_94 = tpu.vector_load %arg11[%swap3A_92, %swap3A_93] {strides = array<i32>} : memref<128x128xf32, #tpu.memory_space<vmem>>, vector<16xf32>,
      tpu.vector_store %arg11[%swap3A_92, %swap3A_93], %broadcast_in_dim3A_1 {strides = array<i32>} : memref<128x128xf32, #tpu.memory_space<vmem>>, vector<16xf32>,
      %swap3A_95 = arith.index_cast %scan3A_76 : i32 to index
      %swap3A_96 = arith.constant 96 : index
      %swap3A_97 = tpu.vector_load %arg11[%swap3A_95, %swap3A_96] {strides = array<i32>} : memref<128x128xf32, #tpu.memory_space<vmem>>, vector<16xf32>,
      tpu.vector_store %arg11[%swap3A_95, %swap3A_96], %broadcast_in_dim3A_1 {strides = array<i32>} : memref<128x128xf32, #tpu.memory_space<vmem>>, vector<16xf32>,
      %swap3A_98 = arith.index_cast %scan3A_76 : i32 to index
      %swap3A_99 = arith.constant 112 : index
      %swap3A_100 = tpu.vector_load %arg11[%swap3A_98, %swap3A_99] {strides = array<i32>} : memref<128x128xf32, #tpu.memory_space<vmem>>, vector<16xf32>,
      tpu.vector_store %arg11[%swap3A_98, %swap3A_99], %broadcast_in_dim3A_1 {strides = array<i32>} : memref<128x128xf32, #tpu.memory_space<vmem>>, vector<16xf32>,
      %scan3A_101 = arith.constant 0 : i32
      scf.yield %scan3A_101 : i32
    }
    %scan3A_7 = arith.constant 128 : i32
    %scan3A_8 = arith.constant 0 : i32
    %scan3A_9 = arith.constant 0 : i32
    %scan3A_10 = arith.constant 125 : i32
    %scan3A_11 = arith.addi %scan3A_9, %scan3A_10 : i32
    %scan3A_12 = arith.constant 1 : i32
    %scan3A_13 = scf.for %scan3A_76 = %scan3A_9 to %scan3A_11 step %scan3A_12 iter_args(%scan3A_77 = %scan3A_8) -> (i32)  : i32 {
      %mul3A_78 = arith.constant 625 : i32
      %mul3A_79 = arith.muli %arg1, %mul3A_78 : i32
      %mul3A_80 = arith.constant 5 : i32
      %mul3A_81 = arith.muli %scan3A_76, %mul3A_80 : i32
      %add3A_82 = arith.addi %mul3A_79, %mul3A_81 : i32
      "tpu.region"() ({
        %run_scoped3A = tpu.sem_alloc : memref<!tpu.dma_semaphore, #tpu.memory_space<semaphore_mem>>
        %dma_start3A_84 = arith.constant 0 : i32
        %dma_start3A_85 = arith.constant 0 : i32
        %dma_start3A_86 = tpu.memref_slice %arg11[%dma_start3A_84, %dma_start3A_85] : memref<128x128xf32, #tpu.memory_space<vmem>> -> memref<5x128xf32, #tpu.memory_space<vmem>>
        %dma_start3A_87 = arith.constant 0 : i32
        %dma_start3A_88 = tpu.memref_slice %arg7[%add3A_82, %dma_start3A_87] : memref<10000x128xf32, #tpu.memory_space<vmem_shared>> -> memref<5x128xf32, #tpu.memory_space<vmem_shared>>
        %dma_start3A_89 = arith.constant 0 : i32
        %dma_start3A_90 = tpu.memref_slice %arg7[%add3A_82, %dma_start3A_89] : memref<10000x128xf32, #tpu.memory_space<vmem_shared>> -> memref<5x128xf32, #tpu.memory_space<vmem_shared>>
        %dma_start3A_91 = arith.constant 0 : i32
        %dma_start3A_92 = arith.constant 0 : i32
        %dma_start3A_93 = tpu.memref_slice %arg11[%dma_start3A_91, %dma_start3A_92] : memref<128x128xf32, #tpu.memory_space<vmem>> -> memref<5x128xf32, #tpu.memory_space<vmem>>
        tpu.enqueue_dma source(%dma_start3A_93 : memref<5x128xf32, #tpu.memory_space<vmem>>) target(%dma_start3A_90 : memref<5x128xf32, #tpu.memory_space<vmem_shared>>) target_semaphore(%run_scoped3A : memref<!tpu.dma_semaphore, #tpu.memory_space<semaphore_mem>>)
        %dma_wait3A = arith.constant 0 : i32
        %dma_wait3A_94 = arith.constant 0 : i32
        %dma_wait3A_95 = tpu.memref_slice %arg11[%dma_wait3A, %dma_wait3A_94] : memref<128x128xf32, #tpu.memory_space<vmem>> -> memref<5x128xf32, #tpu.memory_space<vmem>>
        %dma_wait3A_96 = arith.constant 0 : i32
        %dma_wait3A_97 = tpu.memref_slice %arg7[%add3A_82, %dma_wait3A_96] : memref<10000x128xf32, #tpu.memory_space<vmem_shared>> -> memref<5x128xf32, #tpu.memory_space<vmem_shared>>
        %dma_wait3A_98 = arith.constant 0 : i32
        %dma_wait3A_99 = tpu.memref_slice %arg7[%add3A_82, %dma_wait3A_98] : memref<10000x128xf32, #tpu.memory_space<vmem_shared>> -> memref<5x128xf32, #tpu.memory_space<vmem_shared>>
        %dma_wait3A_100 = arith.constant 0 : i32
        %dma_wait3A_101 = arith.constant 0 : i32
        %dma_wait3A_102 = tpu.memref_slice %arg11[%dma_wait3A_100, %dma_wait3A_101] : memref<128x128xf32, #tpu.memory_space<vmem>> -> memref<5x128xf32, #tpu.memory_space<vmem>>
        tpu.wait_dma2 semaphore(%run_scoped3A : memref<!tpu.dma_semaphore, #tpu.memory_space<semaphore_mem>>) src(%dma_wait3A_102 : memref<5x128xf32, #tpu.memory_space<vmem>>) dst(%dma_wait3A_99 : memref<5x128xf32, #tpu.memory_space<vmem_shared>>)
        tpu.yield
      }) : () -> ()
      %scan3A_83 = arith.constant 0 : i32
      scf.yield %scan3A_83 : i32
    }
    %scan3A_14 = arith.constant 125 : i32
    %barrier3A = arith.constant 0 : index
    tpu.barrier barrier_id(%barrier3A)
    %lt3A = arith.constant 4 : i32
    %lt3A_15 = arith.cmpi slt, %add3A, %lt3A : i32
    %jit3A = arith.constant 1 : i32
    %jit3A_16 = arith.constant 0 : i32
    %select_n3A = arith.select %lt3A_15, %jit3A, %jit3A_16 : i32
    %add3A_17 = arith.constant 78 : i32
    %add3A_18 = arith.addi %add3A_17, %select_n3A : i32
    %mul3A_19 = arith.constant 128 : i32
    %mul3A_20 = arith.muli %add3A, %mul3A_19 : i32
    %dma_start3A = arith.constant 0 : i32
    %dma_start3A_21 = arith.constant 0 : i32
    %dma_start3A_22 = tpu.memref_slice %arg8[%dma_start3A, %dma_start3A_21] : memref<2x128xi32, #tpu.memory_space<vmem>> -> memref<1x128xi32, #tpu.memory_space<vmem>>
    %dma_start3A_23 = tpu.memref_squeeze %dma_start3A_22 : memref<1x128xi32, #tpu.memory_space<vmem>> -> memref<128xi32, #tpu.memory_space<vmem>>
    %dma_start3A_24 = tpu.memref_slice %arg3[%mul3A_20] : memref<320000xi32, #tpu.memory_space<hbm>> -> memref<128xi32, #tpu.memory_space<hbm>>
    %dma_start3A_25 = arith.constant 0 : i32
    %dma_start3A_26 = tpu.memref_slice %arg8[%dma_start3A, %dma_start3A_25] : memref<2x128xi32, #tpu.memory_space<vmem>> -> memref<1x128xi32, #tpu.memory_space<vmem>>
    %dma_start3A_27 = tpu.memref_squeeze %dma_start3A_26 : memref<1x128xi32, #tpu.memory_space<vmem>> -> memref<128xi32, #tpu.memory_space<vmem>>
    %dma_start3A_28 = tpu.memref_slice %arg3[%mul3A_20] : memref<320000xi32, #tpu.memory_space<hbm>> -> memref<128xi32, #tpu.memory_space<hbm>>
    tpu.enqueue_dma source(%dma_start3A_28 : memref<128xi32, #tpu.memory_space<hbm>>) target(%dma_start3A_27 : memref<128xi32, #tpu.memory_space<vmem>>) target_semaphore(%arg13 : memref<!tpu.dma_semaphore, #tpu.memory_space<semaphore_mem>>)
    %dma_start3A_29 = arith.constant 0 : i32
    %dma_start3A_30 = arith.constant 0 : i32
    %dma_start3A_31 = tpu.memref_slice %arg9[%dma_start3A_29, %dma_start3A_30] : memref<2x128xi32, #tpu.memory_space<vmem>> -> memref<1x128xi32, #tpu.memory_space<vmem>>
    %dma_start3A_32 = tpu.memref_squeeze %dma_start3A_31 : memref<1x128xi32, #tpu.memory_space<vmem>> -> memref<128xi32, #tpu.memory_space<vmem>>
    %dma_start3A_33 = tpu.memref_slice %arg4[%mul3A_20] : memref<320000xi32, #tpu.memory_space<hbm>> -> memref<128xi32, #tpu.memory_space<hbm>>
    %dma_start3A_34 = arith.constant 0 : i32
    %dma_start3A_35 = tpu.memref_slice %arg9[%dma_start3A_29, %dma_start3A_34] : memref<2x128xi32, #tpu.memory_space<vmem>> -> memref<1x128xi32, #tpu.memory_space<vmem>>
    %dma_start3A_36 = tpu.memref_squeeze %dma_start3A_35 : memref<1x128xi32, #tpu.memory_space<vmem>> -> memref<128xi32, #tpu.memory_space<vmem>>
    %dma_start3A_37 = tpu.memref_slice %arg4[%mul3A_20] : memref<320000xi32, #tpu.memory_space<hbm>> -> memref<128xi32, #tpu.memory_space<hbm>>
    tpu.enqueue_dma source(%dma_start3A_37 : memref<128xi32, #tpu.memory_space<hbm>>) target(%dma_start3A_36 : memref<128xi32, #tpu.memory_space<vmem>>) target_semaphore(%arg13 : memref<!tpu.dma_semaphore, #tpu.memory_space<semaphore_mem>>)
    %dma_start3A_38 = arith.constant 0 : i32
    %dma_start3A_39 = arith.constant 0 : i32
    %dma_start3A_40 = tpu.memref_slice %arg10[%dma_start3A_38, %dma_start3A_39] : memref<2x128xf32, #tpu.memory_space<vmem>> -> memref<1x128xf32, #tpu.memory_space<vmem>>
    %dma_start3A_41 = tpu.memref_squeeze %dma_start3A_40 : memref<1x128xf32, #tpu.memory_space<vmem>> -> memref<128xf32, #tpu.memory_space<vmem>>
    %dma_start3A_42 = tpu.memref_slice %arg5[%mul3A_20] : memref<320000xf32, #tpu.memory_space<hbm>> -> memref<128xf32, #tpu.memory_space<hbm>>
    %dma_start3A_43 = arith.constant 0 : i32
    %dma_start3A_44 = tpu.memref_slice %arg10[%dma_start3A_38, %dma_start3A_43] : memref<2x128xf32, #tpu.memory_space<vmem>> -> memref<1x128xf32, #tpu.memory_space<vmem>>
    %dma_start3A_45 = tpu.memref_squeeze %dma_start3A_44 : memref<1x128xf32, #tpu.memory_space<vmem>> -> memref<128xf32, #tpu.memory_space<vmem>>
    %dma_start3A_46 = tpu.memref_slice %arg5[%mul3A_20] : memref<320000xf32, #tpu.memory_space<hbm>> -> memref<128xf32, #tpu.memory_space<hbm>>
    tpu.enqueue_dma source(%dma_start3A_46 : memref<128xf32, #tpu.memory_space<hbm>>) target(%dma_start3A_45 : memref<128xf32, #tpu.memory_space<vmem>>) target_semaphore(%arg13 : memref<!tpu.dma_semaphore, #tpu.memory_space<semaphore_mem>>)
    %while3A = arith.constant 0 : i32
    %while3A_47 = arith.constant 0 : i32
    %while3A_48 = arith.subi %add3A_18, %while3A : i32
    %while3A_49 = arith.addi %while3A, %while3A_48 : i32
    %while3A_50 = arith.constant 1 : i32
    %while3A_51 = arith.divsi %while3A_48, %while3A_50 : i32
    %while3A_52 = arith.muli %while3A_51, %while3A_50 : i32
    %while3A_53 = arith.addi %while3A, %while3A_52 : i32
    %while3A_54 = arith.constant 1 : i32
    %while3A_55 = scf.for %while3A_76 = %while3A to %while3A_53 step %while3A_54 iter_args(%while3A_77 = %while3A_47) -> (i32)  : i32 {
      %rem3A_78 = arith.constant 2 : i32
      %rem3A_79 = arith.remsi %while3A_76, %rem3A_78 : i32
      %eq3A_80 = arith.constant 0 : i32
      %eq3A_81 = arith.cmpi eq, %rem3A_79, %eq3A_80 : i32
      %convert_element_type3A_82 = arith.extui %eq3A_81 : i1 to i32
      %cond3A_83 = arith.constant 0 : i32
      %cond3A_84 = arith.cmpi ne, %convert_element_type3A_82, %cond3A_83 : i32
      scf.if %cond3A_84 {
        %dma_wait3A_115 = arith.constant 0 : i32
        %dma_wait3A_116 = arith.constant 0 : i32
        %dma_wait3A_117 = tpu.memref_slice %arg8[%dma_wait3A_115, %dma_wait3A_116] : memref<2x128xi32, #tpu.memory_space<vmem>> -> memref<1x128xi32, #tpu.memory_space<vmem>>
        %dma_wait3A_118 = tpu.memref_squeeze %dma_wait3A_117 : memref<1x128xi32, #tpu.memory_space<vmem>> -> memref<128xi32, #tpu.memory_space<vmem>>
        %dma_wait3A_119 = arith.constant 0 : i32
        %dma_wait3A_120 = tpu.memref_slice %arg3[%dma_wait3A_119] : memref<320000xi32, #tpu.memory_space<hbm>> -> memref<128xi32, #tpu.memory_space<hbm>>
        %dma_wait3A_121 = arith.constant 0 : i32
        %dma_wait3A_122 = tpu.memref_slice %arg8[%dma_wait3A_115, %dma_wait3A_121] : memref<2x128xi32, #tpu.memory_space<vmem>> -> memref<1x128xi32, #tpu.memory_space<vmem>>
        %dma_wait3A_123 = tpu.memref_squeeze %dma_wait3A_122 : memref<1x128xi32, #tpu.memory_space<vmem>> -> memref<128xi32, #tpu.memory_space<vmem>>
        %dma_wait3A_124 = arith.constant 0 : i32
        %dma_wait3A_125 = tpu.memref_slice %arg3[%dma_wait3A_124] : memref<320000xi32, #tpu.memory_space<hbm>> -> memref<128xi32, #tpu.memory_space<hbm>>
        tpu.wait_dma2 semaphore(%arg13 : memref<!tpu.dma_semaphore, #tpu.memory_space<semaphore_mem>>) src(%dma_wait3A_125 : memref<128xi32, #tpu.memory_space<hbm>>) dst(%dma_wait3A_123 : memref<128xi32, #tpu.memory_space<vmem>>)
        %dma_wait3A_126 = arith.constant 0 : i32
        %dma_wait3A_127 = arith.constant 0 : i32
        %dma_wait3A_128 = tpu.memref_slice %arg9[%dma_wait3A_126, %dma_wait3A_127] : memref<2x128xi32, #tpu.memory_space<vmem>> -> memref<1x128xi32, #tpu.memory_space<vmem>>
        %dma_wait3A_129 = tpu.memref_squeeze %dma_wait3A_128 : memref<1x128xi32, #tpu.memory_space<vmem>> -> memref<128xi32, #tpu.memory_space<vmem>>
        %dma_wait3A_130 = arith.constant 0 : i32
        %dma_wait3A_131 = tpu.memref_slice %arg4[%dma_wait3A_130] : memref<320000xi32, #tpu.memory_space<hbm>> -> memref<128xi32, #tpu.memory_space<hbm>>
        %dma_wait3A_132 = arith.constant 0 : i32
        %dma_wait3A_133 = tpu.memref_slice %arg9[%dma_wait3A_126, %dma_wait3A_132] : memref<2x128xi32, #tpu.memory_space<vmem>> -> memref<1x128xi32, #tpu.memory_space<vmem>>
        %dma_wait3A_134 = tpu.memref_squeeze %dma_wait3A_133 : memref<1x128xi32, #tpu.memory_space<vmem>> -> memref<128xi32, #tpu.memory_space<vmem>>
        %dma_wait3A_135 = arith.constant 0 : i32
        %dma_wait3A_136 = tpu.memref_slice %arg4[%dma_wait3A_135] : memref<320000xi32, #tpu.memory_space<hbm>> -> memref<128xi32, #tpu.memory_space<hbm>>
        tpu.wait_dma2 semaphore(%arg13 : memref<!tpu.dma_semaphore, #tpu.memory_space<semaphore_mem>>) src(%dma_wait3A_136 : memref<128xi32, #tpu.memory_space<hbm>>) dst(%dma_wait3A_134 : memref<128xi32, #tpu.memory_space<vmem>>)
        %dma_wait3A_137 = arith.constant 0 : i32
        %dma_wait3A_138 = arith.constant 0 : i32
        %dma_wait3A_139 = tpu.memref_slice %arg10[%dma_wait3A_137, %dma_wait3A_138] : memref<2x128xf32, #tpu.memory_space<vmem>> -> memref<1x128xf32, #tpu.memory_space<vmem>>
        %dma_wait3A_140 = tpu.memref_squeeze %dma_wait3A_139 : memref<1x128xf32, #tpu.memory_space<vmem>> -> memref<128xf32, #tpu.memory_space<vmem>>
        %dma_wait3A_141 = arith.constant 0 : i32
        %dma_wait3A_142 = tpu.memref_slice %arg5[%dma_wait3A_141] : memref<320000xf32, #tpu.memory_space<hbm>> -> memref<128xf32, #tpu.memory_space<hbm>>
        %dma_wait3A_143 = arith.constant 0 : i32
        %dma_wait3A_144 = tpu.memref_slice %arg10[%dma_wait3A_137, %dma_wait3A_143] : memref<2x128xf32, #tpu.memory_space<vmem>> -> memref<1x128xf32, #tpu.memory_space<vmem>>
        %dma_wait3A_145 = tpu.memref_squeeze %dma_wait3A_144 : memref<1x128xf32, #tpu.memory_space<vmem>> -> memref<128xf32, #tpu.memory_space<vmem>>
        %dma_wait3A_146 = arith.constant 0 : i32
        %dma_wait3A_147 = tpu.memref_slice %arg5[%dma_wait3A_146] : memref<320000xf32, #tpu.memory_space<hbm>> -> memref<128xf32, #tpu.memory_space<hbm>>
        tpu.wait_dma2 semaphore(%arg13 : memref<!tpu.dma_semaphore, #tpu.memory_space<semaphore_mem>>) src(%dma_wait3A_147 : memref<128xf32, #tpu.memory_space<hbm>>) dst(%dma_wait3A_145 : memref<128xf32, #tpu.memory_space<vmem>>)
      } else {
      }
      %eq3A_85 = arith.constant 1 : i32
      %eq3A_86 = arith.cmpi eq, %rem3A_79, %eq3A_85 : i32
      %convert_element_type3A_87 = arith.extui %eq3A_86 : i1 to i32
      %cond3A_88 = arith.constant 0 : i32
      %cond3A_89 = arith.cmpi ne, %convert_element_type3A_87, %cond3A_88 : i32
      scf.if %cond3A_89 {
        %dma_wait3A_115 = arith.constant 0 : i32
        %dma_wait3A_116 = arith.constant 0 : i32
        %dma_wait3A_117 = tpu.memref_slice %arg8[%dma_wait3A_115, %dma_wait3A_116] : memref<2x128xi32, #tpu.memory_space<vmem>> -> memref<1x128xi32, #tpu.memory_space<vmem>>
        %dma_wait3A_118 = tpu.memref_squeeze %dma_wait3A_117 : memref<1x128xi32, #tpu.memory_space<vmem>> -> memref<128xi32, #tpu.memory_space<vmem>>
        %dma_wait3A_119 = arith.constant 0 : i32
        %dma_wait3A_120 = tpu.memref_slice %arg3[%dma_wait3A_119] : memref<320000xi32, #tpu.memory_space<hbm>> -> memref<128xi32, #tpu.memory_space<hbm>>
        %dma_wait3A_121 = arith.constant 0 : i32
        %dma_wait3A_122 = tpu.memref_slice %arg8[%dma_wait3A_115, %dma_wait3A_121] : memref<2x128xi32, #tpu.memory_space<vmem>> -> memref<1x128xi32, #tpu.memory_space<vmem>>
        %dma_wait3A_123 = tpu.memref_squeeze %dma_wait3A_122 : memref<1x128xi32, #tpu.memory_space<vmem>> -> memref<128xi32, #tpu.memory_space<vmem>>
        %dma_wait3A_124 = arith.constant 0 : i32
        %dma_wait3A_125 = tpu.memref_slice %arg3[%dma_wait3A_124] : memref<320000xi32, #tpu.memory_space<hbm>> -> memref<128xi32, #tpu.memory_space<hbm>>
        tpu.wait_dma2 semaphore(%arg14 : memref<!tpu.dma_semaphore, #tpu.memory_space<semaphore_mem>>) src(%dma_wait3A_125 : memref<128xi32, #tpu.memory_space<hbm>>) dst(%dma_wait3A_123 : memref<128xi32, #tpu.memory_space<vmem>>)
        %dma_wait3A_126 = arith.constant 0 : i32
        %dma_wait3A_127 = arith.constant 0 : i32
        %dma_wait3A_128 = tpu.memref_slice %arg9[%dma_wait3A_126, %dma_wait3A_127] : memref<2x128xi32, #tpu.memory_space<vmem>> -> memref<1x128xi32, #tpu.memory_space<vmem>>
        %dma_wait3A_129 = tpu.memref_squeeze %dma_wait3A_128 : memref<1x128xi32, #tpu.memory_space<vmem>> -> memref<128xi32, #tpu.memory_space<vmem>>
        %dma_wait3A_130 = arith.constant 0 : i32
        %dma_wait3A_131 = tpu.memref_slice %arg4[%dma_wait3A_130] : memref<320000xi32, #tpu.memory_space<hbm>> -> memref<128xi32, #tpu.memory_space<hbm>>
        %dma_wait3A_132 = arith.constant 0 : i32
        %dma_wait3A_133 = tpu.memref_slice %arg9[%dma_wait3A_126, %dma_wait3A_132] : memref<2x128xi32, #tpu.memory_space<vmem>> -> memref<1x128xi32, #tpu.memory_space<vmem>>
        %dma_wait3A_134 = tpu.memref_squeeze %dma_wait3A_133 : memref<1x128xi32, #tpu.memory_space<vmem>> -> memref<128xi32, #tpu.memory_space<vmem>>
        %dma_wait3A_135 = arith.constant 0 : i32
        %dma_wait3A_136 = tpu.memref_slice %arg4[%dma_wait3A_135] : memref<320000xi32, #tpu.memory_space<hbm>> -> memref<128xi32, #tpu.memory_space<hbm>>
        tpu.wait_dma2 semaphore(%arg14 : memref<!tpu.dma_semaphore, #tpu.memory_space<semaphore_mem>>) src(%dma_wait3A_136 : memref<128xi32, #tpu.memory_space<hbm>>) dst(%dma_wait3A_134 : memref<128xi32, #tpu.memory_space<vmem>>)
        %dma_wait3A_137 = arith.constant 0 : i32
        %dma_wait3A_138 = arith.constant 0 : i32
        %dma_wait3A_139 = tpu.memref_slice %arg10[%dma_wait3A_137, %dma_wait3A_138] : memref<2x128xf32, #tpu.memory_space<vmem>> -> memref<1x128xf32, #tpu.memory_space<vmem>>
        %dma_wait3A_140 = tpu.memref_squeeze %dma_wait3A_139 : memref<1x128xf32, #tpu.memory_space<vmem>> -> memref<128xf32, #tpu.memory_space<vmem>>
        %dma_wait3A_141 = arith.constant 0 : i32
        %dma_wait3A_142 = tpu.memref_slice %arg5[%dma_wait3A_141] : memref<320000xf32, #tpu.memory_space<hbm>> -> memref<128xf32, #tpu.memory_space<hbm>>
        %dma_wait3A_143 = arith.constant 0 : i32
        %dma_wait3A_144 = tpu.memref_slice %arg10[%dma_wait3A_137, %dma_wait3A_143] : memref<2x128xf32, #tpu.memory_space<vmem>> -> memref<1x128xf32, #tpu.memory_space<vmem>>
        %dma_wait3A_145 = tpu.memref_squeeze %dma_wait3A_144 : memref<1x128xf32, #tpu.memory_space<vmem>> -> memref<128xf32, #tpu.memory_space<vmem>>
        %dma_wait3A_146 = arith.constant 0 : i32
        %dma_wait3A_147 = tpu.memref_slice %arg5[%dma_wait3A_146] : memref<320000xf32, #tpu.memory_space<hbm>> -> memref<128xf32, #tpu.memory_space<hbm>>
        tpu.wait_dma2 semaphore(%arg14 : memref<!tpu.dma_semaphore, #tpu.memory_space<semaphore_mem>>) src(%dma_wait3A_147 : memref<128xf32, #tpu.memory_space<hbm>>) dst(%dma_wait3A_145 : memref<128xf32, #tpu.memory_space<vmem>>)
      } else {
      }
      %add3A_90 = arith.constant 1 : i32
      %add3A_91 = arith.addi %while3A_76, %add3A_90 : i32
      %lt3A_92 = arith.cmpi slt, %add3A_91, %add3A_18 : i32
      %convert_element_type3A_93 = arith.extui %lt3A_92 : i1 to i32
      %cond3A_94 = arith.constant 0 : i32
      %cond3A_95 = arith.cmpi ne, %convert_element_type3A_93, %cond3A_94 : i32
      scf.if %cond3A_95 {
        %add3A_115 = arith.constant 1 : i32
        %add3A_116 = arith.addi %while3A_76, %add3A_115 : i32
        %mul3A_117 = arith.constant 32 : i32
        %mul3A_118 = arith.muli %add3A_116, %mul3A_117 : i32
        %add3A_119 = arith.addi %add3A, %mul3A_118 : i32
        %mul3A_120 = arith.constant 128 : i32
        %mul3A_121 = arith.muli %add3A_119, %mul3A_120 : i32
        %sub3A_122 = arith.constant 1 : i32
        %sub3A_123 = arith.subi %sub3A_122, %rem3A_79 : i32
        %eq3A_124 = arith.constant 0 : i32
        %eq3A_125 = arith.cmpi eq, %sub3A_123, %eq3A_124 : i32
        %convert_element_type3A_126 = arith.extui %eq3A_125 : i1 to i32
        %cond3A_127 = arith.constant 0 : i32
        %cond3A_128 = arith.cmpi ne, %convert_element_type3A_126, %cond3A_127 : i32
        scf.if %cond3A_128 {
          %sub3A_134 = arith.constant 1 : i32
          %sub3A_135 = arith.subi %sub3A_134, %rem3A_79 : i32
          %dma_start3A_136 = arith.constant 0 : i32
          %dma_start3A_137 = tpu.memref_slice %arg8[%sub3A_135, %dma_start3A_136] : memref<2x128xi32, #tpu.memory_space<vmem>> -> memref<1x128xi32, #tpu.memory_space<vmem>>
          %dma_start3A_138 = tpu.memref_squeeze %dma_start3A_137 : memref<1x128xi32, #tpu.memory_space<vmem>> -> memref<128xi32, #tpu.memory_space<vmem>>
          %dma_start3A_139 = tpu.memref_slice %arg3[%mul3A_121] : memref<320000xi32, #tpu.memory_space<hbm>> -> memref<128xi32, #tpu.memory_space<hbm>>
          %dma_start3A_140 = arith.constant 0 : i32
          %dma_start3A_141 = tpu.memref_slice %arg8[%sub3A_135, %dma_start3A_140] : memref<2x128xi32, #tpu.memory_space<vmem>> -> memref<1x128xi32, #tpu.memory_space<vmem>>
          %dma_start3A_142 = tpu.memref_squeeze %dma_start3A_141 : memref<1x128xi32, #tpu.memory_space<vmem>> -> memref<128xi32, #tpu.memory_space<vmem>>
          %dma_start3A_143 = tpu.memref_slice %arg3[%mul3A_121] : memref<320000xi32, #tpu.memory_space<hbm>> -> memref<128xi32, #tpu.memory_space<hbm>>
          tpu.enqueue_dma source(%dma_start3A_143 : memref<128xi32, #tpu.memory_space<hbm>>) target(%dma_start3A_142 : memref<128xi32, #tpu.memory_space<vmem>>) target_semaphore(%arg13 : memref<!tpu.dma_semaphore, #tpu.memory_space<semaphore_mem>>)
          %sub3A_144 = arith.constant 1 : i32
          %sub3A_145 = arith.subi %sub3A_144, %rem3A_79 : i32
          %dma_start3A_146 = arith.constant 0 : i32
          %dma_start3A_147 = tpu.memref_slice %arg9[%sub3A_145, %dma_start3A_146] : memref<2x128xi32, #tpu.memory_space<vmem>> -> memref<1x128xi32, #tpu.memory_space<vmem>>
          %dma_start3A_148 = tpu.memref_squeeze %dma_start3A_147 : memref<1x128xi32, #tpu.memory_space<vmem>> -> memref<128xi32, #tpu.memory_space<vmem>>
          %dma_start3A_149 = tpu.memref_slice %arg4[%mul3A_121] : memref<320000xi32, #tpu.memory_space<hbm>> -> memref<128xi32, #tpu.memory_space<hbm>>
          %dma_start3A_150 = arith.constant 0 : i32
          %dma_start3A_151 = tpu.memref_slice %arg9[%sub3A_145, %dma_start3A_150] : memref<2x128xi32, #tpu.memory_space<vmem>> -> memref<1x128xi32, #tpu.memory_space<vmem>>
          %dma_start3A_152 = tpu.memref_squeeze %dma_start3A_151 : memref<1x128xi32, #tpu.memory_space<vmem>> -> memref<128xi32, #tpu.memory_space<vmem>>
          %dma_start3A_153 = tpu.memref_slice %arg4[%mul3A_121] : memref<320000xi32, #tpu.memory_space<hbm>> -> memref<128xi32, #tpu.memory_space<hbm>>
          tpu.enqueue_dma source(%dma_start3A_153 : memref<128xi32, #tpu.memory_space<hbm>>) target(%dma_start3A_152 : memref<128xi32, #tpu.memory_space<vmem>>) target_semaphore(%arg13 : memref<!tpu.dma_semaphore, #tpu.memory_space<semaphore_mem>>)
          %sub3A_154 = arith.constant 1 : i32
          %sub3A_155 = arith.subi %sub3A_154, %rem3A_79 : i32
          %dma_start3A_156 = arith.constant 0 : i32
          %dma_start3A_157 = tpu.memref_slice %arg10[%sub3A_155, %dma_start3A_156] : memref<2x128xf32, #tpu.memory_space<vmem>> -> memref<1x128xf32, #tpu.memory_space<vmem>>
          %dma_start3A_158 = tpu.memref_squeeze %dma_start3A_157 : memref<1x128xf32, #tpu.memory_space<vmem>> -> memref<128xf32, #tpu.memory_space<vmem>>
          %dma_start3A_159 = tpu.memref_slice %arg5[%mul3A_121] : memref<320000xf32, #tpu.memory_space<hbm>> -> memref<128xf32, #tpu.memory_space<hbm>>
          %dma_start3A_160 = arith.constant 0 : i32
          %dma_start3A_161 = tpu.memref_slice %arg10[%sub3A_155, %dma_start3A_160] : memref<2x128xf32, #tpu.memory_space<vmem>> -> memref<1x128xf32, #tpu.memory_space<vmem>>
          %dma_start3A_162 = tpu.memref_squeeze %dma_start3A_161 : memref<1x128xf32, #tpu.memory_space<vmem>> -> memref<128xf32, #tpu.memory_space<vmem>>
          %dma_start3A_163 = tpu.memref_slice %arg5[%mul3A_121] : memref<320000xf32, #tpu.memory_space<hbm>> -> memref<128xf32, #tpu.memory_space<hbm>>
          tpu.enqueue_dma source(%dma_start3A_163 : memref<128xf32, #tpu.memory_space<hbm>>) target(%dma_start3A_162 : memref<128xf32, #tpu.memory_space<vmem>>) target_semaphore(%arg13 : memref<!tpu.dma_semaphore, #tpu.memory_space<semaphore_mem>>)
        } else {
        }
        %eq3A_129 = arith.constant 1 : i32
        %eq3A_130 = arith.cmpi eq, %sub3A_123, %eq3A_129 : i32
        %convert_element_type3A_131 = arith.extui %eq3A_130 : i1 to i32
        %cond3A_132 = arith.constant 0 : i32
        %cond3A_133 = arith.cmpi ne, %convert_element_type3A_131, %cond3A_132 : i32
        scf.if %cond3A_133 {
          %sub3A_134 = arith.constant 1 : i32
          %sub3A_135 = arith.subi %sub3A_134, %rem3A_79 : i32
          %dma_start3A_136 = arith.constant 0 : i32
          %dma_start3A_137 = tpu.memref_slice %arg8[%sub3A_135, %dma_start3A_136] : memref<2x128xi32, #tpu.memory_space<vmem>> -> memref<1x128xi32, #tpu.memory_space<vmem>>
          %dma_start3A_138 = tpu.memref_squeeze %dma_start3A_137 : memref<1x128xi32, #tpu.memory_space<vmem>> -> memref<128xi32, #tpu.memory_space<vmem>>
          %dma_start3A_139 = tpu.memref_slice %arg3[%mul3A_121] : memref<320000xi32, #tpu.memory_space<hbm>> -> memref<128xi32, #tpu.memory_space<hbm>>
          %dma_start3A_140 = arith.constant 0 : i32
          %dma_start3A_141 = tpu.memref_slice %arg8[%sub3A_135, %dma_start3A_140] : memref<2x128xi32, #tpu.memory_space<vmem>> -> memref<1x128xi32, #tpu.memory_space<vmem>>
          %dma_start3A_142 = tpu.memref_squeeze %dma_start3A_141 : memref<1x128xi32, #tpu.memory_space<vmem>> -> memref<128xi32, #tpu.memory_space<vmem>>
          %dma_start3A_143 = tpu.memref_slice %arg3[%mul3A_121] : memref<320000xi32, #tpu.memory_space<hbm>> -> memref<128xi32, #tpu.memory_space<hbm>>
          tpu.enqueue_dma source(%dma_start3A_143 : memref<128xi32, #tpu.memory_space<hbm>>) target(%dma_start3A_142 : memref<128xi32, #tpu.memory_space<vmem>>) target_semaphore(%arg14 : memref<!tpu.dma_semaphore, #tpu.memory_space<semaphore_mem>>)
          %sub3A_144 = arith.constant 1 : i32
          %sub3A_145 = arith.subi %sub3A_144, %rem3A_79 : i32
          %dma_start3A_146 = arith.constant 0 : i32
          %dma_start3A_147 = tpu.memref_slice %arg9[%sub3A_145, %dma_start3A_146] : memref<2x128xi32, #tpu.memory_space<vmem>> -> memref<1x128xi32, #tpu.memory_space<vmem>>
          %dma_start3A_148 = tpu.memref_squeeze %dma_start3A_147 : memref<1x128xi32, #tpu.memory_space<vmem>> -> memref<128xi32, #tpu.memory_space<vmem>>
          %dma_start3A_149 = tpu.memref_slice %arg4[%mul3A_121] : memref<320000xi32, #tpu.memory_space<hbm>> -> memref<128xi32, #tpu.memory_space<hbm>>
          %dma_start3A_150 = arith.constant 0 : i32
          %dma_start3A_151 = tpu.memref_slice %arg9[%sub3A_145, %dma_start3A_150] : memref<2x128xi32, #tpu.memory_space<vmem>> -> memref<1x128xi32, #tpu.memory_space<vmem>>
          %dma_start3A_152 = tpu.memref_squeeze %dma_start3A_151 : memref<1x128xi32, #tpu.memory_space<vmem>> -> memref<128xi32, #tpu.memory_space<vmem>>
          %dma_start3A_153 = tpu.memref_slice %arg4[%mul3A_121] : memref<320000xi32, #tpu.memory_space<hbm>> -> memref<128xi32, #tpu.memory_space<hbm>>
          tpu.enqueue_dma source(%dma_start3A_153 : memref<128xi32, #tpu.memory_space<hbm>>) target(%dma_start3A_152 : memref<128xi32, #tpu.memory_space<vmem>>) target_semaphore(%arg14 : memref<!tpu.dma_semaphore, #tpu.memory_space<semaphore_mem>>)
          %sub3A_154 = arith.constant 1 : i32
          %sub3A_155 = arith.subi %sub3A_154, %rem3A_79 : i32
          %dma_start3A_156 = arith.constant 0 : i32
          %dma_start3A_157 = tpu.memref_slice %arg10[%sub3A_155, %dma_start3A_156] : memref<2x128xf32, #tpu.memory_space<vmem>> -> memref<1x128xf32, #tpu.memory_space<vmem>>
          %dma_start3A_158 = tpu.memref_squeeze %dma_start3A_157 : memref<1x128xf32, #tpu.memory_space<vmem>> -> memref<128xf32, #tpu.memory_space<vmem>>
          %dma_start3A_159 = tpu.memref_slice %arg5[%mul3A_121] : memref<320000xf32, #tpu.memory_space<hbm>> -> memref<128xf32, #tpu.memory_space<hbm>>
          %dma_start3A_160 = arith.constant 0 : i32
          %dma_start3A_161 = tpu.memref_slice %arg10[%sub3A_155, %dma_start3A_160] : memref<2x128xf32, #tpu.memory_space<vmem>> -> memref<1x128xf32, #tpu.memory_space<vmem>>
          %dma_start3A_162 = tpu.memref_squeeze %dma_start3A_161 : memref<1x128xf32, #tpu.memory_space<vmem>> -> memref<128xf32, #tpu.memory_space<vmem>>
          %dma_start3A_163 = tpu.memref_slice %arg5[%mul3A_121] : memref<320000xf32, #tpu.memory_space<hbm>> -> memref<128xf32, #tpu.memory_space<hbm>>
          tpu.enqueue_dma source(%dma_start3A_163 : memref<128xf32, #tpu.memory_space<hbm>>) target(%dma_start3A_162 : memref<128xf32, #tpu.memory_space<vmem>>) target_semaphore(%arg14 : memref<!tpu.dma_semaphore, #tpu.memory_space<semaphore_mem>>)
        } else {
        }
      } else {
      }
      %dma_start3A_96 = arith.constant 0 : i32
      %dma_start3A_97 = tpu.memref_slice %arg8[%rem3A_79, %dma_start3A_96] : memref<2x128xi32, #tpu.memory_space<vmem>> -> memref<1x128xi32, #tpu.memory_space<vmem>>
      %dma_start3A_98 = tpu.memref_squeeze %dma_start3A_97 : memref<1x128xi32, #tpu.memory_space<vmem>> -> memref<128xi32, #tpu.memory_space<vmem>>
      %dma_start3A_99 = arith.constant 0 : i32
      %dma_start3A_100 = arith.constant 0 : i32
      %dma_start3A_101 = tpu.memref_slice %arg2[%dma_start3A_99, %dma_start3A_100] : memref<10000x128xf32, #tpu.memory_space<hbm>> -> memref<10000x128xf32, #tpu.memory_space<hbm>>
      tpu.enqueue_indirect_dma source(%dma_start3A_101 : memref<10000x128xf32, #tpu.memory_space<hbm>>) target(%arg11 : memref<128x128xf32, #tpu.memory_space<vmem>>) offsets(%dma_start3A_98 : memref<128xi32, #tpu.memory_space<vmem>>) semaphore(%arg12 : memref<!tpu.dma_semaphore, #tpu.memory_space<semaphore_mem>>)
      %dma_wait3A = arith.constant 0 : i32
      %dma_wait3A_102 = tpu.memref_slice %arg8[%rem3A_79, %dma_wait3A] : memref<2x128xi32, #tpu.memory_space<vmem>> -> memref<1x128xi32, #tpu.memory_space<vmem>>
      %dma_wait3A_103 = tpu.memref_squeeze %dma_wait3A_102 : memref<1x128xi32, #tpu.memory_space<vmem>> -> memref<128xi32, #tpu.memory_space<vmem>>
      %dma_wait3A_104 = arith.constant 0 : i32
      %dma_wait3A_105 = arith.constant 0 : i32
      %dma_wait3A_106 = tpu.memref_slice %arg2[%dma_wait3A_104, %dma_wait3A_105] : memref<10000x128xf32, #tpu.memory_space<hbm>> -> memref<10000x128xf32, #tpu.memory_space<hbm>>
      tpu.wait_indirect_dma semaphore(%arg12 : memref<!tpu.dma_semaphore, #tpu.memory_space<semaphore_mem>>) src(%dma_wait3A_106 : memref<10000x128xf32, #tpu.memory_space<hbm>>) dst(%arg11 : memref<128x128xf32, #tpu.memory_space<vmem>>)
      %scan3A_107 = arith.constant 0 : i32
      %scan3A_108 = arith.constant 0 : i32
      %scan3A_109 = arith.constant 64 : i32
      %scan3A_110 = arith.addi %scan3A_108, %scan3A_109 : i32
      %scan3A_111 = arith.constant 1 : i32
      %scan3A_112 = scf.for %scan3A_115 = %scan3A_108 to %scan3A_110 step %scan3A_111 iter_args(%scan3A_116 = %scan3A_107) -> (i32)  : i32 {
        %mul3A_117 = arith.constant 2 : i32
        %mul3A_118 = arith.muli %scan3A_115, %mul3A_117 : i32
        %broadcast_in_dim3A_119 = arith.constant 0 : i32
        %broadcast_in_dim3A_120 = vector.broadcast %broadcast_in_dim3A_119 : i32 to vector<16xi32>
        %add3A_121 = vector.broadcast %mul3A_118 : i32 to vector<16xi32>
        %add3A_122 = arith.addi %add3A_121, %broadcast_in_dim3A_120 : vector<16xi32>
        %gather3A = arith.constant 0 : i32
        %gather3A_123 = tpu.memref_slice %arg10[%rem3A_79, %gather3A] : memref<2x128xf32, #tpu.memory_space<vmem>> -> memref<1x128xf32, #tpu.memory_space<vmem>>
        %gather3A_124 = tpu.memref_squeeze %gather3A_123 : memref<1x128xf32, #tpu.memory_space<vmem>> -> memref<128xf32, #tpu.memory_space<vmem>>
        %gather3A_125 = tpu.vector_load_idx %gather3A_124[%add3A_122] : memref<128xf32, #tpu.memory_space<vmem>>[vector<16xi32>], vector<16xf32>,
        %add3A_126 = arith.constant 1 : i32
        %add3A_127 = arith.addi %mul3A_118, %add3A_126 : i32
        %add3A_128 = vector.broadcast %add3A_127 : i32 to vector<16xi32>
        %add3A_129 = arith.addi %add3A_128, %broadcast_in_dim3A_120 : vector<16xi32>
        %gather3A_130 = arith.constant 0 : i32
        %gather3A_131 = tpu.memref_slice %arg10[%rem3A_79, %gather3A_130] : memref<2x128xf32, #tpu.memory_space<vmem>> -> memref<1x128xf32, #tpu.memory_space<vmem>>
        %gather3A_132 = tpu.memref_squeeze %gather3A_131 : memref<1x128xf32, #tpu.memory_space<vmem>> -> memref<128xf32, #tpu.memory_space<vmem>>
        %gather3A_133 = tpu.vector_load_idx %gather3A_132[%add3A_129] : memref<128xf32, #tpu.memory_space<vmem>>[vector<16xi32>], vector<16xf32>,
        %get3A = arith.index_cast %mul3A_118 : i32 to index
        %get3A_134 = arith.constant 0 : index
        %get3A_135 = tpu.vector_load %arg11[%get3A, %get3A_134] {strides = array<i32>} : memref<128x128xf32, #tpu.memory_space<vmem>>, vector<16xf32>,
        %mul3A_136 = arith.mulf %get3A_135, %gather3A_125 : vector<16xf32>
        %swap3A = arith.index_cast %mul3A_118 : i32 to index
        %swap3A_137 = arith.constant 0 : index
        %swap3A_138 = tpu.vector_load %arg11[%swap3A, %swap3A_137] {strides = array<i32>} : memref<128x128xf32, #tpu.memory_space<vmem>>, vector<16xf32>,
        tpu.vector_store %arg11[%swap3A, %swap3A_137], %mul3A_136 {strides = array<i32>} : memref<128x128xf32, #tpu.memory_space<vmem>>, vector<16xf32>,
        %add3A_139 = arith.constant 1 : i32
        %add3A_140 = arith.addi %mul3A_118, %add3A_139 : i32
        %get3A_141 = arith.index_cast %add3A_140 : i32 to index
        %get3A_142 = arith.constant 0 : index
        %get3A_143 = tpu.vector_load %arg11[%get3A_141, %get3A_142] {strides = array<i32>} : memref<128x128xf32, #tpu.memory_space<vmem>>, vector<16xf32>,
        %mul3A_144 = arith.mulf %get3A_143, %gather3A_133 : vector<16xf32>
        %add3A_145 = arith.constant 1 : i32
        %add3A_146 = arith.addi %mul3A_118, %add3A_145 : i32
        %swap3A_147 = arith.index_cast %add3A_146 : i32 to index
        %swap3A_148 = arith.constant 0 : index
        %swap3A_149 = tpu.vector_load %arg11[%swap3A_147, %swap3A_148] {strides = array<i32>} : memref<128x128xf32, #tpu.memory_space<vmem>>, vector<16xf32>,
        tpu.vector_store %arg11[%swap3A_147, %swap3A_148], %mul3A_144 {strides = array<i32>} : memref<128x128xf32, #tpu.memory_space<vmem>>, vector<16xf32>,
        %get3A_150 = arith.index_cast %mul3A_118 : i32 to index
        %get3A_151 = arith.constant 16 : index
        %get3A_152 = tpu.vector_load %arg11[%get3A_150, %get3A_151] {strides = array<i32>} : memref<128x128xf32, #tpu.memory_space<vmem>>, vector<16xf32>,
        %mul3A_153 = arith.mulf %get3A_152, %gather3A_125 : vector<16xf32>
        %swap3A_154 = arith.index_cast %mul3A_118 : i32 to index
        %swap3A_155 = arith.constant 16 : index
        %swap3A_156 = tpu.vector_load %arg11[%swap3A_154, %swap3A_155] {strides = array<i32>} : memref<128x128xf32, #tpu.memory_space<vmem>>, vector<16xf32>,
        tpu.vector_store %arg11[%swap3A_154, %swap3A_155], %mul3A_153 {strides = array<i32>} : memref<128x128xf32, #tpu.memory_space<vmem>>, vector<16xf32>,
        %add3A_157 = arith.constant 1 : i32
        %add3A_158 = arith.addi %mul3A_118, %add3A_157 : i32
        %get3A_159 = arith.index_cast %add3A_158 : i32 to index
        %get3A_160 = arith.constant 16 : index
        %get3A_161 = tpu.vector_load %arg11[%get3A_159, %get3A_160] {strides = array<i32>} : memref<128x128xf32, #tpu.memory_space<vmem>>, vector<16xf32>,
        %mul3A_162 = arith.mulf %get3A_161, %gather3A_133 : vector<16xf32>
        %add3A_163 = arith.constant 1 : i32
        %add3A_164 = arith.addi %mul3A_118, %add3A_163 : i32
        %swap3A_165 = arith.index_cast %add3A_164 : i32 to index
        %swap3A_166 = arith.constant 16 : index
        %swap3A_167 = tpu.vector_load %arg11[%swap3A_165, %swap3A_166] {strides = array<i32>} : memref<128x128xf32, #tpu.memory_space<vmem>>, vector<16xf32>,
        tpu.vector_store %arg11[%swap3A_165, %swap3A_166], %mul3A_162 {strides = array<i32>} : memref<128x128xf32, #tpu.memory_space<vmem>>, vector<16xf32>,
        %get3A_168 = arith.index_cast %mul3A_118 : i32 to index
        %get3A_169 = arith.constant 32 : index
        %get3A_170 = tpu.vector_load %arg11[%get3A_168, %get3A_169] {strides = array<i32>} : memref<128x128xf32, #tpu.memory_space<vmem>>, vector<16xf32>,
        %mul3A_171 = arith.mulf %get3A_170, %gather3A_125 : vector<16xf32>
        %swap3A_172 = arith.index_cast %mul3A_118 : i32 to index
        %swap3A_173 = arith.constant 32 : index
        %swap3A_174 = tpu.vector_load %arg11[%swap3A_172, %swap3A_173] {strides = array<i32>} : memref<128x128xf32, #tpu.memory_space<vmem>>, vector<16xf32>,
        tpu.vector_store %arg11[%swap3A_172, %swap3A_173], %mul3A_171 {strides = array<i32>} : memref<128x128xf32, #tpu.memory_space<vmem>>, vector<16xf32>,
        %add3A_175 = arith.constant 1 : i32
        %add3A_176 = arith.addi %mul3A_118, %add3A_175 : i32
        %get3A_177 = arith.index_cast %add3A_176 : i32 to index
        %get3A_178 = arith.constant 32 : index
        %get3A_179 = tpu.vector_load %arg11[%get3A_177, %get3A_178] {strides = array<i32>} : memref<128x128xf32, #tpu.memory_space<vmem>>, vector<16xf32>,
        %mul3A_180 = arith.mulf %get3A_179, %gather3A_133 : vector<16xf32>
        %add3A_181 = arith.constant 1 : i32
        %add3A_182 = arith.addi %mul3A_118, %add3A_181 : i32
        %swap3A_183 = arith.index_cast %add3A_182 : i32 to index
        %swap3A_184 = arith.constant 32 : index
        %swap3A_185 = tpu.vector_load %arg11[%swap3A_183, %swap3A_184] {strides = array<i32>} : memref<128x128xf32, #tpu.memory_space<vmem>>, vector<16xf32>,
        tpu.vector_store %arg11[%swap3A_183, %swap3A_184], %mul3A_180 {strides = array<i32>} : memref<128x128xf32, #tpu.memory_space<vmem>>, vector<16xf32>,
        %get3A_186 = arith.index_cast %mul3A_118 : i32 to index
        %get3A_187 = arith.constant 48 : index
        %get3A_188 = tpu.vector_load %arg11[%get3A_186, %get3A_187] {strides = array<i32>} : memref<128x128xf32, #tpu.memory_space<vmem>>, vector<16xf32>,
        %mul3A_189 = arith.mulf %get3A_188, %gather3A_125 : vector<16xf32>
        %swap3A_190 = arith.index_cast %mul3A_118 : i32 to index
        %swap3A_191 = arith.constant 48 : index
        %swap3A_192 = tpu.vector_load %arg11[%swap3A_190, %swap3A_191] {strides = array<i32>} : memref<128x128xf32, #tpu.memory_space<vmem>>, vector<16xf32>,
        tpu.vector_store %arg11[%swap3A_190, %swap3A_191], %mul3A_189 {strides = array<i32>} : memref<128x128xf32, #tpu.memory_space<vmem>>, vector<16xf32>,
        %add3A_193 = arith.constant 1 : i32
        %add3A_194 = arith.addi %mul3A_118, %add3A_193 : i32
        %get3A_195 = arith.index_cast %add3A_194 : i32 to index
        %get3A_196 = arith.constant 48 : index
        %get3A_197 = tpu.vector_load %arg11[%get3A_195, %get3A_196] {strides = array<i32>} : memref<128x128xf32, #tpu.memory_space<vmem>>, vector<16xf32>,
        %mul3A_198 = arith.mulf %get3A_197, %gather3A_133 : vector<16xf32>
        %add3A_199 = arith.constant 1 : i32
        %add3A_200 = arith.addi %mul3A_118, %add3A_199 : i32
        %swap3A_201 = arith.index_cast %add3A_200 : i32 to index
        %swap3A_202 = arith.constant 48 : index
        %swap3A_203 = tpu.vector_load %arg11[%swap3A_201, %swap3A_202] {strides = array<i32>} : memref<128x128xf32, #tpu.memory_space<vmem>>, vector<16xf32>,
        tpu.vector_store %arg11[%swap3A_201, %swap3A_202], %mul3A_198 {strides = array<i32>} : memref<128x128xf32, #tpu.memory_space<vmem>>, vector<16xf32>,
        %get3A_204 = arith.index_cast %mul3A_118 : i32 to index
        %get3A_205 = arith.constant 64 : index
        %get3A_206 = tpu.vector_load %arg11[%get3A_204, %get3A_205] {strides = array<i32>} : memref<128x128xf32, #tpu.memory_space<vmem>>, vector<16xf32>,
        %mul3A_207 = arith.mulf %get3A_206, %gather3A_125 : vector<16xf32>
        %swap3A_208 = arith.index_cast %mul3A_118 : i32 to index
        %swap3A_209 = arith.constant 64 : index
        %swap3A_210 = tpu.vector_load %arg11[%swap3A_208, %swap3A_209] {strides = array<i32>} : memref<128x128xf32, #tpu.memory_space<vmem>>, vector<16xf32>,
        tpu.vector_store %arg11[%swap3A_208, %swap3A_209], %mul3A_207 {strides = array<i32>} : memref<128x128xf32, #tpu.memory_space<vmem>>, vector<16xf32>,
        %add3A_211 = arith.constant 1 : i32
        %add3A_212 = arith.addi %mul3A_118, %add3A_211 : i32
        %get3A_213 = arith.index_cast %add3A_212 : i32 to index
        %get3A_214 = arith.constant 64 : index
        %get3A_215 = tpu.vector_load %arg11[%get3A_213, %get3A_214] {strides = array<i32>} : memref<128x128xf32, #tpu.memory_space<vmem>>, vector<16xf32>,
        %mul3A_216 = arith.mulf %get3A_215, %gather3A_133 : vector<16xf32>
        %add3A_217 = arith.constant 1 : i32
        %add3A_218 = arith.addi %mul3A_118, %add3A_217 : i32
        %swap3A_219 = arith.index_cast %add3A_218 : i32 to index
        %swap3A_220 = arith.constant 64 : index
        %swap3A_221 = tpu.vector_load %arg11[%swap3A_219, %swap3A_220] {strides = array<i32>} : memref<128x128xf32, #tpu.memory_space<vmem>>, vector<16xf32>,
        tpu.vector_store %arg11[%swap3A_219, %swap3A_220], %mul3A_216 {strides = array<i32>} : memref<128x128xf32, #tpu.memory_space<vmem>>, vector<16xf32>,
        %get3A_222 = arith.index_cast %mul3A_118 : i32 to index
        %get3A_223 = arith.constant 80 : index
        %get3A_224 = tpu.vector_load %arg11[%get3A_222, %get3A_223] {strides = array<i32>} : memref<128x128xf32, #tpu.memory_space<vmem>>, vector<16xf32>,
        %mul3A_225 = arith.mulf %get3A_224, %gather3A_125 : vector<16xf32>
        %swap3A_226 = arith.index_cast %mul3A_118 : i32 to index
        %swap3A_227 = arith.constant 80 : index
        %swap3A_228 = tpu.vector_load %arg11[%swap3A_226, %swap3A_227] {strides = array<i32>} : memref<128x128xf32, #tpu.memory_space<vmem>>, vector<16xf32>,
        tpu.vector_store %arg11[%swap3A_226, %swap3A_227], %mul3A_225 {strides = array<i32>} : memref<128x128xf32, #tpu.memory_space<vmem>>, vector<16xf32>,
        %add3A_229 = arith.constant 1 : i32
        %add3A_230 = arith.addi %mul3A_118, %add3A_229 : i32
        %get3A_231 = arith.index_cast %add3A_230 : i32 to index
        %get3A_232 = arith.constant 80 : index
        %get3A_233 = tpu.vector_load %arg11[%get3A_231, %get3A_232] {strides = array<i32>} : memref<128x128xf32, #tpu.memory_space<vmem>>, vector<16xf32>,
        %mul3A_234 = arith.mulf %get3A_233, %gather3A_133 : vector<16xf32>
        %add3A_235 = arith.constant 1 : i32
        %add3A_236 = arith.addi %mul3A_118, %add3A_235 : i32
        %swap3A_237 = arith.index_cast %add3A_236 : i32 to index
        %swap3A_238 = arith.constant 80 : index
        %swap3A_239 = tpu.vector_load %arg11[%swap3A_237, %swap3A_238] {strides = array<i32>} : memref<128x128xf32, #tpu.memory_space<vmem>>, vector<16xf32>,
        tpu.vector_store %arg11[%swap3A_237, %swap3A_238], %mul3A_234 {strides = array<i32>} : memref<128x128xf32, #tpu.memory_space<vmem>>, vector<16xf32>,
        %get3A_240 = arith.index_cast %mul3A_118 : i32 to index
        %get3A_241 = arith.constant 96 : index
        %get3A_242 = tpu.vector_load %arg11[%get3A_240, %get3A_241] {strides = array<i32>} : memref<128x128xf32, #tpu.memory_space<vmem>>, vector<16xf32>,
        %mul3A_243 = arith.mulf %get3A_242, %gather3A_125 : vector<16xf32>
        %swap3A_244 = arith.index_cast %mul3A_118 : i32 to index
        %swap3A_245 = arith.constant 96 : index
        %swap3A_246 = tpu.vector_load %arg11[%swap3A_244, %swap3A_245] {strides = array<i32>} : memref<128x128xf32, #tpu.memory_space<vmem>>, vector<16xf32>,
        tpu.vector_store %arg11[%swap3A_244, %swap3A_245], %mul3A_243 {strides = array<i32>} : memref<128x128xf32, #tpu.memory_space<vmem>>, vector<16xf32>,
        %add3A_247 = arith.constant 1 : i32
        %add3A_248 = arith.addi %mul3A_118, %add3A_247 : i32
        %get3A_249 = arith.index_cast %add3A_248 : i32 to index
        %get3A_250 = arith.constant 96 : index
        %get3A_251 = tpu.vector_load %arg11[%get3A_249, %get3A_250] {strides = array<i32>} : memref<128x128xf32, #tpu.memory_space<vmem>>, vector<16xf32>,
        %mul3A_252 = arith.mulf %get3A_251, %gather3A_133 : vector<16xf32>
        %add3A_253 = arith.constant 1 : i32
        %add3A_254 = arith.addi %mul3A_118, %add3A_253 : i32
        %swap3A_255 = arith.index_cast %add3A_254 : i32 to index
        %swap3A_256 = arith.constant 96 : index
        %swap3A_257 = tpu.vector_load %arg11[%swap3A_255, %swap3A_256] {strides = array<i32>} : memref<128x128xf32, #tpu.memory_space<vmem>>, vector<16xf32>,
        tpu.vector_store %arg11[%swap3A_255, %swap3A_256], %mul3A_252 {strides = array<i32>} : memref<128x128xf32, #tpu.memory_space<vmem>>, vector<16xf32>,
        %get3A_258 = arith.index_cast %mul3A_118 : i32 to index
        %get3A_259 = arith.constant 112 : index
        %get3A_260 = tpu.vector_load %arg11[%get3A_258, %get3A_259] {strides = array<i32>} : memref<128x128xf32, #tpu.memory_space<vmem>>, vector<16xf32>,
        %mul3A_261 = arith.mulf %get3A_260, %gather3A_125 : vector<16xf32>
        %swap3A_262 = arith.index_cast %mul3A_118 : i32 to index
        %swap3A_263 = arith.constant 112 : index
        %swap3A_264 = tpu.vector_load %arg11[%swap3A_262, %swap3A_263] {strides = array<i32>} : memref<128x128xf32, #tpu.memory_space<vmem>>, vector<16xf32>,
        tpu.vector_store %arg11[%swap3A_262, %swap3A_263], %mul3A_261 {strides = array<i32>} : memref<128x128xf32, #tpu.memory_space<vmem>>, vector<16xf32>,
        %add3A_265 = arith.constant 1 : i32
        %add3A_266 = arith.addi %mul3A_118, %add3A_265 : i32
        %get3A_267 = arith.index_cast %add3A_266 : i32 to index
        %get3A_268 = arith.constant 112 : index
        %get3A_269 = tpu.vector_load %arg11[%get3A_267, %get3A_268] {strides = array<i32>} : memref<128x128xf32, #tpu.memory_space<vmem>>, vector<16xf32>,
        %mul3A_270 = arith.mulf %get3A_269, %gather3A_133 : vector<16xf32>
        %add3A_271 = arith.constant 1 : i32
        %add3A_272 = arith.addi %mul3A_118, %add3A_271 : i32
        %swap3A_273 = arith.index_cast %add3A_272 : i32 to index
        %swap3A_274 = arith.constant 112 : index
        %swap3A_275 = tpu.vector_load %arg11[%swap3A_273, %swap3A_274] {strides = array<i32>} : memref<128x128xf32, #tpu.memory_space<vmem>>, vector<16xf32>,
        tpu.vector_store %arg11[%swap3A_273, %swap3A_274], %mul3A_270 {strides = array<i32>} : memref<128x128xf32, #tpu.memory_space<vmem>>, vector<16xf32>,
        %scan3A_276 = arith.constant 0 : i32
        scf.yield %scan3A_276 : i32
      }
      %scan3A_113 = arith.constant 64 : i32
      "tpu.region"() ({
        %run_scoped3A = tpu.sem_alloc : memref<!tpu.dma_semaphore, #tpu.memory_space<semaphore_mem>>
        %dma_start3A_115 = arith.constant 0 : i32
        %dma_start3A_116 = tpu.memref_slice %arg9[%rem3A_79, %dma_start3A_115] : memref<2x128xi32, #tpu.memory_space<vmem>> -> memref<1x128xi32, #tpu.memory_space<vmem>>
        %dma_start3A_117 = tpu.memref_squeeze %dma_start3A_116 : memref<1x128xi32, #tpu.memory_space<vmem>> -> memref<128xi32, #tpu.memory_space<vmem>>
        %dma_start3A_118 = arith.constant 0 : i32
        %dma_start3A_119 = arith.constant 0 : i32
        %dma_start3A_120 = tpu.memref_slice %arg7[%dma_start3A_118, %dma_start3A_119] : memref<10000x128xf32, #tpu.memory_space<vmem_shared>> -> memref<10000x128xf32, #tpu.memory_space<vmem_shared>>
        tpu.enqueue_indirect_dma source(%arg11 : memref<128x128xf32, #tpu.memory_space<vmem>>) target(%dma_start3A_120 : memref<10000x128xf32, #tpu.memory_space<vmem_shared>>) offsets(%dma_start3A_117 : memref<128xi32, #tpu.memory_space<vmem>>) semaphore(%run_scoped3A : memref<!tpu.dma_semaphore, #tpu.memory_space<semaphore_mem>>) {add = true}
        %dma_wait3A_121 = arith.constant 0 : i32
        %dma_wait3A_122 = tpu.memref_slice %arg9[%rem3A_79, %dma_wait3A_121] : memref<2x128xi32, #tpu.memory_space<vmem>> -> memref<1x128xi32, #tpu.memory_space<vmem>>
        %dma_wait3A_123 = tpu.memref_squeeze %dma_wait3A_122 : memref<1x128xi32, #tpu.memory_space<vmem>> -> memref<128xi32, #tpu.memory_space<vmem>>
        %dma_wait3A_124 = arith.constant 0 : i32
        %dma_wait3A_125 = arith.constant 0 : i32
        %dma_wait3A_126 = tpu.memref_slice %arg7[%dma_wait3A_124, %dma_wait3A_125] : memref<10000x128xf32, #tpu.memory_space<vmem_shared>> -> memref<10000x128xf32, #tpu.memory_space<vmem_shared>>
        tpu.wait_indirect_dma semaphore(%run_scoped3A : memref<!tpu.dma_semaphore, #tpu.memory_space<semaphore_mem>>) src(%arg11 : memref<128x128xf32, #tpu.memory_space<vmem>>) dst(%dma_wait3A_126 : memref<10000x128xf32, #tpu.memory_space<vmem_shared>>)
        tpu.yield
      }) : () -> ()
      %while3A_114 = arith.constant 0 : i32
      scf.yield %while3A_114 : i32
    }
    %while3A_56 = arith.constant 1 : i32
    %while3A_57 = scf.for %while3A_76 = %while3A_53 to %while3A_49 step %while3A_56 iter_args(%while3A_77 = %while3A_55) -> (i32)  : i32 {
      %rem3A_78 = arith.constant 2 : i32
      %rem3A_79 = arith.remsi %while3A_76, %rem3A_78 : i32
      %eq3A_80 = arith.constant 0 : i32
      %eq3A_81 = arith.cmpi eq, %rem3A_79, %eq3A_80 : i32
      %convert_element_type3A_82 = arith.extui %eq3A_81 : i1 to i32
      %cond3A_83 = arith.constant 0 : i32
      %cond3A_84 = arith.cmpi ne, %convert_element_type3A_82, %cond3A_83 : i32
      scf.if %cond3A_84 {
        %dma_wait3A_115 = arith.constant 0 : i32
        %dma_wait3A_116 = arith.constant 0 : i32
        %dma_wait3A_117 = tpu.memref_slice %arg8[%dma_wait3A_115, %dma_wait3A_116] : memref<2x128xi32, #tpu.memory_space<vmem>> -> memref<1x128xi32, #tpu.memory_space<vmem>>
        %dma_wait3A_118 = tpu.memref_squeeze %dma_wait3A_117 : memref<1x128xi32, #tpu.memory_space<vmem>> -> memref<128xi32, #tpu.memory_space<vmem>>
        %dma_wait3A_119 = arith.constant 0 : i32
        %dma_wait3A_120 = tpu.memref_slice %arg3[%dma_wait3A_119] : memref<320000xi32, #tpu.memory_space<hbm>> -> memref<128xi32, #tpu.memory_space<hbm>>
        %dma_wait3A_121 = arith.constant 0 : i32
        %dma_wait3A_122 = tpu.memref_slice %arg8[%dma_wait3A_115, %dma_wait3A_121] : memref<2x128xi32, #tpu.memory_space<vmem>> -> memref<1x128xi32, #tpu.memory_space<vmem>>
        %dma_wait3A_123 = tpu.memref_squeeze %dma_wait3A_122 : memref<1x128xi32, #tpu.memory_space<vmem>> -> memref<128xi32, #tpu.memory_space<vmem>>
        %dma_wait3A_124 = arith.constant 0 : i32
        %dma_wait3A_125 = tpu.memref_slice %arg3[%dma_wait3A_124] : memref<320000xi32, #tpu.memory_space<hbm>> -> memref<128xi32, #tpu.memory_space<hbm>>
        tpu.wait_dma2 semaphore(%arg13 : memref<!tpu.dma_semaphore, #tpu.memory_space<semaphore_mem>>) src(%dma_wait3A_125 : memref<128xi32, #tpu.memory_space<hbm>>) dst(%dma_wait3A_123 : memref<128xi32, #tpu.memory_space<vmem>>)
        %dma_wait3A_126 = arith.constant 0 : i32
        %dma_wait3A_127 = arith.constant 0 : i32
        %dma_wait3A_128 = tpu.memref_slice %arg9[%dma_wait3A_126, %dma_wait3A_127] : memref<2x128xi32, #tpu.memory_space<vmem>> -> memref<1x128xi32, #tpu.memory_space<vmem>>
        %dma_wait3A_129 = tpu.memref_squeeze %dma_wait3A_128 : memref<1x128xi32, #tpu.memory_space<vmem>> -> memref<128xi32, #tpu.memory_space<vmem>>
        %dma_wait3A_130 = arith.constant 0 : i32
        %dma_wait3A_131 = tpu.memref_slice %arg4[%dma_wait3A_130] : memref<320000xi32, #tpu.memory_space<hbm>> -> memref<128xi32, #tpu.memory_space<hbm>>
        %dma_wait3A_132 = arith.constant 0 : i32
        %dma_wait3A_133 = tpu.memref_slice %arg9[%dma_wait3A_126, %dma_wait3A_132] : memref<2x128xi32, #tpu.memory_space<vmem>> -> memref<1x128xi32, #tpu.memory_space<vmem>>
        %dma_wait3A_134 = tpu.memref_squeeze %dma_wait3A_133 : memref<1x128xi32, #tpu.memory_space<vmem>> -> memref<128xi32, #tpu.memory_space<vmem>>
        %dma_wait3A_135 = arith.constant 0 : i32
        %dma_wait3A_136 = tpu.memref_slice %arg4[%dma_wait3A_135] : memref<320000xi32, #tpu.memory_space<hbm>> -> memref<128xi32, #tpu.memory_space<hbm>>
        tpu.wait_dma2 semaphore(%arg13 : memref<!tpu.dma_semaphore, #tpu.memory_space<semaphore_mem>>) src(%dma_wait3A_136 : memref<128xi32, #tpu.memory_space<hbm>>) dst(%dma_wait3A_134 : memref<128xi32, #tpu.memory_space<vmem>>)
        %dma_wait3A_137 = arith.constant 0 : i32
        %dma_wait3A_138 = arith.constant 0 : i32
        %dma_wait3A_139 = tpu.memref_slice %arg10[%dma_wait3A_137, %dma_wait3A_138] : memref<2x128xf32, #tpu.memory_space<vmem>> -> memref<1x128xf32, #tpu.memory_space<vmem>>
        %dma_wait3A_140 = tpu.memref_squeeze %dma_wait3A_139 : memref<1x128xf32, #tpu.memory_space<vmem>> -> memref<128xf32, #tpu.memory_space<vmem>>
        %dma_wait3A_141 = arith.constant 0 : i32
        %dma_wait3A_142 = tpu.memref_slice %arg5[%dma_wait3A_141] : memref<320000xf32, #tpu.memory_space<hbm>> -> memref<128xf32, #tpu.memory_space<hbm>>
        %dma_wait3A_143 = arith.constant 0 : i32
        %dma_wait3A_144 = tpu.memref_slice %arg10[%dma_wait3A_137, %dma_wait3A_143] : memref<2x128xf32, #tpu.memory_space<vmem>> -> memref<1x128xf32, #tpu.memory_space<vmem>>
        %dma_wait3A_145 = tpu.memref_squeeze %dma_wait3A_144 : memref<1x128xf32, #tpu.memory_space<vmem>> -> memref<128xf32, #tpu.memory_space<vmem>>
        %dma_wait3A_146 = arith.constant 0 : i32
        %dma_wait3A_147 = tpu.memref_slice %arg5[%dma_wait3A_146] : memref<320000xf32, #tpu.memory_space<hbm>> -> memref<128xf32, #tpu.memory_space<hbm>>
        tpu.wait_dma2 semaphore(%arg13 : memref<!tpu.dma_semaphore, #tpu.memory_space<semaphore_mem>>) src(%dma_wait3A_147 : memref<128xf32, #tpu.memory_space<hbm>>) dst(%dma_wait3A_145 : memref<128xf32, #tpu.memory_space<vmem>>)
      } else {
      }
      %eq3A_85 = arith.constant 1 : i32
      %eq3A_86 = arith.cmpi eq, %rem3A_79, %eq3A_85 : i32
      %convert_element_type3A_87 = arith.extui %eq3A_86 : i1 to i32
      %cond3A_88 = arith.constant 0 : i32
      %cond3A_89 = arith.cmpi ne, %convert_element_type3A_87, %cond3A_88 : i32
      scf.if %cond3A_89 {
        %dma_wait3A_115 = arith.constant 0 : i32
        %dma_wait3A_116 = arith.constant 0 : i32
        %dma_wait3A_117 = tpu.memref_slice %arg8[%dma_wait3A_115, %dma_wait3A_116] : memref<2x128xi32, #tpu.memory_space<vmem>> -> memref<1x128xi32, #tpu.memory_space<vmem>>
        %dma_wait3A_118 = tpu.memref_squeeze %dma_wait3A_117 : memref<1x128xi32, #tpu.memory_space<vmem>> -> memref<128xi32, #tpu.memory_space<vmem>>
        %dma_wait3A_119 = arith.constant 0 : i32
        %dma_wait3A_120 = tpu.memref_slice %arg3[%dma_wait3A_119] : memref<320000xi32, #tpu.memory_space<hbm>> -> memref<128xi32, #tpu.memory_space<hbm>>
        %dma_wait3A_121 = arith.constant 0 : i32
        %dma_wait3A_122 = tpu.memref_slice %arg8[%dma_wait3A_115, %dma_wait3A_121] : memref<2x128xi32, #tpu.memory_space<vmem>> -> memref<1x128xi32, #tpu.memory_space<vmem>>
        %dma_wait3A_123 = tpu.memref_squeeze %dma_wait3A_122 : memref<1x128xi32, #tpu.memory_space<vmem>> -> memref<128xi32, #tpu.memory_space<vmem>>
        %dma_wait3A_124 = arith.constant 0 : i32
        %dma_wait3A_125 = tpu.memref_slice %arg3[%dma_wait3A_124] : memref<320000xi32, #tpu.memory_space<hbm>> -> memref<128xi32, #tpu.memory_space<hbm>>
        tpu.wait_dma2 semaphore(%arg14 : memref<!tpu.dma_semaphore, #tpu.memory_space<semaphore_mem>>) src(%dma_wait3A_125 : memref<128xi32, #tpu.memory_space<hbm>>) dst(%dma_wait3A_123 : memref<128xi32, #tpu.memory_space<vmem>>)
        %dma_wait3A_126 = arith.constant 0 : i32
        %dma_wait3A_127 = arith.constant 0 : i32
        %dma_wait3A_128 = tpu.memref_slice %arg9[%dma_wait3A_126, %dma_wait3A_127] : memref<2x128xi32, #tpu.memory_space<vmem>> -> memref<1x128xi32, #tpu.memory_space<vmem>>
        %dma_wait3A_129 = tpu.memref_squeeze %dma_wait3A_128 : memref<1x128xi32, #tpu.memory_space<vmem>> -> memref<128xi32, #tpu.memory_space<vmem>>
        %dma_wait3A_130 = arith.constant 0 : i32
        %dma_wait3A_131 = tpu.memref_slice %arg4[%dma_wait3A_130] : memref<320000xi32, #tpu.memory_space<hbm>> -> memref<128xi32, #tpu.memory_space<hbm>>
        %dma_wait3A_132 = arith.constant 0 : i32
        %dma_wait3A_133 = tpu.memref_slice %arg9[%dma_wait3A_126, %dma_wait3A_132] : memref<2x128xi32, #tpu.memory_space<vmem>> -> memref<1x128xi32, #tpu.memory_space<vmem>>
        %dma_wait3A_134 = tpu.memref_squeeze %dma_wait3A_133 : memref<1x128xi32, #tpu.memory_space<vmem>> -> memref<128xi32, #tpu.memory_space<vmem>>
        %dma_wait3A_135 = arith.constant 0 : i32
        %dma_wait3A_136 = tpu.memref_slice %arg4[%dma_wait3A_135] : memref<320000xi32, #tpu.memory_space<hbm>> -> memref<128xi32, #tpu.memory_space<hbm>>
        tpu.wait_dma2 semaphore(%arg14 : memref<!tpu.dma_semaphore, #tpu.memory_space<semaphore_mem>>) src(%dma_wait3A_136 : memref<128xi32, #tpu.memory_space<hbm>>) dst(%dma_wait3A_134 : memref<128xi32, #tpu.memory_space<vmem>>)
        %dma_wait3A_137 = arith.constant 0 : i32
        %dma_wait3A_138 = arith.constant 0 : i32
        %dma_wait3A_139 = tpu.memref_slice %arg10[%dma_wait3A_137, %dma_wait3A_138] : memref<2x128xf32, #tpu.memory_space<vmem>> -> memref<1x128xf32, #tpu.memory_space<vmem>>
        %dma_wait3A_140 = tpu.memref_squeeze %dma_wait3A_139 : memref<1x128xf32, #tpu.memory_space<vmem>> -> memref<128xf32, #tpu.memory_space<vmem>>
        %dma_wait3A_141 = arith.constant 0 : i32
        %dma_wait3A_142 = tpu.memref_slice %arg5[%dma_wait3A_141] : memref<320000xf32, #tpu.memory_space<hbm>> -> memref<128xf32, #tpu.memory_space<hbm>>
        %dma_wait3A_143 = arith.constant 0 : i32
        %dma_wait3A_144 = tpu.memref_slice %arg10[%dma_wait3A_137, %dma_wait3A_143] : memref<2x128xf32, #tpu.memory_space<vmem>> -> memref<1x128xf32, #tpu.memory_space<vmem>>
        %dma_wait3A_145 = tpu.memref_squeeze %dma_wait3A_144 : memref<1x128xf32, #tpu.memory_space<vmem>> -> memref<128xf32, #tpu.memory_space<vmem>>
        %dma_wait3A_146 = arith.constant 0 : i32
        %dma_wait3A_147 = tpu.memref_slice %arg5[%dma_wait3A_146] : memref<320000xf32, #tpu.memory_space<hbm>> -> memref<128xf32, #tpu.memory_space<hbm>>
        tpu.wait_dma2 semaphore(%arg14 : memref<!tpu.dma_semaphore, #tpu.memory_space<semaphore_mem>>) src(%dma_wait3A_147 : memref<128xf32, #tpu.memory_space<hbm>>) dst(%dma_wait3A_145 : memref<128xf32, #tpu.memory_space<vmem>>)
      } else {
      }
      %add3A_90 = arith.constant 1 : i32
      %add3A_91 = arith.addi %while3A_76, %add3A_90 : i32
      %lt3A_92 = arith.cmpi slt, %add3A_91, %add3A_18 : i32
      %convert_element_type3A_93 = arith.extui %lt3A_92 : i1 to i32
      %cond3A_94 = arith.constant 0 : i32
      %cond3A_95 = arith.cmpi ne, %convert_element_type3A_93, %cond3A_94 : i32
      scf.if %cond3A_95 {
        %add3A_115 = arith.constant 1 : i32
        %add3A_116 = arith.addi %while3A_76, %add3A_115 : i32
        %mul3A_117 = arith.constant 32 : i32
        %mul3A_118 = arith.muli %add3A_116, %mul3A_117 : i32
        %add3A_119 = arith.addi %add3A, %mul3A_118 : i32
        %mul3A_120 = arith.constant 128 : i32
        %mul3A_121 = arith.muli %add3A_119, %mul3A_120 : i32
        %sub3A_122 = arith.constant 1 : i32
        %sub3A_123 = arith.subi %sub3A_122, %rem3A_79 : i32
        %eq3A_124 = arith.constant 0 : i32
        %eq3A_125 = arith.cmpi eq, %sub3A_123, %eq3A_124 : i32
        %convert_element_type3A_126 = arith.extui %eq3A_125 : i1 to i32
        %cond3A_127 = arith.constant 0 : i32
        %cond3A_128 = arith.cmpi ne, %convert_element_type3A_126, %cond3A_127 : i32
        scf.if %cond3A_128 {
          %sub3A_134 = arith.constant 1 : i32
          %sub3A_135 = arith.subi %sub3A_134, %rem3A_79 : i32
          %dma_start3A_136 = arith.constant 0 : i32
          %dma_start3A_137 = tpu.memref_slice %arg8[%sub3A_135, %dma_start3A_136] : memref<2x128xi32, #tpu.memory_space<vmem>> -> memref<1x128xi32, #tpu.memory_space<vmem>>
          %dma_start3A_138 = tpu.memref_squeeze %dma_start3A_137 : memref<1x128xi32, #tpu.memory_space<vmem>> -> memref<128xi32, #tpu.memory_space<vmem>>
          %dma_start3A_139 = tpu.memref_slice %arg3[%mul3A_121] : memref<320000xi32, #tpu.memory_space<hbm>> -> memref<128xi32, #tpu.memory_space<hbm>>
          %dma_start3A_140 = arith.constant 0 : i32
          %dma_start3A_141 = tpu.memref_slice %arg8[%sub3A_135, %dma_start3A_140] : memref<2x128xi32, #tpu.memory_space<vmem>> -> memref<1x128xi32, #tpu.memory_space<vmem>>
          %dma_start3A_142 = tpu.memref_squeeze %dma_start3A_141 : memref<1x128xi32, #tpu.memory_space<vmem>> -> memref<128xi32, #tpu.memory_space<vmem>>
          %dma_start3A_143 = tpu.memref_slice %arg3[%mul3A_121] : memref<320000xi32, #tpu.memory_space<hbm>> -> memref<128xi32, #tpu.memory_space<hbm>>
          tpu.enqueue_dma source(%dma_start3A_143 : memref<128xi32, #tpu.memory_space<hbm>>) target(%dma_start3A_142 : memref<128xi32, #tpu.memory_space<vmem>>) target_semaphore(%arg13 : memref<!tpu.dma_semaphore, #tpu.memory_space<semaphore_mem>>)
          %sub3A_144 = arith.constant 1 : i32
          %sub3A_145 = arith.subi %sub3A_144, %rem3A_79 : i32
          %dma_start3A_146 = arith.constant 0 : i32
          %dma_start3A_147 = tpu.memref_slice %arg9[%sub3A_145, %dma_start3A_146] : memref<2x128xi32, #tpu.memory_space<vmem>> -> memref<1x128xi32, #tpu.memory_space<vmem>>
          %dma_start3A_148 = tpu.memref_squeeze %dma_start3A_147 : memref<1x128xi32, #tpu.memory_space<vmem>> -> memref<128xi32, #tpu.memory_space<vmem>>
          %dma_start3A_149 = tpu.memref_slice %arg4[%mul3A_121] : memref<320000xi32, #tpu.memory_space<hbm>> -> memref<128xi32, #tpu.memory_space<hbm>>
          %dma_start3A_150 = arith.constant 0 : i32
          %dma_start3A_151 = tpu.memref_slice %arg9[%sub3A_145, %dma_start3A_150] : memref<2x128xi32, #tpu.memory_space<vmem>> -> memref<1x128xi32, #tpu.memory_space<vmem>>
          %dma_start3A_152 = tpu.memref_squeeze %dma_start3A_151 : memref<1x128xi32, #tpu.memory_space<vmem>> -> memref<128xi32, #tpu.memory_space<vmem>>
          %dma_start3A_153 = tpu.memref_slice %arg4[%mul3A_121] : memref<320000xi32, #tpu.memory_space<hbm>> -> memref<128xi32, #tpu.memory_space<hbm>>
          tpu.enqueue_dma source(%dma_start3A_153 : memref<128xi32, #tpu.memory_space<hbm>>) target(%dma_start3A_152 : memref<128xi32, #tpu.memory_space<vmem>>) target_semaphore(%arg13 : memref<!tpu.dma_semaphore, #tpu.memory_space<semaphore_mem>>)
          %sub3A_154 = arith.constant 1 : i32
          %sub3A_155 = arith.subi %sub3A_154, %rem3A_79 : i32
          %dma_start3A_156 = arith.constant 0 : i32
          %dma_start3A_157 = tpu.memref_slice %arg10[%sub3A_155, %dma_start3A_156] : memref<2x128xf32, #tpu.memory_space<vmem>> -> memref<1x128xf32, #tpu.memory_space<vmem>>
          %dma_start3A_158 = tpu.memref_squeeze %dma_start3A_157 : memref<1x128xf32, #tpu.memory_space<vmem>> -> memref<128xf32, #tpu.memory_space<vmem>>
          %dma_start3A_159 = tpu.memref_slice %arg5[%mul3A_121] : memref<320000xf32, #tpu.memory_space<hbm>> -> memref<128xf32, #tpu.memory_space<hbm>>
          %dma_start3A_160 = arith.constant 0 : i32
          %dma_start3A_161 = tpu.memref_slice %arg10[%sub3A_155, %dma_start3A_160] : memref<2x128xf32, #tpu.memory_space<vmem>> -> memref<1x128xf32, #tpu.memory_space<vmem>>
          %dma_start3A_162 = tpu.memref_squeeze %dma_start3A_161 : memref<1x128xf32, #tpu.memory_space<vmem>> -> memref<128xf32, #tpu.memory_space<vmem>>
          %dma_start3A_163 = tpu.memref_slice %arg5[%mul3A_121] : memref<320000xf32, #tpu.memory_space<hbm>> -> memref<128xf32, #tpu.memory_space<hbm>>
          tpu.enqueue_dma source(%dma_start3A_163 : memref<128xf32, #tpu.memory_space<hbm>>) target(%dma_start3A_162 : memref<128xf32, #tpu.memory_space<vmem>>) target_semaphore(%arg13 : memref<!tpu.dma_semaphore, #tpu.memory_space<semaphore_mem>>)
        } else {
        }
        %eq3A_129 = arith.constant 1 : i32
        %eq3A_130 = arith.cmpi eq, %sub3A_123, %eq3A_129 : i32
        %convert_element_type3A_131 = arith.extui %eq3A_130 : i1 to i32
        %cond3A_132 = arith.constant 0 : i32
        %cond3A_133 = arith.cmpi ne, %convert_element_type3A_131, %cond3A_132 : i32
        scf.if %cond3A_133 {
          %sub3A_134 = arith.constant 1 : i32
          %sub3A_135 = arith.subi %sub3A_134, %rem3A_79 : i32
          %dma_start3A_136 = arith.constant 0 : i32
          %dma_start3A_137 = tpu.memref_slice %arg8[%sub3A_135, %dma_start3A_136] : memref<2x128xi32, #tpu.memory_space<vmem>> -> memref<1x128xi32, #tpu.memory_space<vmem>>
          %dma_start3A_138 = tpu.memref_squeeze %dma_start3A_137 : memref<1x128xi32, #tpu.memory_space<vmem>> -> memref<128xi32, #tpu.memory_space<vmem>>
          %dma_start3A_139 = tpu.memref_slice %arg3[%mul3A_121] : memref<320000xi32, #tpu.memory_space<hbm>> -> memref<128xi32, #tpu.memory_space<hbm>>
          %dma_start3A_140 = arith.constant 0 : i32
          %dma_start3A_141 = tpu.memref_slice %arg8[%sub3A_135, %dma_start3A_140] : memref<2x128xi32, #tpu.memory_space<vmem>> -> memref<1x128xi32, #tpu.memory_space<vmem>>
          %dma_start3A_142 = tpu.memref_squeeze %dma_start3A_141 : memref<1x128xi32, #tpu.memory_space<vmem>> -> memref<128xi32, #tpu.memory_space<vmem>>
          %dma_start3A_143 = tpu.memref_slice %arg3[%mul3A_121] : memref<320000xi32, #tpu.memory_space<hbm>> -> memref<128xi32, #tpu.memory_space<hbm>>
          tpu.enqueue_dma source(%dma_start3A_143 : memref<128xi32, #tpu.memory_space<hbm>>) target(%dma_start3A_142 : memref<128xi32, #tpu.memory_space<vmem>>) target_semaphore(%arg14 : memref<!tpu.dma_semaphore, #tpu.memory_space<semaphore_mem>>)
          %sub3A_144 = arith.constant 1 : i32
          %sub3A_145 = arith.subi %sub3A_144, %rem3A_79 : i32
          %dma_start3A_146 = arith.constant 0 : i32
          %dma_start3A_147 = tpu.memref_slice %arg9[%sub3A_145, %dma_start3A_146] : memref<2x128xi32, #tpu.memory_space<vmem>> -> memref<1x128xi32, #tpu.memory_space<vmem>>
          %dma_start3A_148 = tpu.memref_squeeze %dma_start3A_147 : memref<1x128xi32, #tpu.memory_space<vmem>> -> memref<128xi32, #tpu.memory_space<vmem>>
          %dma_start3A_149 = tpu.memref_slice %arg4[%mul3A_121] : memref<320000xi32, #tpu.memory_space<hbm>> -> memref<128xi32, #tpu.memory_space<hbm>>
          %dma_start3A_150 = arith.constant 0 : i32
          %dma_start3A_151 = tpu.memref_slice %arg9[%sub3A_145, %dma_start3A_150] : memref<2x128xi32, #tpu.memory_space<vmem>> -> memref<1x128xi32, #tpu.memory_space<vmem>>
          %dma_start3A_152 = tpu.memref_squeeze %dma_start3A_151 : memref<1x128xi32, #tpu.memory_space<vmem>> -> memref<128xi32, #tpu.memory_space<vmem>>
          %dma_start3A_153 = tpu.memref_slice %arg4[%mul3A_121] : memref<320000xi32, #tpu.memory_space<hbm>> -> memref<128xi32, #tpu.memory_space<hbm>>
          tpu.enqueue_dma source(%dma_start3A_153 : memref<128xi32, #tpu.memory_space<hbm>>) target(%dma_start3A_152 : memref<128xi32, #tpu.memory_space<vmem>>) target_semaphore(%arg14 : memref<!tpu.dma_semaphore, #tpu.memory_space<semaphore_mem>>)
          %sub3A_154 = arith.constant 1 : i32
          %sub3A_155 = arith.subi %sub3A_154, %rem3A_79 : i32
          %dma_start3A_156 = arith.constant 0 : i32
          %dma_start3A_157 = tpu.memref_slice %arg10[%sub3A_155, %dma_start3A_156] : memref<2x128xf32, #tpu.memory_space<vmem>> -> memref<1x128xf32, #tpu.memory_space<vmem>>
          %dma_start3A_158 = tpu.memref_squeeze %dma_start3A_157 : memref<1x128xf32, #tpu.memory_space<vmem>> -> memref<128xf32, #tpu.memory_space<vmem>>
          %dma_start3A_159 = tpu.memref_slice %arg5[%mul3A_121] : memref<320000xf32, #tpu.memory_space<hbm>> -> memref<128xf32, #tpu.memory_space<hbm>>
          %dma_start3A_160 = arith.constant 0 : i32
          %dma_start3A_161 = tpu.memref_slice %arg10[%sub3A_155, %dma_start3A_160] : memref<2x128xf32, #tpu.memory_space<vmem>> -> memref<1x128xf32, #tpu.memory_space<vmem>>
          %dma_start3A_162 = tpu.memref_squeeze %dma_start3A_161 : memref<1x128xf32, #tpu.memory_space<vmem>> -> memref<128xf32, #tpu.memory_space<vmem>>
          %dma_start3A_163 = tpu.memref_slice %arg5[%mul3A_121] : memref<320000xf32, #tpu.memory_space<hbm>> -> memref<128xf32, #tpu.memory_space<hbm>>
          tpu.enqueue_dma source(%dma_start3A_163 : memref<128xf32, #tpu.memory_space<hbm>>) target(%dma_start3A_162 : memref<128xf32, #tpu.memory_space<vmem>>) target_semaphore(%arg14 : memref<!tpu.dma_semaphore, #tpu.memory_space<semaphore_mem>>)
        } else {
        }
      } else {
      }
      %dma_start3A_96 = arith.constant 0 : i32
      %dma_start3A_97 = tpu.memref_slice %arg8[%rem3A_79, %dma_start3A_96] : memref<2x128xi32, #tpu.memory_space<vmem>> -> memref<1x128xi32, #tpu.memory_space<vmem>>
      %dma_start3A_98 = tpu.memref_squeeze %dma_start3A_97 : memref<1x128xi32, #tpu.memory_space<vmem>> -> memref<128xi32, #tpu.memory_space<vmem>>
      %dma_start3A_99 = arith.constant 0 : i32
      %dma_start3A_100 = arith.constant 0 : i32
      %dma_start3A_101 = tpu.memref_slice %arg2[%dma_start3A_99, %dma_start3A_100] : memref<10000x128xf32, #tpu.memory_space<hbm>> -> memref<10000x128xf32, #tpu.memory_space<hbm>>
      tpu.enqueue_indirect_dma source(%dma_start3A_101 : memref<10000x128xf32, #tpu.memory_space<hbm>>) target(%arg11 : memref<128x128xf32, #tpu.memory_space<vmem>>) offsets(%dma_start3A_98 : memref<128xi32, #tpu.memory_space<vmem>>) semaphore(%arg12 : memref<!tpu.dma_semaphore, #tpu.memory_space<semaphore_mem>>)
      %dma_wait3A = arith.constant 0 : i32
      %dma_wait3A_102 = tpu.memref_slice %arg8[%rem3A_79, %dma_wait3A] : memref<2x128xi32, #tpu.memory_space<vmem>> -> memref<1x128xi32, #tpu.memory_space<vmem>>
      %dma_wait3A_103 = tpu.memref_squeeze %dma_wait3A_102 : memref<1x128xi32, #tpu.memory_space<vmem>> -> memref<128xi32, #tpu.memory_space<vmem>>
      %dma_wait3A_104 = arith.constant 0 : i32
      %dma_wait3A_105 = arith.constant 0 : i32
      %dma_wait3A_106 = tpu.memref_slice %arg2[%dma_wait3A_104, %dma_wait3A_105] : memref<10000x128xf32, #tpu.memory_space<hbm>> -> memref<10000x128xf32, #tpu.memory_space<hbm>>
      tpu.wait_indirect_dma semaphore(%arg12 : memref<!tpu.dma_semaphore, #tpu.memory_space<semaphore_mem>>) src(%dma_wait3A_106 : memref<10000x128xf32, #tpu.memory_space<hbm>>) dst(%arg11 : memref<128x128xf32, #tpu.memory_space<vmem>>)
      %scan3A_107 = arith.constant 0 : i32
      %scan3A_108 = arith.constant 0 : i32
      %scan3A_109 = arith.constant 64 : i32
      %scan3A_110 = arith.addi %scan3A_108, %scan3A_109 : i32
      %scan3A_111 = arith.constant 1 : i32
      %scan3A_112 = scf.for %scan3A_115 = %scan3A_108 to %scan3A_110 step %scan3A_111 iter_args(%scan3A_116 = %scan3A_107) -> (i32)  : i32 {
        %mul3A_117 = arith.constant 2 : i32
        %mul3A_118 = arith.muli %scan3A_115, %mul3A_117 : i32
        %broadcast_in_dim3A_119 = arith.constant 0 : i32
        %broadcast_in_dim3A_120 = vector.broadcast %broadcast_in_dim3A_119 : i32 to vector<16xi32>
        %add3A_121 = vector.broadcast %mul3A_118 : i32 to vector<16xi32>
        %add3A_122 = arith.addi %add3A_121, %broadcast_in_dim3A_120 : vector<16xi32>
        %gather3A = arith.constant 0 : i32
        %gather3A_123 = tpu.memref_slice %arg10[%rem3A_79, %gather3A] : memref<2x128xf32, #tpu.memory_space<vmem>> -> memref<1x128xf32, #tpu.memory_space<vmem>>
        %gather3A_124 = tpu.memref_squeeze %gather3A_123 : memref<1x128xf32, #tpu.memory_space<vmem>> -> memref<128xf32, #tpu.memory_space<vmem>>
        %gather3A_125 = tpu.vector_load_idx %gather3A_124[%add3A_122] : memref<128xf32, #tpu.memory_space<vmem>>[vector<16xi32>], vector<16xf32>,
        %add3A_126 = arith.constant 1 : i32
        %add3A_127 = arith.addi %mul3A_118, %add3A_126 : i32
        %add3A_128 = vector.broadcast %add3A_127 : i32 to vector<16xi32>
        %add3A_129 = arith.addi %add3A_128, %broadcast_in_dim3A_120 : vector<16xi32>
        %gather3A_130 = arith.constant 0 : i32
        %gather3A_131 = tpu.memref_slice %arg10[%rem3A_79, %gather3A_130] : memref<2x128xf32, #tpu.memory_space<vmem>> -> memref<1x128xf32, #tpu.memory_space<vmem>>
        %gather3A_132 = tpu.memref_squeeze %gather3A_131 : memref<1x128xf32, #tpu.memory_space<vmem>> -> memref<128xf32, #tpu.memory_space<vmem>>
        %gather3A_133 = tpu.vector_load_idx %gather3A_132[%add3A_129] : memref<128xf32, #tpu.memory_space<vmem>>[vector<16xi32>], vector<16xf32>,
        %get3A = arith.index_cast %mul3A_118 : i32 to index
        %get3A_134 = arith.constant 0 : index
        %get3A_135 = tpu.vector_load %arg11[%get3A, %get3A_134] {strides = array<i32>} : memref<128x128xf32, #tpu.memory_space<vmem>>, vector<16xf32>,
        %mul3A_136 = arith.mulf %get3A_135, %gather3A_125 : vector<16xf32>
        %swap3A = arith.index_cast %mul3A_118 : i32 to index
        %swap3A_137 = arith.constant 0 : index
        %swap3A_138 = tpu.vector_load %arg11[%swap3A, %swap3A_137] {strides = array<i32>} : memref<128x128xf32, #tpu.memory_space<vmem>>, vector<16xf32>,
        tpu.vector_store %arg11[%swap3A, %swap3A_137], %mul3A_136 {strides = array<i32>} : memref<128x128xf32, #tpu.memory_space<vmem>>, vector<16xf32>,
        %add3A_139 = arith.constant 1 : i32
        %add3A_140 = arith.addi %mul3A_118, %add3A_139 : i32
        %get3A_141 = arith.index_cast %add3A_140 : i32 to index
        %get3A_142 = arith.constant 0 : index
        %get3A_143 = tpu.vector_load %arg11[%get3A_141, %get3A_142] {strides = array<i32>} : memref<128x128xf32, #tpu.memory_space<vmem>>, vector<16xf32>,
        %mul3A_144 = arith.mulf %get3A_143, %gather3A_133 : vector<16xf32>
        %add3A_145 = arith.constant 1 : i32
        %add3A_146 = arith.addi %mul3A_118, %add3A_145 : i32
        %swap3A_147 = arith.index_cast %add3A_146 : i32 to index
        %swap3A_148 = arith.constant 0 : index
        %swap3A_149 = tpu.vector_load %arg11[%swap3A_147, %swap3A_148] {strides = array<i32>} : memref<128x128xf32, #tpu.memory_space<vmem>>, vector<16xf32>,
        tpu.vector_store %arg11[%swap3A_147, %swap3A_148], %mul3A_144 {strides = array<i32>} : memref<128x128xf32, #tpu.memory_space<vmem>>, vector<16xf32>,
        %get3A_150 = arith.index_cast %mul3A_118 : i32 to index
        %get3A_151 = arith.constant 16 : index
        %get3A_152 = tpu.vector_load %arg11[%get3A_150, %get3A_151] {strides = array<i32>} : memref<128x128xf32, #tpu.memory_space<vmem>>, vector<16xf32>,
        %mul3A_153 = arith.mulf %get3A_152, %gather3A_125 : vector<16xf32>
        %swap3A_154 = arith.index_cast %mul3A_118 : i32 to index
        %swap3A_155 = arith.constant 16 : index
        %swap3A_156 = tpu.vector_load %arg11[%swap3A_154, %swap3A_155] {strides = array<i32>} : memref<128x128xf32, #tpu.memory_space<vmem>>, vector<16xf32>,
        tpu.vector_store %arg11[%swap3A_154, %swap3A_155], %mul3A_153 {strides = array<i32>} : memref<128x128xf32, #tpu.memory_space<vmem>>, vector<16xf32>,
        %add3A_157 = arith.constant 1 : i32
        %add3A_158 = arith.addi %mul3A_118, %add3A_157 : i32
        %get3A_159 = arith.index_cast %add3A_158 : i32 to index
        %get3A_160 = arith.constant 16 : index
        %get3A_161 = tpu.vector_load %arg11[%get3A_159, %get3A_160] {strides = array<i32>} : memref<128x128xf32, #tpu.memory_space<vmem>>, vector<16xf32>,
        %mul3A_162 = arith.mulf %get3A_161, %gather3A_133 : vector<16xf32>
        %add3A_163 = arith.constant 1 : i32
        %add3A_164 = arith.addi %mul3A_118, %add3A_163 : i32
        %swap3A_165 = arith.index_cast %add3A_164 : i32 to index
        %swap3A_166 = arith.constant 16 : index
        %swap3A_167 = tpu.vector_load %arg11[%swap3A_165, %swap3A_166] {strides = array<i32>} : memref<128x128xf32, #tpu.memory_space<vmem>>, vector<16xf32>,
        tpu.vector_store %arg11[%swap3A_165, %swap3A_166], %mul3A_162 {strides = array<i32>} : memref<128x128xf32, #tpu.memory_space<vmem>>, vector<16xf32>,
        %get3A_168 = arith.index_cast %mul3A_118 : i32 to index
        %get3A_169 = arith.constant 32 : index
        %get3A_170 = tpu.vector_load %arg11[%get3A_168, %get3A_169] {strides = array<i32>} : memref<128x128xf32, #tpu.memory_space<vmem>>, vector<16xf32>,
        %mul3A_171 = arith.mulf %get3A_170, %gather3A_125 : vector<16xf32>
        %swap3A_172 = arith.index_cast %mul3A_118 : i32 to index
        %swap3A_173 = arith.constant 32 : index
        %swap3A_174 = tpu.vector_load %arg11[%swap3A_172, %swap3A_173] {strides = array<i32>} : memref<128x128xf32, #tpu.memory_space<vmem>>, vector<16xf32>,
        tpu.vector_store %arg11[%swap3A_172, %swap3A_173], %mul3A_171 {strides = array<i32>} : memref<128x128xf32, #tpu.memory_space<vmem>>, vector<16xf32>,
        %add3A_175 = arith.constant 1 : i32
        %add3A_176 = arith.addi %mul3A_118, %add3A_175 : i32
        %get3A_177 = arith.index_cast %add3A_176 : i32 to index
        %get3A_178 = arith.constant 32 : index
        %get3A_179 = tpu.vector_load %arg11[%get3A_177, %get3A_178] {strides = array<i32>} : memref<128x128xf32, #tpu.memory_space<vmem>>, vector<16xf32>,
        %mul3A_180 = arith.mulf %get3A_179, %gather3A_133 : vector<16xf32>
        %add3A_181 = arith.constant 1 : i32
        %add3A_182 = arith.addi %mul3A_118, %add3A_181 : i32
        %swap3A_183 = arith.index_cast %add3A_182 : i32 to index
        %swap3A_184 = arith.constant 32 : index
        %swap3A_185 = tpu.vector_load %arg11[%swap3A_183, %swap3A_184] {strides = array<i32>} : memref<128x128xf32, #tpu.memory_space<vmem>>, vector<16xf32>,
        tpu.vector_store %arg11[%swap3A_183, %swap3A_184], %mul3A_180 {strides = array<i32>} : memref<128x128xf32, #tpu.memory_space<vmem>>, vector<16xf32>,
        %get3A_186 = arith.index_cast %mul3A_118 : i32 to index
        %get3A_187 = arith.constant 48 : index
        %get3A_188 = tpu.vector_load %arg11[%get3A_186, %get3A_187] {strides = array<i32>} : memref<128x128xf32, #tpu.memory_space<vmem>>, vector<16xf32>,
        %mul3A_189 = arith.mulf %get3A_188, %gather3A_125 : vector<16xf32>
        %swap3A_190 = arith.index_cast %mul3A_118 : i32 to index
        %swap3A_191 = arith.constant 48 : index
        %swap3A_192 = tpu.vector_load %arg11[%swap3A_190, %swap3A_191] {strides = array<i32>} : memref<128x128xf32, #tpu.memory_space<vmem>>, vector<16xf32>,
        tpu.vector_store %arg11[%swap3A_190, %swap3A_191], %mul3A_189 {strides = array<i32>} : memref<128x128xf32, #tpu.memory_space<vmem>>, vector<16xf32>,
        %add3A_193 = arith.constant 1 : i32
        %add3A_194 = arith.addi %mul3A_118, %add3A_193 : i32
        %get3A_195 = arith.index_cast %add3A_194 : i32 to index
        %get3A_196 = arith.constant 48 : index
        %get3A_197 = tpu.vector_load %arg11[%get3A_195, %get3A_196] {strides = array<i32>} : memref<128x128xf32, #tpu.memory_space<vmem>>, vector<16xf32>,
        %mul3A_198 = arith.mulf %get3A_197, %gather3A_133 : vector<16xf32>
        %add3A_199 = arith.constant 1 : i32
        %add3A_200 = arith.addi %mul3A_118, %add3A_199 : i32
        %swap3A_201 = arith.index_cast %add3A_200 : i32 to index
        %swap3A_202 = arith.constant 48 : index
        %swap3A_203 = tpu.vector_load %arg11[%swap3A_201, %swap3A_202] {strides = array<i32>} : memref<128x128xf32, #tpu.memory_space<vmem>>, vector<16xf32>,
        tpu.vector_store %arg11[%swap3A_201, %swap3A_202], %mul3A_198 {strides = array<i32>} : memref<128x128xf32, #tpu.memory_space<vmem>>, vector<16xf32>,
        %get3A_204 = arith.index_cast %mul3A_118 : i32 to index
        %get3A_205 = arith.constant 64 : index
        %get3A_206 = tpu.vector_load %arg11[%get3A_204, %get3A_205] {strides = array<i32>} : memref<128x128xf32, #tpu.memory_space<vmem>>, vector<16xf32>,
        %mul3A_207 = arith.mulf %get3A_206, %gather3A_125 : vector<16xf32>
        %swap3A_208 = arith.index_cast %mul3A_118 : i32 to index
        %swap3A_209 = arith.constant 64 : index
        %swap3A_210 = tpu.vector_load %arg11[%swap3A_208, %swap3A_209] {strides = array<i32>} : memref<128x128xf32, #tpu.memory_space<vmem>>, vector<16xf32>,
        tpu.vector_store %arg11[%swap3A_208, %swap3A_209], %mul3A_207 {strides = array<i32>} : memref<128x128xf32, #tpu.memory_space<vmem>>, vector<16xf32>,
        %add3A_211 = arith.constant 1 : i32
        %add3A_212 = arith.addi %mul3A_118, %add3A_211 : i32
        %get3A_213 = arith.index_cast %add3A_212 : i32 to index
        %get3A_214 = arith.constant 64 : index
        %get3A_215 = tpu.vector_load %arg11[%get3A_213, %get3A_214] {strides = array<i32>} : memref<128x128xf32, #tpu.memory_space<vmem>>, vector<16xf32>,
        %mul3A_216 = arith.mulf %get3A_215, %gather3A_133 : vector<16xf32>
        %add3A_217 = arith.constant 1 : i32
        %add3A_218 = arith.addi %mul3A_118, %add3A_217 : i32
        %swap3A_219 = arith.index_cast %add3A_218 : i32 to index
        %swap3A_220 = arith.constant 64 : index
        %swap3A_221 = tpu.vector_load %arg11[%swap3A_219, %swap3A_220] {strides = array<i32>} : memref<128x128xf32, #tpu.memory_space<vmem>>, vector<16xf32>,
        tpu.vector_store %arg11[%swap3A_219, %swap3A_220], %mul3A_216 {strides = array<i32>} : memref<128x128xf32, #tpu.memory_space<vmem>>, vector<16xf32>,
        %get3A_222 = arith.index_cast %mul3A_118 : i32 to index
        %get3A_223 = arith.constant 80 : index
        %get3A_224 = tpu.vector_load %arg11[%get3A_222, %get3A_223] {strides = array<i32>} : memref<128x128xf32, #tpu.memory_space<vmem>>, vector<16xf32>,
        %mul3A_225 = arith.mulf %get3A_224, %gather3A_125 : vector<16xf32>
        %swap3A_226 = arith.index_cast %mul3A_118 : i32 to index
        %swap3A_227 = arith.constant 80 : index
        %swap3A_228 = tpu.vector_load %arg11[%swap3A_226, %swap3A_227] {strides = array<i32>} : memref<128x128xf32, #tpu.memory_space<vmem>>, vector<16xf32>,
        tpu.vector_store %arg11[%swap3A_226, %swap3A_227], %mul3A_225 {strides = array<i32>} : memref<128x128xf32, #tpu.memory_space<vmem>>, vector<16xf32>,
        %add3A_229 = arith.constant 1 : i32
        %add3A_230 = arith.addi %mul3A_118, %add3A_229 : i32
        %get3A_231 = arith.index_cast %add3A_230 : i32 to index
        %get3A_232 = arith.constant 80 : index
        %get3A_233 = tpu.vector_load %arg11[%get3A_231, %get3A_232] {strides = array<i32>} : memref<128x128xf32, #tpu.memory_space<vmem>>, vector<16xf32>,
        %mul3A_234 = arith.mulf %get3A_233, %gather3A_133 : vector<16xf32>
        %add3A_235 = arith.constant 1 : i32
        %add3A_236 = arith.addi %mul3A_118, %add3A_235 : i32
        %swap3A_237 = arith.index_cast %add3A_236 : i32 to index
        %swap3A_238 = arith.constant 80 : index
        %swap3A_239 = tpu.vector_load %arg11[%swap3A_237, %swap3A_238] {strides = array<i32>} : memref<128x128xf32, #tpu.memory_space<vmem>>, vector<16xf32>,
        tpu.vector_store %arg11[%swap3A_237, %swap3A_238], %mul3A_234 {strides = array<i32>} : memref<128x128xf32, #tpu.memory_space<vmem>>, vector<16xf32>,
        %get3A_240 = arith.index_cast %mul3A_118 : i32 to index
        %get3A_241 = arith.constant 96 : index
        %get3A_242 = tpu.vector_load %arg11[%get3A_240, %get3A_241] {strides = array<i32>} : memref<128x128xf32, #tpu.memory_space<vmem>>, vector<16xf32>,
        %mul3A_243 = arith.mulf %get3A_242, %gather3A_125 : vector<16xf32>
        %swap3A_244 = arith.index_cast %mul3A_118 : i32 to index
        %swap3A_245 = arith.constant 96 : index
        %swap3A_246 = tpu.vector_load %arg11[%swap3A_244, %swap3A_245] {strides = array<i32>} : memref<128x128xf32, #tpu.memory_space<vmem>>, vector<16xf32>,
        tpu.vector_store %arg11[%swap3A_244, %swap3A_245], %mul3A_243 {strides = array<i32>} : memref<128x128xf32, #tpu.memory_space<vmem>>, vector<16xf32>,
        %add3A_247 = arith.constant 1 : i32
        %add3A_248 = arith.addi %mul3A_118, %add3A_247 : i32
        %get3A_249 = arith.index_cast %add3A_248 : i32 to index
        %get3A_250 = arith.constant 96 : index
        %get3A_251 = tpu.vector_load %arg11[%get3A_249, %get3A_250] {strides = array<i32>} : memref<128x128xf32, #tpu.memory_space<vmem>>, vector<16xf32>,
        %mul3A_252 = arith.mulf %get3A_251, %gather3A_133 : vector<16xf32>
        %add3A_253 = arith.constant 1 : i32
        %add3A_254 = arith.addi %mul3A_118, %add3A_253 : i32
        %swap3A_255 = arith.index_cast %add3A_254 : i32 to index
        %swap3A_256 = arith.constant 96 : index
        %swap3A_257 = tpu.vector_load %arg11[%swap3A_255, %swap3A_256] {strides = array<i32>} : memref<128x128xf32, #tpu.memory_space<vmem>>, vector<16xf32>,
        tpu.vector_store %arg11[%swap3A_255, %swap3A_256], %mul3A_252 {strides = array<i32>} : memref<128x128xf32, #tpu.memory_space<vmem>>, vector<16xf32>,
        %get3A_258 = arith.index_cast %mul3A_118 : i32 to index
        %get3A_259 = arith.constant 112 : index
        %get3A_260 = tpu.vector_load %arg11[%get3A_258, %get3A_259] {strides = array<i32>} : memref<128x128xf32, #tpu.memory_space<vmem>>, vector<16xf32>,
        %mul3A_261 = arith.mulf %get3A_260, %gather3A_125 : vector<16xf32>
        %swap3A_262 = arith.index_cast %mul3A_118 : i32 to index
        %swap3A_263 = arith.constant 112 : index
        %swap3A_264 = tpu.vector_load %arg11[%swap3A_262, %swap3A_263] {strides = array<i32>} : memref<128x128xf32, #tpu.memory_space<vmem>>, vector<16xf32>,
        tpu.vector_store %arg11[%swap3A_262, %swap3A_263], %mul3A_261 {strides = array<i32>} : memref<128x128xf32, #tpu.memory_space<vmem>>, vector<16xf32>,
        %add3A_265 = arith.constant 1 : i32
        %add3A_266 = arith.addi %mul3A_118, %add3A_265 : i32
        %get3A_267 = arith.index_cast %add3A_266 : i32 to index
        %get3A_268 = arith.constant 112 : index
        %get3A_269 = tpu.vector_load %arg11[%get3A_267, %get3A_268] {strides = array<i32>} : memref<128x128xf32, #tpu.memory_space<vmem>>, vector<16xf32>,
        %mul3A_270 = arith.mulf %get3A_269, %gather3A_133 : vector<16xf32>
        %add3A_271 = arith.constant 1 : i32
        %add3A_272 = arith.addi %mul3A_118, %add3A_271 : i32
        %swap3A_273 = arith.index_cast %add3A_272 : i32 to index
        %swap3A_274 = arith.constant 112 : index
        %swap3A_275 = tpu.vector_load %arg11[%swap3A_273, %swap3A_274] {strides = array<i32>} : memref<128x128xf32, #tpu.memory_space<vmem>>, vector<16xf32>,
        tpu.vector_store %arg11[%swap3A_273, %swap3A_274], %mul3A_270 {strides = array<i32>} : memref<128x128xf32, #tpu.memory_space<vmem>>, vector<16xf32>,
        %scan3A_276 = arith.constant 0 : i32
        scf.yield %scan3A_276 : i32
      }
      %scan3A_113 = arith.constant 64 : i32
      "tpu.region"() ({
        %run_scoped3A = tpu.sem_alloc : memref<!tpu.dma_semaphore, #tpu.memory_space<semaphore_mem>>
        %dma_start3A_115 = arith.constant 0 : i32
        %dma_start3A_116 = tpu.memref_slice %arg9[%rem3A_79, %dma_start3A_115] : memref<2x128xi32, #tpu.memory_space<vmem>> -> memref<1x128xi32, #tpu.memory_space<vmem>>
        %dma_start3A_117 = tpu.memref_squeeze %dma_start3A_116 : memref<1x128xi32, #tpu.memory_space<vmem>> -> memref<128xi32, #tpu.memory_space<vmem>>
        %dma_start3A_118 = arith.constant 0 : i32
        %dma_start3A_119 = arith.constant 0 : i32
        %dma_start3A_120 = tpu.memref_slice %arg7[%dma_start3A_118, %dma_start3A_119] : memref<10000x128xf32, #tpu.memory_space<vmem_shared>> -> memref<10000x128xf32, #tpu.memory_space<vmem_shared>>
        tpu.enqueue_indirect_dma source(%arg11 : memref<128x128xf32, #tpu.memory_space<vmem>>) target(%dma_start3A_120 : memref<10000x128xf32, #tpu.memory_space<vmem_shared>>) offsets(%dma_start3A_117 : memref<128xi32, #tpu.memory_space<vmem>>) semaphore(%run_scoped3A : memref<!tpu.dma_semaphore, #tpu.memory_space<semaphore_mem>>) {add = true}
        %dma_wait3A_121 = arith.constant 0 : i32
        %dma_wait3A_122 = tpu.memref_slice %arg9[%rem3A_79, %dma_wait3A_121] : memref<2x128xi32, #tpu.memory_space<vmem>> -> memref<1x128xi32, #tpu.memory_space<vmem>>
        %dma_wait3A_123 = tpu.memref_squeeze %dma_wait3A_122 : memref<1x128xi32, #tpu.memory_space<vmem>> -> memref<128xi32, #tpu.memory_space<vmem>>
        %dma_wait3A_124 = arith.constant 0 : i32
        %dma_wait3A_125 = arith.constant 0 : i32
        %dma_wait3A_126 = tpu.memref_slice %arg7[%dma_wait3A_124, %dma_wait3A_125] : memref<10000x128xf32, #tpu.memory_space<vmem_shared>> -> memref<10000x128xf32, #tpu.memory_space<vmem_shared>>
        tpu.wait_indirect_dma semaphore(%run_scoped3A : memref<!tpu.dma_semaphore, #tpu.memory_space<semaphore_mem>>) src(%arg11 : memref<128x128xf32, #tpu.memory_space<vmem>>) dst(%dma_wait3A_126 : memref<10000x128xf32, #tpu.memory_space<vmem_shared>>)
        tpu.yield
      }) : () -> ()
      %while3A_114 = arith.constant 0 : i32
      scf.yield %while3A_114 : i32
    }
    %barrier3A_58 = arith.constant 0 : index
    tpu.barrier barrier_id(%barrier3A_58)
    %jit3A_59 = arith.constant 8 : i32
    %eq3A = arith.constant 0 : i32
    %eq3A_60 = arith.cmpi eq, %jit3A_59, %eq3A : i32
    %jit3A_61 = arith.constant 1 : i32
    %select_n3A_62 = arith.select %eq3A_60, %jit3A_61, %jit3A_59 : i32
    %rem3A = arith.remsi %arg1, %select_n3A_62 : i32
    %ne3A = arith.constant 0 : i32
    %ne3A_63 = arith.cmpi ne, %rem3A, %ne3A : i32
    %lt3A_64 = arith.constant 0 : i32
    %lt3A_65 = arith.cmpi slt, %rem3A, %lt3A_64 : i32
    %lt3A_66 = arith.constant 0 : i32
    %lt3A_67 = arith.cmpi slt, %select_n3A_62, %lt3A_66 : i32
    %ne3A_68 = arith.xori %lt3A_65, %lt3A_67 : i1
    %and3A = arith.andi %ne3A_68, %ne3A_63 : i1
    %add3A_69 = arith.addi %rem3A, %select_n3A_62 : i32
    %select_n3A_70 = arith.select %and3A, %add3A_69, %rem3A : i32
    %mul3A_71 = arith.constant 625 : i32
    %mul3A_72 = arith.muli %arg1, %mul3A_71 : i32
    %sub3A = arith.subi %mul3A_72, %select_n3A_70 : i32
    %multiple_of3A = tpu.assume_multiple %sub3A, 8 : i32
    "tpu.region"() ({
      %run_scoped3A = tpu.sem_alloc : memref<!tpu.dma_semaphore, #tpu.memory_space<semaphore_mem>>
      %dma_start3A_76 = arith.constant 0 : i32
      %dma_start3A_77 = tpu.memref_slice %arg6[%arg0, %multiple_of3A, %dma_start3A_76] : memref<2x10000x128xf32, #tpu.memory_space<hbm>> -> memref<1x624x128xf32, #tpu.memory_space<hbm>>
      %dma_start3A_78 = tpu.memref_squeeze %dma_start3A_77 : memref<1x624x128xf32, #tpu.memory_space<hbm>> -> memref<624x128xf32, #tpu.memory_space<hbm>>
      %dma_start3A_79 = arith.constant 0 : i32
      %dma_start3A_80 = tpu.memref_slice %arg7[%multiple_of3A, %dma_start3A_79] : memref<10000x128xf32, #tpu.memory_space<vmem_shared>> -> memref<624x128xf32, #tpu.memory_space<vmem_shared>>
      tpu.enqueue_dma source(%dma_start3A_80 : memref<624x128xf32, #tpu.memory_space<vmem_shared>>) target(%dma_start3A_78 : memref<624x128xf32, #tpu.memory_space<hbm>>) target_semaphore(%run_scoped3A : memref<!tpu.dma_semaphore, #tpu.memory_space<semaphore_mem>>)
      %dma_wait3A = arith.constant 0 : i32
      %dma_wait3A_81 = tpu.memref_slice %arg6[%arg0, %multiple_of3A, %dma_wait3A] : memref<2x10000x128xf32, #tpu.memory_space<hbm>> -> memref<1x624x128xf32, #tpu.memory_space<hbm>>
      %dma_wait3A_82 = tpu.memref_squeeze %dma_wait3A_81 : memref<1x624x128xf32, #tpu.memory_space<hbm>> -> memref<624x128xf32, #tpu.memory_space<hbm>>
      %dma_wait3A_83 = arith.constant 0 : i32
      %dma_wait3A_84 = tpu.memref_slice %arg7[%multiple_of3A, %dma_wait3A_83] : memref<10000x128xf32, #tpu.memory_space<vmem_shared>> -> memref<624x128xf32, #tpu.memory_space<vmem_shared>>
      tpu.wait_dma2 semaphore(%run_scoped3A : memref<!tpu.dma_semaphore, #tpu.memory_space<semaphore_mem>>) src(%dma_wait3A_84 : memref<624x128xf32, #tpu.memory_space<vmem_shared>>) dst(%dma_wait3A_82 : memref<624x128xf32, #tpu.memory_space<hbm>>)
      tpu.yield
    }) : () -> ()
    %eq3A_73 = arith.constant 7 : i32
    %eq3A_74 = arith.cmpi eq, %select_n3A_70, %eq3A_73 : i32
    %convert_element_type3A = arith.extui %eq3A_74 : i1 to i32
    %cond3A = arith.constant 0 : i32
    %cond3A_75 = arith.cmpi ne, %convert_element_type3A, %cond3A : i32
    scf.if %cond3A_75 {
      %add3A_76 = arith.constant 624 : i32
      %add3A_77 = arith.addi %multiple_of3A, %add3A_76 : i32
      %add3A_78 = arith.constant 624 : i32
      %add3A_79 = arith.addi %multiple_of3A, %add3A_78 : i32
      "tpu.region"() ({
        %run_scoped3A = tpu.sem_alloc : memref<!tpu.dma_semaphore, #tpu.memory_space<semaphore_mem>>
        %dma_start3A_80 = arith.constant 0 : i32
        %dma_start3A_81 = tpu.memref_slice %arg6[%arg0, %add3A_79, %dma_start3A_80] : memref<2x10000x128xf32, #tpu.memory_space<hbm>> -> memref<1x8x128xf32, #tpu.memory_space<hbm>>
        %dma_start3A_82 = tpu.memref_squeeze %dma_start3A_81 : memref<1x8x128xf32, #tpu.memory_space<hbm>> -> memref<8x128xf32, #tpu.memory_space<hbm>>
        %dma_start3A_83 = arith.constant 0 : i32
        %dma_start3A_84 = tpu.memref_slice %arg7[%add3A_77, %dma_start3A_83] : memref<10000x128xf32, #tpu.memory_space<vmem_shared>> -> memref<8x128xf32, #tpu.memory_space<vmem_shared>>
        tpu.enqueue_dma source(%dma_start3A_84 : memref<8x128xf32, #tpu.memory_space<vmem_shared>>) target(%dma_start3A_82 : memref<8x128xf32, #tpu.memory_space<hbm>>) target_semaphore(%run_scoped3A : memref<!tpu.dma_semaphore, #tpu.memory_space<semaphore_mem>>)
        %dma_wait3A = arith.constant 0 : i32
        %dma_wait3A_85 = tpu.memref_slice %arg6[%arg0, %add3A_79, %dma_wait3A] : memref<2x10000x128xf32, #tpu.memory_space<hbm>> -> memref<1x8x128xf32, #tpu.memory_space<hbm>>
        %dma_wait3A_86 = tpu.memref_squeeze %dma_wait3A_85 : memref<1x8x128xf32, #tpu.memory_space<hbm>> -> memref<8x128xf32, #tpu.memory_space<hbm>>
        %dma_wait3A_87 = arith.constant 0 : i32
        %dma_wait3A_88 = tpu.memref_slice %arg7[%add3A_77, %dma_wait3A_87] : memref<10000x128xf32, #tpu.memory_space<vmem_shared>> -> memref<8x128xf32, #tpu.memory_space<vmem_shared>>
        tpu.wait_dma2 semaphore(%run_scoped3A : memref<!tpu.dma_semaphore, #tpu.memory_space<semaphore_mem>>) src(%dma_wait3A_88 : memref<8x128xf32, #tpu.memory_space<vmem_shared>>) dst(%dma_wait3A_86 : memref<8x128xf32, #tpu.memory_space<hbm>>)
        tpu.yield
      }) : () -> ()
    } else {
    }
    return
  }
}

module attributes {stable_mosaic.version = 14 : i64} {
  func.func @_tables_body(%arg0: memref<2x40000xf32, #tpu.memory_space<vmem>>, %arg1: memref<2x2xf32, #tpu.memory_space<vmem>>, %arg2: memref<1x20000xf32, #tpu.memory_space<vmem>>, %arg3: memref<2x20000xf32, #tpu.memory_space<vmem>>) attributes {dimension_semantics = [], scalar_prefetch = 0 : i64, scratch_operands = 0 : i64, tpu.core_type = #tpu.core_type<tc>} {
    %get3A = arith.constant 0 : index
    %get3A_0 = arith.constant 0 : index
    %get3A_1 = vector.load %arg0[%get3A, %get3A_0] : memref<2x40000xf32, #tpu.memory_space<vmem>>, vector<1x40000xf32>
    %get3A_2 = arith.constant 1 : index
    %get3A_3 = arith.constant 0 : index
    %get3A_4 = vector.load %arg0[%get3A_2, %get3A_3] : memref<2x40000xf32, #tpu.memory_space<vmem>>, vector<1x40000xf32>
    %add3A = arith.addf %get3A_1, %get3A_4 : vector<1x40000xf32>
    %max3A = arith.constant 1.000000e+00 : f32
    %max3A_5 = vector.broadcast %max3A : f32 to vector<1x40000xf32>
    %max3A_6 = arith.maximumf %add3A, %max3A_5 : vector<1x40000xf32>
    %rsqrt3A = math.rsqrt %max3A_6 : vector<1x40000xf32>
    %slice3A = vector.extract_strided_slice %rsqrt3A {offsets = [0, 0], sizes = [1, 20000], strides = [1, 1]} : vector<1x40000xf32> to vector<1x20000xf32>
    %swap3A = arith.constant 0 : index
    %swap3A_7 = arith.constant 0 : index
    %swap3A_8 = vector.load %arg2[%swap3A, %swap3A_7] : memref<1x20000xf32, #tpu.memory_space<vmem>>, vector<1x20000xf32>
    tpu.vector_store %arg2[%swap3A, %swap3A_7], %slice3A {strides = array<i32>} : memref<1x20000xf32, #tpu.memory_space<vmem>>, vector<1x20000xf32>,
    %get3A_9 = arith.constant 0 : index
    %get3A_10 = arith.constant 0 : index
    %get3A_11 = vector.load %arg1[%get3A_9, %get3A_10] : memref<2x2xf32, #tpu.memory_space<vmem>>, vector<2x2xf32>
    %reduce_max3A = arith.constant dense<0xFF800000> : vector<2xf32>
    %reduce_max3A_12 = vector.multi_reduction <maximumf>, %get3A_11, %reduce_max3A [1] : vector<2x2xf32> to vector<2xf32>
    %broadcast_in_dim3A = vector.shape_cast %reduce_max3A_12 : vector<2xf32> to vector<2x1xf32>
    %sub3A = vector.broadcast %broadcast_in_dim3A : vector<2x1xf32> to vector<2x2xf32>
    %sub3A_13 = arith.subf %get3A_11, %sub3A : vector<2x2xf32>
    %exp3A = math.exp %sub3A_13 : vector<2x2xf32>
    %reduce_sum3A = arith.constant dense<0.000000e+00> : vector<2xf32>
    %reduce_sum3A_14 = vector.multi_reduction <add>, %exp3A, %reduce_sum3A [1] : vector<2x2xf32> to vector<2xf32>
    %broadcast_in_dim3A_15 = vector.shape_cast %reduce_sum3A_14 : vector<2xf32> to vector<2x1xf32>
    %div3A = vector.broadcast %broadcast_in_dim3A_15 : vector<2x1xf32> to vector<2x2xf32>
    %div3A_16 = arith.divf %exp3A, %div3A : vector<2x2xf32>
    %slice3A_17 = vector.extract_strided_slice %rsqrt3A {offsets = [0, 20000], sizes = [1, 20000], strides = [1, 1]} : vector<1x40000xf32> to vector<1x20000xf32>
    %slice3A_18 = vector.extract_strided_slice %div3A_16 {offsets = [0, 0], sizes = [1, 1], strides = [1, 1]} : vector<2x2xf32> to vector<1x1xf32>
    %slice3A_19 = vector.extract_strided_slice %slice3A_17 {offsets = [0, 0], sizes = [1, 10000], strides = [1, 1]} : vector<1x20000xf32> to vector<1x10000xf32>
    %mul3A = vector.broadcast %slice3A_18 : vector<1x1xf32> to vector<1x10000xf32>
    %mul3A_20 = arith.mulf %mul3A, %slice3A_19 : vector<1x10000xf32>
    %swap3A_21 = arith.constant 0 : index
    %swap3A_22 = arith.constant 0 : index
    %swap3A_23 = vector.load %arg3[%swap3A_21, %swap3A_22] : memref<2x20000xf32, #tpu.memory_space<vmem>>, vector<1x10000xf32>
    tpu.vector_store %arg3[%swap3A_21, %swap3A_22], %mul3A_20 {strides = array<i32>} : memref<2x20000xf32, #tpu.memory_space<vmem>>, vector<1x10000xf32>,
    %slice3A_24 = vector.extract_strided_slice %div3A_16 {offsets = [0, 1], sizes = [1, 1], strides = [1, 1]} : vector<2x2xf32> to vector<1x1xf32>
    %slice3A_25 = vector.extract_strided_slice %slice3A_17 {offsets = [0, 10000], sizes = [1, 10000], strides = [1, 1]} : vector<1x20000xf32> to vector<1x10000xf32>
    %mul3A_26 = vector.broadcast %slice3A_24 : vector<1x1xf32> to vector<1x10000xf32>
    %mul3A_27 = arith.mulf %mul3A_26, %slice3A_25 : vector<1x10000xf32>
    %swap3A_28 = arith.constant 0 : index
    %swap3A_29 = arith.constant 10000 : index
    %swap3A_30 = vector.load %arg3[%swap3A_28, %swap3A_29] : memref<2x20000xf32, #tpu.memory_space<vmem>>, vector<1x10000xf32>
    tpu.vector_store %arg3[%swap3A_28, %swap3A_29], %mul3A_27 {strides = array<i32>} : memref<2x20000xf32, #tpu.memory_space<vmem>>, vector<1x10000xf32>,
    %slice3A_31 = vector.extract_strided_slice %div3A_16 {offsets = [1, 0], sizes = [1, 1], strides = [1, 1]} : vector<2x2xf32> to vector<1x1xf32>
    %slice3A_32 = vector.extract_strided_slice %slice3A_17 {offsets = [0, 0], sizes = [1, 10000], strides = [1, 1]} : vector<1x20000xf32> to vector<1x10000xf32>
    %mul3A_33 = vector.broadcast %slice3A_31 : vector<1x1xf32> to vector<1x10000xf32>
    %mul3A_34 = arith.mulf %mul3A_33, %slice3A_32 : vector<1x10000xf32>
    %swap3A_35 = arith.constant 1 : index
    %swap3A_36 = arith.constant 0 : index
    %swap3A_37 = vector.load %arg3[%swap3A_35, %swap3A_36] : memref<2x20000xf32, #tpu.memory_space<vmem>>, vector<1x10000xf32>
    tpu.vector_store %arg3[%swap3A_35, %swap3A_36], %mul3A_34 {strides = array<i32>} : memref<2x20000xf32, #tpu.memory_space<vmem>>, vector<1x10000xf32>,
    %slice3A_38 = vector.extract_strided_slice %div3A_16 {offsets = [1, 1], sizes = [1, 1], strides = [1, 1]} : vector<2x2xf32> to vector<1x1xf32>
    %slice3A_39 = vector.extract_strided_slice %slice3A_17 {offsets = [0, 10000], sizes = [1, 10000], strides = [1, 1]} : vector<1x20000xf32> to vector<1x10000xf32>
    %mul3A_40 = vector.broadcast %slice3A_38 : vector<1x1xf32> to vector<1x10000xf32>
    %mul3A_41 = arith.mulf %mul3A_40, %slice3A_39 : vector<1x10000xf32>
    %swap3A_42 = arith.constant 1 : index
    %swap3A_43 = arith.constant 10000 : index
    %swap3A_44 = vector.load %arg3[%swap3A_42, %swap3A_43] : memref<2x20000xf32, #tpu.memory_space<vmem>>, vector<1x10000xf32>
    tpu.vector_store %arg3[%swap3A_42, %swap3A_43], %mul3A_41 {strides = array<i32>} : memref<2x20000xf32, #tpu.memory_space<vmem>>, vector<1x10000xf32>,
    return
  }
}

module attributes {stable_mosaic.version = 14 : i64} {
  func.func @body(%arg0: i32, %arg1: memref<1000x128xf32, #tpu.memory_space<vmem>>, %arg2: memref<128x128xf32, #tpu.memory_space<vmem>>, %arg3: memref<1x128xf32, #tpu.memory_space<vmem>>, %arg4: memref<1000x128xf32, #tpu.memory_space<vmem>>) attributes {dimension_semantics = [#tpu.dimension_semantics<arbitrary>], iteration_bounds = array<i64: 10>, scalar_prefetch = 0 : i64, scratch_operands = 0 : i64, tpu.core_type = #tpu.core_type<tc>, window_params = [{transform_indices = @transform_0, window_bounds = array<i64: 1000, 128>}, {pipeline_mode = #tpu.pipeline_mode<synchronous>, transform_indices = @transform_1, window_bounds = array<i64: 128, 128>}, {pipeline_mode = #tpu.pipeline_mode<synchronous>, transform_indices = @transform_2, window_bounds = array<i64: 1, 128>}, {transform_indices = @transform_3, window_bounds = array<i64: 1000, 128>}]} {
    %get3A = arith.constant 0 : index
    %get3A_0 = arith.constant 0 : index
    %get3A_1 = vector.load %arg1[%get3A, %get3A_0] : memref<1000x128xf32, #tpu.memory_space<vmem>>, vector<1000x128xf32>
    %get3A_2 = arith.constant 0 : index
    %get3A_3 = arith.constant 0 : index
    %get3A_4 = vector.load %arg2[%get3A_2, %get3A_3] : memref<128x128xf32, #tpu.memory_space<vmem>>, vector<128x128xf32>
    %dot_general3A = arith.constant dense<0.000000e+00> : vector<1000x128xf32>
    %dot_general3A_5 = tpu.matmul %get3A_1, %get3A_4, %dot_general3A {dimension_numbers = #tpu.dot_dimension_numbers<[1], [0], [0], [1], [0, 0, 1, 1], [], []>, transpose_lhs_hint = false} : vector<1000x128xf32>, vector<128x128xf32>, vector<1000x128xf32> -> vector<1000x128xf32>
    %get3A_6 = arith.constant 0 : index
    %get3A_7 = arith.constant 0 : index
    %get3A_8 = vector.load %arg3[%get3A_6, %get3A_7] : memref<1x128xf32, #tpu.memory_space<vmem>>, vector<1x128xf32>
    %add3A = vector.broadcast %get3A_8 : vector<1x128xf32> to vector<1000x128xf32>
    %add3A_9 = arith.addf %dot_general3A_5, %add3A : vector<1000x128xf32>
    %swap3A = arith.constant 0 : index
    %swap3A_10 = arith.constant 0 : index
    %swap3A_11 = vector.load %arg4[%swap3A, %swap3A_10] : memref<1000x128xf32, #tpu.memory_space<vmem>>, vector<1000x128xf32>
    tpu.vector_store %arg4[%swap3A, %swap3A_10], %add3A_9 {strides = array<i32>} : memref<1000x128xf32, #tpu.memory_space<vmem>>, vector<1000x128xf32>,
    return
  }
  func.func @transform_0(%arg0: i32) -> (i32, i32) {
    %c0_i32 = arith.constant 0 : i32
    %c0_i32_0 = arith.constant 0 : i32
    return %arg0, %c0_i32 : i32, i32
  }
  func.func @transform_1(%arg0: i32) -> (i32, i32) {
    %c0_i32 = arith.constant 0 : i32
    %c0_i32_0 = arith.constant 0 : i32
    %c0_i32_1 = arith.constant 0 : i32
    return %c0_i32, %c0_i32_0 : i32, i32
  }
  func.func @transform_2(%arg0: i32) -> (i32, i32) {
    %c0_i32 = arith.constant 0 : i32
    %c0_i32_0 = arith.constant 0 : i32
    %c0_i32_1 = arith.constant 0 : i32
    return %c0_i32, %c0_i32_0 : i32, i32
  }
  func.func @transform_3(%arg0: i32) -> (i32, i32) {
    %c0_i32 = arith.constant 0 : i32
    %c0_i32_0 = arith.constant 0 : i32
    return %arg0, %c0_i32 : i32, i32
  }
}

module attributes {stable_mosaic.version = 14 : i64} {
  func.func @body(%arg0: i32, %arg1: memref<1000x128xf32, #tpu.memory_space<vmem>>, %arg2: memref<1000x128xf32, #tpu.memory_space<vmem>>, %arg3: memref<1000x128xf32, #tpu.memory_space<vmem>>, %arg4: memref<128x128xf32, #tpu.memory_space<vmem>>, %arg5: memref<1x128xf32, #tpu.memory_space<vmem>>, %arg6: memref<1000x128xf32, #tpu.memory_space<vmem>>, %arg7: memref<1000x128xf32, #tpu.memory_space<vmem>>) attributes {dimension_semantics = [#tpu.dimension_semantics<arbitrary>], iteration_bounds = array<i64: 10>, scalar_prefetch = 0 : i64, scratch_operands = 0 : i64, tpu.core_type = #tpu.core_type<tc>, window_params = [{transform_indices = @transform_0, window_bounds = array<i64: 1000, 128>}, {transform_indices = @transform_1, window_bounds = array<i64: 1000, 128>}, {transform_indices = @transform_2, window_bounds = array<i64: 1000, 128>}, {pipeline_mode = #tpu.pipeline_mode<synchronous>, transform_indices = @transform_3, window_bounds = array<i64: 128, 128>}, {pipeline_mode = #tpu.pipeline_mode<synchronous>, transform_indices = @transform_4, window_bounds = array<i64: 1, 128>}, {transform_indices = @transform_5, window_bounds = array<i64: 1000, 128>}, {transform_indices = @transform_6, window_bounds = array<i64: 1000, 128>}]} {
    %get3A = arith.constant 0 : index
    %get3A_0 = arith.constant 0 : index
    %get3A_1 = vector.load %arg1[%get3A, %get3A_0] : memref<1000x128xf32, #tpu.memory_space<vmem>>, vector<1000x128xf32>
    %get3A_2 = arith.constant 0 : index
    %get3A_3 = arith.constant 0 : index
    %get3A_4 = vector.load %arg2[%get3A_2, %get3A_3] : memref<1000x128xf32, #tpu.memory_space<vmem>>, vector<1000x128xf32>
    %get3A_5 = arith.constant 0 : index
    %get3A_6 = arith.constant 0 : index
    %get3A_7 = vector.load %arg3[%get3A_5, %get3A_6] : memref<1000x128xf32, #tpu.memory_space<vmem>>, vector<1000x128xf32>
    %add3A = arith.addf %get3A_4, %get3A_7 : vector<1000x128xf32>
    %max3A = arith.constant 0.000000e+00 : f32
    %max3A_8 = vector.broadcast %max3A : f32 to vector<1000x128xf32>
    %max3A_9 = arith.maximumf %add3A, %max3A_8 : vector<1000x128xf32>
    %add3A_10 = arith.addf %get3A_1, %max3A_9 : vector<1000x128xf32>
    %mul3A = arith.mulf %add3A_10, %add3A_10 : vector<1000x128xf32>
    %reduce_sum3A = arith.constant dense<0.000000e+00> : vector<1000xf32>
    %reduce_sum3A_11 = vector.multi_reduction <add>, %mul3A, %reduce_sum3A [1] : vector<1000x128xf32> to vector<1000xf32>
    %broadcast_in_dim3A = vector.shape_cast %reduce_sum3A_11 : vector<1000xf32> to vector<1000x1xf32>
    %sqrt3A = math.sqrt %broadcast_in_dim3A : vector<1000x1xf32>
    %max3A_12 = arith.constant 9.99999996E-13 : f32
    %max3A_13 = vector.broadcast %max3A_12 : f32 to vector<1000x1xf32>
    %max3A_14 = arith.maximumf %sqrt3A, %max3A_13 : vector<1000x1xf32>
    %div3A = vector.broadcast %max3A_14 : vector<1000x1xf32> to vector<1000x128xf32>
    %div3A_15 = arith.divf %add3A_10, %div3A : vector<1000x128xf32>
    %swap3A = arith.constant 0 : index
    %swap3A_16 = arith.constant 0 : index
    %swap3A_17 = vector.load %arg6[%swap3A, %swap3A_16] : memref<1000x128xf32, #tpu.memory_space<vmem>>, vector<1000x128xf32>
    tpu.vector_store %arg6[%swap3A, %swap3A_16], %div3A_15 {strides = array<i32>} : memref<1000x128xf32, #tpu.memory_space<vmem>>, vector<1000x128xf32>,
    %get3A_18 = arith.constant 0 : index
    %get3A_19 = arith.constant 0 : index
    %get3A_20 = vector.load %arg4[%get3A_18, %get3A_19] : memref<128x128xf32, #tpu.memory_space<vmem>>, vector<128x128xf32>
    %dot_general3A = arith.constant dense<0.000000e+00> : vector<1000x128xf32>
    %dot_general3A_21 = tpu.matmul %div3A_15, %get3A_20, %dot_general3A {dimension_numbers = #tpu.dot_dimension_numbers<[1], [0], [0], [1], [0, 0, 1, 1], [], []>, transpose_lhs_hint = false} : vector<1000x128xf32>, vector<128x128xf32>, vector<1000x128xf32> -> vector<1000x128xf32>
    %get3A_22 = arith.constant 0 : index
    %get3A_23 = arith.constant 0 : index
    %get3A_24 = vector.load %arg5[%get3A_22, %get3A_23] : memref<1x128xf32, #tpu.memory_space<vmem>>, vector<1x128xf32>
    %add3A_25 = vector.broadcast %get3A_24 : vector<1x128xf32> to vector<1000x128xf32>
    %add3A_26 = arith.addf %dot_general3A_21, %add3A_25 : vector<1000x128xf32>
    %swap3A_27 = arith.constant 0 : index
    %swap3A_28 = arith.constant 0 : index
    %swap3A_29 = vector.load %arg7[%swap3A_27, %swap3A_28] : memref<1000x128xf32, #tpu.memory_space<vmem>>, vector<1000x128xf32>
    tpu.vector_store %arg7[%swap3A_27, %swap3A_28], %add3A_26 {strides = array<i32>} : memref<1000x128xf32, #tpu.memory_space<vmem>>, vector<1000x128xf32>,
    return
  }
  func.func @transform_0(%arg0: i32) -> (i32, i32) {
    %c0_i32 = arith.constant 0 : i32
    %c0_i32_0 = arith.constant 0 : i32
    return %arg0, %c0_i32 : i32, i32
  }
  func.func @transform_1(%arg0: i32) -> (i32, i32) {
    %c0_i32 = arith.constant 0 : i32
    %c0_i32_0 = arith.constant 0 : i32
    return %arg0, %c0_i32 : i32, i32
  }
  func.func @transform_2(%arg0: i32) -> (i32, i32) {
    %c0_i32 = arith.constant 0 : i32
    %c0_i32_0 = arith.constant 0 : i32
    return %arg0, %c0_i32 : i32, i32
  }
  func.func @transform_3(%arg0: i32) -> (i32, i32) {
    %c0_i32 = arith.constant 0 : i32
    %c0_i32_0 = arith.constant 0 : i32
    %c0_i32_1 = arith.constant 0 : i32
    return %c0_i32, %c0_i32_0 : i32, i32
  }
  func.func @transform_4(%arg0: i32) -> (i32, i32) {
    %c0_i32 = arith.constant 0 : i32
    %c0_i32_0 = arith.constant 0 : i32
    %c0_i32_1 = arith.constant 0 : i32
    return %c0_i32, %c0_i32_0 : i32, i32
  }
  func.func @transform_5(%arg0: i32) -> (i32, i32) {
    %c0_i32 = arith.constant 0 : i32
    %c0_i32_0 = arith.constant 0 : i32
    return %arg0, %c0_i32 : i32, i32
  }
  func.func @transform_6(%arg0: i32) -> (i32, i32) {
    %c0_i32 = arith.constant 0 : i32
    %c0_i32_0 = arith.constant 0 : i32
    return %arg0, %c0_i32 : i32, i32
  }
}

module attributes {stable_mosaic.version = 14 : i64} {
  func.func @body(%arg0: i32, %arg1: memref<1000x128xf32, #tpu.memory_space<vmem>>, %arg2: memref<1000x128xf32, #tpu.memory_space<vmem>>, %arg3: memref<1000x128xf32, #tpu.memory_space<vmem>>, %arg4: memref<1000x128xf32, #tpu.memory_space<vmem>>) attributes {dimension_semantics = [#tpu.dimension_semantics<arbitrary>], iteration_bounds = array<i64: 10>, scalar_prefetch = 0 : i64, scratch_operands = 0 : i64, tpu.core_type = #tpu.core_type<tc>, window_params = [{transform_indices = @transform_0, window_bounds = array<i64: 1000, 128>}, {transform_indices = @transform_1, window_bounds = array<i64: 1000, 128>}, {transform_indices = @transform_2, window_bounds = array<i64: 1000, 128>}, {transform_indices = @transform_3, window_bounds = array<i64: 1000, 128>}]} {
    %get3A = arith.constant 0 : index
    %get3A_0 = arith.constant 0 : index
    %get3A_1 = vector.load %arg1[%get3A, %get3A_0] : memref<1000x128xf32, #tpu.memory_space<vmem>>, vector<1000x128xf32>
    %get3A_2 = arith.constant 0 : index
    %get3A_3 = arith.constant 0 : index
    %get3A_4 = vector.load %arg2[%get3A_2, %get3A_3] : memref<1000x128xf32, #tpu.memory_space<vmem>>, vector<1000x128xf32>
    %get3A_5 = arith.constant 0 : index
    %get3A_6 = arith.constant 0 : index
    %get3A_7 = vector.load %arg3[%get3A_5, %get3A_6] : memref<1000x128xf32, #tpu.memory_space<vmem>>, vector<1000x128xf32>
    %add3A = arith.addf %get3A_4, %get3A_7 : vector<1000x128xf32>
    %max3A = arith.constant 0.000000e+00 : f32
    %max3A_8 = vector.broadcast %max3A : f32 to vector<1000x128xf32>
    %max3A_9 = arith.maximumf %add3A, %max3A_8 : vector<1000x128xf32>
    %add3A_10 = arith.addf %get3A_1, %max3A_9 : vector<1000x128xf32>
    %mul3A = arith.mulf %add3A_10, %add3A_10 : vector<1000x128xf32>
    %reduce_sum3A = arith.constant dense<0.000000e+00> : vector<1000xf32>
    %reduce_sum3A_11 = vector.multi_reduction <add>, %mul3A, %reduce_sum3A [1] : vector<1000x128xf32> to vector<1000xf32>
    %broadcast_in_dim3A = vector.shape_cast %reduce_sum3A_11 : vector<1000xf32> to vector<1000x1xf32>
    %sqrt3A = math.sqrt %broadcast_in_dim3A : vector<1000x1xf32>
    %max3A_12 = arith.constant 9.99999996E-13 : f32
    %max3A_13 = vector.broadcast %max3A_12 : f32 to vector<1000x1xf32>
    %max3A_14 = arith.maximumf %sqrt3A, %max3A_13 : vector<1000x1xf32>
    %div3A = vector.broadcast %max3A_14 : vector<1000x1xf32> to vector<1000x128xf32>
    %div3A_15 = arith.divf %add3A_10, %div3A : vector<1000x128xf32>
    %swap3A = arith.constant 0 : index
    %swap3A_16 = arith.constant 0 : index
    %swap3A_17 = vector.load %arg4[%swap3A, %swap3A_16] : memref<1000x128xf32, #tpu.memory_space<vmem>>, vector<1000x128xf32>
    tpu.vector_store %arg4[%swap3A, %swap3A_16], %div3A_15 {strides = array<i32>} : memref<1000x128xf32, #tpu.memory_space<vmem>>, vector<1000x128xf32>,
    return
  }
  func.func @transform_0(%arg0: i32) -> (i32, i32) {
    %c0_i32 = arith.constant 0 : i32
    %c0_i32_0 = arith.constant 0 : i32
    return %arg0, %c0_i32 : i32, i32
  }
  func.func @transform_1(%arg0: i32) -> (i32, i32) {
    %c0_i32 = arith.constant 0 : i32
    %c0_i32_0 = arith.constant 0 : i32
    return %arg0, %c0_i32 : i32, i32
  }
  func.func @transform_2(%arg0: i32) -> (i32, i32) {
    %c0_i32 = arith.constant 0 : i32
    %c0_i32_0 = arith.constant 0 : i32
    return %arg0, %c0_i32 : i32, i32
  }
  func.func @transform_3(%arg0: i32) -> (i32, i32) {
    %c0_i32 = arith.constant 0 : i32
    %c0_i32_0 = arith.constant 0 : i32
    return %arg0, %c0_i32 : i32, i32
  }
}

</mosaic_0001>

<sc_bundles>
// kernel: kernel.10.cloned.1.call-start
scs
__scs_entry_jumppad:
0x0: {  	(pc) =	sbr.rel $0x88, $3  }
0x1: {  	(tag) =	ssettag $0x0;
	lr =	simm.s32 $0x1  }
0x2: {  	[smem:$0x3F9B] =	sst lr;
	_ =	strace $0xD0000000  }
0x3: {  	_ = 	snop  }
0x4: {  	_ = 	snop  }
0x5: {  	_ = 	snop  }
0x6: {  	_ = 	snop  }
0x7: {  	_ = 	snop  }
__scs_overlays_trampoline_lowered:
0x8: {  	[smem:$0x3FAA] =	sst s0  }
0x9: {  	[smem:$0x3FAB] =	sst s1  }
0xa: {  	[smem:$0x3FAC] =	sst s2  }
0xb: {  	[smem:$0x3FAD] =	sst s3  }
0xc: {  	[smem:$0x3FAE] =	sst s4  }
0xd: {  	[smem:$0x3FAF] =	sst s5  }
0xe: {  	[smem:$0x3FB0] =	sst s6  }
0xf: {  	[smem:$0x3FB1] =	sst s7  }
0x10: {  	[smem:$0x3FB2] =	sst s8  }
0x11: {  	[smem:$0x3FB3] =	sst s9;
	s0 =	simm.s32 @!p0 $0x0  }
0x12: {  	s1 =	sld [smem:$0x3F99];
	s0 =	simm.s32 @p0 $0x1  }
0x13: {  	[smem:$0x3FB4] =	sst s0;
	s0 =	simm.s32 @!p1 $0x0  }
0x14: {  	s2 =	sld [smem:$0x3F98];
	s0 =	simm.s32 @p1 $0x1  }
0x15: {  	[smem:$0x3FB5] =	sst s0;
	s0 =	simm.s32 @!p2 $0x0  }
0x16: {  	s3 =	sld [smem:$0x3FDB];
	s0 =	simm.s32 @p2 $0x1  }
0x17: {  	s4 =	simm.s32 $0x1BF5;
	[smem:$0x3FB7] =	sst s0  }
0x18: {  	s0 =	sld [smem:$0x3F9A];
	_ =	swait.ge [sflag:s4], $0x0  }
0x19: {  	s7 =	sld [smem:$0x3F9B]  }
0x1a: {  	s8 =	sadd.s32 $0xFFFFE003, lr  }
0x1b: {  	s9 =	sadd.s32 $0xFFFFFEF7, lr;
	s5 =	simm.s32 $0xFFFFFFFF;
	p2 =	slt.u32 s8, $0xFFFFF086  }
0x1c: {  	p1 =	slt.u32 s9, $0xF7A;
	s5 =	simm.s32 @!p2 $0x0  }
0x1d: {  	s5 =	simm.s32 @p1 $0x1;
	p0 =	seq.s32 s7, s2  }
0x1e: {  	s7 =	smul.u32 @!p0 $0xF7A, s2;
	p2 =	seq.s32 @!p0 s5, $0x0  }
0x1f: {  	s9 =	smul.u32 $0xF7A, s1;
	s8 =	simm.s32 @!p0 $0x1BF5;
	p2 =	por !p2, p0  }
0x20: {  	[sflag:s8] =	ssyncset.s32 @!p0 $0xFFFFF086;
	s6 =	sadd.s32 @!p0 s3, s7;
	s7 =	simm.s32 @!p0 $0x108  }
0x21: {  	s3 =	sadd.s32 s3, s9;
	s6 =	sadd.s32 @!p0 $0x88, s6;
	s7 =	simm.s32 @p2 $0x1082  }
0x22: {  	[simem:s7], [sflag:s8] =	dma.local @!p0 [hbm:s6], $0xF7A  }
0x23: {  	s9 =	sor.u32 $0xD0000000, s2;
	s6 =	simm.s32 $0x108;
	_ =	swait.ge @!p0 [sflag:s8], $0x0  }
0x24: {  	s3 =	sadd.s32 $0x88, s3;
	s6 =	simm.s32 @!p1 $0x1082;
	[sflag:s4] =	ssyncset.s32 $0xFFFFF086  }
0x25: {  	[simem:s6], [sflag:s4] =	dma.local [hbm:s3], $0xF7A  }
0x26: {  	[smem:$0x3F9B] =	sst s1;
	(tag) =	ssettag s2;
	_ =	strace s9  }
0x27: {  	s1 =	sld [smem:$0x3FAB]  }
0x28: {  	s2 =	sld [smem:$0x3FAC]  }
0x29: {  	s4 =	sld [smem:$0x3FAE]  }
0x2a: {  	p0 =	seq.s32 s5, $0x0;
	s5 =	sld [smem:$0x3FAF]  }
0x2b: {  	s6 =	sld [smem:$0x3FB0]  }
0x2c: {  	s7 =	sld [smem:$0x3FB1]  }
0x2d: {  	s3 =	simm.s32 $0x108;
	s8 =	sld [smem:$0x3FB2]  }
0x2e: {  	s3 =	simm.s32 @!p0 $0x1082;
	s9 =	sld [smem:$0x3FB3]  }
0x2f: {  	lr =	sadd.s32 s0, s3;
	s0 =	sld [smem:$0x3FAA]  }
0x30: {  	s3 =	sld [smem:$0x3FAD]  }
0x31: {  	[smem:$0x3FB6] =	sst s10  }
0x32: {  	s10 =	sld [smem:$0x3FB4];
	_ =	sdelay $0x3  }
0x33: {  	p0 =	seq.s32 s10, $0x1;
	s10 =	sld [smem:$0x3FB6];
	_ =	sdelay $0x3  }
0x34: {  	[smem:$0x3FB6] =	sst s10  }
0x35: {  	s10 =	sld [smem:$0x3FB5];
	_ =	sdelay $0x3  }
0x36: {  	p1 =	seq.s32 s10, $0x1;
	s10 =	sld [smem:$0x3FB6];
	_ =	sdelay $0x3  }
0x37: {  	[smem:$0x3FB6] =	sst s10  }
0x38: {  	s10 =	sld [smem:$0x3FB7]  }
0x39: {  	_ = 	snop;
	(pc) =	sbr.ind lr, $3  }
0x3a: {  	_ = 	snop  }
0x3b: {  	_ = 	snop  }
0x3c: {  	p2 =	seq.s32 s10, $0x1;
	s10 =	sld [smem:$0x3FB6]  }
0x3d: {  	_ =	shalt  }
0x3e: {  	_ =	shalt  }
0x3f: {  	_ =	shalt  }
0x40: {  	_ =	shalt  }
0x41: {  	_ =	shalt  }
0x42: {  	_ =	shalt  }
0x43: {  	_ =	shalt  }
0x44: {  	_ =	shalt  }
0x45: {  	_ =	shalt  }
0x46: {  	_ =	shalt  }
0x47: {  	_ =	shalt  }
0x48: {  	_ =	shalt  }
0x49: {  	_ =	shalt  }
0x4a: {  	_ =	shalt  }
0x4b: {  	_ =	shalt  }
0x4c: {  	_ =	shalt  }
0x4d: {  	_ =	shalt  }
0x4e: {  	_ =	shalt  }
0x4f: {  	_ =	shalt  }
0x50: {  	_ =	shalt  }
0x51: {  	_ =	shalt  }
0x52: {  	_ =	shalt  }
0x53: {  	_ =	shalt  }
0x54: {  	_ =	shalt  }
0x55: {  	_ =	shalt  }
0x56: {  	_ =	shalt  }
0x57: {  	_ =	shalt  }
0x58: {  	_ =	shalt  }
0x59: {  	_ =	shalt  }
0x5a: {  	_ =	shalt  }
0x5b: {  	_ =	shalt  }
0x5c: {  	_ =	shalt  }
0x5d: {  	_ =	shalt  }
0x5e: {  	_ =	shalt  }
0x5f: {  	_ =	shalt  }
0x60: {  	_ =	shalt  }
0x61: {  	_ =	shalt  }
0x62: {  	_ =	shalt  }
0x63: {  	_ =	shalt  }
0x64: {  	_ =	shalt  }
0x65: {  	_ =	shalt  }
0x66: {  	_ =	shalt  }
0x67: {  	_ =	shalt  }
0x68: {  	_ =	shalt  }
0x69: {  	_ =	shalt  }
0x6a: {  	_ =	shalt  }
0x6b: {  	_ =	shalt  }
0x6c: {  	_ =	shalt  }
0x6d: {  	_ =	shalt  }
0x6e: {  	_ =	shalt  }
0x6f: {  	_ =	shalt  }
0x70: {  	_ =	shalt  }
0x71: {  	_ =	shalt  }
0x72: {  	_ =	shalt  }
0x73: {  	_ =	shalt  }
0x74: {  	_ =	shalt  }
0x75: {  	_ =	shalt  }
0x76: {  	_ =	shalt  }
0x77: {  	_ =	shalt  }
0x78: {  	_ =	shalt  }
0x79: {  	_ =	shalt  }
0x7a: {  	_ =	shalt  }
0x7b: {  	_ =	shalt  }
0x7c: {  	_ =	shalt  }
0x7d: {  	_ =	shalt  }
0x7e: {  	_ =	shalt  }
0x7f: {  	_ =	shalt  }
0x80: {  	_ =	shalt  }
0x81: {  	_ =	shalt  }
0x82: {  	_ =	shalt  }
0x83: {  	_ =	shalt  }
0x84: {  	_ =	shalt  }
0x85: {  	_ =	shalt  }
0x86: {  	_ =	shalt  }
0x87: {  	_ =	shalt  }
.Lfunc_end0:
.L_simem_size_0:
called_computation_lowered:
.L_overlay_start_0:
0x88: {  	s2 =	sld [smem:$0x3FD9]  }
0x89: {  	s3 =	sld [smem:$0x3FFE];
	_ =	sdelay $0x1  }
0x8a: {  	s1 =	srdreg.scid  }
0x8b: {  	s0 =	sand.u32 $0x1, s1  }
0x8c: {  	s17 =	sshll.u32 s0, $0xA;
	s2 =	sadd.s32 s3, s2  }
0x8d: {  	s2 =	sadd.s32 s2, s17  }
0x8e: {  	[smem:$0x3FC2] =	sst s2  }
0x8f: {  	_ = 	snop  }
0x90: {  	s2 =	sld [smem:$0x3FD0];
	(tm) =	ssettm $0x1  }
0x91: {  	s18 =	sld [smem:$0x3FFB];
	_ =	sdelay $0x3  }
0x92: {  	_ =	strace s18  }
0x93: {  	s3 =	sld [smem:$0x3FFC];
	_ =	sdelay $0x3  }
0x94: {  	_ =	strace s3  }
0x95: {  	s3 =	sld [smem:$0x3FFD];
	_ =	sdelay $0x3  }
0x96: {  	_ =	strace s3  }
0x97: {  	_ =	strace $0x8FFFFFFF  }
0x98: {  	s19 =	sld [smem:$0x3FDB];
	_ =	sdelay $0x1  }
0x99: {  	s4 =	simm.s32 $_scs_section_size  }
0x9a: {  	s5 =	simm.s32 $_size__tile_overlayer_lowered;
	s6 =	simm.s32 $_tile_overlayer_lowered  }
0x9b: {  	s22 =	simm.s32 $0x1BFF;
	s21 =	sshll.u32 s6, $0x1;
	s3 =	sadd.s32 s4, s19  }
0x9c: {  	s7 =	simm.s32 $0x0;
	s20 =	sshll.u32 s5, $0x1;
	s5 =	sadd.s32 s21, s3  }
0x9d: {  	[timem:s7], [sflag:s22] =	dma.local [hbm:s5], s20  }
0x9e: {  	_ =	swait.ge [sflag:s22], s20  }
0x9f: {  	s4 =	ssub.s32 $0x0, s20;
	[sflag:s22] =	ssyncset.done $0x0  }
0xa0: {  	[sflag:s22] =	ssyncadd.s32 s4;
	_ =	sdelay $0x1  }
0xa1: {  	s23 =	simm.s32 $0x1B8B  }
0xa2: {  	_ =	swait.ge [sflag:s23], $0x1  }
0xa3: {  	[sflag:s23] =	ssyncset.done $0x0  }
0xa4: {  	s25 =	simm.s32 $0x1B8E;
	s24 =	sld [smem:$0x3FFE];
	[sflag:s23] =	ssyncadd.s32 $0xFFFFFFFF  }
0xa5: {  	s26 =	simm.s32 $execute0_lowered;
	[smem:$0x3FD2] =	sst s25  }
0xa6: {  	s5 =	sshll.u32 s26, $0x1;
	_ =	strace $0x80000046;
	[dreg:$0x1] =	wrdreg $0xFFFFFFFF  }
0xa7: {  	s28 =	simm.s32 $_size_execute0_lowered;
	s3 =	sadd.s32 s3, s5;
	[dreg:$0x0] =	wrdreg $0x0  }
0xa8: {  	s5 =	sshll.u32 s28, $0x1;
	[dreg:$0x2] =	wrdreg s3  }
0xa9: {  	[dreg:$0x3] =	wrdreg s5  }
0xaa: {  	[dreg:$0x4] =	wrdreg $0xC0  }
0xab: {  	_ =	task [dreg:s7], $0x5FFFF  }
0xac: {  	[dreg:$0x1] =	wrdreg $0xFFFFFFFF  }
0xad: {  	[dreg:$0x0] =	wrdreg $0x60  }
0xae: {  	[dreg:$0x2] =	wrdreg s2  }
0xaf: {  	[dreg:$0x3] =	wrdreg s24  }
0xb0: {  	[dreg:$0x4] =	wrdreg $0x0  }
0xb1: {  	[dreg:$0x5] =	wrdreg $0x9  }
0xb2: {  	_ =	task.clear_ibuf [dreg:s7], $0x6FFFF;
	_ =	strace $0x90000046  }
0xb3: {  	s29 =	simm.s32 $0x9;
	_ =	strace $0x80000048  }
0xb4: {  	_ =	swait.ge [sflag:s29], $0x1  }
0xb5: {  	[sflag:s29] =	ssyncadd.s32 $0xFFFFFFFF  }
0xb6: {  	_ =	strace $0x90000048  }
0xb7: {  	_ =	sfence  }
0xb8: {  	s30 =	sld [smem:$0x0];
	_ =	sdelay $0x2  }
0xb9: {  	s31 =	sshll.u32 s1, $0xD;
	s1 =	sshrl.u32 s1, $0x2  }
0xba: {  	s3 =	sand.u32 $0x4000, s31;
	s1 =	sadd.s32 s1, s30  }
0xbb: {  	s0 =	sor.u32 s3, s0;
	s1 =	sshll.u32 s1, $0x11  }
0xbc: {  	s0 =	sor.u32 s1, s0  }
0xbd: {  	s0 =	sadd.s32 $0x8F2B, s0  }
0xbe: {  	[sflag:s0] =	ssyncadd.remote.s32 $0x1  }
0xbf: {  	_ =	sfence.sel $0xFFFF  }
0xc0: {  	[dreg:$0x0] =	wrdreg $0xFFFFFFFF;
	(pc) =	sbr.abs _section_cstart, $3  }
0xc1: {  	[dreg:$0x1] =	wrdreg $0xFFFFFFFF  }
0xc2: {  	_ =	task.clear_ibuf [dreg:s7], $0x2FFFF;
	_ =	strace $0x9FFFFFFF  }
0xc3: {  	(tm) =	ssettm $0x7FFFFFFF  }
tec
execute0_lowered:
.L_overlay_start_1:
0x0: {  	(tag) =	ssettag $0x1  }
0x1: {  	s5 =	rddreg [dreg:$0x0]  }
0x2: {  	s4 =	rddreg [dreg:$0x1]  }
0x3: {  	s0 =	srdreg.scid;
	s2 =	rddreg [dreg:$0x2];
	s14 =	simm.s32 $0x3200  }
0x4: {  	s15 =	simm.s32 $0x5A00;
	s16 =	simm.s32 $0x80;
	s7 =	sand.u32 $0x1, s0  }
0x5: {  	s17 =	simm.s32 $0xD200;
	s0 =	stileid.u32;
	s8 =	smul.u32 $0xA000, s7  }
0x6: {  	s18 =	simm.s32 $0x400;
	s1 =	sshll.u32 s7, $0x4;
	s29 =	smul.u32 $0x2800, s0  }
0x7: {  	s9 =	sshrl.u32 s0, $0x3;
	s10 =	sshll.u32 s0, $0x7;
	s31 =	smul.u32 $0x28000, s7  }
0x8: {  	s30 =	ssub.s32 $0x2, s7;
	s3 =	sor.u32 s0, s1;
	s9 =	smul.u32 $0x5000, s9  }
0x9: {  	s28 =	sand.u32 $0x380, s10;
	s12 =	sshrl.u32 s30, $0x1;
	s6 =	smul.u32 $0x2800, s3  }
0xa: {  	s3 =	simm.s32 $0x0;
	s13 =	sshrl.u32 s29, $0x2;
	s10 =	sadd.s32 s29, s31  }
0xb: {  	[smem:$0x7FF] =	sst s3;
	s8 =	sadd.s32 s8, s9;
	s9 =	ssub.s32 s30, s12  }
0xc: {  	s12 =	simm.s32 $0x1;
	_ =	strace $0x80000047;
	s8 =	sor.u32 s28, s8  }
0xd: {  	s6 =	sshrl.u32 s6, $0x3;
	s9 =	smax.u32 s9, $0x1;
	s8 =	sshrl.u32 s8, $0x3  }
0xe: {  	s11 =	sadd.s32 s6, s4;
	s5 =	sadd.s32 s5, s6;
	s8 =	sadd.s32 s8, s4  }
0xf: {  	s4 =	sadd.s32 s13, s2;
	s6 =	sadd.s32 $0x20600, s11;
	s7 =	sadd.s32 $0x16600, s11  }
0x10: {  	v0 =	vimm.f32 $0.0e+00;
	v1 =	vimm.f32 $1.000000000e+00;
	s11 =	simm.s32 $0xD280;
	s13 =	simm.s32 $0xA00;
	s8 =	sadd.s32 $0x2A600, s8  }
.LBB2_1:
0x11: {  	s19 =	simm.s32 $0x40;
	s20 =	simm.s32 $0x0  }
.LBB2_2:
0x12: {  	p0 =	sne.s32 s19, $0x27C0;
	[tilespmem:s20+$0xD280] =	vst v0;
	s20 =	smov.u32 s19;
	s19 =	sadd.s32 $0x40, s19  }
.Ltmp0:
0x13: {  	(pc) =	sbr.rel @p0 .LBB2_2-.Ltmp0, $2  }
0x14: {  	_ =	sdelay $0x2  }
0x15: {  	s20 =	sshra.s32 s20, $0x2  }
0x16: {  	[tilespmem:s20+$0xD280] =	vst v0  }
0x17: {  	[spmem:s4] =	stream.linear.scatter [tilespmem:s11], [sflag:$0x1], $0xA00, $0x38;
	[tilespmem:$0xDC80] =	vst v63  }
0x18: {  	_ =	swait.ge [sflag:s12], $0xA00  }
0x19: {  	[sflag:s12] =	ssyncset.done $0x0  }
0x1a: {  	[sflag:s12] =	ssyncadd.s32 $0xFFFFF600  }
0x1b: {  	[tilespmem:$0xD200] =	vst v1  }
0x1c: {  	[tilespmem:$0xD210] =	vst v1  }
0x1d: {  	[tilespmem:$0xD220] =	vst v1  }
0x1e: {  	[tilespmem:$0xD230] =	vst v1  }
0x1f: {  	[tilespmem:$0xD240] =	vst v1  }
0x20: {  	[tilespmem:$0xD250] =	vst v1  }
0x21: {  	[tilespmem:$0xD260] =	vst v1  }
0x22: {  	[tilespmem:$0xD270] =	vst v1  }
0x23: {  	s19 =	simm.s32 $0x0;
	[bflag:$0x0] =	sbarrier.arrive $0xFFFF  }
0x24: {  	[tilespmem:s13], [sflag:$0x1] =	stream.linear.gather [hbm4b:s5+s19], $0x2800, $0x38;
	[tilespmem:$0xDC80] =	vst v63  }
0x25: {  	_ =	swait.ge [sflag:s12], $0x2800  }
0x26: {  	[sflag:s12] =	ssyncset.done $0x0  }
0x27: {  	[sflag:s12] =	ssyncadd.s32 $0xFFFFD800  }
0x28: {  	[tilespmem:s14], [sflag:$0x1] =	stream.linear.gather [hbm4b:s6+s19], $0x2800, $0x38;
	[tilespmem:$0xDC80] =	vst v63  }
0x29: {  	_ =	swait.ge [sflag:s12], $0x2800  }
0x2a: {  	[sflag:s12] =	ssyncset.done $0x0  }
0x2b: {  	[sflag:s12] =	ssyncadd.s32 $0xFFFFD800  }
0x2c: {  	[tilespmem:s15], [sflag:$0x1] =	stream.linear.gather [hbm4b:s7+s19], $0x2800, $0x38;
	[tilespmem:$0xDC80] =	vst v63  }
0x2d: {  	_ =	swait.ge [sflag:s12], $0x2800  }
0x2e: {  	[sflag:s12] =	ssyncset.done $0x0  }
0x2f: {  	s21 =	simm.s32 $0x5A40;
	[sflag:s12] =	ssyncadd.s32 $0xFFFFD800  }
0x30: {  	v2 =	vld [tilespmem:s21+$0xFFFFFFC0]  }
0x31: {  	s22 =	simm.s32 $0xA40  }
0x32: {  	v3 =	vld [tilespmem:s22+$0xFFFFFFC0];
	_ =	sdelay $0x2  }
0x33: {  	v2 =	vmul.u32 $0x2710, v2;
	_ =	sdelay $0x1  }
0x34: {  	s24 =	sadd.s32 $0x0, s10;
	v3 =	vadd.s32 v3, v2  }
0x35: {  	p0 =	slt.u32 s24, $0x4E200;
	v3 =	vadd.s32 $0xFFFFD8F0, v3  }
0x36: {  	s19 =	simm.s32 $0x8200;
	v3 =	vpsel !p0, $0x9FFF, v3  }
0x37: {  	s23 =	simm.s32 $0x3240;
	[tilespmem:s19+$0x0] =	vst v3  }
0x38: {  	v3 =	vld [tilespmem:s23+$0xFFFFFFC0];
	_ =	sdelay $0x4  }
0x39: {  	v2 =	vadd.s32 v3, v2  }
0x3a: {  	v2 =	vadd.s32 $0x2710, v2  }
0x3b: {  	s20 =	simm.s32 $0xAA00;
	v2 =	vpsel !p0, $0x9FFF, v2  }
0x3c: {  	[tilespmem:s20+$0x0] =	vst v2  }
0x3d: {  	v2 =	vld [tilespmem:s21+$0xFFFFFFD0];
	_ =	sdelay $0x1  }
0x3e: {  	v3 =	vld [tilespmem:s22+$0xFFFFFFD0];
	_ =	sdelay $0x2  }
0x3f: {  	v2 =	vmul.u32 $0x2710, v2;
	_ =	sdelay $0x1  }
0x40: {  	s25 =	sadd.s32 $0x10, s24;
	v3 =	vadd.s32 v3, v2  }
0x41: {  	p6 =	slt.u32 s25, $0x4E200;
	v3 =	vadd.s32 $0xFFFFD8F0, v3  }
0x42: {  	v3 =	vpsel !p6, $0x9FFF, v3  }
0x43: {  	[tilespmem:s19+$0x10] =	vst v3  }
0x44: {  	v3 =	vld [tilespmem:s23+$0xFFFFFFD0];
	_ =	sdelay $0x4  }
0x45: {  	v2 =	vadd.s32 v3, v2  }
0x46: {  	v2 =	vadd.s32 $0x2710, v2  }
0x47: {  	v2 =	vpsel !p6, $0x9FFF, v2  }
0x48: {  	[tilespmem:s20+$0x10] =	vst v2  }
0x49: {  	v2 =	vld [tilespmem:s21+$0xFFFFFFE0];
	_ =	sdelay $0x1  }
0x4a: {  	v3 =	vld [tilespmem:s22+$0xFFFFFFE0];
	_ =	sdelay $0x2  }
0x4b: {  	v2 =	vmul.u32 $0x2710, v2;
	_ =	sdelay $0x1  }
0x4c: {  	s1 =	sadd.s32 $0x20, s24;
	v3 =	vadd.s32 v3, v2  }
0x4d: {  	p1 =	slt.u32 s1, $0x4E200;
	v3 =	vadd.s32 $0xFFFFD8F0, v3  }
0x4e: {  	v3 =	vpsel !p1, $0x9FFF, v3  }
0x4f: {  	[tilespmem:s19+$0x20] =	vst v3  }
0x50: {  	v3 =	vld [tilespmem:s23+$0xFFFFFFE0];
	_ =	sdelay $0x4  }
0x51: {  	v2 =	vadd.s32 v3, v2  }
0x52: {  	v2 =	vadd.s32 $0x2710, v2  }
0x53: {  	v2 =	vpsel !p1, $0x9FFF, v2  }
0x54: {  	[tilespmem:s20+$0x20] =	vst v2  }
0x55: {  	v2 =	vld [tilespmem:s21+$0xFFFFFFF0];
	_ =	sdelay $0x1  }
0x56: {  	v3 =	vld [tilespmem:s22+$0xFFFFFFF0];
	_ =	sdelay $0x2  }
0x57: {  	v2 =	vmul.u32 $0x2710, v2;
	_ =	sdelay $0x1  }
0x58: {  	s26 =	sadd.s32 $0x30, s24;
	v3 =	vadd.s32 v3, v2  }
0x59: {  	p2 =	slt.u32 s26, $0x4E200;
	v3 =	vadd.s32 $0xFFFFD8F0, v3  }
0x5a: {  	v3 =	vpsel !p2, $0x9FFF, v3  }
0x5b: {  	[tilespmem:s19+$0x30] =	vst v3  }
0x5c: {  	v3 =	vld [tilespmem:s23+$0xFFFFFFF0];
	_ =	sdelay $0x4  }
0x5d: {  	v2 =	vadd.s32 v3, v2  }
0x5e: {  	v2 =	vadd.s32 $0x2710, v2  }
0x5f: {  	v2 =	vpsel !p2, $0x9FFF, v2  }
0x60: {  	[tilespmem:s20+$0x30] =	vst v2  }
0x61: {  	v2 =	vld [tilespmem:s21+$0x0];
	_ =	sdelay $0x1  }
0x62: {  	v3 =	vld [tilespmem:s22+$0x0];
	_ =	sdelay $0x2  }
0x63: {  	v2 =	vmul.u32 $0x2710, v2;
	_ =	sdelay $0x1  }
0x64: {  	s28 =	sadd.s32 $0x40, s24;
	v3 =	vadd.s32 v3, v2  }
0x65: {  	p3 =	slt.u32 s28, $0x4E200;
	v3 =	vadd.s32 $0xFFFFD8F0, v3  }
0x66: {  	v3 =	vpsel !p3, $0x9FFF, v3  }
0x67: {  	[tilespmem:s19+$0x40] =	vst v3  }
0x68: {  	v3 =	vld [tilespmem:s23+$0x0];
	_ =	sdelay $0x4  }
0x69: {  	v2 =	vadd.s32 v3, v2  }
0x6a: {  	v2 =	vadd.s32 $0x2710, v2  }
0x6b: {  	v2 =	vpsel !p3, $0x9FFF, v2  }
0x6c: {  	[tilespmem:s20+$0x40] =	vst v2  }
0x6d: {  	v2 =	vld [tilespmem:s21+$0x10];
	_ =	sdelay $0x1  }
0x6e: {  	v3 =	vld [tilespmem:s22+$0x10];
	_ =	sdelay $0x2  }
0x6f: {  	v2 =	vmul.u32 $0x2710, v2;
	_ =	sdelay $0x1  }
0x70: {  	s29 =	sadd.s32 $0x50, s24;
	v3 =	vadd.s32 v3, v2  }
0x71: {  	p4 =	slt.u32 s29, $0x4E200;
	v3 =	vadd.s32 $0xFFFFD8F0, v3  }
0x72: {  	v3 =	vpsel !p4, $0x9FFF, v3  }
0x73: {  	[tilespmem:s19+$0x50] =	vst v3  }
0x74: {  	v3 =	vld [tilespmem:s23+$0x10];
	_ =	sdelay $0x4  }
0x75: {  	v2 =	vadd.s32 v3, v2  }
0x76: {  	v2 =	vadd.s32 $0x2710, v2  }
0x77: {  	v2 =	vpsel !p4, $0x9FFF, v2  }
0x78: {  	[tilespmem:s20+$0x50] =	vst v2  }
0x79: {  	v2 =	vld [tilespmem:s21+$0x20];
	_ =	sdelay $0x1  }
0x7a: {  	v3 =	vld [tilespmem:s22+$0x20];
	_ =	sdelay $0x2  }
0x7b: {  	v2 =	vmul.u32 $0x2710, v2;
	_ =	sdelay $0x1  }
0x7c: {  	s30 =	sadd.s32 $0x60, s24;
	v3 =	vadd.s32 v3, v2  }
0x7d: {  	p5 =	slt.u32 s30, $0x4E200;
	v3 =	vadd.s32 $0xFFFFD8F0, v3  }
0x7e: {  	v3 =	vpsel !p5, $0x9FFF, v3  }
0x7f: {  	[tilespmem:s19+$0x60] =	vst v3  }
0x80: {  	v3 =	vld [tilespmem:s23+$0x20];
	_ =	sdelay $0x4  }
0x81: {  	v2 =	vadd.s32 v3, v2  }
0x82: {  	v2 =	vadd.s32 $0x2710, v2  }
0x83: {  	v2 =	vpsel !p5, $0x9FFF, v2  }
0x84: {  	[tilespmem:s20+$0x60] =	vst v2  }
0x85: {  	v2 =	vld [tilespmem:s21+$0x30];
	_ =	sdelay $0x1  }
0x86: {  	v3 =	vld [tilespmem:s22+$0x30];
	_ =	sdelay $0x2  }
0x87: {  	v2 =	vmul.u32 $0x2710, v2;
	_ =	sdelay $0x1  }
0x88: {  	s31 =	sadd.s32 $0x70, s24;
	v3 =	vadd.s32 v3, v2  }
0x89: {  	p6 =	slt.u32 s31, $0x4E200;
	v3 =	vadd.s32 $0xFFFFD8F0, v3  }
0x8a: {  	v3 =	vpsel !p6, $0x9FFF, v3  }
0x8b: {  	[tilespmem:s19+$0x70] =	vst v3  }
0x8c: {  	v3 =	vld [tilespmem:s23+$0x30];
	_ =	sdelay $0x4  }
0x8d: {  	v2 =	vadd.s32 v3, v2  }
0x8e: {  	v2 =	vadd.s32 $0x2710, v2  }
0x8f: {  	v2 =	vpsel !p6, $0x9FFF, v2  }
0x90: {  	[tilespmem:s20+$0x70] =	vst v2  }
0x91: {  	[spmem:s2] =	stream.indirect.scatter.add.f32 [tilespmem:s17], [sflag:$0x1], $0x1, s19, s16, $0xb8;
	[tilespmem:$0xDC80] =	vst v63  }
0x92: {  	_ =	swait.ge [sflag:s12], $0x80  }
0x93: {  	[sflag:s12] =	ssyncset.done $0x0  }
0x94: {  	[sflag:s12] =	ssyncadd.s32 $0xFFFFFF80  }
0x95: {  	[spmem:s2] =	stream.indirect.scatter.add.f32 [tilespmem:s17], [sflag:$0x1], $0x1, s20, s16, $0xb8;
	[tilespmem:$0xDC80] =	vst v63  }
0x96: {  	s24 =	simm.s32 $0xAC0;
	s21 =	simm.s32 $0x80;
	_ =	swait.ge [sflag:s12], $0x80  }
0x97: {  	s22 =	simm.s32 $0x32C0;
	s23 =	simm.s32 $0x5AC0;
	[sflag:s12] =	ssyncset.done $0x0  }
.LBB2_4:
0x98: {  	[sflag:s12] =	ssyncadd.s32 $0xFFFFFF80;
	s20 =	sadd.s32 $0x80, s20;
	s19 =	sadd.s32 $0x80, s19  }
0x99: {  	p0 =	sne.s32 s21, $0x2780;
	s25 =	smov.u32 s21;
	s21 =	sadd.s32 $0x80, s21;
	v2 =	vld [tilespmem:s23+$0xFFFFFFC0]  }
0x9a: {  	_ = 	snop  }
0x9b: {  	v3 =	vld [tilespmem:s24+$0xFFFFFFC0];
	_ =	sdelay $0x2  }
0x9c: {  	v2 =	vmul.u32 $0x2710, v2;
	_ =	sdelay $0x1  }
0x9d: {  	s25 =	sadd.s32 s25, s10;
	v3 =	vadd.s32 v3, v2  }
0x9e: {  	p1 =	slt.u32 s25, $0x4E200;
	s1 =	sadd.s32 $0x10, s25;
	s31 =	sadd.s32 $0x20, s25;
	v3 =	vadd.s32 $0xFFFFD8F0, v3  }
0x9f: {  	s30 =	sadd.s32 $0x30, s25;
	s29 =	sadd.s32 $0x40, s25;
	s28 =	sadd.s32 $0x50, s25;
	v3 =	vpsel !p1, $0x9FFF, v3  }
0xa0: {  	s26 =	sadd.s32 $0x60, s25;
	s25 =	sadd.s32 $0x70, s25;
	[tilespmem:s19+$0x0] =	vst v3  }
0xa1: {  	v3 =	vld [tilespmem:s22+$0xFFFFFFC0];
	_ =	sdelay $0x4  }
0xa2: {  	v2 =	vadd.s32 v3, v2  }
0xa3: {  	v2 =	vadd.s32 $0x2710, v2  }
0xa4: {  	v2 =	vpsel !p1, $0x9FFF, v2  }
0xa5: {  	[tilespmem:s20+$0x0] =	vst v2  }
0xa6: {  	v2 =	vld [tilespmem:s23+$0xFFFFFFD0];
	_ =	sdelay $0x1  }
0xa7: {  	v3 =	vld [tilespmem:s24+$0xFFFFFFD0];
	_ =	sdelay $0x2  }
0xa8: {  	v2 =	vmul.u32 $0x2710, v2;
	_ =	sdelay $0x1  }
0xa9: {  	v3 =	vadd.s32 v3, v2  }
0xaa: {  	p1 =	slt.u32 s1, $0x4E200;
	v3 =	vadd.s32 $0xFFFFD8F0, v3  }
0xab: {  	v3 =	vpsel !p1, $0x9FFF, v3  }
0xac: {  	[tilespmem:s19+$0x10] =	vst v3  }
0xad: {  	v3 =	vld [tilespmem:s22+$0xFFFFFFD0];
	_ =	sdelay $0x4  }
0xae: {  	v2 =	vadd.s32 v3, v2  }
0xaf: {  	v2 =	vadd.s32 $0x2710, v2  }
0xb0: {  	v2 =	vpsel !p1, $0x9FFF, v2  }
0xb1: {  	[tilespmem:s20+$0x10] =	vst v2  }
0xb2: {  	v2 =	vld [tilespmem:s23+$0xFFFFFFE0];
	_ =	sdelay $0x1  }
0xb3: {  	v3 =	vld [tilespmem:s24+$0xFFFFFFE0];
	_ =	sdelay $0x2  }
0xb4: {  	v2 =	vmul.u32 $0x2710, v2;
	_ =	sdelay $0x1  }
0xb5: {  	v3 =	vadd.s32 v3, v2  }
0xb6: {  	p1 =	slt.u32 s31, $0x4E200;
	v3 =	vadd.s32 $0xFFFFD8F0, v3  }
0xb7: {  	v3 =	vpsel !p1, $0x9FFF, v3  }
0xb8: {  	[tilespmem:s19+$0x20] =	vst v3  }
0xb9: {  	v3 =	vld [tilespmem:s22+$0xFFFFFFE0];
	_ =	sdelay $0x4  }
0xba: {  	v2 =	vadd.s32 v3, v2  }
0xbb: {  	v2 =	vadd.s32 $0x2710, v2  }
0xbc: {  	v2 =	vpsel !p1, $0x9FFF, v2  }
0xbd: {  	[tilespmem:s20+$0x20] =	vst v2  }
0xbe: {  	v2 =	vld [tilespmem:s23+$0xFFFFFFF0];
	_ =	sdelay $0x1  }
0xbf: {  	v3 =	vld [tilespmem:s24+$0xFFFFFFF0];
	_ =	sdelay $0x2  }
0xc0: {  	v2 =	vmul.u32 $0x2710, v2;
	_ =	sdelay $0x1  }
0xc1: {  	v3 =	vadd.s32 v3, v2  }
0xc2: {  	p1 =	slt.u32 s30, $0x4E200;
	v3 =	vadd.s32 $0xFFFFD8F0, v3  }
0xc3: {  	v3 =	vpsel !p1, $0x9FFF, v3  }
0xc4: {  	[tilespmem:s19+$0x30] =	vst v3  }
0xc5: {  	v3 =	vld [tilespmem:s22+$0xFFFFFFF0];
	_ =	sdelay $0x4  }
0xc6: {  	v2 =	vadd.s32 v3, v2  }
0xc7: {  	v2 =	vadd.s32 $0x2710, v2  }
0xc8: {  	v2 =	vpsel !p1, $0x9FFF, v2  }
0xc9: {  	[tilespmem:s20+$0x30] =	vst v2  }
0xca: {  	v2 =	vld [tilespmem:s23+$0x0];
	_ =	sdelay $0x1  }
0xcb: {  	v3 =	vld [tilespmem:s24+$0x0];
	_ =	sdelay $0x2  }
0xcc: {  	v2 =	vmul.u32 $0x2710, v2;
	_ =	sdelay $0x1  }
0xcd: {  	v3 =	vadd.s32 v3, v2  }
0xce: {  	p1 =	slt.u32 s29, $0x4E200;
	v3 =	vadd.s32 $0xFFFFD8F0, v3  }
0xcf: {  	v3 =	vpsel !p1, $0x9FFF, v3  }
0xd0: {  	[tilespmem:s19+$0x40] =	vst v3  }
0xd1: {  	v3 =	vld [tilespmem:s22+$0x0];
	_ =	sdelay $0x4  }
0xd2: {  	v2 =	vadd.s32 v3, v2  }
0xd3: {  	v2 =	vadd.s32 $0x2710, v2  }
0xd4: {  	v2 =	vpsel !p1, $0x9FFF, v2  }
0xd5: {  	[tilespmem:s20+$0x40] =	vst v2  }
0xd6: {  	v2 =	vld [tilespmem:s23+$0x10]  }
0xd7: {  	v3 =	vld [tilespmem:s24+$0x10];
	_ =	sdelay $0x3  }
0xd8: {  	v2 =	vmul.u32 $0x2710, v2;
	_ =	sdelay $0x1  }
0xd9: {  	v3 =	vadd.s32 v3, v2  }
0xda: {  	p1 =	slt.u32 s28, $0x4E200;
	v3 =	vadd.s32 $0xFFFFD8F0, v3  }
0xdb: {  	v3 =	vpsel !p1, $0x9FFF, v3  }
0xdc: {  	[tilespmem:s19+$0x50] =	vst v3  }
0xdd: {  	v3 =	vld [tilespmem:s22+$0x10];
	_ =	sdelay $0x4  }
0xde: {  	v2 =	vadd.s32 v3, v2  }
0xdf: {  	v2 =	vadd.s32 $0x2710, v2  }
0xe0: {  	v2 =	vpsel !p1, $0x9FFF, v2  }
0xe1: {  	[tilespmem:s20+$0x50] =	vst v2  }
0xe2: {  	v2 =	vld [tilespmem:s23+$0x20]  }
0xe3: {  	v3 =	vld [tilespmem:s24+$0x20];
	_ =	sdelay $0x3  }
0xe4: {  	v2 =	vmul.u32 $0x2710, v2;
	_ =	sdelay $0x1  }
0xe5: {  	v3 =	vadd.s32 v3, v2  }
0xe6: {  	p1 =	slt.u32 s26, $0x4E200;
	v3 =	vadd.s32 $0xFFFFD8F0, v3  }
0xe7: {  	v3 =	vpsel !p1, $0x9FFF, v3  }
0xe8: {  	[tilespmem:s19+$0x60] =	vst v3  }
0xe9: {  	v3 =	vld [tilespmem:s22+$0x20];
	_ =	sdelay $0x4  }
0xea: {  	v2 =	vadd.s32 v3, v2  }
0xeb: {  	v2 =	vadd.s32 $0x2710, v2  }
0xec: {  	v2 =	vpsel !p1, $0x9FFF, v2  }
0xed: {  	[tilespmem:s20+$0x60] =	vst v2  }
0xee: {  	v2 =	vld [tilespmem:s23+$0x30]  }
0xef: {  	v3 =	vld [tilespmem:s24+$0x30];
	_ =	sdelay $0x3  }
0xf0: {  	v2 =	vmul.u32 $0x2710, v2;
	_ =	sdelay $0x1  }
0xf1: {  	v3 =	vadd.s32 v3, v2  }
0xf2: {  	p1 =	slt.u32 s25, $0x4E200;
	v3 =	vadd.s32 $0xFFFFD8F0, v3  }
0xf3: {  	v3 =	vpsel !p1, $0x9FFF, v3  }
0xf4: {  	[tilespmem:s19+$0x70] =	vst v3  }
0xf5: {  	v3 =	vld [tilespmem:s22+$0x30];
	_ =	sdelay $0x4  }
0xf6: {  	v2 =	vadd.s32 v3, v2  }
0xf7: {  	v2 =	vadd.s32 $0x2710, v2  }
0xf8: {  	v2 =	vpsel !p1, $0x9FFF, v2  }
0xf9: {  	[tilespmem:s20+$0x70] =	vst v2  }
0xfa: {  	[spmem:s2] =	stream.indirect.scatter.add.f32 [tilespmem:s17], [sflag:$0x1], $0x1, s19, s16, $0xb8;
	[tilespmem:$0xDC80] =	vst v63  }
0xfb: {  	_ =	swait.ge [sflag:s12], $0x80  }
.Ltmp1:
0xfc: {  	[sflag:s12] =	ssyncset.done $0x0;
	(pc) =	sbr.rel @p0 .LBB2_4-.Ltmp1, $4  }
0xfd: {  	[sflag:s12] =	ssyncadd.s32 $0xFFFFFF80  }
0xfe: {  	[spmem:s2] =	stream.indirect.scatter.add.f32 [tilespmem:s17], [sflag:$0x1], $0x1, s20, s16, $0xb8;
	[tilespmem:$0xDC80] =	vst v63  }
0xff: {  	s22 =	sadd.s32 $0x80, s22;
	_ =	swait.ge [sflag:s12], $0x80  }
0x100: {  	s23 =	sadd.s32 $0x80, s23;
	s24 =	sadd.s32 $0x80, s24;
	[sflag:s12] =	ssyncset.done $0x0  }
0x101: {  	[sflag:s12] =	ssyncadd.s32 $0xFFFFFF80  }
0x102: {  	[bflag:$0x0] =	sbarrier.arrive $0xFFFF  }
0x103: {  	[tilespmem:s11], [sflag:$0x1] =	stream.linear.gather [spmem:s4], $0xA00, $0x38;
	[tilespmem:$0xDC80] =	vst v63  }
0x104: {  	s3 =	sadd.s32 $0x1, s3;
	_ =	swait.ge [sflag:s12], $0xA00  }
0x105: {  	p0 =	sne.s32 s3, s9;
	[sflag:s12] =	ssyncset.done $0x0  }
.Ltmp2:
0x106: {  	[sflag:s12] =	ssyncadd.s32 $0xFFFFF600;
	(pc) =	sbr.rel @p0 .LBB2_1-.Ltmp2, $4  }
0x107: {  	[hbm4b:s8+s16] =	stream.strided.scatter [tilespmem:s11], [sflag:$0x1], $0xA00, s18, s16, $0x38;
	[tilespmem:$0xDC80] =	vst v63  }
0x108: {  	_ =	swait.ge [sflag:s12], $0xA00  }
0x109: {  	[sflag:s12] =	ssyncset.done $0x0  }
0x10a: {  	[sflag:s12] =	ssyncadd.s32 $0xFFFFF600  }
0x10b: {  	_ =	sfence.sel $0x180000  }
0x10c: {  	[bflag:$0x0] =	sbarrier.arrive $0xFFFF  }
0x10d: {  	_ =	strace $0x90000047  }
0x10e: {  	[bflag:$0x2] =	sbarrier.arrive $0xFFFF  }
0x10f: {  	p0 =	sne.s32 s0, $0x0;
	s0 =	rddreg [dreg:$0x3]  }
0x110: {  	s0 =	sadd.s32 @!p0 $0x100000, s0  }
0x111: {  	[sflag:s0] =	ssyncadd.tile.s32 @!p0 $0x1;
	_ =	shalt  }
.Lfunc_end2:
_tile_overlayer_lowered:
.L_overlay_start_2:
0x112: {  	(tag) =	ssettag $0x2  }
0x113: {  	s0 =	rddreg [dreg:$0x0];
	s2 =	stileid.u32  }
0x114: {  	s1 =	rddreg [dreg:$0x1];
	p0 =	sne.s32 s2, $0x0  }
0x115: {  	s3 =	rddreg [dreg:$0x2];
	[bflag:$0x3] =	sbarrier.arrive $0xFFFF;
	s2 =	simm.s32 @!p0 $0x1C01  }
0x116: {  	[timem:s3], [sflag:s2] =	dma.local @!p0 [hbm:s0], s1  }
0x117: {  	s0 =	simm.s32 @!p0 $0x1  }
0x118: {  	_ =	swait.ge @!p0 [sflag:s0], s1  }
0x119: {  	s1 =	ssub.s32 @!p0 $0x0, s1;
	[sflag:s0] =	ssyncset.done @!p0 $0x0  }
0x11a: {  	[sflag:s0] =	ssyncadd.s32 @!p0 s1  }
0x11b: {  	[bflag:$0x3] =	sbarrier.arrive $0xFFFF  }
0x11c: {  	_ =	shalt  }

// kernel: kernel.13.cloned.1.call-start
scs
__scs_entry_jumppad:
0x0: {  	(pc) =	sbr.rel $0x88, $3  }
0x1: {  	(tag) =	ssettag $0x0;
	lr =	simm.s32 $0x1  }
0x2: {  	[smem:$0x3F9B] =	sst lr;
	_ =	strace $0xD0000000  }
0x3: {  	_ = 	snop  }
0x4: {  	_ = 	snop  }
0x5: {  	_ = 	snop  }
0x6: {  	_ = 	snop  }
0x7: {  	_ = 	snop  }
__scs_overlays_trampoline_lowered:
0x8: {  	[smem:$0x3FAA] =	sst s0  }
0x9: {  	[smem:$0x3FAB] =	sst s1  }
0xa: {  	[smem:$0x3FAC] =	sst s2  }
0xb: {  	[smem:$0x3FAD] =	sst s3  }
0xc: {  	[smem:$0x3FAE] =	sst s4  }
0xd: {  	[smem:$0x3FAF] =	sst s5  }
0xe: {  	[smem:$0x3FB0] =	sst s6  }
0xf: {  	[smem:$0x3FB1] =	sst s7  }
0x10: {  	[smem:$0x3FB2] =	sst s8  }
0x11: {  	[smem:$0x3FB3] =	sst s9;
	s0 =	simm.s32 @!p0 $0x0  }
0x12: {  	s1 =	sld [smem:$0x3F99];
	s0 =	simm.s32 @p0 $0x1  }
0x13: {  	[smem:$0x3FB4] =	sst s0;
	s0 =	simm.s32 @!p1 $0x0  }
0x14: {  	s2 =	sld [smem:$0x3F98];
	s0 =	simm.s32 @p1 $0x1  }
0x15: {  	[smem:$0x3FB5] =	sst s0;
	s0 =	simm.s32 @!p2 $0x0  }
0x16: {  	s3 =	sld [smem:$0x3FDB];
	s0 =	simm.s32 @p2 $0x1  }
0x17: {  	s4 =	simm.s32 $0x1BF5;
	[smem:$0x3FB7] =	sst s0  }
0x18: {  	s0 =	sld [smem:$0x3F9A];
	_ =	swait.ge [sflag:s4], $0x0  }
0x19: {  	s7 =	sld [smem:$0x3F9B]  }
0x1a: {  	s8 =	sadd.s32 $0xFFFFE003, lr  }
0x1b: {  	s9 =	sadd.s32 $0xFFFFFEF7, lr;
	s5 =	simm.s32 $0xFFFFFFFF;
	p2 =	slt.u32 s8, $0xFFFFF086  }
0x1c: {  	p1 =	slt.u32 s9, $0xF7A;
	s5 =	simm.s32 @!p2 $0x0  }
0x1d: {  	s5 =	simm.s32 @p1 $0x1;
	p0 =	seq.s32 s7, s2  }
0x1e: {  	s7 =	smul.u32 @!p0 $0xF7A, s2;
	p2 =	seq.s32 @!p0 s5, $0x0  }
0x1f: {  	s9 =	smul.u32 $0xF7A, s1;
	s8 =	simm.s32 @!p0 $0x1BF5;
	p2 =	por !p2, p0  }
0x20: {  	[sflag:s8] =	ssyncset.s32 @!p0 $0xFFFFF086;
	s6 =	sadd.s32 @!p0 s3, s7;
	s7 =	simm.s32 @!p0 $0x108  }
0x21: {  	s3 =	sadd.s32 s3, s9;
	s6 =	sadd.s32 @!p0 $0x88, s6;
	s7 =	simm.s32 @p2 $0x1082  }
0x22: {  	[simem:s7], [sflag:s8] =	dma.local @!p0 [hbm:s6], $0xF7A  }
0x23: {  	s9 =	sor.u32 $0xD0000000, s2;
	s6 =	simm.s32 $0x108;
	_ =	swait.ge @!p0 [sflag:s8], $0x0  }
0x24: {  	s3 =	sadd.s32 $0x88, s3;
	s6 =	simm.s32 @!p1 $0x1082;
	[sflag:s4] =	ssyncset.s32 $0xFFFFF086  }
0x25: {  	[simem:s6], [sflag:s4] =	dma.local [hbm:s3], $0xF7A  }
0x26: {  	[smem:$0x3F9B] =	sst s1;
	(tag) =	ssettag s2;
	_ =	strace s9  }
0x27: {  	s1 =	sld [smem:$0x3FAB]  }
0x28: {  	s2 =	sld [smem:$0x3FAC]  }
0x29: {  	s4 =	sld [smem:$0x3FAE]  }
0x2a: {  	p0 =	seq.s32 s5, $0x0;
	s5 =	sld [smem:$0x3FAF]  }
0x2b: {  	s6 =	sld [smem:$0x3FB0]  }
0x2c: {  	s7 =	sld [smem:$0x3FB1]  }
0x2d: {  	s3 =	simm.s32 $0x108;
	s8 =	sld [smem:$0x3FB2]  }
0x2e: {  	s3 =	simm.s32 @!p0 $0x1082;
	s9 =	sld [smem:$0x3FB3]  }
0x2f: {  	lr =	sadd.s32 s0, s3;
	s0 =	sld [smem:$0x3FAA]  }
0x30: {  	s3 =	sld [smem:$0x3FAD]  }
0x31: {  	[smem:$0x3FB6] =	sst s10  }
0x32: {  	s10 =	sld [smem:$0x3FB4];
	_ =	sdelay $0x3  }
0x33: {  	p0 =	seq.s32 s10, $0x1;
	s10 =	sld [smem:$0x3FB6];
	_ =	sdelay $0x3  }
0x34: {  	[smem:$0x3FB6] =	sst s10  }
0x35: {  	s10 =	sld [smem:$0x3FB5];
	_ =	sdelay $0x3  }
0x36: {  	p1 =	seq.s32 s10, $0x1;
	s10 =	sld [smem:$0x3FB6];
	_ =	sdelay $0x3  }
0x37: {  	[smem:$0x3FB6] =	sst s10  }
0x38: {  	s10 =	sld [smem:$0x3FB7]  }
0x39: {  	_ = 	snop;
	(pc) =	sbr.ind lr, $3  }
0x3a: {  	_ = 	snop  }
0x3b: {  	_ = 	snop  }
0x3c: {  	p2 =	seq.s32 s10, $0x1;
	s10 =	sld [smem:$0x3FB6]  }
0x3d: {  	_ =	shalt  }
0x3e: {  	_ =	shalt  }
0x3f: {  	_ =	shalt  }
0x40: {  	_ =	shalt  }
0x41: {  	_ =	shalt  }
0x42: {  	_ =	shalt  }
0x43: {  	_ =	shalt  }
0x44: {  	_ =	shalt  }
0x45: {  	_ =	shalt  }
0x46: {  	_ =	shalt  }
0x47: {  	_ =	shalt  }
0x48: {  	_ =	shalt  }
0x49: {  	_ =	shalt  }
0x4a: {  	_ =	shalt  }
0x4b: {  	_ =	shalt  }
0x4c: {  	_ =	shalt  }
0x4d: {  	_ =	shalt  }
0x4e: {  	_ =	shalt  }
0x4f: {  	_ =	shalt  }
0x50: {  	_ =	shalt  }
0x51: {  	_ =	shalt  }
0x52: {  	_ =	shalt  }
0x53: {  	_ =	shalt  }
0x54: {  	_ =	shalt  }
0x55: {  	_ =	shalt  }
0x56: {  	_ =	shalt  }
0x57: {  	_ =	shalt  }
0x58: {  	_ =	shalt  }
0x59: {  	_ =	shalt  }
0x5a: {  	_ =	shalt  }
0x5b: {  	_ =	shalt  }
0x5c: {  	_ =	shalt  }
0x5d: {  	_ =	shalt  }
0x5e: {  	_ =	shalt  }
0x5f: {  	_ =	shalt  }
0x60: {  	_ =	shalt  }
0x61: {  	_ =	shalt  }
0x62: {  	_ =	shalt  }
0x63: {  	_ =	shalt  }
0x64: {  	_ =	shalt  }
0x65: {  	_ =	shalt  }
0x66: {  	_ =	shalt  }
0x67: {  	_ =	shalt  }
0x68: {  	_ =	shalt  }
0x69: {  	_ =	shalt  }
0x6a: {  	_ =	shalt  }
0x6b: {  	_ =	shalt  }
0x6c: {  	_ =	shalt  }
0x6d: {  	_ =	shalt  }
0x6e: {  	_ =	shalt  }
0x6f: {  	_ =	shalt  }
0x70: {  	_ =	shalt  }
0x71: {  	_ =	shalt  }
0x72: {  	_ =	shalt  }
0x73: {  	_ =	shalt  }
0x74: {  	_ =	shalt  }
0x75: {  	_ =	shalt  }
0x76: {  	_ =	shalt  }
0x77: {  	_ =	shalt  }
0x78: {  	_ =	shalt  }
0x79: {  	_ =	shalt  }
0x7a: {  	_ =	shalt  }
0x7b: {  	_ =	shalt  }
0x7c: {  	_ =	shalt  }
0x7d: {  	_ =	shalt  }
0x7e: {  	_ =	shalt  }
0x7f: {  	_ =	shalt  }
0x80: {  	_ =	shalt  }
0x81: {  	_ =	shalt  }
0x82: {  	_ =	shalt  }
0x83: {  	_ =	shalt  }
0x84: {  	_ =	shalt  }
0x85: {  	_ =	shalt  }
0x86: {  	_ =	shalt  }
0x87: {  	_ =	shalt  }
.Lfunc_end0:
.L_simem_size_0:
called_computation.1_lowered:
.L_overlay_start_0:
0x88: {  	s2 =	sld [smem:$0x3FD9]  }
0x89: {  	s3 =	sld [smem:$0x3FFE];
	_ =	sdelay $0x1  }
0x8a: {  	s1 =	srdreg.scid  }
0x8b: {  	s0 =	sand.u32 $0x1, s1  }
0x8c: {  	s17 =	sshll.u32 s0, $0xA;
	s2 =	sadd.s32 s3, s2  }
0x8d: {  	s2 =	sadd.s32 s2, s17  }
0x8e: {  	[smem:$0x3FC2] =	sst s2  }
0x8f: {  	_ = 	snop  }
0x90: {  	s2 =	sld [smem:$0x3FC7];
	(tm) =	ssettm $0x1  }
0x91: {  	s18 =	sld [smem:$0x3FFB];
	_ =	sdelay $0x3  }
0x92: {  	_ =	strace s18  }
0x93: {  	s3 =	sld [smem:$0x3FFC];
	_ =	sdelay $0x3  }
0x94: {  	_ =	strace s3  }
0x95: {  	s3 =	sld [smem:$0x3FFD];
	_ =	sdelay $0x3  }
0x96: {  	_ =	strace s3  }
0x97: {  	_ =	strace $0x8FFFFFFF  }
0x98: {  	s19 =	sld [smem:$0x3FDB];
	_ =	sdelay $0x1  }
0x99: {  	s4 =	simm.s32 $_scs_section_size  }
0x9a: {  	s5 =	simm.s32 $_size__tile_overlayer_lowered;
	s6 =	simm.s32 $_tile_overlayer_lowered  }
0x9b: {  	s22 =	simm.s32 $0x1BFF;
	s21 =	sshll.u32 s6, $0x1;
	s3 =	sadd.s32 s4, s19  }
0x9c: {  	s7 =	simm.s32 $0x0;
	s20 =	sshll.u32 s5, $0x1;
	s5 =	sadd.s32 s21, s3  }
0x9d: {  	[timem:s7], [sflag:s22] =	dma.local [hbm:s5], s20  }
0x9e: {  	_ =	swait.ge [sflag:s22], s20  }
0x9f: {  	s4 =	ssub.s32 $0x0, s20;
	[sflag:s22] =	ssyncset.done $0x0  }
0xa0: {  	[sflag:s22] =	ssyncadd.s32 s4;
	_ =	sdelay $0x1  }
0xa1: {  	s23 =	simm.s32 $0x1B8B  }
0xa2: {  	_ =	swait.ge [sflag:s23], $0x1  }
0xa3: {  	[sflag:s23] =	ssyncset.done $0x0  }
0xa4: {  	s25 =	simm.s32 $0x1B8E;
	s24 =	sld [smem:$0x3FFE];
	[sflag:s23] =	ssyncadd.s32 $0xFFFFFFFF  }
0xa5: {  	s26 =	simm.s32 $execute0_lowered;
	[smem:$0x3FD2] =	sst s25  }
0xa6: {  	s5 =	sshll.u32 s26, $0x1;
	_ =	strace $0x80000049;
	[dreg:$0x1] =	wrdreg $0xFFFFFFFF  }
0xa7: {  	s28 =	simm.s32 $_size_execute0_lowered;
	s3 =	sadd.s32 s3, s5;
	[dreg:$0x0] =	wrdreg $0x0  }
0xa8: {  	s5 =	sshll.u32 s28, $0x1;
	[dreg:$0x2] =	wrdreg s3  }
0xa9: {  	[dreg:$0x3] =	wrdreg s5  }
0xaa: {  	[dreg:$0x4] =	wrdreg $0xC0  }
0xab: {  	_ =	task [dreg:s7], $0x5FFFF  }
0xac: {  	[dreg:$0x1] =	wrdreg $0xFFFFFFFF  }
0xad: {  	[dreg:$0x0] =	wrdreg $0x60  }
0xae: {  	[dreg:$0x2] =	wrdreg s24  }
0xaf: {  	[dreg:$0x3] =	wrdreg s2  }
0xb0: {  	[dreg:$0x4] =	wrdreg $0x9  }
0xb1: {  	_ =	task.clear_ibuf [dreg:s7], $0x5FFFF;
	_ =	strace $0x90000049  }
0xb2: {  	s29 =	simm.s32 $0x9;
	_ =	strace $0x8000004B  }
0xb3: {  	_ =	swait.ge [sflag:s29], $0x1  }
0xb4: {  	[sflag:s29] =	ssyncadd.s32 $0xFFFFFFFF  }
0xb5: {  	_ =	strace $0x9000004B  }
0xb6: {  	_ =	sfence  }
0xb7: {  	s30 =	sld [smem:$0x0];
	_ =	sdelay $0x2  }
0xb8: {  	s31 =	sshll.u32 s1, $0xD;
	s1 =	sshrl.u32 s1, $0x2  }
0xb9: {  	s3 =	sand.u32 $0x4000, s31;
	s1 =	sadd.s32 s1, s30  }
0xba: {  	s0 =	sor.u32 s3, s0;
	s1 =	sshll.u32 s1, $0x11  }
0xbb: {  	s0 =	sor.u32 s1, s0  }
0xbc: {  	s0 =	sadd.s32 $0x8F2B, s0  }
0xbd: {  	[sflag:s0] =	ssyncadd.remote.s32 $0x1  }
0xbe: {  	_ =	sfence.sel $0xFFFF  }
0xbf: {  	[dreg:$0x0] =	wrdreg $0xFFFFFFFF;
	(pc) =	sbr.abs _section_cstart, $3  }
0xc0: {  	[dreg:$0x1] =	wrdreg $0xFFFFFFFF  }
0xc1: {  	_ =	task.clear_ibuf [dreg:s7], $0x2FFFF;
	_ =	strace $0x9FFFFFFF  }
0xc2: {  	(tm) =	ssettm $0x7FFFFFFF  }
0xc3: {  	_ =	shalt  }
tec
execute0_lowered:
.L_overlay_start_1:
0x0: {  	(tag) =	ssettag $0x1  }
0x1: {  	s8 =	rddreg [dreg:$0x0]  }
0x2: {  	s1 =	rddreg [dreg:$0x1];
	s3 =	simm.s32 $0x0;
	s4 =	srdreg.scid  }
0x3: {  	s0 =	stileid.u32;
	s16 =	simm.s32 $0x3;
	s17 =	simm.s32 $0x4E80  }
0x4: {  	s19 =	simm.s32 $0xEC00;
	s20 =	simm.s32 $0xED00;
	s21 =	simm.s32 $0xEE00  }
0x5: {  	s22 =	simm.s32 $0xEE80;
	s23 =	simm.s32 $0x0;
	[smem:$0x7FF] =	sst s3  }
0x6: {  	s9 =	sand.u32 $0x1, s4;
	s4 =	sadd.s32 $0x2A00, s8;
	s10 =	sshll.u32 s0, $0x7  }
0x7: {  	s5 =	sadd.s32 $0xC800, s8;
	s6 =	sadd.s32 $0x17A00, s8;
	_ =	strace $0x8000004A  }
0x8: {  	s7 =	sshll.u32 s9, $0xB;
	s11 =	sshll.u32 s9, $0x4;
	s9 =	ssub.s32 $0x2, s9  }
0x9: {  	s15 =	sor.u32 s10, s7;
	s7 =	sadd.s32 $0x16600, s8;
	s29 =	sor.u32 s0, s11  }
0xa: {  	s30 =	sshrl.u32 s9, $0x1;
	s10 =	sshrl.u32 s15, $0x3;
	p0 =	slt.u32 s29, $0x4  }
0xb: {  	s12 =	ssub.s32 s9, s30;
	s31 =	sshll.u32 s29, $0x4;
	s15 =	sor.u32 $0x1000, s15  }
0xc: {  	s14 =	sadd.s32 s10, s8;
	s8 =	simm.s32 $0x4F;
	s9 =	sadd.s32 s4, s31  }
0xd: {  	s10 =	sadd.s32 s5, s31;
	s11 =	sadd.s32 s1, s31;
	s12 =	smax.u32 s12, $0x1  }
0xe: {  	s8 =	simm.s32 @!p0 $0x4E;
	s13 =	sadd.s32 $0x22200, s14;
	s14 =	sadd.s32 $0x18400, s14  }
.LBB2_1:
0xf: {  	[tilespmem:s3], [sflag:$0x3] =	stream.linear.gather [hbm4b:s6+s3], $0x4E80, $0x38;
	[tilespmem:$0xEF00] =	vst v63  }
0x10: {  	_ =	swait.ge [sflag:s16], $0x4E80  }
0x11: {  	[sflag:s16] =	ssyncset.done $0x0  }
0x12: {  	[sflag:s16] =	ssyncadd.s32 $0xFFFFB180  }
0x13: {  	[tilespmem:s17], [sflag:$0x3] =	stream.linear.gather [hbm4b:s7+s3], $0x9C80, $0x38;
	[tilespmem:$0xEF00] =	vst v63  }
0x14: {  	_ =	swait.ge [sflag:s16], $0x9C80  }
0x15: {  	[sflag:s16] =	ssyncset.done $0x0  }
0x16: {  	s0 =	simm.s32 $0xEB00;
	[sflag:s16] =	ssyncadd.s32 $0xFFFF6380  }
0x17: {  	[tilespmem:s0], [sflag:$0x1] =	stream.linear.gather [hbm4b:s9+s3], $0x80, $0x38;
	[tilespmem:$0xEF00] =	vst v63  }
0x18: {  	s24 =	smov.u32 s15  }
0x19: {  	[tilespmem:s19], [sflag:$0x1] =	stream.linear.gather [hbm4b:s10+s3], $0x80, $0x38;
	[tilespmem:$0xEF00] =	vst v63  }
0x1a: {  	s25 =	smov.u32 s14;
	s26 =	smov.u32 s13;
	s28 =	simm.s32 $0x0  }
0x1b: {  	[tilespmem:s20], [sflag:$0x1] =	stream.linear.gather [hbm4b:s11+s3], $0x80, $0x38;
	[tilespmem:$0xEF00] =	vst v63  }
.LBB2_2:
0x1c: {  	s29 =	sand.u32 $0x1, s28  }
0x1d: {  	s30 =	simm.s32 $0x2;
	p0 =	seq.s32 s29, $0x1  }
0x1e: {  	s30 =	simm.s32 @!p0 $0x1  }
0x1f: {  	_ =	swait.ge [sflag:s30], $0x80  }
0x20: {  	[sflag:s30] =	ssyncset.done $0x0  }
0x21: {  	[sflag:s30] =	ssyncadd.s32 $0xFFFFFF80  }
0x22: {  	_ =	swait.ge [sflag:s30], $0x80  }
0x23: {  	[sflag:s30] =	ssyncset.done $0x0  }
0x24: {  	s28 =	sadd.s32 $0x1, s28;
	[sflag:s30] =	ssyncadd.s32 $0xFFFFFF80  }
0x25: {  	p0 =	sge.u32 s28, s8;
	_ =	swait.ge [sflag:s30], $0x80  }
0x26: {  	p1 =	seq.s32 @!p0 s29, $0x0;
	[sflag:s30] =	ssyncset.done $0x0  }
0x27: {  	p2 =	por !p1, p0;
	[sflag:s30] =	ssyncadd.s32 $0xFFFFFF80;
	s30 =	sshrl.u32 @!p0 s24, $0x3  }
0x28: {  	s0 =	simm.s32 @!p2 $0x0;
	s2 =	simm.s32 @!p2 $0xEB80;
	s31 =	sadd.s32 @!p0 s4, s30  }
0x29: {  	[tilespmem:s2], [sflag:$0x2] =	stream.linear.gather @!p2 [hbm4b:s31+s0], $0x80, $0x38;
	[tilespmem:$0xEF00] =	vst v63  }
0x2a: {  	s18 =	simm.s32 @!p2 $0xEC80;
	s2 =	sadd.s32 @!p0 s5, s30  }
0x2b: {  	[tilespmem:s18], [sflag:$0x2] =	stream.linear.gather @!p2 [hbm4b:s2+s0], $0x80, $0x38;
	[tilespmem:$0xEF00] =	vst v63  }
0x2c: {  	s18 =	sadd.s32 @!p0 s1, s30;
	s30 =	simm.s32 @!p2 $0xED80;
	p0 =	por p1, p0  }
0x2d: {  	[tilespmem:s30], [sflag:$0x2] =	stream.linear.gather @!p2 [hbm4b:s18+s0], $0x80, $0x38;
	[tilespmem:$0xEF00] =	vst v63  }
0x2e: {  	s0 =	simm.s32 @!p0 $0x0;
	s30 =	simm.s32 @!p0 $0xEB00  }
0x2f: {  	[tilespmem:s30], [sflag:$0x1] =	stream.linear.gather @!p0 [hbm4b:s31+s0], $0x80, $0x38;
	[tilespmem:$0xEF00] =	vst v63  }
0x30: {  	s30 =	simm.s32 @!p0 $0xEC00  }
0x31: {  	[tilespmem:s30], [sflag:$0x1] =	stream.linear.gather @!p0 [hbm4b:s2+s0], $0x80, $0x38;
	[tilespmem:$0xEF00] =	vst v63  }
0x32: {  	s29 =	sshll.u32 s29, $0x7;
	s2 =	simm.s32 @!p0 $0xED00  }
0x33: {  	[tilespmem:s2], [sflag:$0x1] =	stream.linear.gather @!p0 [hbm4b:s18+s0], $0x80, $0x38;
	[tilespmem:$0xEF00] =	vst v63  }
0x34: {  	v0 =	vld [tilespmem:s29+$0xED00];
	_ =	sdelay $0x2  }
0x35: {  	v1 =	vld [tilespmem:s29+$0xEB00]  }
0x36: {  	v2 =	vld [tilespmem:s29+$0xEC00]  }
0x37: {  	v0 =	vmul.u32 $0x2710, v0;
	_ =	sdelay $0x1  }
0x38: {  	v0 =	vadd.s32 $0xFFFFD8F0, v0  }
0x39: {  	v1 =	vadd.s32 v1, v0  }
0x3a: {  	v0 =	vadd.s32 v2, v0  }
0x3b: {  	v2 =	vadd.s32 $0x4E20, v0;
	_ =	sdelay $0x2  }
0x3c: {  	v1 =	vld.idx.msk [tilespmem:v1+s3+$0x0], $0xffff  }
0x3d: {  	v0 =	vld.idx.msk [tilespmem:v0+s17+$0x0], $0xffff  }
0x3e: {  	v2 =	vld.idx.msk [tilespmem:v2+s17+$0x0], $0xffff;
	_ =	sdelay $0x3  }
0x3f: {  	v0 =	vmul.f32 v0, v1  }
0x40: {  	v1 =	vmul.f32 v2, v1  }
0x41: {  	[tilespmem:$0xEE00] =	vst v0  }
0x42: {  	[tilespmem:$0xEE80] =	vst v1  }
0x43: {  	v0 =	vld [tilespmem:s29+$0xED10];
	_ =	sdelay $0x2  }
0x44: {  	v1 =	vld [tilespmem:s29+$0xEB10]  }
0x45: {  	v57 =	vld [tilespmem:s29+$0xEC10]  }
0x46: {  	v0 =	vmul.u32 $0x2710, v0;
	_ =	sdelay $0x1  }
0x47: {  	v0 =	vadd.s32 $0xFFFFD8F0, v0  }
0x48: {  	v1 =	vadd.s32 v1, v0  }
0x49: {  	v0 =	vadd.s32 v57, v0  }
0x4a: {  	v2 =	vadd.s32 $0x4E20, v0;
	_ =	sdelay $0x2  }
0x4b: {  	v1 =	vld.idx.msk [tilespmem:v1+s3+$0x0], $0xffff  }
0x4c: {  	v0 =	vld.idx.msk [tilespmem:v0+s17+$0x0], $0xffff  }
0x4d: {  	v2 =	vld.idx.msk [tilespmem:v2+s17+$0x0], $0xffff;
	_ =	sdelay $0x3  }
0x4e: {  	v0 =	vmul.f32 v0, v1  }
0x4f: {  	v1 =	vmul.f32 v2, v1  }
0x50: {  	[tilespmem:$0xEE10] =	vst v0  }
0x51: {  	[tilespmem:$0xEE90] =	vst v1  }
0x52: {  	v0 =	vld [tilespmem:s29+$0xED20];
	_ =	sdelay $0x2  }
0x53: {  	v1 =	vld [tilespmem:s29+$0xEB20]  }
0x54: {  	v58 =	vld [tilespmem:s29+$0xEC20]  }
0x55: {  	v0 =	vmul.u32 $0x2710, v0;
	_ =	sdelay $0x1  }
0x56: {  	v0 =	vadd.s32 $0xFFFFD8F0, v0  }
0x57: {  	v1 =	vadd.s32 v1, v0  }
0x58: {  	v0 =	vadd.s32 v58, v0  }
0x59: {  	v2 =	vadd.s32 $0x4E20, v0;
	_ =	sdelay $0x2  }
0x5a: {  	v1 =	vld.idx.msk [tilespmem:v1+s3+$0x0], $0xffff  }
0x5b: {  	v0 =	vld.idx.msk [tilespmem:v0+s17+$0x0], $0xffff  }
0x5c: {  	v2 =	vld.idx.msk [tilespmem:v2+s17+$0x0], $0xffff;
	_ =	sdelay $0x3  }
0x5d: {  	v0 =	vmul.f32 v0, v1  }
0x5e: {  	v1 =	vmul.f32 v2, v1  }
0x5f: {  	[tilespmem:$0xEE20] =	vst v0  }
0x60: {  	[tilespmem:$0xEEA0] =	vst v1  }
0x61: {  	v0 =	vld [tilespmem:s29+$0xED30];
	_ =	sdelay $0x2  }
0x62: {  	v1 =	vld [tilespmem:s29+$0xEB30]  }
0x63: {  	v59 =	vld [tilespmem:s29+$0xEC30]  }
0x64: {  	v0 =	vmul.u32 $0x2710, v0;
	_ =	sdelay $0x1  }
0x65: {  	v0 =	vadd.s32 $0xFFFFD8F0, v0  }
0x66: {  	v1 =	vadd.s32 v1, v0  }
0x67: {  	v0 =	vadd.s32 v59, v0  }
0x68: {  	v2 =	vadd.s32 $0x4E20, v0;
	_ =	sdelay $0x2  }
0x69: {  	v1 =	vld.idx.msk [tilespmem:v1+s3+$0x0], $0xffff  }
0x6a: {  	v0 =	vld.idx.msk [tilespmem:v0+s17+$0x0], $0xffff  }
0x6b: {  	v2 =	vld.idx.msk [tilespmem:v2+s17+$0x0], $0xffff;
	_ =	sdelay $0x3  }
0x6c: {  	v0 =	vmul.f32 v0, v1  }
0x6d: {  	v1 =	vmul.f32 v2, v1  }
0x6e: {  	[tilespmem:$0xEE30] =	vst v0  }
0x6f: {  	[tilespmem:$0xEEB0] =	vst v1  }
0x70: {  	v0 =	vld [tilespmem:s29+$0xED40];
	_ =	sdelay $0x2  }
0x71: {  	v1 =	vld [tilespmem:s29+$0xEB40]  }
0x72: {  	v60 =	vld [tilespmem:s29+$0xEC40]  }
0x73: {  	v0 =	vmul.u32 $0x2710, v0;
	_ =	sdelay $0x1  }
0x74: {  	v0 =	vadd.s32 $0xFFFFD8F0, v0  }
0x75: {  	v1 =	vadd.s32 v1, v0  }
0x76: {  	v0 =	vadd.s32 v60, v0  }
0x77: {  	v2 =	vadd.s32 $0x4E20, v0;
	_ =	sdelay $0x2  }
0x78: {  	v1 =	vld.idx.msk [tilespmem:v1+s3+$0x0], $0xffff  }
0x79: {  	v0 =	vld.idx.msk [tilespmem:v0+s17+$0x0], $0xffff  }
0x7a: {  	v2 =	vld.idx.msk [tilespmem:v2+s17+$0x0], $0xffff;
	_ =	sdelay $0x3  }
0x7b: {  	v0 =	vmul.f32 v0, v1  }
0x7c: {  	v1 =	vmul.f32 v2, v1  }
0x7d: {  	[tilespmem:$0xEE40] =	vst v0  }
0x7e: {  	[tilespmem:$0xEEC0] =	vst v1  }
0x7f: {  	v0 =	vld [tilespmem:s29+$0xED50];
	_ =	sdelay $0x2  }
0x80: {  	v1 =	vld [tilespmem:s29+$0xEB50]  }
0x81: {  	v61 =	vld [tilespmem:s29+$0xEC50]  }
0x82: {  	v0 =	vmul.u32 $0x2710, v0;
	_ =	sdelay $0x1  }
0x83: {  	v0 =	vadd.s32 $0xFFFFD8F0, v0  }
0x84: {  	v1 =	vadd.s32 v1, v0  }
0x85: {  	v0 =	vadd.s32 v61, v0  }
0x86: {  	v2 =	vadd.s32 $0x4E20, v0;
	_ =	sdelay $0x2  }
0x87: {  	v1 =	vld.idx.msk [tilespmem:v1+s3+$0x0], $0xffff  }
0x88: {  	v0 =	vld.idx.msk [tilespmem:v0+s17+$0x0], $0xffff  }
0x89: {  	v2 =	vld.idx.msk [tilespmem:v2+s17+$0x0], $0xffff;
	_ =	sdelay $0x3  }
0x8a: {  	v0 =	vmul.f32 v0, v1  }
0x8b: {  	v1 =	vmul.f32 v2, v1  }
0x8c: {  	[tilespmem:$0xEE50] =	vst v0  }
0x8d: {  	[tilespmem:$0xEED0] =	vst v1  }
0x8e: {  	v0 =	vld [tilespmem:s29+$0xED60];
	_ =	sdelay $0x2  }
0x8f: {  	v1 =	vld [tilespmem:s29+$0xEB60]  }
0x90: {  	v62 =	vld [tilespmem:s29+$0xEC60]  }
0x91: {  	v0 =	vmul.u32 $0x2710, v0;
	_ =	sdelay $0x1  }
0x92: {  	v0 =	vadd.s32 $0xFFFFD8F0, v0  }
0x93: {  	v1 =	vadd.s32 v1, v0  }
0x94: {  	v0 =	vadd.s32 v62, v0  }
0x95: {  	v2 =	vadd.s32 $0x4E20, v0;
	_ =	sdelay $0x2  }
0x96: {  	v1 =	vld.idx.msk [tilespmem:v1+s3+$0x0], $0xffff  }
0x97: {  	v0 =	vld.idx.msk [tilespmem:v0+s17+$0x0], $0xffff  }
0x98: {  	v2 =	vld.idx.msk [tilespmem:v2+s17+$0x0], $0xffff;
	_ =	sdelay $0x3  }
0x99: {  	v0 =	vmul.f32 v0, v1  }
0x9a: {  	v1 =	vmul.f32 v2, v1  }
0x9b: {  	[tilespmem:$0xEE60] =	vst v0  }
0x9c: {  	[tilespmem:$0xEEE0] =	vst v1  }
0x9d: {  	v0 =	vld [tilespmem:s29+$0xED70];
	_ =	sdelay $0x2  }
0x9e: {  	v1 =	vld [tilespmem:s29+$0xEB70]  }
0x9f: {  	v63 =	vld [tilespmem:s29+$0xEC70]  }
0xa0: {  	v0 =	vmul.u32 $0x2710, v0;
	_ =	sdelay $0x1  }
0xa1: {  	v0 =	vadd.s32 $0xFFFFD8F0, v0  }
0xa2: {  	v1 =	vadd.s32 v1, v0  }
0xa3: {  	v0 =	vadd.s32 v63, v0  }
0xa4: {  	v2 =	vadd.s32 $0x4E20, v0;
	_ =	sdelay $0x2  }
0xa5: {  	v1 =	vld.idx.msk [tilespmem:v1+s3+$0x0], $0xffff  }
0xa6: {  	v0 =	vld.idx.msk [tilespmem:v0+s17+$0x0], $0xffff  }
0xa7: {  	v2 =	vld.idx.msk [tilespmem:v2+s17+$0x0], $0xffff;
	_ =	sdelay $0x3  }
0xa8: {  	v0 =	vmul.f32 v0, v1  }
0xa9: {  	v1 =	vmul.f32 v2, v1  }
0xaa: {  	[tilespmem:$0xEE70] =	vst v0  }
0xab: {  	[tilespmem:$0xEEF0] =	vst v1  }
0xac: {  	[hbm4b:s25+s3] =	stream.linear.scatter [tilespmem:s21], [sflag:$0x3], $0x80, $0x38;
	[tilespmem:$0xEF00] =	vst v63  }
0xad: {  	_ =	swait.ge [sflag:s16], $0x80  }
0xae: {  	p0 =	sne.s32 s8, s28;
	[sflag:s16] =	ssyncset.done $0x0  }
.Ltmp0:
0xaf: {  	[sflag:s16] =	ssyncadd.s32 $0xFFFFFF80;
	(pc) =	sbr.rel @p0 .LBB2_2-.Ltmp0, $4  }
0xb0: {  	[hbm4b:s26+s3] =	stream.linear.scatter [tilespmem:s22], [sflag:$0x3], $0x80, $0x38;
	[tilespmem:$0xEF00] =	vst v63  }
0xb1: {  	_ =	swait.ge [sflag:s16], $0x80  }
0xb2: {  	s24 =	sadd.s32 $0x1000, s24;
	[sflag:s16] =	ssyncset.done $0x0  }
0xb3: {  	s25 =	sadd.s32 $0x200, s25;
	s26 =	sadd.s32 $0x200, s26;
	[sflag:s16] =	ssyncadd.s32 $0xFFFFFF80  }
0xb4: {  	s23 =	sadd.s32 $0x1, s23  }
0xb5: {  	p0 =	sne.s32 s23, s12  }
.Ltmp1:
0xb6: {  	_ = 	snop;
	(pc) =	sbr.rel @p0 .LBB2_1-.Ltmp1, $1  }
0xb7: {  	_ =	sdelay $0x3  }
0xb8: {  	_ =	sfence.sel $0x180000  }
0xb9: {  	[bflag:$0x0] =	sbarrier.arrive $0xFFFF  }
0xba: {  	_ =	strace $0x9000004A  }
0xbb: {  	s0 =	stileid.u32;
	[bflag:$0x2] =	sbarrier.arrive $0xFFFF  }
0xbc: {  	p0 =	sne.s32 s0, $0x0;
	s0 =	rddreg [dreg:$0x2]  }
0xbd: {  	s0 =	sadd.s32 @!p0 $0x100000, s0  }
0xbe: {  	[sflag:s0] =	ssyncadd.tile.s32 @!p0 $0x1;
	_ =	shalt  }
.Lfunc_end2:
_tile_overlayer_lowered:
.L_overlay_start_2:
0xbf: {  	(tag) =	ssettag $0x2  }
0xc0: {  	s0 =	rddreg [dreg:$0x0];
	s2 =	stileid.u32  }
0xc1: {  	s1 =	rddreg [dreg:$0x1];
	p0 =	sne.s32 s2, $0x0  }
0xc2: {  	s3 =	rddreg [dreg:$0x2];
	[bflag:$0x3] =	sbarrier.arrive $0xFFFF;
	s2 =	simm.s32 @!p0 $0x1C03  }
0xc3: {  	[timem:s3], [sflag:s2] =	dma.local @!p0 [hbm:s0], s1  }
0xc4: {  	s0 =	simm.s32 @!p0 $0x3  }
0xc5: {  	_ =	swait.ge @!p0 [sflag:s0], s1  }
0xc6: {  	s1 =	ssub.s32 @!p0 $0x0, s1;
	[sflag:s0] =	ssyncset.done @!p0 $0x0  }
0xc7: {  	[sflag:s0] =	ssyncadd.s32 @!p0 s1  }
0xc8: {  	[bflag:$0x3] =	sbarrier.arrive $0xFFFF  }
0xc9: {  	_ =	shalt  }

// kernel: kernel.16.cloned.1.call-start
scs
__scs_entry_jumppad:
0x0: {  	(pc) =	sbr.rel $0x88, $3  }
0x1: {  	(tag) =	ssettag $0x0;
	lr =	simm.s32 $0x1  }
0x2: {  	[smem:$0x3F9B] =	sst lr;
	_ =	strace $0xD0000000  }
0x3: {  	_ = 	snop  }
0x4: {  	_ = 	snop  }
0x5: {  	_ = 	snop  }
0x6: {  	_ = 	snop  }
0x7: {  	_ = 	snop  }
__scs_overlays_trampoline_lowered:
0x8: {  	[smem:$0x3FAA] =	sst s0  }
0x9: {  	[smem:$0x3FAB] =	sst s1  }
0xa: {  	[smem:$0x3FAC] =	sst s2  }
0xb: {  	[smem:$0x3FAD] =	sst s3  }
0xc: {  	[smem:$0x3FAE] =	sst s4  }
0xd: {  	[smem:$0x3FAF] =	sst s5  }
0xe: {  	[smem:$0x3FB0] =	sst s6  }
0xf: {  	[smem:$0x3FB1] =	sst s7  }
0x10: {  	[smem:$0x3FB2] =	sst s8  }
0x11: {  	[smem:$0x3FB3] =	sst s9;
	s0 =	simm.s32 @!p0 $0x0  }
0x12: {  	s1 =	sld [smem:$0x3F99];
	s0 =	simm.s32 @p0 $0x1  }
0x13: {  	[smem:$0x3FB4] =	sst s0;
	s0 =	simm.s32 @!p1 $0x0  }
0x14: {  	s2 =	sld [smem:$0x3F98];
	s0 =	simm.s32 @p1 $0x1  }
0x15: {  	[smem:$0x3FB5] =	sst s0;
	s0 =	simm.s32 @!p2 $0x0  }
0x16: {  	s3 =	sld [smem:$0x3FDB];
	s0 =	simm.s32 @p2 $0x1  }
0x17: {  	s4 =	simm.s32 $0x1BF5;
	[smem:$0x3FB7] =	sst s0  }
0x18: {  	s0 =	sld [smem:$0x3F9A];
	_ =	swait.ge [sflag:s4], $0x0  }
0x19: {  	s7 =	sld [smem:$0x3F9B]  }
0x1a: {  	s8 =	sadd.s32 $0xFFFFE003, lr  }
0x1b: {  	s9 =	sadd.s32 $0xFFFFFEF7, lr;
	s5 =	simm.s32 $0xFFFFFFFF;
	p2 =	slt.u32 s8, $0xFFFFF086  }
0x1c: {  	p1 =	slt.u32 s9, $0xF7A;
	s5 =	simm.s32 @!p2 $0x0  }
0x1d: {  	s5 =	simm.s32 @p1 $0x1;
	p0 =	seq.s32 s7, s2  }
0x1e: {  	s7 =	smul.u32 @!p0 $0xF7A, s2;
	p2 =	seq.s32 @!p0 s5, $0x0  }
0x1f: {  	s9 =	smul.u32 $0xF7A, s1;
	s8 =	simm.s32 @!p0 $0x1BF5;
	p2 =	por !p2, p0  }
0x20: {  	[sflag:s8] =	ssyncset.s32 @!p0 $0xFFFFF086;
	s6 =	sadd.s32 @!p0 s3, s7;
	s7 =	simm.s32 @!p0 $0x108  }
0x21: {  	s3 =	sadd.s32 s3, s9;
	s6 =	sadd.s32 @!p0 $0x88, s6;
	s7 =	simm.s32 @p2 $0x1082  }
0x22: {  	[simem:s7], [sflag:s8] =	dma.local @!p0 [hbm:s6], $0xF7A  }
0x23: {  	s9 =	sor.u32 $0xD0000000, s2;
	s6 =	simm.s32 $0x108;
	_ =	swait.ge @!p0 [sflag:s8], $0x0  }
0x24: {  	s3 =	sadd.s32 $0x88, s3;
	s6 =	simm.s32 @!p1 $0x1082;
	[sflag:s4] =	ssyncset.s32 $0xFFFFF086  }
0x25: {  	[simem:s6], [sflag:s4] =	dma.local [hbm:s3], $0xF7A  }
0x26: {  	[smem:$0x3F9B] =	sst s1;
	(tag) =	ssettag s2;
	_ =	strace s9  }
0x27: {  	s1 =	sld [smem:$0x3FAB]  }
0x28: {  	s2 =	sld [smem:$0x3FAC]  }
0x29: {  	s4 =	sld [smem:$0x3FAE]  }
0x2a: {  	p0 =	seq.s32 s5, $0x0;
	s5 =	sld [smem:$0x3FAF]  }
0x2b: {  	s6 =	sld [smem:$0x3FB0]  }
0x2c: {  	s7 =	sld [smem:$0x3FB1]  }
0x2d: {  	s3 =	simm.s32 $0x108;
	s8 =	sld [smem:$0x3FB2]  }
0x2e: {  	s3 =	simm.s32 @!p0 $0x1082;
	s9 =	sld [smem:$0x3FB3]  }
0x2f: {  	lr =	sadd.s32 s0, s3;
	s0 =	sld [smem:$0x3FAA]  }
0x30: {  	s3 =	sld [smem:$0x3FAD]  }
0x31: {  	[smem:$0x3FB6] =	sst s10  }
0x32: {  	s10 =	sld [smem:$0x3FB4];
	_ =	sdelay $0x3  }
0x33: {  	p0 =	seq.s32 s10, $0x1;
	s10 =	sld [smem:$0x3FB6];
	_ =	sdelay $0x3  }
0x34: {  	[smem:$0x3FB6] =	sst s10  }
0x35: {  	s10 =	sld [smem:$0x3FB5];
	_ =	sdelay $0x3  }
0x36: {  	p1 =	seq.s32 s10, $0x1;
	s10 =	sld [smem:$0x3FB6];
	_ =	sdelay $0x3  }
0x37: {  	[smem:$0x3FB6] =	sst s10  }
0x38: {  	s10 =	sld [smem:$0x3FB7]  }
0x39: {  	_ = 	snop;
	(pc) =	sbr.ind lr, $3  }
0x3a: {  	_ = 	snop  }
0x3b: {  	_ = 	snop  }
0x3c: {  	p2 =	seq.s32 s10, $0x1;
	s10 =	sld [smem:$0x3FB6]  }
0x3d: {  	_ =	shalt  }
0x3e: {  	_ =	shalt  }
0x3f: {  	_ =	shalt  }
0x40: {  	_ =	shalt  }
0x41: {  	_ =	shalt  }
0x42: {  	_ =	shalt  }
0x43: {  	_ =	shalt  }
0x44: {  	_ =	shalt  }
0x45: {  	_ =	shalt  }
0x46: {  	_ =	shalt  }
0x47: {  	_ =	shalt  }
0x48: {  	_ =	shalt  }
0x49: {  	_ =	shalt  }
0x4a: {  	_ =	shalt  }
0x4b: {  	_ =	shalt  }
0x4c: {  	_ =	shalt  }
0x4d: {  	_ =	shalt  }
0x4e: {  	_ =	shalt  }
0x4f: {  	_ =	shalt  }
0x50: {  	_ =	shalt  }
0x51: {  	_ =	shalt  }
0x52: {  	_ =	shalt  }
0x53: {  	_ =	shalt  }
0x54: {  	_ =	shalt  }
0x55: {  	_ =	shalt  }
0x56: {  	_ =	shalt  }
0x57: {  	_ =	shalt  }
0x58: {  	_ =	shalt  }
0x59: {  	_ =	shalt  }
0x5a: {  	_ =	shalt  }
0x5b: {  	_ =	shalt  }
0x5c: {  	_ =	shalt  }
0x5d: {  	_ =	shalt  }
0x5e: {  	_ =	shalt  }
0x5f: {  	_ =	shalt  }
0x60: {  	_ =	shalt  }
0x61: {  	_ =	shalt  }
0x62: {  	_ =	shalt  }
0x63: {  	_ =	shalt  }
0x64: {  	_ =	shalt  }
0x65: {  	_ =	shalt  }
0x66: {  	_ =	shalt  }
0x67: {  	_ =	shalt  }
0x68: {  	_ =	shalt  }
0x69: {  	_ =	shalt  }
0x6a: {  	_ =	shalt  }
0x6b: {  	_ =	shalt  }
0x6c: {  	_ =	shalt  }
0x6d: {  	_ =	shalt  }
0x6e: {  	_ =	shalt  }
0x6f: {  	_ =	shalt  }
0x70: {  	_ =	shalt  }
0x71: {  	_ =	shalt  }
0x72: {  	_ =	shalt  }
0x73: {  	_ =	shalt  }
0x74: {  	_ =	shalt  }
0x75: {  	_ =	shalt  }
0x76: {  	_ =	shalt  }
0x77: {  	_ =	shalt  }
0x78: {  	_ =	shalt  }
0x79: {  	_ =	shalt  }
0x7a: {  	_ =	shalt  }
0x7b: {  	_ =	shalt  }
0x7c: {  	_ =	shalt  }
0x7d: {  	_ =	shalt  }
0x7e: {  	_ =	shalt  }
0x7f: {  	_ =	shalt  }
0x80: {  	_ =	shalt  }
0x81: {  	_ =	shalt  }
0x82: {  	_ =	shalt  }
0x83: {  	_ =	shalt  }
0x84: {  	_ =	shalt  }
0x85: {  	_ =	shalt  }
0x86: {  	_ =	shalt  }
0x87: {  	_ =	shalt  }
.Lfunc_end0:
.L_simem_size_0:
called_computation.2_lowered:
.L_overlay_start_0:
0x88: {  	s2 =	sld [smem:$0x3FD9]  }
0x89: {  	s3 =	sld [smem:$0x3FFE];
	_ =	sdelay $0x1  }
0x8a: {  	s1 =	srdreg.scid  }
0x8b: {  	s0 =	sand.u32 $0x1, s1  }
0x8c: {  	s17 =	sshll.u32 s0, $0xA;
	s2 =	sadd.s32 s3, s2  }
0x8d: {  	s2 =	sadd.s32 s2, s17  }
0x8e: {  	[smem:$0x3FC2] =	sst s2  }
0x8f: {  	_ = 	snop  }
0x90: {  	s2 =	sld [smem:$0x3FD0];
	(tm) =	ssettm $0x1  }
0x91: {  	s18 =	sld [smem:$0x3FFB];
	_ =	sdelay $0x3  }
0x92: {  	_ =	strace s18  }
0x93: {  	s3 =	sld [smem:$0x3FFC];
	_ =	sdelay $0x3  }
0x94: {  	_ =	strace s3  }
0x95: {  	s3 =	sld [smem:$0x3FFD];
	_ =	sdelay $0x3  }
0x96: {  	_ =	strace s3  }
0x97: {  	_ =	strace $0x8FFFFFFF  }
0x98: {  	s19 =	sld [smem:$0x3FDB];
	_ =	sdelay $0x1  }
0x99: {  	s4 =	simm.s32 $_scs_section_size  }
0x9a: {  	s5 =	simm.s32 $_size__tile_overlayer_lowered;
	s6 =	simm.s32 $_tile_overlayer_lowered  }
0x9b: {  	s22 =	simm.s32 $0x1BFF;
	s21 =	sshll.u32 s6, $0x1;
	s3 =	sadd.s32 s4, s19  }
0x9c: {  	s7 =	simm.s32 $0x0;
	s20 =	sshll.u32 s5, $0x1;
	s5 =	sadd.s32 s21, s3  }
0x9d: {  	[timem:s7], [sflag:s22] =	dma.local [hbm:s5], s20  }
0x9e: {  	_ =	swait.ge [sflag:s22], s20  }
0x9f: {  	s4 =	ssub.s32 $0x0, s20;
	[sflag:s22] =	ssyncset.done $0x0  }
0xa0: {  	[sflag:s22] =	ssyncadd.s32 s4;
	_ =	sdelay $0x1  }
0xa1: {  	s23 =	simm.s32 $0x1B8B  }
0xa2: {  	_ =	swait.ge [sflag:s23], $0x1  }
0xa3: {  	[sflag:s23] =	ssyncset.done $0x0  }
0xa4: {  	s25 =	simm.s32 $0x1B8E;
	s24 =	sld [smem:$0x3FFE];
	[sflag:s23] =	ssyncadd.s32 $0xFFFFFFFF  }
0xa5: {  	s26 =	simm.s32 $execute0_lowered;
	[smem:$0x3FD2] =	sst s25  }
0xa6: {  	s5 =	sshll.u32 s26, $0x1;
	_ =	strace $0x8000004C;
	[dreg:$0x1] =	wrdreg $0xFFFFFFFF  }
0xa7: {  	s28 =	simm.s32 $_size_execute0_lowered;
	s3 =	sadd.s32 s3, s5;
	[dreg:$0x0] =	wrdreg $0x0  }
0xa8: {  	s5 =	sshll.u32 s28, $0x1;
	[dreg:$0x2] =	wrdreg s3  }
0xa9: {  	[dreg:$0x3] =	wrdreg s5  }
0xaa: {  	[dreg:$0x4] =	wrdreg $0xC0  }
0xab: {  	_ =	task [dreg:s7], $0x5FFFF  }
0xac: {  	[dreg:$0x1] =	wrdreg $0xFFFFFFFF  }
0xad: {  	[dreg:$0x0] =	wrdreg $0x60  }
0xae: {  	[dreg:$0x2] =	wrdreg s2  }
0xaf: {  	[dreg:$0x3] =	wrdreg s24  }
0xb0: {  	[dreg:$0x4] =	wrdreg $0x0  }
0xb1: {  	[dreg:$0x5] =	wrdreg $0x9  }
0xb2: {  	_ =	task.clear_ibuf [dreg:s7], $0x6FFFF;
	_ =	strace $0x9000004C  }
0xb3: {  	s29 =	simm.s32 $0x9;
	_ =	strace $0x8000004E  }
0xb4: {  	_ =	swait.ge [sflag:s29], $0x1  }
0xb5: {  	[sflag:s29] =	ssyncadd.s32 $0xFFFFFFFF  }
0xb6: {  	_ =	strace $0x9000004E  }
0xb7: {  	_ =	sfence  }
0xb8: {  	s30 =	sld [smem:$0x0];
	_ =	sdelay $0x2  }
0xb9: {  	s31 =	sshll.u32 s1, $0xD;
	s1 =	sshrl.u32 s1, $0x2  }
0xba: {  	s3 =	sand.u32 $0x4000, s31;
	s1 =	sadd.s32 s1, s30  }
0xbb: {  	s0 =	sor.u32 s3, s0;
	s1 =	sshll.u32 s1, $0x11  }
0xbc: {  	s0 =	sor.u32 s1, s0  }
0xbd: {  	s0 =	sadd.s32 $0x8F2B, s0  }
0xbe: {  	[sflag:s0] =	ssyncadd.remote.s32 $0x1  }
0xbf: {  	_ =	sfence.sel $0xFFFF  }
0xc0: {  	[dreg:$0x0] =	wrdreg $0xFFFFFFFF;
	(pc) =	sbr.abs _section_cstart, $3  }
0xc1: {  	[dreg:$0x1] =	wrdreg $0xFFFFFFFF  }
0xc2: {  	_ =	task.clear_ibuf [dreg:s7], $0x2FFFF;
	_ =	strace $0x9FFFFFFF  }
0xc3: {  	(tm) =	ssettm $0x7FFFFFFF  }
tec
execute0_lowered:
.L_overlay_start_1:
0x0: {  	(tag) =	ssettag $0x1  }
0x1: {  	s1 =	rddreg [dreg:$0x0]  }
0x2: {  	s0 =	rddreg [dreg:$0x1]  }
0x3: {  	s2 =	rddreg [dreg:$0x2];
	s3 =	simm.s32 $0x0;
	s8 =	srdreg.scid  }
0x4: {  	s5 =	stileid.u32;
	s22 =	simm.s32 $0x80;
	s23 =	simm.s32 $0x1  }
0x5: {  	[smem:$0x7FF] =	sst s3;
	s4 =	sadd.s32 $0x2A00, s0;
	s6 =	sadd.s32 $0xC800, s0  }
0x6: {  	s7 =	sadd.s32 $0x18400, s0;
	s0 =	sadd.s32 $0x2C000, s0;
	s11 =	smul.u32 $0x271, s5  }
0x7: {  	s9 =	sand.u32 $0x1, s8;
	s19 =	sand.u32 $0x7, s5;
	s28 =	smul.u32 $0x4E200, s5  }
0x8: {  	_ =	strace $0x8000004D;
	s8 =	ssub.s32 $0x2, s9;
	s10 =	sshll.u32 s9, $0x4  }
0x9: {  	s16 =	smul.u32 $0x138800, s9;
	s12 =	sshrl.u32 s8, $0x1;
	s13 =	sor.u32 s5, s10  }
0xa: {  	s14 =	ssub.s32 s11, s19;
	s31 =	sshrl.u32 s28, $0x2;
	s15 =	ssub.s32 s8, s12  }
0xb: {  	p0 =	slt.u32 s13, $0x4;
	s8 =	simm.s32 $0x4F;
	s17 =	sshll.u32 s14, $0x7  }
0xc: {  	s24 =	sshll.u32 s13, $0x4;
	s12 =	sshll.u32 s13, $0x7;
	s14 =	sshll.u32 s14, $0x9  }
0xd: {  	s8 =	simm.s32 @!p0 $0x4E;
	s25 =	sand.u32 $0x7FFFFC00, s17;
	s9 =	sadd.s32 s4, s24  }
0xe: {  	s10 =	sadd.s32 s6, s24;
	s11 =	sadd.s32 s7, s24;
	s17 =	sadd.s32 $0x13800, s17  }
0xf: {  	s14 =	sshra.s32 s14, $0x2;
	s15 =	smax.u32 s15, $0x1;
	p0 =	sne.s32 s19, $0x7  }
0x10: {  	s18 =	sadd.s32 s16, s25;
	s16 =	sadd.s32 s16, s17;
	s24 =	sadd.s32 s14, s2  }
0x11: {  	s30 =	sand.u32 $0x3FFFFF80, s17;
	s17 =	simm.s32 $0x13B80;
	s26 =	sshrl.u32 s18, $0x3  }
0x12: {  	s29 =	sshrl.u32 s16, $0x3;
	s16 =	sadd.s32 s31, s2;
	s18 =	simm.s32 $0x4  }
0x13: {  	s13 =	sadd.s32 s0, s26;
	s14 =	sadd.s32 s0, s29;
	s0 =	sadd.s32 s30, s2  }
0x14: {  	v0 =	vimm.f32 $0.0e+00;
	s24 =	sshrl.u32 s24, $0x3;
	s26 =	simm.s32 $0x0;
	s25 =	sshrl.u32 @!p0 s0, $0x3  }
.LBB2_1:
0x15: {  	s0 =	simm.s32 $0x0;
	s19 =	simm.s32 $0x200  }
.LBB2_2:
0x16: {  	p1 =	sne.s32 s19, $0xFE00;
	[tilespmem:s0+$0x13BF0] =	vst v0  }
0x17: {  	[tilespmem:s0+$0x13B80] =	vst v0  }
0x18: {  	[tilespmem:s0+$0x13B90] =	vst v0  }
.Ltmp0:
0x19: {  	[tilespmem:s0+$0x13BA0] =	vst v0;
	(pc) =	sbr.rel @p1 .LBB2_2-.Ltmp0, $4  }
0x1a: {  	[tilespmem:s0+$0x13BB0] =	vst v0  }
0x1b: {  	[tilespmem:s0+$0x13BC0] =	vst v0  }
0x1c: {  	[tilespmem:s0+$0x13BD0] =	vst v0  }
0x1d: {  	[tilespmem:s0+$0x13BE0] =	vst v0;
	s0 =	sshra.s32 s19, $0x2;
	s19 =	sadd.s32 $0x200, s19  }
0x1e: {  	[tilespmem:s0+$0x13BF0] =	vst v0  }
0x1f: {  	[tilespmem:s0+$0x13B80] =	vst v0  }
0x20: {  	[tilespmem:s0+$0x13B90] =	vst v0  }
0x21: {  	[tilespmem:s0+$0x13BA0] =	vst v0  }
0x22: {  	[tilespmem:s0+$0x13BB0] =	vst v0  }
0x23: {  	[tilespmem:s0+$0x13BC0] =	vst v0  }
0x24: {  	[tilespmem:s0+$0x13BD0] =	vst v0  }
0x25: {  	[tilespmem:s0+$0x13BE0] =	vst v0;
	s31 =	sadd.s32 $0x0, s16  }
0x26: {  	[spmem:s31] =	stream.linear.scatter [tilespmem:s17], [sflag:$0x4], $0x280, $0x38;
	[tilespmem:$0x17B80] =	vst v63  }
0x27: {  	s0 =	simm.s32 $0xA00;
	_ =	swait.ge [sflag:s18], $0x280  }
.LBB2_4:
0x28: {  	s19 =	sshra.s32 s0, $0x2;
	[sflag:s18] =	ssyncset.done $0x0;
	p1 =	sne.s32 s0, $0x4D800  }
.Ltmp1:
0x29: {  	s19 =	sadd.s32 s19, s16;
	[sflag:s18] =	ssyncadd.s32 $0xFFFFFD80;
	(pc) =	sbr.rel @p1 .LBB2_4-.Ltmp1, $3  }
0x2a: {  	[spmem:s19] =	stream.linear.scatter [tilespmem:s17], [sflag:$0x4], $0x280, $0x38;
	[tilespmem:$0x17B80] =	vst v63  }
0x2b: {  	s0 =	sadd.s32 $0xA00, s0;
	_ =	sdelay $0x1  }
0x2c: {  	_ =	swait.ge [sflag:s18], $0x280  }
0x2d: {  	[sflag:s18] =	ssyncset.done $0x0  }
0x2e: {  	[sflag:s18] =	ssyncadd.s32 $0xFFFFFD80  }
0x2f: {  	s0 =	simm.s32 $0x13880;
	[bflag:$0x0] =	sbarrier.arrive $0xFFFF  }
0x30: {  	[tilespmem:s0], [sflag:$0x2] =	stream.linear.gather [hbm4b:s9+s26], $0x80, $0x38;
	[tilespmem:$0x17B80] =	vst v63  }
0x31: {  	s30 =	simm.s32 $0x13980  }
0x32: {  	[tilespmem:s30], [sflag:$0x2] =	stream.linear.gather [hbm4b:s10+s26], $0x80, $0x38;
	[tilespmem:$0x17B80] =	vst v63  }
0x33: {  	s31 =	simm.s32 $0x13A80;
	s28 =	simm.s32 $0x0  }
0x34: {  	[tilespmem:s31], [sflag:$0x2] =	stream.linear.gather [hbm4b:s11+s26], $0x80, $0x38;
	[tilespmem:$0x17B80] =	vst v63  }
.LBB2_6:
0x35: {  	s0 =	sand.u32 $0x1, s28  }
0x36: {  	s19 =	simm.s32 $0x3;
	p1 =	seq.s32 s0, $0x1  }
0x37: {  	s19 =	simm.s32 @!p1 $0x2  }
0x38: {  	_ =	swait.ge [sflag:s19], $0x80  }
0x39: {  	[sflag:s19] =	ssyncset.done $0x0  }
0x3a: {  	[sflag:s19] =	ssyncadd.s32 $0xFFFFFF80  }
0x3b: {  	_ =	swait.ge [sflag:s19], $0x80  }
0x3c: {  	s28 =	sadd.s32 $0x1, s28;
	[sflag:s19] =	ssyncset.done $0x0  }
0x3d: {  	p1 =	sge.u32 s28, s8;
	[sflag:s19] =	ssyncadd.s32 $0xFFFFFF80  }
0x3e: {  	s29 =	sshll.u32 @!p1 s28, $0xC;
	_ =	swait.ge [sflag:s19], $0x80  }
0x3f: {  	p2 =	seq.s32 @!p1 s0, $0x0;
	s29 =	sor.u32 @!p1 s12, s29;
	[sflag:s19] =	ssyncset.done $0x0  }
0x40: {  	p3 =	por !p2, p1;
	[sflag:s19] =	ssyncadd.s32 $0xFFFFFF80;
	s19 =	sshrl.u32 @!p1 s29, $0x3  }
0x41: {  	s30 =	simm.s32 @!p3 $0x0;
	s31 =	simm.s32 @!p3 $0x13900;
	s29 =	sadd.s32 @!p1 s4, s19  }
0x42: {  	[tilespmem:s31], [sflag:$0x3] =	stream.linear.gather @!p3 [hbm4b:s29+s30], $0x80, $0x38;
	[tilespmem:$0x17B80] =	vst v63  }
0x43: {  	s20 =	simm.s32 @!p3 $0x13A00;
	s31 =	sadd.s32 @!p1 s6, s19  }
0x44: {  	[tilespmem:s20], [sflag:$0x3] =	stream.linear.gather @!p3 [hbm4b:s31+s30], $0x80, $0x38;
	[tilespmem:$0x17B80] =	vst v63  }
0x45: {  	s19 =	sadd.s32 @!p1 s7, s19;
	p1 =	por p2, p1;
	s20 =	simm.s32 @!p3 $0x13B00  }
0x46: {  	[tilespmem:s20], [sflag:$0x3] =	stream.linear.gather @!p3 [hbm4b:s19+s30], $0x80, $0x38;
	[tilespmem:$0x17B80] =	vst v63  }
0x47: {  	s20 =	simm.s32 @!p1 $0x0;
	s30 =	simm.s32 @!p1 $0x13880  }
0x48: {  	[tilespmem:s30], [sflag:$0x2] =	stream.linear.gather @!p1 [hbm4b:s29+s20], $0x80, $0x38;
	[tilespmem:$0x17B80] =	vst v63  }
0x49: {  	s29 =	simm.s32 @!p1 $0x13980  }
0x4a: {  	[tilespmem:s29], [sflag:$0x2] =	stream.linear.gather @!p1 [hbm4b:s31+s20], $0x80, $0x38;
	[tilespmem:$0x17B80] =	vst v63  }
0x4b: {  	s29 =	simm.s32 @!p1 $0x13A80  }
0x4c: {  	[tilespmem:s29], [sflag:$0x2] =	stream.linear.gather @!p1 [hbm4b:s19+s20], $0x80, $0x38;
	[tilespmem:$0x17B80] =	vst v63  }
0x4d: {  	s29 =	sshll.u32 s0, $0x7  }
0x4e: {  	s0 =	sadd.s32 $0x13880, s29  }
0x4f: {  	[tilespmem:s17], [sflag:$0x1] =	stream.indirect.gather [hbm4b:s1+s22], $0x80, s0, s22, $0xb8;
	[tilespmem:$0x17B80] =	vst v63  }
0x50: {  	_ =	swait.ge [sflag:s23], $0x4000  }
0x51: {  	s21 =	simm.s32 $0x1;
	[sflag:s23] =	ssyncset.done $0x0  }
0x52: {  	v1 =	vmov s21;
	s30 =	simm.s32 $0x13C00;
	[sflag:s23] =	ssyncadd.s32 $0xFFFFC000  }
0x53: {  	v6 =	vld [tilespmem:s30+$0xFFFFFFF0]  }
0x54: {  	v5 =	vld [tilespmem:s30+$0x60]  }
0x55: {  	v3 =	vld [tilespmem:s30+$0x50]  }
0x56: {  	v2 =	vmov s26;
	s31 =	sadd.s32 $0x13A80, s29;
	v9 =	vld [tilespmem:s30+$0xFFFFFFD0]  }
0x57: {  	v2 =	vand.u32 $0xFFFFFFFE, v2;
	v7 =	vld.idx.msk [tilespmem:v1+s31+$0x0], $0xffff  }
0x58: {  	v1 =	vbroadcast v2, $0x0;
	v2 =	vld [tilespmem:s30+$0x0]  }
0x59: {  	v4 =	vld [tilespmem:s30+$0x10]  }
0x5a: {  	v8 =	vld [tilespmem:s30+$0x20]  }
0x5b: {  	v10 =	vld [tilespmem:s30+$0x30]  }
0x5c: {  	v11 =	vld [tilespmem:s30+$0x40]  }
0x5d: {  	v12 =	vld [tilespmem:s30+$0x70]  }
0x5e: {  	v14 =	vld [tilespmem:s30+$0xFFFFFF80];
	v13 =	vmul.f32 v2, v7  }
0x5f: {  	v62 =	vld [tilespmem:s30+$0xFFFFFFA0];
	v63 =	vmul.f32 v5, v7  }
0x60: {  	v2 =	vld.idx.msk [tilespmem:v1+s31+$0x0], $0xffff;
	v1 =	vmul.f32 v4, v7;
	v4 =	vmul.f32 v8, v7;
	[tilespmem:s30+$0x0] =	vst v13  }
0x61: {  	v5 =	vld [tilespmem:s30+$0xFFFFFF90];
	v8 =	vmul.f32 v10, v7;
	v10 =	vmul.f32 v11, v7;
	[tilespmem:s30+$0x60] =	vst v63  }
0x62: {  	v11 =	vmul.f32 v3, v7;
	v3 =	vmul.f32 v12, v7;
	v7 =	vld [tilespmem:s30+$0xFFFFFFC0];
	[tilespmem:s30+$0x10] =	vst v1  }
0x63: {  	[tilespmem:s30+$0x20] =	vst v4;
	v4 =	vld [tilespmem:s30+$0xFFFFFFE0]  }
0x64: {  	v1 =	vld [tilespmem:s30+$0xFFFFFFB0];
	[tilespmem:s30+$0x30] =	vst v8  }
0x65: {  	[tilespmem:s30+$0x40] =	vst v10;
	v8 =	vmul.f32 v14, v2;
	v10 =	vmul.f32 v6, v2  }
0x66: {  	s19 =	simm.s32 $0x13C00;
	s0 =	simm.s32 $0x2;
	[tilespmem:s30+$0x50] =	vst v11;
	v6 =	vmul.f32 v62, v2;
	v9 =	vmul.f32 v9, v2  }
.LBB2_7:
0x67: {  	p1 =	sne.s32 s0, $0x7E  }
0x68: {  	v5 =	vmul.f32 v5, v2;
	v4 =	vmul.f32 v4, v2;
	[tilespmem:s30+$0x70] =	vst v3;
	s19 =	sadd.s32 $0x100, s19;
	s20 =	smov.u32 s0;
	s0 =	sadd.s32 $0x2, s0  }
0x69: {  	v1 =	vmul.f32 v1, v2;
	v2 =	vmul.f32 v7, v2;
	[tilespmem:s30+$0xFFFFFFF0] =	vst v10  }
0x6a: {  	[tilespmem:s30+$0xFFFFFF80] =	vst v8  }
0x6b: {  	s21 =	sadd.s32 $0x1, s20;
	v10 =	vld [tilespmem:s19+$0xFFFFFFF0];
	[tilespmem:s30+$0xFFFFFFD0] =	vst v9  }
0x6c: {  	v3 =	vmov s21;
	v8 =	vld [tilespmem:s19+$0x60];
	[tilespmem:s30+$0xFFFFFFA0] =	vst v6  }
0x6d: {  	v6 =	vld [tilespmem:s19+$0x50];
	[tilespmem:s30+$0xFFFFFFB0] =	vst v1  }
0x6e: {  	v1 =	vld [tilespmem:s19+$0xFFFFFFB0];
	[tilespmem:s30+$0xFFFFFFC0] =	vst v2  }
0x6f: {  	v9 =	vld [tilespmem:s19+$0xFFFFFFD0];
	[tilespmem:s30+$0xFFFFFFE0] =	vst v4  }
0x70: {  	v2 =	vmov s20;
	v4 =	vld [tilespmem:s19+$0x70];
	[tilespmem:s30+$0xFFFFFF90] =	vst v5;
	s30 =	smov.u32 s19  }
0x71: {  	v2 =	vand.u32 $0xFFFFFFFE, v2;
	v11 =	vld.idx.msk [tilespmem:v3+s31+$0x0], $0xffff  }
0x72: {  	v2 =	vbroadcast v2, $0x0;
	v3 =	vld [tilespmem:s19+$0x0]  }
0x73: {  	v5 =	vld [tilespmem:s19+$0x10]  }
0x74: {  	v7 =	vld [tilespmem:s19+$0x20]  }
0x75: {  	v12 =	vld [tilespmem:s19+$0x30]  }
0x76: {  	v13 =	vld [tilespmem:s19+$0x40]  }
0x77: {  	v14 =	vld [tilespmem:s19+$0xFFFFFF80];
	v15 =	vmul.f32 v3, v11;
	v3 =	vmul.f32 v4, v11  }
0x78: {  	v2 =	vld.idx.msk [tilespmem:v2+s31+$0x0], $0xffff;
	v4 =	vmul.f32 v5, v11  }
0x79: {  	[tilespmem:s19+$0x0] =	vst v15;
	v15 =	vld [tilespmem:s19+$0xFFFFFFA0];
	v7 =	vmul.f32 v7, v11  }
0x7a: {  	[tilespmem:s19+$0x10] =	vst v4;
	v12 =	vmul.f32 v12, v11;
	v4 =	vld [tilespmem:s19+$0xFFFFFFE0]  }
.Ltmp2:
0x7b: {  	v5 =	vld [tilespmem:s19+$0xFFFFFF90];
	[tilespmem:s19+$0x20] =	vst v7;
	v13 =	vmul.f32 v13, v11;
	(pc) =	sbr.rel @p1 .LBB2_7-.Ltmp2, $4  }
0x7c: {  	v6 =	vmul.f32 v6, v11;
	[tilespmem:s19+$0x30] =	vst v12;
	v7 =	vld [tilespmem:s19+$0xFFFFFFC0]  }
0x7d: {  	v11 =	vmul.f32 v8, v11;
	[tilespmem:s19+$0x40] =	vst v13  }
0x7e: {  	v8 =	vmul.f32 v14, v2;
	v10 =	vmul.f32 v10, v2;
	[tilespmem:s19+$0x50] =	vst v6  }
0x7f: {  	v9 =	vmul.f32 v9, v2;
	v6 =	vmul.f32 v15, v2;
	[tilespmem:s19+$0x60] =	vst v11  }
0x80: {  	[tilespmem:s30+$0x70] =	vst v3  }
0x81: {  	[tilespmem:s30+$0xFFFFFFF0] =	vst v10  }
0x82: {  	[tilespmem:s30+$0xFFFFFF80] =	vst v8  }
0x83: {  	v1 =	vmul.f32 v1, v2;
	[tilespmem:s30+$0xFFFFFFD0] =	vst v9  }
0x84: {  	v4 =	vmul.f32 v4, v2;
	[tilespmem:s30+$0xFFFFFFA0] =	vst v6  }
0x85: {  	v3 =	vmul.f32 v7, v2;
	[tilespmem:s30+$0xFFFFFFB0] =	vst v1  }
0x86: {  	v1 =	vmul.f32 v5, v2;
	[tilespmem:s30+$0xFFFFFFE0] =	vst v4  }
0x87: {  	p1 =	sne.s32 s28, s8;
	[tilespmem:s30+$0xFFFFFFC0] =	vst v3  }
.Ltmp3:
0x88: {  	s0 =	sadd.s32 $0x13980, s29;
	[tilespmem:s30+$0xFFFFFF90] =	vst v1;
	(pc) =	sbr.rel @p1 .LBB2_6-.Ltmp3, $4  }
0x89: {  	[spmem:s2] =	stream.indirect.scatter.add.f32 [tilespmem:s17], [sflag:$0x4], $0x80, s0, s22, $0xb8;
	[tilespmem:$0x17B80] =	vst v63  }
0x8a: {  	_ =	swait.ge [sflag:s18], $0x4000  }
0x8b: {  	[sflag:s18] =	ssyncset.done $0x0  }
0x8c: {  	[sflag:s18] =	ssyncadd.s32 $0xFFFFC000  }
0x8d: {  	s0 =	sshll.u32 s5, $0x6  }
0x8e: {  	[bflag:$0x0] =	sbarrier.arrive $0xFFFF;
	s0 =	sor.u32 $0x1C04, s0  }
0x8f: {  	[hbm:s13], [sflag:s0] =	dma.local [spmem:s24], $0x2700  }
0x90: {  	_ =	swait.ge [sflag:s18], $0x2700  }
0x91: {  	s3 =	sadd.s32 $0x1, s3;
	[sflag:s18] =	ssyncset.done $0x0  }
0x92: {  	p1 =	sne.s32 s3, s15;
	[sflag:s18] =	ssyncadd.s32 $0xFFFFD900  }
0x93: {  	[hbm:s14], [sflag:s0] =	dma.local @!p0 [spmem:s25], $0x80  }
.Ltmp4:
0x94: {  	_ = 	snop;
	(pc) =	sbr.rel @p1 .LBB2_1-.Ltmp4, $4  }
0x95: {  	s0 =	simm.s32 @!p0 $0x4  }
0x96: {  	_ =	swait.ge @!p0 [sflag:s0], $0x80  }
0x97: {  	[sflag:s0] =	ssyncset.done @!p0 $0x0  }
0x98: {  	[sflag:s0] =	ssyncadd.s32 @!p0 $0xFFFFFF80  }
0x99: {  	_ =	sfence.sel $0x180000  }
0x9a: {  	[bflag:$0x0] =	sbarrier.arrive $0xFFFF  }
0x9b: {  	_ =	strace $0x9000004D  }
0x9c: {  	[bflag:$0x2] =	sbarrier.arrive $0xFFFF  }
0x9d: {  	p0 =	sne.s32 s5, $0x0;
	s0 =	rddreg [dreg:$0x3]  }
0x9e: {  	s0 =	sadd.s32 @!p0 $0x100000, s0  }
0x9f: {  	[sflag:s0] =	ssyncadd.tile.s32 @!p0 $0x1;
	_ =	shalt  }
.Lfunc_end2:
_tile_overlayer_lowered:
.L_overlay_start_2:
0xa0: {  	(tag) =	ssettag $0x2  }
0xa1: {  	s0 =	rddreg [dreg:$0x0];
	s2 =	stileid.u32  }
0xa2: {  	s1 =	rddreg [dreg:$0x1];
	p0 =	sne.s32 s2, $0x0  }
0xa3: {  	s3 =	rddreg [dreg:$0x2];
	[bflag:$0x3] =	sbarrier.arrive $0xFFFF;
	s2 =	simm.s32 @!p0 $0x1C04  }
0xa4: {  	[timem:s3], [sflag:s2] =	dma.local @!p0 [hbm:s0], s1  }
0xa5: {  	s0 =	simm.s32 @!p0 $0x4  }
0xa6: {  	_ =	swait.ge @!p0 [sflag:s0], s1  }
0xa7: {  	s1 =	ssub.s32 @!p0 $0x0, s1;
	[sflag:s0] =	ssyncset.done @!p0 $0x0  }
0xa8: {  	[sflag:s0] =	ssyncadd.s32 @!p0 s1  }
0xa9: {  	[bflag:$0x3] =	sbarrier.arrive $0xFFFF  }
0xaa: {  	_ =	shalt  }

// kernel: kernel.19.cloned.1.call-start
scs
__scs_entry_jumppad:
0x0: {  	(pc) =	sbr.rel $0x88, $3  }
0x1: {  	(tag) =	ssettag $0x0;
	lr =	simm.s32 $0x1  }
0x2: {  	[smem:$0x3F9B] =	sst lr;
	_ =	strace $0xD0000000  }
0x3: {  	_ = 	snop  }
0x4: {  	_ = 	snop  }
0x5: {  	_ = 	snop  }
0x6: {  	_ = 	snop  }
0x7: {  	_ = 	snop  }
__scs_overlays_trampoline_lowered:
0x8: {  	[smem:$0x3FAA] =	sst s0  }
0x9: {  	[smem:$0x3FAB] =	sst s1  }
0xa: {  	[smem:$0x3FAC] =	sst s2  }
0xb: {  	[smem:$0x3FAD] =	sst s3  }
0xc: {  	[smem:$0x3FAE] =	sst s4  }
0xd: {  	[smem:$0x3FAF] =	sst s5  }
0xe: {  	[smem:$0x3FB0] =	sst s6  }
0xf: {  	[smem:$0x3FB1] =	sst s7  }
0x10: {  	[smem:$0x3FB2] =	sst s8  }
0x11: {  	[smem:$0x3FB3] =	sst s9;
	s0 =	simm.s32 @!p0 $0x0  }
0x12: {  	s1 =	sld [smem:$0x3F99];
	s0 =	simm.s32 @p0 $0x1  }
0x13: {  	[smem:$0x3FB4] =	sst s0;
	s0 =	simm.s32 @!p1 $0x0  }
0x14: {  	s2 =	sld [smem:$0x3F98];
	s0 =	simm.s32 @p1 $0x1  }
0x15: {  	[smem:$0x3FB5] =	sst s0;
	s0 =	simm.s32 @!p2 $0x0  }
0x16: {  	s3 =	sld [smem:$0x3FDB];
	s0 =	simm.s32 @p2 $0x1  }
0x17: {  	s4 =	simm.s32 $0x1BF5;
	[smem:$0x3FB7] =	sst s0  }
0x18: {  	s0 =	sld [smem:$0x3F9A];
	_ =	swait.ge [sflag:s4], $0x0  }
0x19: {  	s7 =	sld [smem:$0x3F9B]  }
0x1a: {  	s8 =	sadd.s32 $0xFFFFE003, lr  }
0x1b: {  	s9 =	sadd.s32 $0xFFFFFEF7, lr;
	s5 =	simm.s32 $0xFFFFFFFF;
	p2 =	slt.u32 s8, $0xFFFFF086  }
0x1c: {  	p1 =	slt.u32 s9, $0xF7A;
	s5 =	simm.s32 @!p2 $0x0  }
0x1d: {  	s5 =	simm.s32 @p1 $0x1;
	p0 =	seq.s32 s7, s2  }
0x1e: {  	s7 =	smul.u32 @!p0 $0xF7A, s2;
	p2 =	seq.s32 @!p0 s5, $0x0  }
0x1f: {  	s9 =	smul.u32 $0xF7A, s1;
	s8 =	simm.s32 @!p0 $0x1BF5;
	p2 =	por !p2, p0  }
0x20: {  	[sflag:s8] =	ssyncset.s32 @!p0 $0xFFFFF086;
	s6 =	sadd.s32 @!p0 s3, s7;
	s7 =	simm.s32 @!p0 $0x108  }
0x21: {  	s3 =	sadd.s32 s3, s9;
	s6 =	sadd.s32 @!p0 $0x88, s6;
	s7 =	simm.s32 @p2 $0x1082  }
0x22: {  	[simem:s7], [sflag:s8] =	dma.local @!p0 [hbm:s6], $0xF7A  }
0x23: {  	s9 =	sor.u32 $0xD0000000, s2;
	s6 =	simm.s32 $0x108;
	_ =	swait.ge @!p0 [sflag:s8], $0x0  }
0x24: {  	s3 =	sadd.s32 $0x88, s3;
	s6 =	simm.s32 @!p1 $0x1082;
	[sflag:s4] =	ssyncset.s32 $0xFFFFF086  }
0x25: {  	[simem:s6], [sflag:s4] =	dma.local [hbm:s3], $0xF7A  }
0x26: {  	[smem:$0x3F9B] =	sst s1;
	(tag) =	ssettag s2;
	_ =	strace s9  }
0x27: {  	s1 =	sld [smem:$0x3FAB]  }
0x28: {  	s2 =	sld [smem:$0x3FAC]  }
0x29: {  	s4 =	sld [smem:$0x3FAE]  }
0x2a: {  	p0 =	seq.s32 s5, $0x0;
	s5 =	sld [smem:$0x3FAF]  }
0x2b: {  	s6 =	sld [smem:$0x3FB0]  }
0x2c: {  	s7 =	sld [smem:$0x3FB1]  }
0x2d: {  	s3 =	simm.s32 $0x108;
	s8 =	sld [smem:$0x3FB2]  }
0x2e: {  	s3 =	simm.s32 @!p0 $0x1082;
	s9 =	sld [smem:$0x3FB3]  }
0x2f: {  	lr =	sadd.s32 s0, s3;
	s0 =	sld [smem:$0x3FAA]  }
0x30: {  	s3 =	sld [smem:$0x3FAD]  }
0x31: {  	[smem:$0x3FB6] =	sst s10  }
0x32: {  	s10 =	sld [smem:$0x3FB4];
	_ =	sdelay $0x3  }
0x33: {  	p0 =	seq.s32 s10, $0x1;
	s10 =	sld [smem:$0x3FB6];
	_ =	sdelay $0x3  }
0x34: {  	[smem:$0x3FB6] =	sst s10  }
0x35: {  	s10 =	sld [smem:$0x3FB5];
	_ =	sdelay $0x3  }
0x36: {  	p1 =	seq.s32 s10, $0x1;
	s10 =	sld [smem:$0x3FB6];
	_ =	sdelay $0x3  }
0x37: {  	[smem:$0x3FB6] =	sst s10  }
0x38: {  	s10 =	sld [smem:$0x3FB7]  }
0x39: {  	_ = 	snop;
	(pc) =	sbr.ind lr, $3  }
0x3a: {  	_ = 	snop  }
0x3b: {  	_ = 	snop  }
0x3c: {  	p2 =	seq.s32 s10, $0x1;
	s10 =	sld [smem:$0x3FB6]  }
0x3d: {  	_ =	shalt  }
0x3e: {  	_ =	shalt  }
0x3f: {  	_ =	shalt  }
0x40: {  	_ =	shalt  }
0x41: {  	_ =	shalt  }
0x42: {  	_ =	shalt  }
0x43: {  	_ =	shalt  }
0x44: {  	_ =	shalt  }
0x45: {  	_ =	shalt  }
0x46: {  	_ =	shalt  }
0x47: {  	_ =	shalt  }
0x48: {  	_ =	shalt  }
0x49: {  	_ =	shalt  }
0x4a: {  	_ =	shalt  }
0x4b: {  	_ =	shalt  }
0x4c: {  	_ =	shalt  }
0x4d: {  	_ =	shalt  }
0x4e: {  	_ =	shalt  }
0x4f: {  	_ =	shalt  }
0x50: {  	_ =	shalt  }
0x51: {  	_ =	shalt  }
0x52: {  	_ =	shalt  }
0x53: {  	_ =	shalt  }
0x54: {  	_ =	shalt  }
0x55: {  	_ =	shalt  }
0x56: {  	_ =	shalt  }
0x57: {  	_ =	shalt  }
0x58: {  	_ =	shalt  }
0x59: {  	_ =	shalt  }
0x5a: {  	_ =	shalt  }
0x5b: {  	_ =	shalt  }
0x5c: {  	_ =	shalt  }
0x5d: {  	_ =	shalt  }
0x5e: {  	_ =	shalt  }
0x5f: {  	_ =	shalt  }
0x60: {  	_ =	shalt  }
0x61: {  	_ =	shalt  }
0x62: {  	_ =	shalt  }
0x63: {  	_ =	shalt  }
0x64: {  	_ =	shalt  }
0x65: {  	_ =	shalt  }
0x66: {  	_ =	shalt  }
0x67: {  	_ =	shalt  }
0x68: {  	_ =	shalt  }
0x69: {  	_ =	shalt  }
0x6a: {  	_ =	shalt  }
0x6b: {  	_ =	shalt  }
0x6c: {  	_ =	shalt  }
0x6d: {  	_ =	shalt  }
0x6e: {  	_ =	shalt  }
0x6f: {  	_ =	shalt  }
0x70: {  	_ =	shalt  }
0x71: {  	_ =	shalt  }
0x72: {  	_ =	shalt  }
0x73: {  	_ =	shalt  }
0x74: {  	_ =	shalt  }
0x75: {  	_ =	shalt  }
0x76: {  	_ =	shalt  }
0x77: {  	_ =	shalt  }
0x78: {  	_ =	shalt  }
0x79: {  	_ =	shalt  }
0x7a: {  	_ =	shalt  }
0x7b: {  	_ =	shalt  }
0x7c: {  	_ =	shalt  }
0x7d: {  	_ =	shalt  }
0x7e: {  	_ =	shalt  }
0x7f: {  	_ =	shalt  }
0x80: {  	_ =	shalt  }
0x81: {  	_ =	shalt  }
0x82: {  	_ =	shalt  }
0x83: {  	_ =	shalt  }
0x84: {  	_ =	shalt  }
0x85: {  	_ =	shalt  }
0x86: {  	_ =	shalt  }
0x87: {  	_ =	shalt  }
.Lfunc_end0:
.L_simem_size_0:
called_computation.3_lowered:
.L_overlay_start_0:
0x88: {  	s2 =	sld [smem:$0x3FD9]  }
0x89: {  	s3 =	sld [smem:$0x3FFE];
	_ =	sdelay $0x1  }
0x8a: {  	s1 =	srdreg.scid  }
0x8b: {  	s0 =	sand.u32 $0x1, s1  }
0x8c: {  	s17 =	sshll.u32 s0, $0xA;
	s2 =	sadd.s32 s3, s2  }
0x8d: {  	s2 =	sadd.s32 s2, s17  }
0x8e: {  	[smem:$0x3FC2] =	sst s2  }
0x8f: {  	_ = 	snop  }
0x90: {  	s2 =	sld [smem:$0x3FD0];
	(tm) =	ssettm $0x1  }
0x91: {  	s18 =	sld [smem:$0x3FFB];
	_ =	sdelay $0x3  }
0x92: {  	_ =	strace s18  }
0x93: {  	s3 =	sld [smem:$0x3FFC];
	_ =	sdelay $0x3  }
0x94: {  	_ =	strace s3  }
0x95: {  	s3 =	sld [smem:$0x3FFD];
	_ =	sdelay $0x3  }
0x96: {  	_ =	strace s3  }
0x97: {  	_ =	strace $0x8FFFFFFF  }
0x98: {  	s19 =	sld [smem:$0x3FDB];
	_ =	sdelay $0x1  }
0x99: {  	s4 =	simm.s32 $_scs_section_size  }
0x9a: {  	s5 =	simm.s32 $_size__tile_overlayer_lowered;
	s6 =	simm.s32 $_tile_overlayer_lowered  }
0x9b: {  	s22 =	simm.s32 $0x1BFF;
	s21 =	sshll.u32 s6, $0x1;
	s3 =	sadd.s32 s4, s19  }
0x9c: {  	s7 =	simm.s32 $0x0;
	s20 =	sshll.u32 s5, $0x1;
	s5 =	sadd.s32 s21, s3  }
0x9d: {  	[timem:s7], [sflag:s22] =	dma.local [hbm:s5], s20  }
0x9e: {  	_ =	swait.ge [sflag:s22], s20  }
0x9f: {  	s4 =	ssub.s32 $0x0, s20;
	[sflag:s22] =	ssyncset.done $0x0  }
0xa0: {  	[sflag:s22] =	ssyncadd.s32 s4;
	_ =	sdelay $0x1  }
0xa1: {  	s23 =	simm.s32 $0x1B8B  }
0xa2: {  	_ =	swait.ge [sflag:s23], $0x1  }
0xa3: {  	[sflag:s23] =	ssyncset.done $0x0  }
0xa4: {  	s25 =	simm.s32 $0x1B8E;
	s24 =	sld [smem:$0x3FFE];
	[sflag:s23] =	ssyncadd.s32 $0xFFFFFFFF  }
0xa5: {  	s26 =	simm.s32 $execute0_lowered;
	[smem:$0x3FD2] =	sst s25  }
0xa6: {  	s5 =	sshll.u32 s26, $0x1;
	_ =	strace $0x8000004F;
	[dreg:$0x1] =	wrdreg $0xFFFFFFFF  }
0xa7: {  	s28 =	simm.s32 $_size_execute0_lowered;
	s3 =	sadd.s32 s3, s5;
	[dreg:$0x0] =	wrdreg $0x0  }
0xa8: {  	s5 =	sshll.u32 s28, $0x1;
	[dreg:$0x2] =	wrdreg s3  }
0xa9: {  	[dreg:$0x3] =	wrdreg s5  }
0xaa: {  	[dreg:$0x4] =	wrdreg $0xC0  }
0xab: {  	_ =	task [dreg:s7], $0x5FFFF  }
0xac: {  	[dreg:$0x1] =	wrdreg $0xFFFFFFFF  }
0xad: {  	[dreg:$0x0] =	wrdreg $0x60  }
0xae: {  	[dreg:$0x2] =	wrdreg s2  }
0xaf: {  	[dreg:$0x3] =	wrdreg s24  }
0xb0: {  	[dreg:$0x4] =	wrdreg $0x0  }
0xb1: {  	[dreg:$0x5] =	wrdreg $0x9  }
0xb2: {  	_ =	task.clear_ibuf [dreg:s7], $0x6FFFF;
	_ =	strace $0x9000004F  }
0xb3: {  	s29 =	simm.s32 $0x9;
	_ =	strace $0x80000051  }
0xb4: {  	_ =	swait.ge [sflag:s29], $0x1  }
0xb5: {  	[sflag:s29] =	ssyncadd.s32 $0xFFFFFFFF  }
0xb6: {  	_ =	strace $0x90000051  }
0xb7: {  	_ =	sfence  }
0xb8: {  	s30 =	sld [smem:$0x0];
	_ =	sdelay $0x2  }
0xb9: {  	s31 =	sshll.u32 s1, $0xD;
	s1 =	sshrl.u32 s1, $0x2  }
0xba: {  	s3 =	sand.u32 $0x4000, s31;
	s1 =	sadd.s32 s1, s30  }
0xbb: {  	s0 =	sor.u32 s3, s0;
	s1 =	sshll.u32 s1, $0x11  }
0xbc: {  	s0 =	sor.u32 s1, s0  }
0xbd: {  	s0 =	sadd.s32 $0x8F2B, s0  }
0xbe: {  	[sflag:s0] =	ssyncadd.remote.s32 $0x1  }
0xbf: {  	_ =	sfence.sel $0xFFFF  }
0xc0: {  	[dreg:$0x0] =	wrdreg $0xFFFFFFFF;
	(pc) =	sbr.abs _section_cstart, $3  }
0xc1: {  	[dreg:$0x1] =	wrdreg $0xFFFFFFFF  }
0xc2: {  	_ =	task.clear_ibuf [dreg:s7], $0x2FFFF;
	_ =	strace $0x9FFFFFFF  }
0xc3: {  	(tm) =	ssettm $0x7FFFFFFF  }
tec
execute0_lowered:
.L_overlay_start_1:
0x0: {  	(tag) =	ssettag $0x1  }
0x1: {  	s1 =	rddreg [dreg:$0x0]  }
0x2: {  	s0 =	rddreg [dreg:$0x1]  }
0x3: {  	s2 =	rddreg [dreg:$0x2];
	s3 =	simm.s32 $0x0;
	s8 =	srdreg.scid  }
0x4: {  	s5 =	stileid.u32;
	s22 =	simm.s32 $0x80;
	s23 =	simm.s32 $0x1  }
0x5: {  	[smem:$0x7FF] =	sst s3;
	s4 =	sadd.s32 $0x2A00, s0;
	s6 =	sadd.s32 $0xC800, s0  }
0x6: {  	s7 =	sadd.s32 $0x22200, s0;
	s0 =	sadd.s32 $0x2C000, s0;
	s11 =	smul.u32 $0x271, s5  }
0x7: {  	s9 =	sand.u32 $0x1, s8;
	s19 =	sand.u32 $0x7, s5;
	s28 =	smul.u32 $0x4E200, s5  }
0x8: {  	_ =	strace $0x80000050;
	s8 =	ssub.s32 $0x2, s9;
	s10 =	sshll.u32 s9, $0x4  }
0x9: {  	s16 =	smul.u32 $0x138800, s9;
	s12 =	sshrl.u32 s8, $0x1;
	s13 =	sor.u32 s5, s10  }
0xa: {  	s14 =	ssub.s32 s11, s19;
	s31 =	sshrl.u32 s28, $0x2;
	s15 =	ssub.s32 s8, s12  }
0xb: {  	p0 =	slt.u32 s13, $0x4;
	s8 =	simm.s32 $0x4F;
	s17 =	sshll.u32 s14, $0x7  }
0xc: {  	s24 =	sshll.u32 s13, $0x4;
	s12 =	sshll.u32 s13, $0x7;
	s14 =	sshll.u32 s14, $0x9  }
0xd: {  	s8 =	simm.s32 @!p0 $0x4E;
	s25 =	sand.u32 $0x7FFFFC00, s17;
	s9 =	sadd.s32 s4, s24  }
0xe: {  	s10 =	sadd.s32 s6, s24;
	s11 =	sadd.s32 s7, s24;
	s17 =	sadd.s32 $0x13800, s17  }
0xf: {  	s14 =	sshra.s32 s14, $0x2;
	s15 =	smax.u32 s15, $0x1;
	p0 =	sne.s32 s19, $0x7  }
0x10: {  	s18 =	sadd.s32 s16, s25;
	s16 =	sadd.s32 s16, s17;
	s24 =	sadd.s32 s14, s2  }
0x11: {  	s30 =	sand.u32 $0x3FFFFF80, s17;
	s17 =	simm.s32 $0x13B80;
	s26 =	sshrl.u32 s18, $0x3  }
0x12: {  	s29 =	sshrl.u32 s16, $0x3;
	s16 =	sadd.s32 s31, s2;
	s18 =	simm.s32 $0x4  }
0x13: {  	s13 =	sadd.s32 s0, s26;
	s14 =	sadd.s32 s0, s29;
	s0 =	sadd.s32 s30, s2  }
0x14: {  	v0 =	vimm.f32 $0.0e+00;
	s24 =	sshrl.u32 s24, $0x3;
	s26 =	simm.s32 $0x0;
	s25 =	sshrl.u32 @!p0 s0, $0x3  }
.LBB2_1:
0x15: {  	s0 =	simm.s32 $0x0;
	s19 =	simm.s32 $0x200  }
.LBB2_2:
0x16: {  	p1 =	sne.s32 s19, $0xFE00;
	[tilespmem:s0+$0x13BF0] =	vst v0  }
0x17: {  	[tilespmem:s0+$0x13B80] =	vst v0  }
0x18: {  	[tilespmem:s0+$0x13B90] =	vst v0  }
.Ltmp0:
0x19: {  	[tilespmem:s0+$0x13BA0] =	vst v0;
	(pc) =	sbr.rel @p1 .LBB2_2-.Ltmp0, $4  }
0x1a: {  	[tilespmem:s0+$0x13BB0] =	vst v0  }
0x1b: {  	[tilespmem:s0+$0x13BC0] =	vst v0  }
0x1c: {  	[tilespmem:s0+$0x13BD0] =	vst v0  }
0x1d: {  	[tilespmem:s0+$0x13BE0] =	vst v0;
	s0 =	sshra.s32 s19, $0x2;
	s19 =	sadd.s32 $0x200, s19  }
0x1e: {  	[tilespmem:s0+$0x13BF0] =	vst v0  }
0x1f: {  	[tilespmem:s0+$0x13B80] =	vst v0  }
0x20: {  	[tilespmem:s0+$0x13B90] =	vst v0  }
0x21: {  	[tilespmem:s0+$0x13BA0] =	vst v0  }
0x22: {  	[tilespmem:s0+$0x13BB0] =	vst v0  }
0x23: {  	[tilespmem:s0+$0x13BC0] =	vst v0  }
0x24: {  	[tilespmem:s0+$0x13BD0] =	vst v0  }
0x25: {  	[tilespmem:s0+$0x13BE0] =	vst v0;
	s31 =	sadd.s32 $0x0, s16  }
0x26: {  	[spmem:s31] =	stream.linear.scatter [tilespmem:s17], [sflag:$0x4], $0x280, $0x38;
	[tilespmem:$0x17B80] =	vst v63  }
0x27: {  	s0 =	simm.s32 $0xA00;
	_ =	swait.ge [sflag:s18], $0x280  }
.LBB2_4:
0x28: {  	s19 =	sshra.s32 s0, $0x2;
	[sflag:s18] =	ssyncset.done $0x0;
	p1 =	sne.s32 s0, $0x4D800  }
.Ltmp1:
0x29: {  	s19 =	sadd.s32 s19, s16;
	[sflag:s18] =	ssyncadd.s32 $0xFFFFFD80;
	(pc) =	sbr.rel @p1 .LBB2_4-.Ltmp1, $3  }
0x2a: {  	[spmem:s19] =	stream.linear.scatter [tilespmem:s17], [sflag:$0x4], $0x280, $0x38;
	[tilespmem:$0x17B80] =	vst v63  }
0x2b: {  	s0 =	sadd.s32 $0xA00, s0;
	_ =	sdelay $0x1  }
0x2c: {  	_ =	swait.ge [sflag:s18], $0x280  }
0x2d: {  	[sflag:s18] =	ssyncset.done $0x0  }
0x2e: {  	[sflag:s18] =	ssyncadd.s32 $0xFFFFFD80  }
0x2f: {  	s0 =	simm.s32 $0x13880;
	[bflag:$0x0] =	sbarrier.arrive $0xFFFF  }
0x30: {  	[tilespmem:s0], [sflag:$0x2] =	stream.linear.gather [hbm4b:s9+s26], $0x80, $0x38;
	[tilespmem:$0x17B80] =	vst v63  }
0x31: {  	s30 =	simm.s32 $0x13980  }
0x32: {  	[tilespmem:s30], [sflag:$0x2] =	stream.linear.gather [hbm4b:s10+s26], $0x80, $0x38;
	[tilespmem:$0x17B80] =	vst v63  }
0x33: {  	s31 =	simm.s32 $0x13A80;
	s28 =	simm.s32 $0x0  }
0x34: {  	[tilespmem:s31], [sflag:$0x2] =	stream.linear.gather [hbm4b:s11+s26], $0x80, $0x38;
	[tilespmem:$0x17B80] =	vst v63  }
.LBB2_6:
0x35: {  	s0 =	sand.u32 $0x1, s28  }
0x36: {  	s19 =	simm.s32 $0x3;
	p1 =	seq.s32 s0, $0x1  }
0x37: {  	s19 =	simm.s32 @!p1 $0x2  }
0x38: {  	_ =	swait.ge [sflag:s19], $0x80  }
0x39: {  	[sflag:s19] =	ssyncset.done $0x0  }
0x3a: {  	[sflag:s19] =	ssyncadd.s32 $0xFFFFFF80  }
0x3b: {  	_ =	swait.ge [sflag:s19], $0x80  }
0x3c: {  	s28 =	sadd.s32 $0x1, s28;
	[sflag:s19] =	ssyncset.done $0x0  }
0x3d: {  	p1 =	sge.u32 s28, s8;
	[sflag:s19] =	ssyncadd.s32 $0xFFFFFF80  }
0x3e: {  	s29 =	sshll.u32 @!p1 s28, $0xC;
	_ =	swait.ge [sflag:s19], $0x80  }
0x3f: {  	p2 =	seq.s32 @!p1 s0, $0x0;
	s29 =	sor.u32 @!p1 s12, s29;
	[sflag:s19] =	ssyncset.done $0x0  }
0x40: {  	p3 =	por !p2, p1;
	[sflag:s19] =	ssyncadd.s32 $0xFFFFFF80;
	s19 =	sshrl.u32 @!p1 s29, $0x3  }
0x41: {  	s30 =	simm.s32 @!p3 $0x0;
	s31 =	simm.s32 @!p3 $0x13900;
	s29 =	sadd.s32 @!p1 s4, s19  }
0x42: {  	[tilespmem:s31], [sflag:$0x3] =	stream.linear.gather @!p3 [hbm4b:s29+s30], $0x80, $0x38;
	[tilespmem:$0x17B80] =	vst v63  }
0x43: {  	s20 =	simm.s32 @!p3 $0x13A00;
	s31 =	sadd.s32 @!p1 s6, s19  }
0x44: {  	[tilespmem:s20], [sflag:$0x3] =	stream.linear.gather @!p3 [hbm4b:s31+s30], $0x80, $0x38;
	[tilespmem:$0x17B80] =	vst v63  }
0x45: {  	s19 =	sadd.s32 @!p1 s7, s19;
	p1 =	por p2, p1;
	s20 =	simm.s32 @!p3 $0x13B00  }
0x46: {  	[tilespmem:s20], [sflag:$0x3] =	stream.linear.gather @!p3 [hbm4b:s19+s30], $0x80, $0x38;
	[tilespmem:$0x17B80] =	vst v63  }
0x47: {  	s20 =	simm.s32 @!p1 $0x0;
	s30 =	simm.s32 @!p1 $0x13880  }
0x48: {  	[tilespmem:s30], [sflag:$0x2] =	stream.linear.gather @!p1 [hbm4b:s29+s20], $0x80, $0x38;
	[tilespmem:$0x17B80] =	vst v63  }
0x49: {  	s29 =	simm.s32 @!p1 $0x13980  }
0x4a: {  	[tilespmem:s29], [sflag:$0x2] =	stream.linear.gather @!p1 [hbm4b:s31+s20], $0x80, $0x38;
	[tilespmem:$0x17B80] =	vst v63  }
0x4b: {  	s29 =	simm.s32 @!p1 $0x13A80  }
0x4c: {  	[tilespmem:s29], [sflag:$0x2] =	stream.linear.gather @!p1 [hbm4b:s19+s20], $0x80, $0x38;
	[tilespmem:$0x17B80] =	vst v63  }
0x4d: {  	s29 =	sshll.u32 s0, $0x7  }
0x4e: {  	s0 =	sadd.s32 $0x13880, s29  }
0x4f: {  	[tilespmem:s17], [sflag:$0x1] =	stream.indirect.gather [hbm4b:s1+s22], $0x80, s0, s22, $0xb8;
	[tilespmem:$0x17B80] =	vst v63  }
0x50: {  	_ =	swait.ge [sflag:s23], $0x4000  }
0x51: {  	s21 =	simm.s32 $0x1;
	[sflag:s23] =	ssyncset.done $0x0  }
0x52: {  	v1 =	vmov s21;
	s30 =	simm.s32 $0x13C00;
	[sflag:s23] =	ssyncadd.s32 $0xFFFFC000  }
0x53: {  	v6 =	vld [tilespmem:s30+$0xFFFFFFF0]  }
0x54: {  	v5 =	vld [tilespmem:s30+$0x60]  }
0x55: {  	v3 =	vld [tilespmem:s30+$0x50]  }
0x56: {  	v2 =	vmov s26;
	s31 =	sadd.s32 $0x13A80, s29;
	v9 =	vld [tilespmem:s30+$0xFFFFFFD0]  }
0x57: {  	v2 =	vand.u32 $0xFFFFFFFE, v2;
	v7 =	vld.idx.msk [tilespmem:v1+s31+$0x0], $0xffff  }
0x58: {  	v1 =	vbroadcast v2, $0x0;
	v2 =	vld [tilespmem:s30+$0x0]  }
0x59: {  	v4 =	vld [tilespmem:s30+$0x10]  }
0x5a: {  	v8 =	vld [tilespmem:s30+$0x20]  }
0x5b: {  	v10 =	vld [tilespmem:s30+$0x30]  }
0x5c: {  	v11 =	vld [tilespmem:s30+$0x40]  }
0x5d: {  	v12 =	vld [tilespmem:s30+$0x70]  }
0x5e: {  	v14 =	vld [tilespmem:s30+$0xFFFFFF80];
	v13 =	vmul.f32 v2, v7  }
0x5f: {  	v62 =	vld [tilespmem:s30+$0xFFFFFFA0];
	v63 =	vmul.f32 v5, v7  }
0x60: {  	v2 =	vld.idx.msk [tilespmem:v1+s31+$0x0], $0xffff;
	v1 =	vmul.f32 v4, v7;
	v4 =	vmul.f32 v8, v7;
	[tilespmem:s30+$0x0] =	vst v13  }
0x61: {  	v5 =	vld [tilespmem:s30+$0xFFFFFF90];
	v8 =	vmul.f32 v10, v7;
	v10 =	vmul.f32 v11, v7;
	[tilespmem:s30+$0x60] =	vst v63  }
0x62: {  	v11 =	vmul.f32 v3, v7;
	v3 =	vmul.f32 v12, v7;
	v7 =	vld [tilespmem:s30+$0xFFFFFFC0];
	[tilespmem:s30+$0x10] =	vst v1  }
0x63: {  	[tilespmem:s30+$0x20] =	vst v4;
	v4 =	vld [tilespmem:s30+$0xFFFFFFE0]  }
0x64: {  	v1 =	vld [tilespmem:s30+$0xFFFFFFB0];
	[tilespmem:s30+$0x30] =	vst v8  }
0x65: {  	[tilespmem:s30+$0x40] =	vst v10;
	v8 =	vmul.f32 v14, v2;
	v10 =	vmul.f32 v6, v2  }
0x66: {  	s19 =	simm.s32 $0x13C00;
	s0 =	simm.s32 $0x2;
	[tilespmem:s30+$0x50] =	vst v11;
	v6 =	vmul.f32 v62, v2;
	v9 =	vmul.f32 v9, v2  }
.LBB2_7:
0x67: {  	p1 =	sne.s32 s0, $0x7E  }
0x68: {  	v5 =	vmul.f32 v5, v2;
	v4 =	vmul.f32 v4, v2;
	[tilespmem:s30+$0x70] =	vst v3;
	s19 =	sadd.s32 $0x100, s19;
	s20 =	smov.u32 s0;
	s0 =	sadd.s32 $0x2, s0  }
0x69: {  	v1 =	vmul.f32 v1, v2;
	v2 =	vmul.f32 v7, v2;
	[tilespmem:s30+$0xFFFFFFF0] =	vst v10  }
0x6a: {  	[tilespmem:s30+$0xFFFFFF80] =	vst v8  }
0x6b: {  	s21 =	sadd.s32 $0x1, s20;
	v10 =	vld [tilespmem:s19+$0xFFFFFFF0];
	[tilespmem:s30+$0xFFFFFFD0] =	vst v9  }
0x6c: {  	v3 =	vmov s21;
	v8 =	vld [tilespmem:s19+$0x60];
	[tilespmem:s30+$0xFFFFFFA0] =	vst v6  }
0x6d: {  	v6 =	vld [tilespmem:s19+$0x50];
	[tilespmem:s30+$0xFFFFFFB0] =	vst v1  }
0x6e: {  	v1 =	vld [tilespmem:s19+$0xFFFFFFB0];
	[tilespmem:s30+$0xFFFFFFC0] =	vst v2  }
0x6f: {  	v9 =	vld [tilespmem:s19+$0xFFFFFFD0];
	[tilespmem:s30+$0xFFFFFFE0] =	vst v4  }
0x70: {  	v2 =	vmov s20;
	v4 =	vld [tilespmem:s19+$0x70];
	[tilespmem:s30+$0xFFFFFF90] =	vst v5;
	s30 =	smov.u32 s19  }
0x71: {  	v2 =	vand.u32 $0xFFFFFFFE, v2;
	v11 =	vld.idx.msk [tilespmem:v3+s31+$0x0], $0xffff  }
0x72: {  	v2 =	vbroadcast v2, $0x0;
	v3 =	vld [tilespmem:s19+$0x0]  }
0x73: {  	v5 =	vld [tilespmem:s19+$0x10]  }
0x74: {  	v7 =	vld [tilespmem:s19+$0x20]  }
0x75: {  	v12 =	vld [tilespmem:s19+$0x30]  }
0x76: {  	v13 =	vld [tilespmem:s19+$0x40]  }
0x77: {  	v14 =	vld [tilespmem:s19+$0xFFFFFF80];
	v15 =	vmul.f32 v3, v11;
	v3 =	vmul.f32 v4, v11  }
0x78: {  	v2 =	vld.idx.msk [tilespmem:v2+s31+$0x0], $0xffff;
	v4 =	vmul.f32 v5, v11  }
0x79: {  	[tilespmem:s19+$0x0] =	vst v15;
	v15 =	vld [tilespmem:s19+$0xFFFFFFA0];
	v7 =	vmul.f32 v7, v11  }
0x7a: {  	[tilespmem:s19+$0x10] =	vst v4;
	v12 =	vmul.f32 v12, v11;
	v4 =	vld [tilespmem:s19+$0xFFFFFFE0]  }
.Ltmp2:
0x7b: {  	v5 =	vld [tilespmem:s19+$0xFFFFFF90];
	[tilespmem:s19+$0x20] =	vst v7;
	v13 =	vmul.f32 v13, v11;
	(pc) =	sbr.rel @p1 .LBB2_7-.Ltmp2, $4  }
0x7c: {  	v6 =	vmul.f32 v6, v11;
	[tilespmem:s19+$0x30] =	vst v12;
	v7 =	vld [tilespmem:s19+$0xFFFFFFC0]  }
0x7d: {  	v11 =	vmul.f32 v8, v11;
	[tilespmem:s19+$0x40] =	vst v13  }
0x7e: {  	v8 =	vmul.f32 v14, v2;
	v10 =	vmul.f32 v10, v2;
	[tilespmem:s19+$0x50] =	vst v6  }
0x7f: {  	v9 =	vmul.f32 v9, v2;
	v6 =	vmul.f32 v15, v2;
	[tilespmem:s19+$0x60] =	vst v11  }
0x80: {  	[tilespmem:s30+$0x70] =	vst v3  }
0x81: {  	[tilespmem:s30+$0xFFFFFFF0] =	vst v10  }
0x82: {  	[tilespmem:s30+$0xFFFFFF80] =	vst v8  }
0x83: {  	v1 =	vmul.f32 v1, v2;
	[tilespmem:s30+$0xFFFFFFD0] =	vst v9  }
0x84: {  	v4 =	vmul.f32 v4, v2;
	[tilespmem:s30+$0xFFFFFFA0] =	vst v6  }
0x85: {  	v3 =	vmul.f32 v7, v2;
	[tilespmem:s30+$0xFFFFFFB0] =	vst v1  }
0x86: {  	v1 =	vmul.f32 v5, v2;
	[tilespmem:s30+$0xFFFFFFE0] =	vst v4  }
0x87: {  	p1 =	sne.s32 s28, s8;
	[tilespmem:s30+$0xFFFFFFC0] =	vst v3  }
.Ltmp3:
0x88: {  	s0 =	sadd.s32 $0x13980, s29;
	[tilespmem:s30+$0xFFFFFF90] =	vst v1;
	(pc) =	sbr.rel @p1 .LBB2_6-.Ltmp3, $4  }
0x89: {  	[spmem:s2] =	stream.indirect.scatter.add.f32 [tilespmem:s17], [sflag:$0x4], $0x80, s0, s22, $0xb8;
	[tilespmem:$0x17B80] =	vst v63  }
0x8a: {  	_ =	swait.ge [sflag:s18], $0x4000  }
0x8b: {  	[sflag:s18] =	ssyncset.done $0x0  }
0x8c: {  	[sflag:s18] =	ssyncadd.s32 $0xFFFFC000  }
0x8d: {  	s0 =	sshll.u32 s5, $0x6  }
0x8e: {  	[bflag:$0x0] =	sbarrier.arrive $0xFFFF;
	s0 =	sor.u32 $0x1C04, s0  }
0x8f: {  	[hbm:s13], [sflag:s0] =	dma.local [spmem:s24], $0x2700  }
0x90: {  	_ =	swait.ge [sflag:s18], $0x2700  }
0x91: {  	s3 =	sadd.s32 $0x1, s3;
	[sflag:s18] =	ssyncset.done $0x0  }
0x92: {  	p1 =	sne.s32 s3, s15;
	[sflag:s18] =	ssyncadd.s32 $0xFFFFD900  }
0x93: {  	[hbm:s14], [sflag:s0] =	dma.local @!p0 [spmem:s25], $0x80  }
.Ltmp4:
0x94: {  	_ = 	snop;
	(pc) =	sbr.rel @p1 .LBB2_1-.Ltmp4, $4  }
0x95: {  	s0 =	simm.s32 @!p0 $0x4  }
0x96: {  	_ =	swait.ge @!p0 [sflag:s0], $0x80  }
0x97: {  	[sflag:s0] =	ssyncset.done @!p0 $0x0  }
0x98: {  	[sflag:s0] =	ssyncadd.s32 @!p0 $0xFFFFFF80  }
0x99: {  	_ =	sfence.sel $0x180000  }
0x9a: {  	[bflag:$0x0] =	sbarrier.arrive $0xFFFF  }
0x9b: {  	_ =	strace $0x90000050  }
0x9c: {  	[bflag:$0x2] =	sbarrier.arrive $0xFFFF  }
0x9d: {  	p0 =	sne.s32 s5, $0x0;
	s0 =	rddreg [dreg:$0x3]  }
0x9e: {  	s0 =	sadd.s32 @!p0 $0x100000, s0  }
0x9f: {  	[sflag:s0] =	ssyncadd.tile.s32 @!p0 $0x1;
	_ =	shalt  }
.Lfunc_end2:
_tile_overlayer_lowered:
.L_overlay_start_2:
0xa0: {  	(tag) =	ssettag $0x2  }
0xa1: {  	s0 =	rddreg [dreg:$0x0];
	s2 =	stileid.u32  }
0xa2: {  	s1 =	rddreg [dreg:$0x1];
	p0 =	sne.s32 s2, $0x0  }
0xa3: {  	s3 =	rddreg [dreg:$0x2];
	[bflag:$0x3] =	sbarrier.arrive $0xFFFF;
	s2 =	simm.s32 @!p0 $0x1C04  }
0xa4: {  	[timem:s3], [sflag:s2] =	dma.local @!p0 [hbm:s0], s1  }
0xa5: {  	s0 =	simm.s32 @!p0 $0x4  }
0xa6: {  	_ =	swait.ge @!p0 [sflag:s0], s1  }
0xa7: {  	s1 =	ssub.s32 @!p0 $0x0, s1;
	[sflag:s0] =	ssyncset.done @!p0 $0x0  }
0xa8: {  	[sflag:s0] =	ssyncadd.s32 @!p0 s1  }
0xa9: {  	[bflag:$0x3] =	sbarrier.arrive $0xFFFF  }
0xaa: {  	_ =	shalt  }

</sc_bundles>
